<compile_context>
chip_gen: v7x
topology: tpu7x:2x2x1
jax: 0.10.2.dev20260603
libtpu: 0.0.44.dev20260713+nightly
codegen_flags: <defaults>
</compile_context>

<pallas_src>
import functools

import jax
import jax.numpy as jnp
from jax import lax
from jax.experimental import pallas as pl
from jax.experimental.pallas import tpu as pltpu
from jax.experimental.pallas import tpu_sc as plsc

B, T, CIN, N = 8, 32, 132, 64
HID, OFF, TOPK = 256, 4, 16
BN = B * N
KN = TOPK * N
FAN = CIN + OFF + HID
NPAIR = T * B
NWORK = 32
PPW = NPAIR // NWORK


_PAIRW = 2 * OFF * N


def _knn_sc_body(cp_hbm, sel_hbm, inbuf, selbuf):
    wid = lax.axis_index("s") * 2 + lax.axis_index("c")
    iotav = lax.iota(jnp.int32, 16)

    pltpu.sync_copy(cp_hbm.at[pl.ds(wid * PPW * _PAIRW, PPW * _PAIRW)], inbuf)

    def merge(ak, av, bk, bv):
        rbk = lax.rev(bk, (0,))
        rbv = lax.rev(bv, (0,))
        m = ak <= rbk
        lk = jnp.where(m, ak, rbk)
        lv = jnp.where(m, av, rbv)
        return plsc.sort_key_val(lk, lv)

    def pair_body(i, carry):
        base = i * _PAIRW
        pvt = [[inbuf[pl.ds(base + OFF * N + c * N + j * 16, 16)]
                for j in range(4)] for c in range(OFF)]

        def g_body(g, gcarry):
            cvecs = [inbuf[pl.ds(base + c * N + g * 16, 16)]
                     for c in range(OFF)]
            ivec = jnp.full((16,), i, dtype=jnp.int32)
            for q in range(16):
                runs = []
                for j in range(4):
                    acc = None
                    for c in range(OFF):
                        diff = cvecs[c][q] - pvt[c][j]
                        sq = diff * diff
                        acc = sq if acc is None else acc + sq
                    runs.append(plsc.sort_key_val(acc, iotav + j * 16))
                k0, v0 = merge(*runs[0], *runs[1])
                k1, v1 = merge(*runs[2], *runs[3])
                _, fv = merge(k0, v0, k1, v1)
                plsc.store_scatter(
                    selbuf, [ivec, iotav * N + (g * 16 + q)], fv)
            return gcarry

        return lax.fori_loop(0, 4, g_body, carry)

    lax.fori_loop(0, PPW, pair_body, 0)
    pltpu.sync_copy(selbuf, sel_hbm.at[pl.ds(wid * PPW, PPW)])


@functools.cache
def _make_knn_sc():
    return functools.partial(
        pl.kernel,
        out_type=jax.ShapeDtypeStruct((NPAIR, KN), jnp.int32),
        mesh=plsc.VectorSubcoreMesh(
            core_axis_name="c", subcore_axis_name="s", num_cores=2),
        scratch_types=[
            pltpu.VMEM((PPW * _PAIRW,), jnp.float32),
            pltpu.VMEM((PPW, KN), jnp.int32),
        ],
        compiler_params=pltpu.CompilerParams(needs_layout_passes=False),
    )(_knn_sc_body)


def _step_kernel(xs_ref, sel_ref, W_ref, b_ref, out_ref, H, C):
    t = pl.program_id(0)

    @pl.when(t == 0)
    def _():
        H[...] = jnp.zeros_like(H)
        C[...] = jnp.zeros_like(C)

    Wx = W_ref[:, :CIN]
    Wp = W_ref[:, CIN:CIN + OFF]
    Wh = W_ref[:, CIN:]
    Hh = jnp.dot(Wh, H[...], preferred_element_type=jnp.float32)

    x_t = xs_ref[0]
    pos_all = x_t[:OFF]
    Afull = (jnp.dot(Wx, x_t, preferred_element_type=jnp.float32)
             - jnp.dot(Wp, pos_all, preferred_element_type=jnp.float32)
             + b_ref[...])

    iota_g = lax.broadcasted_iota(jnp.int32, (N, KN), 0)
    E = (iota_g == lax.broadcasted_iota(jnp.int32, (N, KN), 1) % N
         ).astype(jnp.float32)
    zeroN = jnp.zeros((HID, N), dtype=jnp.float32)
    for bb in range(B):
        cols = slice(bb * N, (bb + 1) * N)
        pos_b = pos_all[:, cols]
        Ab = Afull[:, cols]
        Gb = (iota_g == sel_ref[bb, 0, 0][None, :]).astype(jnp.float32)
        lhs = jnp.concatenate(
            [jnp.concatenate([Hh[:, cols], Ab], axis=1),
             jnp.concatenate([C[:, cols], zeroN], axis=1)], axis=0)
        rhs = jnp.concatenate([Gb, E], axis=0)
        zz = jnp.dot(lhs, rhs, preferred_element_type=jnp.float32)
        zi = zz[0:HID]
        zf = zz[HID:2 * HID]
        zo = zz[2 * HID:3 * HID]
        zg = zz[3 * HID:4 * HID]
        Cgb = zz[4 * HID:]

        def sig(x):
            return 0.5 * jnp.tanh(0.5 * x) + 0.5

        cn = sig(zf) * Cgb + sig(zi) * jnp.tanh(zg)
        hn = sig(zo) * jnp.tanh(cn)
        w = KN
        while w > N:
            w //= 2
            cn = jnp.maximum(cn[:, :w], cn[:, w:2 * w])
            hn = jnp.maximum(hn[:, :w], hn[:, w:2 * w])
        C[:, cols] = cn
        H[OFF:, cols] = hn
        H[:OFF, cols] = pos_b
        out_ref[bb, 0, OFF:, :] = hn
        out_ref[bb, 0, :OFF, :] = pos_b


@jax.jit
def kernel(inputs, offsets, W, b):
    pos4 = inputs[:, :, :OFF]
    cent = pos4 - offsets
    past = jnp.concatenate([pos4[:, :1], pos4[:, :-1]], axis=1)
    cp = jnp.concatenate([cent.reshape(NPAIR, OFF * N),
                          past.reshape(NPAIR, OFF * N)], axis=1)
    sel = _make_knn_sc()(cp.reshape(-1))

    b2 = b.reshape(4 * HID, 1)
    sel3 = sel.reshape(B, T, 1, KN)
    xs_t = jnp.transpose(inputs, (1, 2, 0, 3)).reshape(T, CIN, BN)

    out = pl.pallas_call(
        _step_kernel,
        grid=(T,),
        in_specs=[
            pl.BlockSpec((1, CIN, BN), lambda t: (t, 0, 0)),
            pl.BlockSpec((B, 1, 1, KN), lambda t: (0, t, 0, 0)),
            pl.BlockSpec((4 * HID, FAN), lambda t: (0, 0)),
            pl.BlockSpec((4 * HID, 1), lambda t: (0, 0)),
        ],
        out_specs=pl.BlockSpec((B, 1, OFF + HID, N), lambda t: (0, t, 0, 0)),
        out_shape=jax.ShapeDtypeStruct((B, T, OFF + HID, N), jnp.float32),
        scratch_shapes=[
            pltpu.VMEM((OFF + HID, BN), jnp.float32),
            pltpu.VMEM((HID, BN), jnp.float32),
        ],
        compiler_params=pltpu.CompilerParams(
            dimension_semantics=("arbitrary",),
        ),
    )(xs_t, sel3, W, b2)

    ind = jnp.transpose(sel.reshape(B, T, TOPK, N), (0, 1, 3, 2))
    return out, ind

# --- scband reference (transcript-rebuilt; emitter-appended) ---
"""Pipeline reference for scband-test-point-lstm-69148973465804 (READ-ONLY COPY).

The authoritative reference and input builder live on the scoring server;
editing this copy changes nothing except your own understanding.
"""

import jax, jax.numpy as jnp
import numpy as np

B, T, CIN, N = 8, 32, 132, 64
HID, OFF, TOPK = 256, 4, 16


def setup_inputs(seed: int = 0) -> dict:
    key = jax.random.key(seed)
    k1, k2, k3, _ = jax.random.split(key, 4)
    inputs = jax.random.normal(k1, (B, T, CIN, N), dtype=jnp.float32)
    offsets = jax.random.normal(k2, (B, T, OFF, N), dtype=jnp.float32)
    fan_in = CIN + OFF + HID
    W = jax.random.normal(k3, (4 * HID, fan_in), dtype=jnp.float32) / np.sqrt(fan_in)
    b = jnp.zeros((4 * HID,), dtype=jnp.float32)
    return {"inputs": inputs, "offsets": offsets, "W": W, "b": b}


def _knn_idx(curr, past, k):
    # curr, past: (B, OFF, N); squared L2 dist from each current point to all past points
    d = jnp.sum((curr[:, :, :, None] - past[:, :, None, :]) ** 2, axis=1)  # (B, N, N)
    _, idx = jax.lax.top_k(-d, k)  # (B, N, k) nearest neighbors in past frame
    return idx


def _group(f, idx):
    # f: (B, C, N), idx: (B, N, K) -> (B, C, N, K) gather of neighbor states
    return jax.vmap(lambda fb, ib: fb[:, ib])(f, idx)


def _cell(x, hg, cg, W, b):
    # x: (B, CIN, N, K); hg: (B, OFF+HID, N, K); cg: (B, HID, N, K)
    # neighbor positions become offsets relative to the current point (PointLSTMCell)
    hg = hg.at[:, :OFF].add(-x[:, :OFF])
    comb = jnp.concatenate([x, hg], axis=1)  # (B, CIN+OFF+HID, N, K)
    z = jnp.einsum('bcnk,oc->bonk', comb, W) + b[None, :, None, None]
    i, f, o, g = jnp.split(z, 4, axis=1)
    c_next = jax.nn.sigmoid(f) * cg + jax.nn.sigmoid(i) * jnp.tanh(g)
    h_next = jax.nn.sigmoid(o) * jnp.tanh(c_next)
    # AdaptiveMaxPool2d((None, 1)) == max over the neighbor axis
    return jnp.max(h_next, axis=-1), jnp.max(c_next, axis=-1)


def _pointlstm(inputs, offsets, W, b):
    h0 = jnp.zeros((B, HID + OFF, N), dtype=inputs.dtype)  # first OFF channels carry positions
    c0 = jnp.zeros((B, HID, N), dtype=inputs.dtype)

    def step(carry, xt):
        h, c = carry
        t, inp_t, off_t = xt
        pos_t = inp_t[:, :OFF]
        past_pos = jnp.where(t == 0, pos_t, h[:, :OFF])
        centroids = pos_t - off_t  # motion-compensated query positions
        idx = _knn_idx(centroids, past_pos, TOPK)
        hg = _group(h, idx)
        cg = _group(c, idx)
        x = jnp.broadcast_to(inp_t[..., None], (B, CIN, N, TOPK))
        hn, cn = _cell(x, hg, cg, W, b)
        h = jnp.concatenate([pos_t, hn], axis=1)
        c = cn
        return (h, c), (h, idx)

    xs = (jnp.arange(T), jnp.moveaxis(inputs, 1, 0), jnp.moveaxis(offsets, 1, 0))
    _, (outs, inds) = jax.lax.scan(step, (h0, c0), xs)
    return jnp.moveaxis(outs, 0, 1), jnp.moveaxis(inds, 0, 1)


def reference(inputs, offsets, W, b):
    # TestPointLSTM returns (output[0][0].squeeze(-1), output[2]):
    # layer-0 per-timestep hidden states (B, T, OFF+HID, N) and the knn grouping indices
    out, ind = _pointlstm(inputs, offsets, W, b)
    return out, ind

if __name__ == "__main__":
    import jax
    _d = setup_inputs()
    print(jax.jit(kernel)(*tuple(_d.values())))

</pallas_src>

<mosaic_0001>
#map = affine_map<(d0, d1) -> (0)>
#map1 = affine_map<(d0, d1) -> (0, 0)>
module attributes {stable_mosaic.version = 14 : i64} {
  func.func @_knn_sc_body(%arg0: i32, %arg1: i32, %arg2: memref<131072xf32, #tpu.memory_space<hbm>>, %arg3: memref<256x1024xi32, #tpu.memory_space<hbm>>, %arg4: memref<4096xf32, #tpu.memory_space<vmem>>, %arg5: memref<8x1024xi32, #tpu.memory_space<vmem>>) attributes {dimension_semantics = [#tpu.dimension_semantics<core_parallel>, #tpu.dimension_semantics<subcore_parallel>], iteration_bounds = array<i64: 2, 16>, scalar_prefetch = 0 : i64, scratch_operands = 2 : i64, tpu.core_type = #tpu.core_type<sc_vector_subcore>, window_params = [{transform_indices = #map}, {transform_indices = #map1}]} {
    %mul3A = arith.constant 2 : i32
    %mul3A_0 = arith.muli %arg1, %mul3A : i32
    %add3A = arith.addi %mul3A_0, %arg0 : i32
    %iota3A = tpu.iota {dimensions = array<i32: 0>} : vector<16xi32>
    %mul3A_1 = arith.constant 8 : i32
    %mul3A_2 = arith.muli %add3A, %mul3A_1 : i32
    %mul3A_3 = arith.constant 512 : i32
    %mul3A_4 = arith.muli %mul3A_2, %mul3A_3 : i32
    "tpu.region"() ({
      %run_scoped3A = tpu.sem_alloc : memref<!tpu.dma_semaphore, #tpu.memory_space<semaphore_mem>>
      %dma_start3A = tpu.memref_slice %arg2[%mul3A_4] : memref<131072xf32, #tpu.memory_space<hbm>> -> memref<4096xf32, #tpu.memory_space<hbm>>
      %dma_start3A_12 = tpu.memref_slice %arg2[%mul3A_4] : memref<131072xf32, #tpu.memory_space<hbm>> -> memref<4096xf32, #tpu.memory_space<hbm>>
      tpu.enqueue_dma source(%dma_start3A_12 : memref<4096xf32, #tpu.memory_space<hbm>>) target(%arg4 : memref<4096xf32, #tpu.memory_space<vmem>>) target_semaphore(%run_scoped3A : memref<!tpu.dma_semaphore, #tpu.memory_space<semaphore_mem>>)
      %dma_wait3A = tpu.memref_slice %arg2[%mul3A_4] : memref<131072xf32, #tpu.memory_space<hbm>> -> memref<4096xf32, #tpu.memory_space<hbm>>
      %dma_wait3A_13 = tpu.memref_slice %arg2[%mul3A_4] : memref<131072xf32, #tpu.memory_space<hbm>> -> memref<4096xf32, #tpu.memory_space<hbm>>
      tpu.wait_dma2 semaphore(%run_scoped3A : memref<!tpu.dma_semaphore, #tpu.memory_space<semaphore_mem>>) src(%dma_wait3A_13 : memref<4096xf32, #tpu.memory_space<hbm>>) dst(%arg4 : memref<4096xf32, #tpu.memory_space<vmem>>)
      tpu.yield
    }) : () -> ()
    %scan3A = arith.constant 0 : i32
    %scan3A_5 = arith.constant 0 : i32
    %scan3A_6 = arith.constant 8 : i32
    %scan3A_7 = arith.addi %scan3A_5, %scan3A_6 : i32
    %scan3A_8 = arith.constant 1 : i32
    scf.for %scan3A_12 = %scan3A_5 to %scan3A_7 step %scan3A_8  : i32 {
      %mul3A_13 = arith.constant 512 : i32
      %mul3A_14 = arith.muli %scan3A_12, %mul3A_13 : i32
      %add3A_15 = arith.constant 256 : i32
      %add3A_16 = arith.addi %mul3A_14, %add3A_15 : i32
      %add3A_17 = arith.constant 0 : i32
      %add3A_18 = arith.addi %add3A_16, %add3A_17 : i32
      %add3A_19 = arith.constant 0 : i32
      %add3A_20 = arith.addi %add3A_18, %add3A_19 : i32
      %get3A = arith.index_cast %add3A_20 : i32 to index
      %get3A_21 = tpu.vector_load %arg4[%get3A] {strides = array<i32>} : memref<4096xf32, #tpu.memory_space<vmem>>, vector<16xf32>,
      %add3A_22 = arith.constant 256 : i32
      %add3A_23 = arith.addi %mul3A_14, %add3A_22 : i32
      %add3A_24 = arith.constant 0 : i32
      %add3A_25 = arith.addi %add3A_23, %add3A_24 : i32
      %add3A_26 = arith.constant 16 : i32
      %add3A_27 = arith.addi %add3A_25, %add3A_26 : i32
      %get3A_28 = arith.index_cast %add3A_27 : i32 to index
      %get3A_29 = tpu.vector_load %arg4[%get3A_28] {strides = array<i32>} : memref<4096xf32, #tpu.memory_space<vmem>>, vector<16xf32>,
      %add3A_30 = arith.constant 256 : i32
      %add3A_31 = arith.addi %mul3A_14, %add3A_30 : i32
      %add3A_32 = arith.constant 0 : i32
      %add3A_33 = arith.addi %add3A_31, %add3A_32 : i32
      %add3A_34 = arith.constant 32 : i32
      %add3A_35 = arith.addi %add3A_33, %add3A_34 : i32
      %get3A_36 = arith.index_cast %add3A_35 : i32 to index
      %get3A_37 = tpu.vector_load %arg4[%get3A_36] {strides = array<i32>} : memref<4096xf32, #tpu.memory_space<vmem>>, vector<16xf32>,
      %add3A_38 = arith.constant 256 : i32
      %add3A_39 = arith.addi %mul3A_14, %add3A_38 : i32
      %add3A_40 = arith.constant 0 : i32
      %add3A_41 = arith.addi %add3A_39, %add3A_40 : i32
      %add3A_42 = arith.constant 48 : i32
      %add3A_43 = arith.addi %add3A_41, %add3A_42 : i32
      %get3A_44 = arith.index_cast %add3A_43 : i32 to index
      %get3A_45 = tpu.vector_load %arg4[%get3A_44] {strides = array<i32>} : memref<4096xf32, #tpu.memory_space<vmem>>, vector<16xf32>,
      %add3A_46 = arith.constant 256 : i32
      %add3A_47 = arith.addi %mul3A_14, %add3A_46 : i32
      %add3A_48 = arith.constant 64 : i32
      %add3A_49 = arith.addi %add3A_47, %add3A_48 : i32
      %add3A_50 = arith.constant 0 : i32
      %add3A_51 = arith.addi %add3A_49, %add3A_50 : i32
      %get3A_52 = arith.index_cast %add3A_51 : i32 to index
      %get3A_53 = tpu.vector_load %arg4[%get3A_52] {strides = array<i32>} : memref<4096xf32, #tpu.memory_space<vmem>>, vector<16xf32>,
      %add3A_54 = arith.constant 256 : i32
      %add3A_55 = arith.addi %mul3A_14, %add3A_54 : i32
      %add3A_56 = arith.constant 64 : i32
      %add3A_57 = arith.addi %add3A_55, %add3A_56 : i32
      %add3A_58 = arith.constant 16 : i32
      %add3A_59 = arith.addi %add3A_57, %add3A_58 : i32
      %get3A_60 = arith.index_cast %add3A_59 : i32 to index
      %get3A_61 = tpu.vector_load %arg4[%get3A_60] {strides = array<i32>} : memref<4096xf32, #tpu.memory_space<vmem>>, vector<16xf32>,
      %add3A_62 = arith.constant 256 : i32
      %add3A_63 = arith.addi %mul3A_14, %add3A_62 : i32
      %add3A_64 = arith.constant 64 : i32
      %add3A_65 = arith.addi %add3A_63, %add3A_64 : i32
      %add3A_66 = arith.constant 32 : i32
      %add3A_67 = arith.addi %add3A_65, %add3A_66 : i32
      %get3A_68 = arith.index_cast %add3A_67 : i32 to index
      %get3A_69 = tpu.vector_load %arg4[%get3A_68] {strides = array<i32>} : memref<4096xf32, #tpu.memory_space<vmem>>, vector<16xf32>,
      %add3A_70 = arith.constant 256 : i32
      %add3A_71 = arith.addi %mul3A_14, %add3A_70 : i32
      %add3A_72 = arith.constant 64 : i32
      %add3A_73 = arith.addi %add3A_71, %add3A_72 : i32
      %add3A_74 = arith.constant 48 : i32
      %add3A_75 = arith.addi %add3A_73, %add3A_74 : i32
      %get3A_76 = arith.index_cast %add3A_75 : i32 to index
      %get3A_77 = tpu.vector_load %arg4[%get3A_76] {strides = array<i32>} : memref<4096xf32, #tpu.memory_space<vmem>>, vector<16xf32>,
      %add3A_78 = arith.constant 256 : i32
      %add3A_79 = arith.addi %mul3A_14, %add3A_78 : i32
      %add3A_80 = arith.constant 128 : i32
      %add3A_81 = arith.addi %add3A_79, %add3A_80 : i32
      %add3A_82 = arith.constant 0 : i32
      %add3A_83 = arith.addi %add3A_81, %add3A_82 : i32
      %get3A_84 = arith.index_cast %add3A_83 : i32 to index
      %get3A_85 = tpu.vector_load %arg4[%get3A_84] {strides = array<i32>} : memref<4096xf32, #tpu.memory_space<vmem>>, vector<16xf32>,
      %add3A_86 = arith.constant 256 : i32
      %add3A_87 = arith.addi %mul3A_14, %add3A_86 : i32
      %add3A_88 = arith.constant 128 : i32
      %add3A_89 = arith.addi %add3A_87, %add3A_88 : i32
      %add3A_90 = arith.constant 16 : i32
      %add3A_91 = arith.addi %add3A_89, %add3A_90 : i32
      %get3A_92 = arith.index_cast %add3A_91 : i32 to index
      %get3A_93 = tpu.vector_load %arg4[%get3A_92] {strides = array<i32>} : memref<4096xf32, #tpu.memory_space<vmem>>, vector<16xf32>,
      %add3A_94 = arith.constant 256 : i32
      %add3A_95 = arith.addi %mul3A_14, %add3A_94 : i32
      %add3A_96 = arith.constant 128 : i32
      %add3A_97 = arith.addi %add3A_95, %add3A_96 : i32
      %add3A_98 = arith.constant 32 : i32
      %add3A_99 = arith.addi %add3A_97, %add3A_98 : i32
      %get3A_100 = arith.index_cast %add3A_99 : i32 to index
      %get3A_101 = tpu.vector_load %arg4[%get3A_100] {strides = array<i32>} : memref<4096xf32, #tpu.memory_space<vmem>>, vector<16xf32>,
      %add3A_102 = arith.constant 256 : i32
      %add3A_103 = arith.addi %mul3A_14, %add3A_102 : i32
      %add3A_104 = arith.constant 128 : i32
      %add3A_105 = arith.addi %add3A_103, %add3A_104 : i32
      %add3A_106 = arith.constant 48 : i32
      %add3A_107 = arith.addi %add3A_105, %add3A_106 : i32
      %get3A_108 = arith.index_cast %add3A_107 : i32 to index
      %get3A_109 = tpu.vector_load %arg4[%get3A_108] {strides = array<i32>} : memref<4096xf32, #tpu.memory_space<vmem>>, vector<16xf32>,
      %add3A_110 = arith.constant 256 : i32
      %add3A_111 = arith.addi %mul3A_14, %add3A_110 : i32
      %add3A_112 = arith.constant 192 : i32
      %add3A_113 = arith.addi %add3A_111, %add3A_112 : i32
      %add3A_114 = arith.constant 0 : i32
      %add3A_115 = arith.addi %add3A_113, %add3A_114 : i32
      %get3A_116 = arith.index_cast %add3A_115 : i32 to index
      %get3A_117 = tpu.vector_load %arg4[%get3A_116] {strides = array<i32>} : memref<4096xf32, #tpu.memory_space<vmem>>, vector<16xf32>,
      %add3A_118 = arith.constant 256 : i32
      %add3A_119 = arith.addi %mul3A_14, %add3A_118 : i32
      %add3A_120 = arith.constant 192 : i32
      %add3A_121 = arith.addi %add3A_119, %add3A_120 : i32
      %add3A_122 = arith.constant 16 : i32
      %add3A_123 = arith.addi %add3A_121, %add3A_122 : i32
      %get3A_124 = arith.index_cast %add3A_123 : i32 to index
      %get3A_125 = tpu.vector_load %arg4[%get3A_124] {strides = array<i32>} : memref<4096xf32, #tpu.memory_space<vmem>>, vector<16xf32>,
      %add3A_126 = arith.constant 256 : i32
      %add3A_127 = arith.addi %mul3A_14, %add3A_126 : i32
      %add3A_128 = arith.constant 192 : i32
      %add3A_129 = arith.addi %add3A_127, %add3A_128 : i32
      %add3A_130 = arith.constant 32 : i32
      %add3A_131 = arith.addi %add3A_129, %add3A_130 : i32
      %get3A_132 = arith.index_cast %add3A_131 : i32 to index
      %get3A_133 = tpu.vector_load %arg4[%get3A_132] {strides = array<i32>} : memref<4096xf32, #tpu.memory_space<vmem>>, vector<16xf32>,
      %add3A_134 = arith.constant 256 : i32
      %add3A_135 = arith.addi %mul3A_14, %add3A_134 : i32
      %add3A_136 = arith.constant 192 : i32
      %add3A_137 = arith.addi %add3A_135, %add3A_136 : i32
      %add3A_138 = arith.constant 48 : i32
      %add3A_139 = arith.addi %add3A_137, %add3A_138 : i32
      %get3A_140 = arith.index_cast %add3A_139 : i32 to index
      %get3A_141 = tpu.vector_load %arg4[%get3A_140] {strides = array<i32>} : memref<4096xf32, #tpu.memory_space<vmem>>, vector<16xf32>,
      %scan3A_142 = arith.constant 0 : i32
      %scan3A_143 = arith.constant 4 : i32
      %scan3A_144 = arith.addi %scan3A_142, %scan3A_143 : i32
      %scan3A_145 = arith.constant 1 : i32
      scf.for %scan3A_147 = %scan3A_142 to %scan3A_144 step %scan3A_145  : i32 {
        %add3A_148 = arith.constant 0 : i32
        %add3A_149 = arith.addi %mul3A_14, %add3A_148 : i32
        %mul3A_150 = arith.constant 16 : i32
        %mul3A_151 = arith.muli %scan3A_147, %mul3A_150 : i32
        %add3A_152 = arith.addi %add3A_149, %mul3A_151 : i32
        %get3A_153 = arith.index_cast %add3A_152 : i32 to index
        %get3A_154 = tpu.vector_load %arg4[%get3A_153] {strides = array<i32>} : memref<4096xf32, #tpu.memory_space<vmem>>, vector<16xf32>,
        %add3A_155 = arith.constant 64 : i32
        %add3A_156 = arith.addi %mul3A_14, %add3A_155 : i32
        %mul3A_157 = arith.constant 16 : i32
        %mul3A_158 = arith.muli %scan3A_147, %mul3A_157 : i32
        %add3A_159 = arith.addi %add3A_156, %mul3A_158 : i32
        %get3A_160 = arith.index_cast %add3A_159 : i32 to index
        %get3A_161 = tpu.vector_load %arg4[%get3A_160] {strides = array<i32>} : memref<4096xf32, #tpu.memory_space<vmem>>, vector<16xf32>,
        %add3A_162 = arith.constant 128 : i32
        %add3A_163 = arith.addi %mul3A_14, %add3A_162 : i32
        %mul3A_164 = arith.constant 16 : i32
        %mul3A_165 = arith.muli %scan3A_147, %mul3A_164 : i32
        %add3A_166 = arith.addi %add3A_163, %mul3A_165 : i32
        %get3A_167 = arith.index_cast %add3A_166 : i32 to index
        %get3A_168 = tpu.vector_load %arg4[%get3A_167] {strides = array<i32>} : memref<4096xf32, #tpu.memory_space<vmem>>, vector<16xf32>,
        %add3A_169 = arith.constant 192 : i32
        %add3A_170 = arith.addi %mul3A_14, %add3A_169 : i32
        %mul3A_171 = arith.constant 16 : i32
        %mul3A_172 = arith.muli %scan3A_147, %mul3A_171 : i32
        %add3A_173 = arith.addi %add3A_170, %mul3A_172 : i32
        %get3A_174 = arith.index_cast %add3A_173 : i32 to index
        %get3A_175 = tpu.vector_load %arg4[%get3A_174] {strides = array<i32>} : memref<4096xf32, #tpu.memory_space<vmem>>, vector<16xf32>,
        %broadcast_in_dim3A = vector.broadcast %scan3A_12 : i32 to vector<16xi32>
        %slice3A = vector.extract_strided_slice %get3A_154 {offsets = [0], sizes = [1], strides = [1]} : vector<16xf32> to vector<1xf32>
        %squeeze3A = vector.extract %slice3A[0] : f32 from vector<1xf32>
        %sub3A = vector.broadcast %squeeze3A : f32 to vector<16xf32>
        %sub3A_176 = arith.subf %sub3A, %get3A_21 : vector<16xf32>
        %mul3A_177 = arith.mulf %sub3A_176, %sub3A_176 : vector<16xf32>
        %slice3A_178 = vector.extract_strided_slice %get3A_161 {offsets = [0], sizes = [1], strides = [1]} : vector<16xf32> to vector<1xf32>
        %squeeze3A_179 = vector.extract %slice3A_178[0] : f32 from vector<1xf32>
        %sub3A_180 = vector.broadcast %squeeze3A_179 : f32 to vector<16xf32>
        %sub3A_181 = arith.subf %sub3A_180, %get3A_53 : vector<16xf32>
        %mul3A_182 = arith.mulf %sub3A_181, %sub3A_181 : vector<16xf32>
        %add3A_183 = arith.addf %mul3A_177, %mul3A_182 : vector<16xf32>
        %slice3A_184 = vector.extract_strided_slice %get3A_168 {offsets = [0], sizes = [1], strides = [1]} : vector<16xf32> to vector<1xf32>
        %squeeze3A_185 = vector.extract %slice3A_184[0] : f32 from vector<1xf32>
        %sub3A_186 = vector.broadcast %squeeze3A_185 : f32 to vector<16xf32>
        %sub3A_187 = arith.subf %sub3A_186, %get3A_85 : vector<16xf32>
        %mul3A_188 = arith.mulf %sub3A_187, %sub3A_187 : vector<16xf32>
        %add3A_189 = arith.addf %add3A_183, %mul3A_188 : vector<16xf32>
        %slice3A_190 = vector.extract_strided_slice %get3A_175 {offsets = [0], sizes = [1], strides = [1]} : vector<16xf32> to vector<1xf32>
        %squeeze3A_191 = vector.extract %slice3A_190[0] : f32 from vector<1xf32>
        %sub3A_192 = vector.broadcast %squeeze3A_191 : f32 to vector<16xf32>
        %sub3A_193 = arith.subf %sub3A_192, %get3A_117 : vector<16xf32>
        %mul3A_194 = arith.mulf %sub3A_193, %sub3A_193 : vector<16xf32>
        %add3A_195 = arith.addf %add3A_189, %mul3A_194 : vector<16xf32>
        %add3A_196 = arith.constant 0 : i32
        %add3A_197 = vector.broadcast %add3A_196 : i32 to vector<16xi32>
        %add3A_198 = arith.addi %iota3A, %add3A_197 : vector<16xi32>
        %masked_sort3A = arith.constant dense<true> : vector<16xi1>
        %masked_sort3A_199, %masked_sort3A_200, %masked_sort3A_201 = tpu.sort %add3A_195, %add3A_198 masked %masked_sort3A : (vector<16xf32>, vector<16xi32>, vector<16xi1>) -> (vector<16xi1>, vector<16xf32>, vector<16xi32>)
        %slice3A_202 = vector.extract_strided_slice %get3A_154 {offsets = [0], sizes = [1], strides = [1]} : vector<16xf32> to vector<1xf32>
        %squeeze3A_203 = vector.extract %slice3A_202[0] : f32 from vector<1xf32>
        %sub3A_204 = vector.broadcast %squeeze3A_203 : f32 to vector<16xf32>
        %sub3A_205 = arith.subf %sub3A_204, %get3A_29 : vector<16xf32>
        %mul3A_206 = arith.mulf %sub3A_205, %sub3A_205 : vector<16xf32>
        %slice3A_207 = vector.extract_strided_slice %get3A_161 {offsets = [0], sizes = [1], strides = [1]} : vector<16xf32> to vector<1xf32>
        %squeeze3A_208 = vector.extract %slice3A_207[0] : f32 from vector<1xf32>
        %sub3A_209 = vector.broadcast %squeeze3A_208 : f32 to vector<16xf32>
        %sub3A_210 = arith.subf %sub3A_209, %get3A_61 : vector<16xf32>
        %mul3A_211 = arith.mulf %sub3A_210, %sub3A_210 : vector<16xf32>
        %add3A_212 = arith.addf %mul3A_206, %mul3A_211 : vector<16xf32>
        %slice3A_213 = vector.extract_strided_slice %get3A_168 {offsets = [0], sizes = [1], strides = [1]} : vector<16xf32> to vector<1xf32>
        %squeeze3A_214 = vector.extract %slice3A_213[0] : f32 from vector<1xf32>
        %sub3A_215 = vector.broadcast %squeeze3A_214 : f32 to vector<16xf32>
        %sub3A_216 = arith.subf %sub3A_215, %get3A_93 : vector<16xf32>
        %mul3A_217 = arith.mulf %sub3A_216, %sub3A_216 : vector<16xf32>
        %add3A_218 = arith.addf %add3A_212, %mul3A_217 : vector<16xf32>
        %slice3A_219 = vector.extract_strided_slice %get3A_175 {offsets = [0], sizes = [1], strides = [1]} : vector<16xf32> to vector<1xf32>
        %squeeze3A_220 = vector.extract %slice3A_219[0] : f32 from vector<1xf32>
        %sub3A_221 = vector.broadcast %squeeze3A_220 : f32 to vector<16xf32>
        %sub3A_222 = arith.subf %sub3A_221, %get3A_125 : vector<16xf32>
        %mul3A_223 = arith.mulf %sub3A_222, %sub3A_222 : vector<16xf32>
        %add3A_224 = arith.addf %add3A_218, %mul3A_223 : vector<16xf32>
        %add3A_225 = arith.constant 16 : i32
        %add3A_226 = vector.broadcast %add3A_225 : i32 to vector<16xi32>
        %add3A_227 = arith.addi %iota3A, %add3A_226 : vector<16xi32>
        %masked_sort3A_228 = arith.constant dense<true> : vector<16xi1>
        %masked_sort3A_229, %masked_sort3A_230, %masked_sort3A_231 = tpu.sort %add3A_224, %add3A_227 masked %masked_sort3A_228 : (vector<16xf32>, vector<16xi32>, vector<16xi1>) -> (vector<16xi1>, vector<16xf32>, vector<16xi32>)
        %slice3A_232 = vector.extract_strided_slice %get3A_154 {offsets = [0], sizes = [1], strides = [1]} : vector<16xf32> to vector<1xf32>
        %squeeze3A_233 = vector.extract %slice3A_232[0] : f32 from vector<1xf32>
        %sub3A_234 = vector.broadcast %squeeze3A_233 : f32 to vector<16xf32>
        %sub3A_235 = arith.subf %sub3A_234, %get3A_37 : vector<16xf32>
        %mul3A_236 = arith.mulf %sub3A_235, %sub3A_235 : vector<16xf32>
        %slice3A_237 = vector.extract_strided_slice %get3A_161 {offsets = [0], sizes = [1], strides = [1]} : vector<16xf32> to vector<1xf32>
        %squeeze3A_238 = vector.extract %slice3A_237[0] : f32 from vector<1xf32>
        %sub3A_239 = vector.broadcast %squeeze3A_238 : f32 to vector<16xf32>
        %sub3A_240 = arith.subf %sub3A_239, %get3A_69 : vector<16xf32>
        %mul3A_241 = arith.mulf %sub3A_240, %sub3A_240 : vector<16xf32>
        %add3A_242 = arith.addf %mul3A_236, %mul3A_241 : vector<16xf32>
        %slice3A_243 = vector.extract_strided_slice %get3A_168 {offsets = [0], sizes = [1], strides = [1]} : vector<16xf32> to vector<1xf32>
        %squeeze3A_244 = vector.extract %slice3A_243[0] : f32 from vector<1xf32>
        %sub3A_245 = vector.broadcast %squeeze3A_244 : f32 to vector<16xf32>
        %sub3A_246 = arith.subf %sub3A_245, %get3A_101 : vector<16xf32>
        %mul3A_247 = arith.mulf %sub3A_246, %sub3A_246 : vector<16xf32>
        %add3A_248 = arith.addf %add3A_242, %mul3A_247 : vector<16xf32>
        %slice3A_249 = vector.extract_strided_slice %get3A_175 {offsets = [0], sizes = [1], strides = [1]} : vector<16xf32> to vector<1xf32>
        %squeeze3A_250 = vector.extract %slice3A_249[0] : f32 from vector<1xf32>
        %sub3A_251 = vector.broadcast %squeeze3A_250 : f32 to vector<16xf32>
        %sub3A_252 = arith.subf %sub3A_251, %get3A_133 : vector<16xf32>
        %mul3A_253 = arith.mulf %sub3A_252, %sub3A_252 : vector<16xf32>
        %add3A_254 = arith.addf %add3A_248, %mul3A_253 : vector<16xf32>
        %add3A_255 = arith.constant 32 : i32
        %add3A_256 = vector.broadcast %add3A_255 : i32 to vector<16xi32>
        %add3A_257 = arith.addi %iota3A, %add3A_256 : vector<16xi32>
        %masked_sort3A_258 = arith.constant dense<true> : vector<16xi1>
        %masked_sort3A_259, %masked_sort3A_260, %masked_sort3A_261 = tpu.sort %add3A_254, %add3A_257 masked %masked_sort3A_258 : (vector<16xf32>, vector<16xi32>, vector<16xi1>) -> (vector<16xi1>, vector<16xf32>, vector<16xi32>)
        %slice3A_262 = vector.extract_strided_slice %get3A_154 {offsets = [0], sizes = [1], strides = [1]} : vector<16xf32> to vector<1xf32>
        %squeeze3A_263 = vector.extract %slice3A_262[0] : f32 from vector<1xf32>
        %sub3A_264 = vector.broadcast %squeeze3A_263 : f32 to vector<16xf32>
        %sub3A_265 = arith.subf %sub3A_264, %get3A_45 : vector<16xf32>
        %mul3A_266 = arith.mulf %sub3A_265, %sub3A_265 : vector<16xf32>
        %slice3A_267 = vector.extract_strided_slice %get3A_161 {offsets = [0], sizes = [1], strides = [1]} : vector<16xf32> to vector<1xf32>
        %squeeze3A_268 = vector.extract %slice3A_267[0] : f32 from vector<1xf32>
        %sub3A_269 = vector.broadcast %squeeze3A_268 : f32 to vector<16xf32>
        %sub3A_270 = arith.subf %sub3A_269, %get3A_77 : vector<16xf32>
        %mul3A_271 = arith.mulf %sub3A_270, %sub3A_270 : vector<16xf32>
        %add3A_272 = arith.addf %mul3A_266, %mul3A_271 : vector<16xf32>
        %slice3A_273 = vector.extract_strided_slice %get3A_168 {offsets = [0], sizes = [1], strides = [1]} : vector<16xf32> to vector<1xf32>
        %squeeze3A_274 = vector.extract %slice3A_273[0] : f32 from vector<1xf32>
        %sub3A_275 = vector.broadcast %squeeze3A_274 : f32 to vector<16xf32>
        %sub3A_276 = arith.subf %sub3A_275, %get3A_109 : vector<16xf32>
        %mul3A_277 = arith.mulf %sub3A_276, %sub3A_276 : vector<16xf32>
        %add3A_278 = arith.addf %add3A_272, %mul3A_277 : vector<16xf32>
        %slice3A_279 = vector.extract_strided_slice %get3A_175 {offsets = [0], sizes = [1], strides = [1]} : vector<16xf32> to vector<1xf32>
        %squeeze3A_280 = vector.extract %slice3A_279[0] : f32 from vector<1xf32>
        %sub3A_281 = vector.broadcast %squeeze3A_280 : f32 to vector<16xf32>
        %sub3A_282 = arith.subf %sub3A_281, %get3A_141 : vector<16xf32>
        %mul3A_283 = arith.mulf %sub3A_282, %sub3A_282 : vector<16xf32>
        %add3A_284 = arith.addf %add3A_278, %mul3A_283 : vector<16xf32>
        %add3A_285 = arith.constant 48 : i32
        %add3A_286 = vector.broadcast %add3A_285 : i32 to vector<16xi32>
        %add3A_287 = arith.addi %iota3A, %add3A_286 : vector<16xi32>
        %masked_sort3A_288 = arith.constant dense<true> : vector<16xi1>
        %masked_sort3A_289, %masked_sort3A_290, %masked_sort3A_291 = tpu.sort %add3A_284, %add3A_287 masked %masked_sort3A_288 : (vector<16xf32>, vector<16xi32>, vector<16xi1>) -> (vector<16xi1>, vector<16xf32>, vector<16xi32>)
        %rev3A = arith.constant 15 : i32
        %rev3A_292 = vector.broadcast %rev3A : i32 to vector<16xi32>
        %rev3A_293 = tpu.iota {dimensions = array<i32: 0>} : vector<16xi32>
        %rev3A_294 = arith.subi %rev3A_292, %rev3A_293 : vector<16xi32>
        %rev3A_295 = tpu.dynamic_gather %masked_sort3A_230[%rev3A_294] in [0] : vector<16xf32>, vector<16xi32> -> vector<16xf32>
        %rev3A_296 = arith.constant 15 : i32
        %rev3A_297 = vector.broadcast %rev3A_296 : i32 to vector<16xi32>
        %rev3A_298 = tpu.iota {dimensions = array<i32: 0>} : vector<16xi32>
        %rev3A_299 = arith.subi %rev3A_297, %rev3A_298 : vector<16xi32>
        %rev3A_300 = tpu.dynamic_gather %masked_sort3A_231[%rev3A_299] in [0] : vector<16xi32>, vector<16xi32> -> vector<16xi32>
        %le3A = arith.cmpf ole, %masked_sort3A_200, %rev3A_295 : vector<16xf32>
        %select_n3A = arith.select %le3A, %masked_sort3A_200, %rev3A_295 : vector<16xi1>, vector<16xf32>
        %select_n3A_301 = arith.select %le3A, %masked_sort3A_201, %rev3A_300 : vector<16xi1>, vector<16xi32>
        %masked_sort3A_302 = arith.constant dense<true> : vector<16xi1>
        %masked_sort3A_303, %masked_sort3A_304, %masked_sort3A_305 = tpu.sort %select_n3A, %select_n3A_301 masked %masked_sort3A_302 : (vector<16xf32>, vector<16xi32>, vector<16xi1>) -> (vector<16xi1>, vector<16xf32>, vector<16xi32>)
        %rev3A_306 = arith.constant 15 : i32
        %rev3A_307 = vector.broadcast %rev3A_306 : i32 to vector<16xi32>
        %rev3A_308 = tpu.iota {dimensions = array<i32: 0>} : vector<16xi32>
        %rev3A_309 = arith.subi %rev3A_307, %rev3A_308 : vector<16xi32>
        %rev3A_310 = tpu.dynamic_gather %masked_sort3A_290[%rev3A_309] in [0] : vector<16xf32>, vector<16xi32> -> vector<16xf32>
        %rev3A_311 = arith.constant 15 : i32
        %rev3A_312 = vector.broadcast %rev3A_311 : i32 to vector<16xi32>
        %rev3A_313 = tpu.iota {dimensions = array<i32: 0>} : vector<16xi32>
        %rev3A_314 = arith.subi %rev3A_312, %rev3A_313 : vector<16xi32>
        %rev3A_315 = tpu.dynamic_gather %masked_sort3A_291[%rev3A_314] in [0] : vector<16xi32>, vector<16xi32> -> vector<16xi32>
        %le3A_316 = arith.cmpf ole, %masked_sort3A_260, %rev3A_310 : vector<16xf32>
        %select_n3A_317 = arith.select %le3A_316, %masked_sort3A_260, %rev3A_310 : vector<16xi1>, vector<16xf32>
        %select_n3A_318 = arith.select %le3A_316, %masked_sort3A_261, %rev3A_315 : vector<16xi1>, vector<16xi32>
        %masked_sort3A_319 = arith.constant dense<true> : vector<16xi1>
        %masked_sort3A_320, %masked_sort3A_321, %masked_sort3A_322 = tpu.sort %select_n3A_317, %select_n3A_318 masked %masked_sort3A_319 : (vector<16xf32>, vector<16xi32>, vector<16xi1>) -> (vector<16xi1>, vector<16xf32>, vector<16xi32>)
        %rev3A_323 = arith.constant 15 : i32
        %rev3A_324 = vector.broadcast %rev3A_323 : i32 to vector<16xi32>
        %rev3A_325 = tpu.iota {dimensions = array<i32: 0>} : vector<16xi32>
        %rev3A_326 = arith.subi %rev3A_324, %rev3A_325 : vector<16xi32>
        %rev3A_327 = tpu.dynamic_gather %masked_sort3A_321[%rev3A_326] in [0] : vector<16xf32>, vector<16xi32> -> vector<16xf32>
        %rev3A_328 = arith.constant 15 : i32
        %rev3A_329 = vector.broadcast %rev3A_328 : i32 to vector<16xi32>
        %rev3A_330 = tpu.iota {dimensions = array<i32: 0>} : vector<16xi32>
        %rev3A_331 = arith.subi %rev3A_329, %rev3A_330 : vector<16xi32>
        %rev3A_332 = tpu.dynamic_gather %masked_sort3A_322[%rev3A_331] in [0] : vector<16xi32>, vector<16xi32> -> vector<16xi32>
        %le3A_333 = arith.cmpf ole, %masked_sort3A_304, %rev3A_327 : vector<16xf32>
        %select_n3A_334 = arith.select %le3A_333, %masked_sort3A_304, %rev3A_327 : vector<16xi1>, vector<16xf32>
        %select_n3A_335 = arith.select %le3A_333, %masked_sort3A_305, %rev3A_332 : vector<16xi1>, vector<16xi32>
        %masked_sort3A_336 = arith.constant dense<true> : vector<16xi1>
        %masked_sort3A_337, %masked_sort3A_338, %masked_sort3A_339 = tpu.sort %select_n3A_334, %select_n3A_335 masked %masked_sort3A_336 : (vector<16xf32>, vector<16xi32>, vector<16xi1>) -> (vector<16xi1>, vector<16xf32>, vector<16xi32>)
        %mul3A_340 = arith.constant 64 : i32
        %mul3A_341 = vector.broadcast %mul3A_340 : i32 to vector<16xi32>
        %mul3A_342 = arith.muli %iota3A, %mul3A_341 : vector<16xi32>
        %mul3A_343 = arith.constant 16 : i32
        %mul3A_344 = arith.muli %scan3A_147, %mul3A_343 : i32
        %add3A_345 = arith.constant 0 : i32
        %add3A_346 = arith.addi %mul3A_344, %add3A_345 : i32
        %add3A_347 = vector.broadcast %add3A_346 : i32 to vector<16xi32>
        %add3A_348 = arith.addi %mul3A_342, %add3A_347 : vector<16xi32>
        tpu.vector_store_idx %arg5[%broadcast_in_dim3A, %add3A_348], %masked_sort3A_339 : memref<8x1024xi32, #tpu.memory_space<vmem>>[vector<16xi32>, vector<16xi32>], vector<16xi32>,
        %slice3A_349 = vector.extract_strided_slice %get3A_154 {offsets = [1], sizes = [1], strides = [1]} : vector<16xf32> to vector<1xf32>
        %squeeze3A_350 = vector.extract %slice3A_349[0] : f32 from vector<1xf32>
        %sub3A_351 = vector.broadcast %squeeze3A_350 : f32 to vector<16xf32>
        %sub3A_352 = arith.subf %sub3A_351, %get3A_21 : vector<16xf32>
        %mul3A_353 = arith.mulf %sub3A_352, %sub3A_352 : vector<16xf32>
        %slice3A_354 = vector.extract_strided_slice %get3A_161 {offsets = [1], sizes = [1], strides = [1]} : vector<16xf32> to vector<1xf32>
        %squeeze3A_355 = vector.extract %slice3A_354[0] : f32 from vector<1xf32>
        %sub3A_356 = vector.broadcast %squeeze3A_355 : f32 to vector<16xf32>
        %sub3A_357 = arith.subf %sub3A_356, %get3A_53 : vector<16xf32>
        %mul3A_358 = arith.mulf %sub3A_357, %sub3A_357 : vector<16xf32>
        %add3A_359 = arith.addf %mul3A_353, %mul3A_358 : vector<16xf32>
        %slice3A_360 = vector.extract_strided_slice %get3A_168 {offsets = [1], sizes = [1], strides = [1]} : vector<16xf32> to vector<1xf32>
        %squeeze3A_361 = vector.extract %slice3A_360[0] : f32 from vector<1xf32>
        %sub3A_362 = vector.broadcast %squeeze3A_361 : f32 to vector<16xf32>
        %sub3A_363 = arith.subf %sub3A_362, %get3A_85 : vector<16xf32>
        %mul3A_364 = arith.mulf %sub3A_363, %sub3A_363 : vector<16xf32>
        %add3A_365 = arith.addf %add3A_359, %mul3A_364 : vector<16xf32>
        %slice3A_366 = vector.extract_strided_slice %get3A_175 {offsets = [1], sizes = [1], strides = [1]} : vector<16xf32> to vector<1xf32>
        %squeeze3A_367 = vector.extract %slice3A_366[0] : f32 from vector<1xf32>
        %sub3A_368 = vector.broadcast %squeeze3A_367 : f32 to vector<16xf32>
        %sub3A_369 = arith.subf %sub3A_368, %get3A_117 : vector<16xf32>
        %mul3A_370 = arith.mulf %sub3A_369, %sub3A_369 : vector<16xf32>
        %add3A_371 = arith.addf %add3A_365, %mul3A_370 : vector<16xf32>
        %add3A_372 = arith.constant 0 : i32
        %add3A_373 = vector.broadcast %add3A_372 : i32 to vector<16xi32>
        %add3A_374 = arith.addi %iota3A, %add3A_373 : vector<16xi32>
        %masked_sort3A_375 = arith.constant dense<true> : vector<16xi1>
        %masked_sort3A_376, %masked_sort3A_377, %masked_sort3A_378 = tpu.sort %add3A_371, %add3A_374 masked %masked_sort3A_375 : (vector<16xf32>, vector<16xi32>, vector<16xi1>) -> (vector<16xi1>, vector<16xf32>, vector<16xi32>)
        %slice3A_379 = vector.extract_strided_slice %get3A_154 {offsets = [1], sizes = [1], strides = [1]} : vector<16xf32> to vector<1xf32>
        %squeeze3A_380 = vector.extract %slice3A_379[0] : f32 from vector<1xf32>
        %sub3A_381 = vector.broadcast %squeeze3A_380 : f32 to vector<16xf32>
        %sub3A_382 = arith.subf %sub3A_381, %get3A_29 : vector<16xf32>
        %mul3A_383 = arith.mulf %sub3A_382, %sub3A_382 : vector<16xf32>
        %slice3A_384 = vector.extract_strided_slice %get3A_161 {offsets = [1], sizes = [1], strides = [1]} : vector<16xf32> to vector<1xf32>
        %squeeze3A_385 = vector.extract %slice3A_384[0] : f32 from vector<1xf32>
        %sub3A_386 = vector.broadcast %squeeze3A_385 : f32 to vector<16xf32>
        %sub3A_387 = arith.subf %sub3A_386, %get3A_61 : vector<16xf32>
        %mul3A_388 = arith.mulf %sub3A_387, %sub3A_387 : vector<16xf32>
        %add3A_389 = arith.addf %mul3A_383, %mul3A_388 : vector<16xf32>
        %slice3A_390 = vector.extract_strided_slice %get3A_168 {offsets = [1], sizes = [1], strides = [1]} : vector<16xf32> to vector<1xf32>
        %squeeze3A_391 = vector.extract %slice3A_390[0] : f32 from vector<1xf32>
        %sub3A_392 = vector.broadcast %squeeze3A_391 : f32 to vector<16xf32>
        %sub3A_393 = arith.subf %sub3A_392, %get3A_93 : vector<16xf32>
        %mul3A_394 = arith.mulf %sub3A_393, %sub3A_393 : vector<16xf32>
        %add3A_395 = arith.addf %add3A_389, %mul3A_394 : vector<16xf32>
        %slice3A_396 = vector.extract_strided_slice %get3A_175 {offsets = [1], sizes = [1], strides = [1]} : vector<16xf32> to vector<1xf32>
        %squeeze3A_397 = vector.extract %slice3A_396[0] : f32 from vector<1xf32>
        %sub3A_398 = vector.broadcast %squeeze3A_397 : f32 to vector<16xf32>
        %sub3A_399 = arith.subf %sub3A_398, %get3A_125 : vector<16xf32>
        %mul3A_400 = arith.mulf %sub3A_399, %sub3A_399 : vector<16xf32>
        %add3A_401 = arith.addf %add3A_395, %mul3A_400 : vector<16xf32>
        %add3A_402 = arith.constant 16 : i32
        %add3A_403 = vector.broadcast %add3A_402 : i32 to vector<16xi32>
        %add3A_404 = arith.addi %iota3A, %add3A_403 : vector<16xi32>
        %masked_sort3A_405 = arith.constant dense<true> : vector<16xi1>
        %masked_sort3A_406, %masked_sort3A_407, %masked_sort3A_408 = tpu.sort %add3A_401, %add3A_404 masked %masked_sort3A_405 : (vector<16xf32>, vector<16xi32>, vector<16xi1>) -> (vector<16xi1>, vector<16xf32>, vector<16xi32>)
        %slice3A_409 = vector.extract_strided_slice %get3A_154 {offsets = [1], sizes = [1], strides = [1]} : vector<16xf32> to vector<1xf32>
        %squeeze3A_410 = vector.extract %slice3A_409[0] : f32 from vector<1xf32>
        %sub3A_411 = vector.broadcast %squeeze3A_410 : f32 to vector<16xf32>
        %sub3A_412 = arith.subf %sub3A_411, %get3A_37 : vector<16xf32>
        %mul3A_413 = arith.mulf %sub3A_412, %sub3A_412 : vector<16xf32>
        %slice3A_414 = vector.extract_strided_slice %get3A_161 {offsets = [1], sizes = [1], strides = [1]} : vector<16xf32> to vector<1xf32>
        %squeeze3A_415 = vector.extract %slice3A_414[0] : f32 from vector<1xf32>
        %sub3A_416 = vector.broadcast %squeeze3A_415 : f32 to vector<16xf32>
        %sub3A_417 = arith.subf %sub3A_416, %get3A_69 : vector<16xf32>
        %mul3A_418 = arith.mulf %sub3A_417, %sub3A_417 : vector<16xf32>
        %add3A_419 = arith.addf %mul3A_413, %mul3A_418 : vector<16xf32>
        %slice3A_420 = vector.extract_strided_slice %get3A_168 {offsets = [1], sizes = [1], strides = [1]} : vector<16xf32> to vector<1xf32>
        %squeeze3A_421 = vector.extract %slice3A_420[0] : f32 from vector<1xf32>
        %sub3A_422 = vector.broadcast %squeeze3A_421 : f32 to vector<16xf32>
        %sub3A_423 = arith.subf %sub3A_422, %get3A_101 : vector<16xf32>
        %mul3A_424 = arith.mulf %sub3A_423, %sub3A_423 : vector<16xf32>
        %add3A_425 = arith.addf %add3A_419, %mul3A_424 : vector<16xf32>
        %slice3A_426 = vector.extract_strided_slice %get3A_175 {offsets = [1], sizes = [1], strides = [1]} : vector<16xf32> to vector<1xf32>
        %squeeze3A_427 = vector.extract %slice3A_426[0] : f32 from vector<1xf32>
        %sub3A_428 = vector.broadcast %squeeze3A_427 : f32 to vector<16xf32>
        %sub3A_429 = arith.subf %sub3A_428, %get3A_133 : vector<16xf32>
        %mul3A_430 = arith.mulf %sub3A_429, %sub3A_429 : vector<16xf32>
        %add3A_431 = arith.addf %add3A_425, %mul3A_430 : vector<16xf32>
        %add3A_432 = arith.constant 32 : i32
        %add3A_433 = vector.broadcast %add3A_432 : i32 to vector<16xi32>
        %add3A_434 = arith.addi %iota3A, %add3A_433 : vector<16xi32>
        %masked_sort3A_435 = arith.constant dense<true> : vector<16xi1>
        %masked_sort3A_436, %masked_sort3A_437, %masked_sort3A_438 = tpu.sort %add3A_431, %add3A_434 masked %masked_sort3A_435 : (vector<16xf32>, vector<16xi32>, vector<16xi1>) -> (vector<16xi1>, vector<16xf32>, vector<16xi32>)
        %slice3A_439 = vector.extract_strided_slice %get3A_154 {offsets = [1], sizes = [1], strides = [1]} : vector<16xf32> to vector<1xf32>
        %squeeze3A_440 = vector.extract %slice3A_439[0] : f32 from vector<1xf32>
        %sub3A_441 = vector.broadcast %squeeze3A_440 : f32 to vector<16xf32>
        %sub3A_442 = arith.subf %sub3A_441, %get3A_45 : vector<16xf32>
        %mul3A_443 = arith.mulf %sub3A_442, %sub3A_442 : vector<16xf32>
        %slice3A_444 = vector.extract_strided_slice %get3A_161 {offsets = [1], sizes = [1], strides = [1]} : vector<16xf32> to vector<1xf32>
        %squeeze3A_445 = vector.extract %slice3A_444[0] : f32 from vector<1xf32>
        %sub3A_446 = vector.broadcast %squeeze3A_445 : f32 to vector<16xf32>
        %sub3A_447 = arith.subf %sub3A_446, %get3A_77 : vector<16xf32>
        %mul3A_448 = arith.mulf %sub3A_447, %sub3A_447 : vector<16xf32>
        %add3A_449 = arith.addf %mul3A_443, %mul3A_448 : vector<16xf32>
        %slice3A_450 = vector.extract_strided_slice %get3A_168 {offsets = [1], sizes = [1], strides = [1]} : vector<16xf32> to vector<1xf32>
        %squeeze3A_451 = vector.extract %slice3A_450[0] : f32 from vector<1xf32>
        %sub3A_452 = vector.broadcast %squeeze3A_451 : f32 to vector<16xf32>
        %sub3A_453 = arith.subf %sub3A_452, %get3A_109 : vector<16xf32>
        %mul3A_454 = arith.mulf %sub3A_453, %sub3A_453 : vector<16xf32>
        %add3A_455 = arith.addf %add3A_449, %mul3A_454 : vector<16xf32>
        %slice3A_456 = vector.extract_strided_slice %get3A_175 {offsets = [1], sizes = [1], strides = [1]} : vector<16xf32> to vector<1xf32>
        %squeeze3A_457 = vector.extract %slice3A_456[0] : f32 from vector<1xf32>
        %sub3A_458 = vector.broadcast %squeeze3A_457 : f32 to vector<16xf32>
        %sub3A_459 = arith.subf %sub3A_458, %get3A_141 : vector<16xf32>
        %mul3A_460 = arith.mulf %sub3A_459, %sub3A_459 : vector<16xf32>
        %add3A_461 = arith.addf %add3A_455, %mul3A_460 : vector<16xf32>
        %add3A_462 = arith.constant 48 : i32
        %add3A_463 = vector.broadcast %add3A_462 : i32 to vector<16xi32>
        %add3A_464 = arith.addi %iota3A, %add3A_463 : vector<16xi32>
        %masked_sort3A_465 = arith.constant dense<true> : vector<16xi1>
        %masked_sort3A_466, %masked_sort3A_467, %masked_sort3A_468 = tpu.sort %add3A_461, %add3A_464 masked %masked_sort3A_465 : (vector<16xf32>, vector<16xi32>, vector<16xi1>) -> (vector<16xi1>, vector<16xf32>, vector<16xi32>)
        %rev3A_469 = arith.constant 15 : i32
        %rev3A_470 = vector.broadcast %rev3A_469 : i32 to vector<16xi32>
        %rev3A_471 = tpu.iota {dimensions = array<i32: 0>} : vector<16xi32>
        %rev3A_472 = arith.subi %rev3A_470, %rev3A_471 : vector<16xi32>
        %rev3A_473 = tpu.dynamic_gather %masked_sort3A_407[%rev3A_472] in [0] : vector<16xf32>, vector<16xi32> -> vector<16xf32>
        %rev3A_474 = arith.constant 15 : i32
        %rev3A_475 = vector.broadcast %rev3A_474 : i32 to vector<16xi32>
        %rev3A_476 = tpu.iota {dimensions = array<i32: 0>} : vector<16xi32>
        %rev3A_477 = arith.subi %rev3A_475, %rev3A_476 : vector<16xi32>
        %rev3A_478 = tpu.dynamic_gather %masked_sort3A_408[%rev3A_477] in [0] : vector<16xi32>, vector<16xi32> -> vector<16xi32>
        %le3A_479 = arith.cmpf ole, %masked_sort3A_377, %rev3A_473 : vector<16xf32>
        %select_n3A_480 = arith.select %le3A_479, %masked_sort3A_377, %rev3A_473 : vector<16xi1>, vector<16xf32>
        %select_n3A_481 = arith.select %le3A_479, %masked_sort3A_378, %rev3A_478 : vector<16xi1>, vector<16xi32>
        %masked_sort3A_482 = arith.constant dense<true> : vector<16xi1>
        %masked_sort3A_483, %masked_sort3A_484, %masked_sort3A_485 = tpu.sort %select_n3A_480, %select_n3A_481 masked %masked_sort3A_482 : (vector<16xf32>, vector<16xi32>, vector<16xi1>) -> (vector<16xi1>, vector<16xf32>, vector<16xi32>)
        %rev3A_486 = arith.constant 15 : i32
        %rev3A_487 = vector.broadcast %rev3A_486 : i32 to vector<16xi32>
        %rev3A_488 = tpu.iota {dimensions = array<i32: 0>} : vector<16xi32>
        %rev3A_489 = arith.subi %rev3A_487, %rev3A_488 : vector<16xi32>
        %rev3A_490 = tpu.dynamic_gather %masked_sort3A_467[%rev3A_489] in [0] : vector<16xf32>, vector<16xi32> -> vector<16xf32>
        %rev3A_491 = arith.constant 15 : i32
        %rev3A_492 = vector.broadcast %rev3A_491 : i32 to vector<16xi32>
        %rev3A_493 = tpu.iota {dimensions = array<i32: 0>} : vector<16xi32>
        %rev3A_494 = arith.subi %rev3A_492, %rev3A_493 : vector<16xi32>
        %rev3A_495 = tpu.dynamic_gather %masked_sort3A_468[%rev3A_494] in [0] : vector<16xi32>, vector<16xi32> -> vector<16xi32>
        %le3A_496 = arith.cmpf ole, %masked_sort3A_437, %rev3A_490 : vector<16xf32>
        %select_n3A_497 = arith.select %le3A_496, %masked_sort3A_437, %rev3A_490 : vector<16xi1>, vector<16xf32>
        %select_n3A_498 = arith.select %le3A_496, %masked_sort3A_438, %rev3A_495 : vector<16xi1>, vector<16xi32>
        %masked_sort3A_499 = arith.constant dense<true> : vector<16xi1>
        %masked_sort3A_500, %masked_sort3A_501, %masked_sort3A_502 = tpu.sort %select_n3A_497, %select_n3A_498 masked %masked_sort3A_499 : (vector<16xf32>, vector<16xi32>, vector<16xi1>) -> (vector<16xi1>, vector<16xf32>, vector<16xi32>)
        %rev3A_503 = arith.constant 15 : i32
        %rev3A_504 = vector.broadcast %rev3A_503 : i32 to vector<16xi32>
        %rev3A_505 = tpu.iota {dimensions = array<i32: 0>} : vector<16xi32>
        %rev3A_506 = arith.subi %rev3A_504, %rev3A_505 : vector<16xi32>
        %rev3A_507 = tpu.dynamic_gather %masked_sort3A_501[%rev3A_506] in [0] : vector<16xf32>, vector<16xi32> -> vector<16xf32>
        %rev3A_508 = arith.constant 15 : i32
        %rev3A_509 = vector.broadcast %rev3A_508 : i32 to vector<16xi32>
        %rev3A_510 = tpu.iota {dimensions = array<i32: 0>} : vector<16xi32>
        %rev3A_511 = arith.subi %rev3A_509, %rev3A_510 : vector<16xi32>
        %rev3A_512 = tpu.dynamic_gather %masked_sort3A_502[%rev3A_511] in [0] : vector<16xi32>, vector<16xi32> -> vector<16xi32>
        %le3A_513 = arith.cmpf ole, %masked_sort3A_484, %rev3A_507 : vector<16xf32>
        %select_n3A_514 = arith.select %le3A_513, %masked_sort3A_484, %rev3A_507 : vector<16xi1>, vector<16xf32>
        %select_n3A_515 = arith.select %le3A_513, %masked_sort3A_485, %rev3A_512 : vector<16xi1>, vector<16xi32>
        %masked_sort3A_516 = arith.constant dense<true> : vector<16xi1>
        %masked_sort3A_517, %masked_sort3A_518, %masked_sort3A_519 = tpu.sort %select_n3A_514, %select_n3A_515 masked %masked_sort3A_516 : (vector<16xf32>, vector<16xi32>, vector<16xi1>) -> (vector<16xi1>, vector<16xf32>, vector<16xi32>)
        %mul3A_520 = arith.constant 64 : i32
        %mul3A_521 = vector.broadcast %mul3A_520 : i32 to vector<16xi32>
        %mul3A_522 = arith.muli %iota3A, %mul3A_521 : vector<16xi32>
        %mul3A_523 = arith.constant 16 : i32
        %mul3A_524 = arith.muli %scan3A_147, %mul3A_523 : i32
        %add3A_525 = arith.constant 1 : i32
        %add3A_526 = arith.addi %mul3A_524, %add3A_525 : i32
        %add3A_527 = vector.broadcast %add3A_526 : i32 to vector<16xi32>
        %add3A_528 = arith.addi %mul3A_522, %add3A_527 : vector<16xi32>
        tpu.vector_store_idx %arg5[%broadcast_in_dim3A, %add3A_528], %masked_sort3A_519 : memref<8x1024xi32, #tpu.memory_space<vmem>>[vector<16xi32>, vector<16xi32>], vector<16xi32>,
        %slice3A_529 = vector.extract_strided_slice %get3A_154 {offsets = [2], sizes = [1], strides = [1]} : vector<16xf32> to vector<1xf32>
        %squeeze3A_530 = vector.extract %slice3A_529[0] : f32 from vector<1xf32>
        %sub3A_531 = vector.broadcast %squeeze3A_530 : f32 to vector<16xf32>
        %sub3A_532 = arith.subf %sub3A_531, %get3A_21 : vector<16xf32>
        %mul3A_533 = arith.mulf %sub3A_532, %sub3A_532 : vector<16xf32>
        %slice3A_534 = vector.extract_strided_slice %get3A_161 {offsets = [2], sizes = [1], strides = [1]} : vector<16xf32> to vector<1xf32>
        %squeeze3A_535 = vector.extract %slice3A_534[0] : f32 from vector<1xf32>
        %sub3A_536 = vector.broadcast %squeeze3A_535 : f32 to vector<16xf32>
        %sub3A_537 = arith.subf %sub3A_536, %get3A_53 : vector<16xf32>
        %mul3A_538 = arith.mulf %sub3A_537, %sub3A_537 : vector<16xf32>
        %add3A_539 = arith.addf %mul3A_533, %mul3A_538 : vector<16xf32>
        %slice3A_540 = vector.extract_strided_slice %get3A_168 {offsets = [2], sizes = [1], strides = [1]} : vector<16xf32> to vector<1xf32>
        %squeeze3A_541 = vector.extract %slice3A_540[0] : f32 from vector<1xf32>
        %sub3A_542 = vector.broadcast %squeeze3A_541 : f32 to vector<16xf32>
        %sub3A_543 = arith.subf %sub3A_542, %get3A_85 : vector<16xf32>
        %mul3A_544 = arith.mulf %sub3A_543, %sub3A_543 : vector<16xf32>
        %add3A_545 = arith.addf %add3A_539, %mul3A_544 : vector<16xf32>
        %slice3A_546 = vector.extract_strided_slice %get3A_175 {offsets = [2], sizes = [1], strides = [1]} : vector<16xf32> to vector<1xf32>
        %squeeze3A_547 = vector.extract %slice3A_546[0] : f32 from vector<1xf32>
        %sub3A_548 = vector.broadcast %squeeze3A_547 : f32 to vector<16xf32>
        %sub3A_549 = arith.subf %sub3A_548, %get3A_117 : vector<16xf32>
        %mul3A_550 = arith.mulf %sub3A_549, %sub3A_549 : vector<16xf32>
        %add3A_551 = arith.addf %add3A_545, %mul3A_550 : vector<16xf32>
        %add3A_552 = arith.constant 0 : i32
        %add3A_553 = vector.broadcast %add3A_552 : i32 to vector<16xi32>
        %add3A_554 = arith.addi %iota3A, %add3A_553 : vector<16xi32>
        %masked_sort3A_555 = arith.constant dense<true> : vector<16xi1>
        %masked_sort3A_556, %masked_sort3A_557, %masked_sort3A_558 = tpu.sort %add3A_551, %add3A_554 masked %masked_sort3A_555 : (vector<16xf32>, vector<16xi32>, vector<16xi1>) -> (vector<16xi1>, vector<16xf32>, vector<16xi32>)
        %slice3A_559 = vector.extract_strided_slice %get3A_154 {offsets = [2], sizes = [1], strides = [1]} : vector<16xf32> to vector<1xf32>
        %squeeze3A_560 = vector.extract %slice3A_559[0] : f32 from vector<1xf32>
        %sub3A_561 = vector.broadcast %squeeze3A_560 : f32 to vector<16xf32>
        %sub3A_562 = arith.subf %sub3A_561, %get3A_29 : vector<16xf32>
        %mul3A_563 = arith.mulf %sub3A_562, %sub3A_562 : vector<16xf32>
        %slice3A_564 = vector.extract_strided_slice %get3A_161 {offsets = [2], sizes = [1], strides = [1]} : vector<16xf32> to vector<1xf32>
        %squeeze3A_565 = vector.extract %slice3A_564[0] : f32 from vector<1xf32>
        %sub3A_566 = vector.broadcast %squeeze3A_565 : f32 to vector<16xf32>
        %sub3A_567 = arith.subf %sub3A_566, %get3A_61 : vector<16xf32>
        %mul3A_568 = arith.mulf %sub3A_567, %sub3A_567 : vector<16xf32>
        %add3A_569 = arith.addf %mul3A_563, %mul3A_568 : vector<16xf32>
        %slice3A_570 = vector.extract_strided_slice %get3A_168 {offsets = [2], sizes = [1], strides = [1]} : vector<16xf32> to vector<1xf32>
        %squeeze3A_571 = vector.extract %slice3A_570[0] : f32 from vector<1xf32>
        %sub3A_572 = vector.broadcast %squeeze3A_571 : f32 to vector<16xf32>
        %sub3A_573 = arith.subf %sub3A_572, %get3A_93 : vector<16xf32>
        %mul3A_574 = arith.mulf %sub3A_573, %sub3A_573 : vector<16xf32>
        %add3A_575 = arith.addf %add3A_569, %mul3A_574 : vector<16xf32>
        %slice3A_576 = vector.extract_strided_slice %get3A_175 {offsets = [2], sizes = [1], strides = [1]} : vector<16xf32> to vector<1xf32>
        %squeeze3A_577 = vector.extract %slice3A_576[0] : f32 from vector<1xf32>
        %sub3A_578 = vector.broadcast %squeeze3A_577 : f32 to vector<16xf32>
        %sub3A_579 = arith.subf %sub3A_578, %get3A_125 : vector<16xf32>
        %mul3A_580 = arith.mulf %sub3A_579, %sub3A_579 : vector<16xf32>
        %add3A_581 = arith.addf %add3A_575, %mul3A_580 : vector<16xf32>
        %add3A_582 = arith.constant 16 : i32
        %add3A_583 = vector.broadcast %add3A_582 : i32 to vector<16xi32>
        %add3A_584 = arith.addi %iota3A, %add3A_583 : vector<16xi32>
        %masked_sort3A_585 = arith.constant dense<true> : vector<16xi1>
        %masked_sort3A_586, %masked_sort3A_587, %masked_sort3A_588 = tpu.sort %add3A_581, %add3A_584 masked %masked_sort3A_585 : (vector<16xf32>, vector<16xi32>, vector<16xi1>) -> (vector<16xi1>, vector<16xf32>, vector<16xi32>)
        %slice3A_589 = vector.extract_strided_slice %get3A_154 {offsets = [2], sizes = [1], strides = [1]} : vector<16xf32> to vector<1xf32>
        %squeeze3A_590 = vector.extract %slice3A_589[0] : f32 from vector<1xf32>
        %sub3A_591 = vector.broadcast %squeeze3A_590 : f32 to vector<16xf32>
        %sub3A_592 = arith.subf %sub3A_591, %get3A_37 : vector<16xf32>
        %mul3A_593 = arith.mulf %sub3A_592, %sub3A_592 : vector<16xf32>
        %slice3A_594 = vector.extract_strided_slice %get3A_161 {offsets = [2], sizes = [1], strides = [1]} : vector<16xf32> to vector<1xf32>
        %squeeze3A_595 = vector.extract %slice3A_594[0] : f32 from vector<1xf32>
        %sub3A_596 = vector.broadcast %squeeze3A_595 : f32 to vector<16xf32>
        %sub3A_597 = arith.subf %sub3A_596, %get3A_69 : vector<16xf32>
        %mul3A_598 = arith.mulf %sub3A_597, %sub3A_597 : vector<16xf32>
        %add3A_599 = arith.addf %mul3A_593, %mul3A_598 : vector<16xf32>
        %slice3A_600 = vector.extract_strided_slice %get3A_168 {offsets = [2], sizes = [1], strides = [1]} : vector<16xf32> to vector<1xf32>
        %squeeze3A_601 = vector.extract %slice3A_600[0] : f32 from vector<1xf32>
        %sub3A_602 = vector.broadcast %squeeze3A_601 : f32 to vector<16xf32>
        %sub3A_603 = arith.subf %sub3A_602, %get3A_101 : vector<16xf32>
        %mul3A_604 = arith.mulf %sub3A_603, %sub3A_603 : vector<16xf32>
        %add3A_605 = arith.addf %add3A_599, %mul3A_604 : vector<16xf32>
        %slice3A_606 = vector.extract_strided_slice %get3A_175 {offsets = [2], sizes = [1], strides = [1]} : vector<16xf32> to vector<1xf32>
        %squeeze3A_607 = vector.extract %slice3A_606[0] : f32 from vector<1xf32>
        %sub3A_608 = vector.broadcast %squeeze3A_607 : f32 to vector<16xf32>
        %sub3A_609 = arith.subf %sub3A_608, %get3A_133 : vector<16xf32>
        %mul3A_610 = arith.mulf %sub3A_609, %sub3A_609 : vector<16xf32>
        %add3A_611 = arith.addf %add3A_605, %mul3A_610 : vector<16xf32>
        %add3A_612 = arith.constant 32 : i32
        %add3A_613 = vector.broadcast %add3A_612 : i32 to vector<16xi32>
        %add3A_614 = arith.addi %iota3A, %add3A_613 : vector<16xi32>
        %masked_sort3A_615 = arith.constant dense<true> : vector<16xi1>
        %masked_sort3A_616, %masked_sort3A_617, %masked_sort3A_618 = tpu.sort %add3A_611, %add3A_614 masked %masked_sort3A_615 : (vector<16xf32>, vector<16xi32>, vector<16xi1>) -> (vector<16xi1>, vector<16xf32>, vector<16xi32>)
        %slice3A_619 = vector.extract_strided_slice %get3A_154 {offsets = [2], sizes = [1], strides = [1]} : vector<16xf32> to vector<1xf32>
        %squeeze3A_620 = vector.extract %slice3A_619[0] : f32 from vector<1xf32>
        %sub3A_621 = vector.broadcast %squeeze3A_620 : f32 to vector<16xf32>
        %sub3A_622 = arith.subf %sub3A_621, %get3A_45 : vector<16xf32>
        %mul3A_623 = arith.mulf %sub3A_622, %sub3A_622 : vector<16xf32>
        %slice3A_624 = vector.extract_strided_slice %get3A_161 {offsets = [2], sizes = [1], strides = [1]} : vector<16xf32> to vector<1xf32>
        %squeeze3A_625 = vector.extract %slice3A_624[0] : f32 from vector<1xf32>
        %sub3A_626 = vector.broadcast %squeeze3A_625 : f32 to vector<16xf32>
        %sub3A_627 = arith.subf %sub3A_626, %get3A_77 : vector<16xf32>
        %mul3A_628 = arith.mulf %sub3A_627, %sub3A_627 : vector<16xf32>
        %add3A_629 = arith.addf %mul3A_623, %mul3A_628 : vector<16xf32>
        %slice3A_630 = vector.extract_strided_slice %get3A_168 {offsets = [2], sizes = [1], strides = [1]} : vector<16xf32> to vector<1xf32>
        %squeeze3A_631 = vector.extract %slice3A_630[0] : f32 from vector<1xf32>
        %sub3A_632 = vector.broadcast %squeeze3A_631 : f32 to vector<16xf32>
        %sub3A_633 = arith.subf %sub3A_632, %get3A_109 : vector<16xf32>
        %mul3A_634 = arith.mulf %sub3A_633, %sub3A_633 : vector<16xf32>
        %add3A_635 = arith.addf %add3A_629, %mul3A_634 : vector<16xf32>
        %slice3A_636 = vector.extract_strided_slice %get3A_175 {offsets = [2], sizes = [1], strides = [1]} : vector<16xf32> to vector<1xf32>
        %squeeze3A_637 = vector.extract %slice3A_636[0] : f32 from vector<1xf32>
        %sub3A_638 = vector.broadcast %squeeze3A_637 : f32 to vector<16xf32>
        %sub3A_639 = arith.subf %sub3A_638, %get3A_141 : vector<16xf32>
        %mul3A_640 = arith.mulf %sub3A_639, %sub3A_639 : vector<16xf32>
        %add3A_641 = arith.addf %add3A_635, %mul3A_640 : vector<16xf32>
        %add3A_642 = arith.constant 48 : i32
        %add3A_643 = vector.broadcast %add3A_642 : i32 to vector<16xi32>
        %add3A_644 = arith.addi %iota3A, %add3A_643 : vector<16xi32>
        %masked_sort3A_645 = arith.constant dense<true> : vector<16xi1>
        %masked_sort3A_646, %masked_sort3A_647, %masked_sort3A_648 = tpu.sort %add3A_641, %add3A_644 masked %masked_sort3A_645 : (vector<16xf32>, vector<16xi32>, vector<16xi1>) -> (vector<16xi1>, vector<16xf32>, vector<16xi32>)
        %rev3A_649 = arith.constant 15 : i32
        %rev3A_650 = vector.broadcast %rev3A_649 : i32 to vector<16xi32>
        %rev3A_651 = tpu.iota {dimensions = array<i32: 0>} : vector<16xi32>
        %rev3A_652 = arith.subi %rev3A_650, %rev3A_651 : vector<16xi32>
        %rev3A_653 = tpu.dynamic_gather %masked_sort3A_587[%rev3A_652] in [0] : vector<16xf32>, vector<16xi32> -> vector<16xf32>
        %rev3A_654 = arith.constant 15 : i32
        %rev3A_655 = vector.broadcast %rev3A_654 : i32 to vector<16xi32>
        %rev3A_656 = tpu.iota {dimensions = array<i32: 0>} : vector<16xi32>
        %rev3A_657 = arith.subi %rev3A_655, %rev3A_656 : vector<16xi32>
        %rev3A_658 = tpu.dynamic_gather %masked_sort3A_588[%rev3A_657] in [0] : vector<16xi32>, vector<16xi32> -> vector<16xi32>
        %le3A_659 = arith.cmpf ole, %masked_sort3A_557, %rev3A_653 : vector<16xf32>
        %select_n3A_660 = arith.select %le3A_659, %masked_sort3A_557, %rev3A_653 : vector<16xi1>, vector<16xf32>
        %select_n3A_661 = arith.select %le3A_659, %masked_sort3A_558, %rev3A_658 : vector<16xi1>, vector<16xi32>
        %masked_sort3A_662 = arith.constant dense<true> : vector<16xi1>
        %masked_sort3A_663, %masked_sort3A_664, %masked_sort3A_665 = tpu.sort %select_n3A_660, %select_n3A_661 masked %masked_sort3A_662 : (vector<16xf32>, vector<16xi32>, vector<16xi1>) -> (vector<16xi1>, vector<16xf32>, vector<16xi32>)
        %rev3A_666 = arith.constant 15 : i32
        %rev3A_667 = vector.broadcast %rev3A_666 : i32 to vector<16xi32>
        %rev3A_668 = tpu.iota {dimensions = array<i32: 0>} : vector<16xi32>
        %rev3A_669 = arith.subi %rev3A_667, %rev3A_668 : vector<16xi32>
        %rev3A_670 = tpu.dynamic_gather %masked_sort3A_647[%rev3A_669] in [0] : vector<16xf32>, vector<16xi32> -> vector<16xf32>
        %rev3A_671 = arith.constant 15 : i32
        %rev3A_672 = vector.broadcast %rev3A_671 : i32 to vector<16xi32>
        %rev3A_673 = tpu.iota {dimensions = array<i32: 0>} : vector<16xi32>
        %rev3A_674 = arith.subi %rev3A_672, %rev3A_673 : vector<16xi32>
        %rev3A_675 = tpu.dynamic_gather %masked_sort3A_648[%rev3A_674] in [0] : vector<16xi32>, vector<16xi32> -> vector<16xi32>
        %le3A_676 = arith.cmpf ole, %masked_sort3A_617, %rev3A_670 : vector<16xf32>
        %select_n3A_677 = arith.select %le3A_676, %masked_sort3A_617, %rev3A_670 : vector<16xi1>, vector<16xf32>
        %select_n3A_678 = arith.select %le3A_676, %masked_sort3A_618, %rev3A_675 : vector<16xi1>, vector<16xi32>
        %masked_sort3A_679 = arith.constant dense<true> : vector<16xi1>
        %masked_sort3A_680, %masked_sort3A_681, %masked_sort3A_682 = tpu.sort %select_n3A_677, %select_n3A_678 masked %masked_sort3A_679 : (vector<16xf32>, vector<16xi32>, vector<16xi1>) -> (vector<16xi1>, vector<16xf32>, vector<16xi32>)
        %rev3A_683 = arith.constant 15 : i32
        %rev3A_684 = vector.broadcast %rev3A_683 : i32 to vector<16xi32>
        %rev3A_685 = tpu.iota {dimensions = array<i32: 0>} : vector<16xi32>
        %rev3A_686 = arith.subi %rev3A_684, %rev3A_685 : vector<16xi32>
        %rev3A_687 = tpu.dynamic_gather %masked_sort3A_681[%rev3A_686] in [0] : vector<16xf32>, vector<16xi32> -> vector<16xf32>
        %rev3A_688 = arith.constant 15 : i32
        %rev3A_689 = vector.broadcast %rev3A_688 : i32 to vector<16xi32>
        %rev3A_690 = tpu.iota {dimensions = array<i32: 0>} : vector<16xi32>
        %rev3A_691 = arith.subi %rev3A_689, %rev3A_690 : vector<16xi32>
        %rev3A_692 = tpu.dynamic_gather %masked_sort3A_682[%rev3A_691] in [0] : vector<16xi32>, vector<16xi32> -> vector<16xi32>
        %le3A_693 = arith.cmpf ole, %masked_sort3A_664, %rev3A_687 : vector<16xf32>
        %select_n3A_694 = arith.select %le3A_693, %masked_sort3A_664, %rev3A_687 : vector<16xi1>, vector<16xf32>
        %select_n3A_695 = arith.select %le3A_693, %masked_sort3A_665, %rev3A_692 : vector<16xi1>, vector<16xi32>
        %masked_sort3A_696 = arith.constant dense<true> : vector<16xi1>
        %masked_sort3A_697, %masked_sort3A_698, %masked_sort3A_699 = tpu.sort %select_n3A_694, %select_n3A_695 masked %masked_sort3A_696 : (vector<16xf32>, vector<16xi32>, vector<16xi1>) -> (vector<16xi1>, vector<16xf32>, vector<16xi32>)
        %mul3A_700 = arith.constant 64 : i32
        %mul3A_701 = vector.broadcast %mul3A_700 : i32 to vector<16xi32>
        %mul3A_702 = arith.muli %iota3A, %mul3A_701 : vector<16xi32>
        %mul3A_703 = arith.constant 16 : i32
        %mul3A_704 = arith.muli %scan3A_147, %mul3A_703 : i32
        %add3A_705 = arith.constant 2 : i32
        %add3A_706 = arith.addi %mul3A_704, %add3A_705 : i32
        %add3A_707 = vector.broadcast %add3A_706 : i32 to vector<16xi32>
        %add3A_708 = arith.addi %mul3A_702, %add3A_707 : vector<16xi32>
        tpu.vector_store_idx %arg5[%broadcast_in_dim3A, %add3A_708], %masked_sort3A_699 : memref<8x1024xi32, #tpu.memory_space<vmem>>[vector<16xi32>, vector<16xi32>], vector<16xi32>,
        %slice3A_709 = vector.extract_strided_slice %get3A_154 {offsets = [3], sizes = [1], strides = [1]} : vector<16xf32> to vector<1xf32>
        %squeeze3A_710 = vector.extract %slice3A_709[0] : f32 from vector<1xf32>
        %sub3A_711 = vector.broadcast %squeeze3A_710 : f32 to vector<16xf32>
        %sub3A_712 = arith.subf %sub3A_711, %get3A_21 : vector<16xf32>
        %mul3A_713 = arith.mulf %sub3A_712, %sub3A_712 : vector<16xf32>
        %slice3A_714 = vector.extract_strided_slice %get3A_161 {offsets = [3], sizes = [1], strides = [1]} : vector<16xf32> to vector<1xf32>
        %squeeze3A_715 = vector.extract %slice3A_714[0] : f32 from vector<1xf32>
        %sub3A_716 = vector.broadcast %squeeze3A_715 : f32 to vector<16xf32>
        %sub3A_717 = arith.subf %sub3A_716, %get3A_53 : vector<16xf32>
        %mul3A_718 = arith.mulf %sub3A_717, %sub3A_717 : vector<16xf32>
        %add3A_719 = arith.addf %mul3A_713, %mul3A_718 : vector<16xf32>
        %slice3A_720 = vector.extract_strided_slice %get3A_168 {offsets = [3], sizes = [1], strides = [1]} : vector<16xf32> to vector<1xf32>
        %squeeze3A_721 = vector.extract %slice3A_720[0] : f32 from vector<1xf32>
        %sub3A_722 = vector.broadcast %squeeze3A_721 : f32 to vector<16xf32>
        %sub3A_723 = arith.subf %sub3A_722, %get3A_85 : vector<16xf32>
        %mul3A_724 = arith.mulf %sub3A_723, %sub3A_723 : vector<16xf32>
        %add3A_725 = arith.addf %add3A_719, %mul3A_724 : vector<16xf32>
        %slice3A_726 = vector.extract_strided_slice %get3A_175 {offsets = [3], sizes = [1], strides = [1]} : vector<16xf32> to vector<1xf32>
        %squeeze3A_727 = vector.extract %slice3A_726[0] : f32 from vector<1xf32>
        %sub3A_728 = vector.broadcast %squeeze3A_727 : f32 to vector<16xf32>
        %sub3A_729 = arith.subf %sub3A_728, %get3A_117 : vector<16xf32>
        %mul3A_730 = arith.mulf %sub3A_729, %sub3A_729 : vector<16xf32>
        %add3A_731 = arith.addf %add3A_725, %mul3A_730 : vector<16xf32>
        %add3A_732 = arith.constant 0 : i32
        %add3A_733 = vector.broadcast %add3A_732 : i32 to vector<16xi32>
        %add3A_734 = arith.addi %iota3A, %add3A_733 : vector<16xi32>
        %masked_sort3A_735 = arith.constant dense<true> : vector<16xi1>
        %masked_sort3A_736, %masked_sort3A_737, %masked_sort3A_738 = tpu.sort %add3A_731, %add3A_734 masked %masked_sort3A_735 : (vector<16xf32>, vector<16xi32>, vector<16xi1>) -> (vector<16xi1>, vector<16xf32>, vector<16xi32>)
        %slice3A_739 = vector.extract_strided_slice %get3A_154 {offsets = [3], sizes = [1], strides = [1]} : vector<16xf32> to vector<1xf32>
        %squeeze3A_740 = vector.extract %slice3A_739[0] : f32 from vector<1xf32>
        %sub3A_741 = vector.broadcast %squeeze3A_740 : f32 to vector<16xf32>
        %sub3A_742 = arith.subf %sub3A_741, %get3A_29 : vector<16xf32>
        %mul3A_743 = arith.mulf %sub3A_742, %sub3A_742 : vector<16xf32>
        %slice3A_744 = vector.extract_strided_slice %get3A_161 {offsets = [3], sizes = [1], strides = [1]} : vector<16xf32> to vector<1xf32>
        %squeeze3A_745 = vector.extract %slice3A_744[0] : f32 from vector<1xf32>
        %sub3A_746 = vector.broadcast %squeeze3A_745 : f32 to vector<16xf32>
        %sub3A_747 = arith.subf %sub3A_746, %get3A_61 : vector<16xf32>
        %mul3A_748 = arith.mulf %sub3A_747, %sub3A_747 : vector<16xf32>
        %add3A_749 = arith.addf %mul3A_743, %mul3A_748 : vector<16xf32>
        %slice3A_750 = vector.extract_strided_slice %get3A_168 {offsets = [3], sizes = [1], strides = [1]} : vector<16xf32> to vector<1xf32>
        %squeeze3A_751 = vector.extract %slice3A_750[0] : f32 from vector<1xf32>
        %sub3A_752 = vector.broadcast %squeeze3A_751 : f32 to vector<16xf32>
        %sub3A_753 = arith.subf %sub3A_752, %get3A_93 : vector<16xf32>
        %mul3A_754 = arith.mulf %sub3A_753, %sub3A_753 : vector<16xf32>
        %add3A_755 = arith.addf %add3A_749, %mul3A_754 : vector<16xf32>
        %slice3A_756 = vector.extract_strided_slice %get3A_175 {offsets = [3], sizes = [1], strides = [1]} : vector<16xf32> to vector<1xf32>
        %squeeze3A_757 = vector.extract %slice3A_756[0] : f32 from vector<1xf32>
        %sub3A_758 = vector.broadcast %squeeze3A_757 : f32 to vector<16xf32>
        %sub3A_759 = arith.subf %sub3A_758, %get3A_125 : vector<16xf32>
        %mul3A_760 = arith.mulf %sub3A_759, %sub3A_759 : vector<16xf32>
        %add3A_761 = arith.addf %add3A_755, %mul3A_760 : vector<16xf32>
        %add3A_762 = arith.constant 16 : i32
        %add3A_763 = vector.broadcast %add3A_762 : i32 to vector<16xi32>
        %add3A_764 = arith.addi %iota3A, %add3A_763 : vector<16xi32>
        %masked_sort3A_765 = arith.constant dense<true> : vector<16xi1>
        %masked_sort3A_766, %masked_sort3A_767, %masked_sort3A_768 = tpu.sort %add3A_761, %add3A_764 masked %masked_sort3A_765 : (vector<16xf32>, vector<16xi32>, vector<16xi1>) -> (vector<16xi1>, vector<16xf32>, vector<16xi32>)
        %slice3A_769 = vector.extract_strided_slice %get3A_154 {offsets = [3], sizes = [1], strides = [1]} : vector<16xf32> to vector<1xf32>
        %squeeze3A_770 = vector.extract %slice3A_769[0] : f32 from vector<1xf32>
        %sub3A_771 = vector.broadcast %squeeze3A_770 : f32 to vector<16xf32>
        %sub3A_772 = arith.subf %sub3A_771, %get3A_37 : vector<16xf32>
        %mul3A_773 = arith.mulf %sub3A_772, %sub3A_772 : vector<16xf32>
        %slice3A_774 = vector.extract_strided_slice %get3A_161 {offsets = [3], sizes = [1], strides = [1]} : vector<16xf32> to vector<1xf32>
        %squeeze3A_775 = vector.extract %slice3A_774[0] : f32 from vector<1xf32>
        %sub3A_776 = vector.broadcast %squeeze3A_775 : f32 to vector<16xf32>
        %sub3A_777 = arith.subf %sub3A_776, %get3A_69 : vector<16xf32>
        %mul3A_778 = arith.mulf %sub3A_777, %sub3A_777 : vector<16xf32>
        %add3A_779 = arith.addf %mul3A_773, %mul3A_778 : vector<16xf32>
        %slice3A_780 = vector.extract_strided_slice %get3A_168 {offsets = [3], sizes = [1], strides = [1]} : vector<16xf32> to vector<1xf32>
        %squeeze3A_781 = vector.extract %slice3A_780[0] : f32 from vector<1xf32>
        %sub3A_782 = vector.broadcast %squeeze3A_781 : f32 to vector<16xf32>
        %sub3A_783 = arith.subf %sub3A_782, %get3A_101 : vector<16xf32>
        %mul3A_784 = arith.mulf %sub3A_783, %sub3A_783 : vector<16xf32>
        %add3A_785 = arith.addf %add3A_779, %mul3A_784 : vector<16xf32>
        %slice3A_786 = vector.extract_strided_slice %get3A_175 {offsets = [3], sizes = [1], strides = [1]} : vector<16xf32> to vector<1xf32>
        %squeeze3A_787 = vector.extract %slice3A_786[0] : f32 from vector<1xf32>
        %sub3A_788 = vector.broadcast %squeeze3A_787 : f32 to vector<16xf32>
        %sub3A_789 = arith.subf %sub3A_788, %get3A_133 : vector<16xf32>
        %mul3A_790 = arith.mulf %sub3A_789, %sub3A_789 : vector<16xf32>
        %add3A_791 = arith.addf %add3A_785, %mul3A_790 : vector<16xf32>
        %add3A_792 = arith.constant 32 : i32
        %add3A_793 = vector.broadcast %add3A_792 : i32 to vector<16xi32>
        %add3A_794 = arith.addi %iota3A, %add3A_793 : vector<16xi32>
        %masked_sort3A_795 = arith.constant dense<true> : vector<16xi1>
        %masked_sort3A_796, %masked_sort3A_797, %masked_sort3A_798 = tpu.sort %add3A_791, %add3A_794 masked %masked_sort3A_795 : (vector<16xf32>, vector<16xi32>, vector<16xi1>) -> (vector<16xi1>, vector<16xf32>, vector<16xi32>)
        %slice3A_799 = vector.extract_strided_slice %get3A_154 {offsets = [3], sizes = [1], strides = [1]} : vector<16xf32> to vector<1xf32>
        %squeeze3A_800 = vector.extract %slice3A_799[0] : f32 from vector<1xf32>
        %sub3A_801 = vector.broadcast %squeeze3A_800 : f32 to vector<16xf32>
        %sub3A_802 = arith.subf %sub3A_801, %get3A_45 : vector<16xf32>
        %mul3A_803 = arith.mulf %sub3A_802, %sub3A_802 : vector<16xf32>
        %slice3A_804 = vector.extract_strided_slice %get3A_161 {offsets = [3], sizes = [1], strides = [1]} : vector<16xf32> to vector<1xf32>
        %squeeze3A_805 = vector.extract %slice3A_804[0] : f32 from vector<1xf32>
        %sub3A_806 = vector.broadcast %squeeze3A_805 : f32 to vector<16xf32>
        %sub3A_807 = arith.subf %sub3A_806, %get3A_77 : vector<16xf32>
        %mul3A_808 = arith.mulf %sub3A_807, %sub3A_807 : vector<16xf32>
        %add3A_809 = arith.addf %mul3A_803, %mul3A_808 : vector<16xf32>
        %slice3A_810 = vector.extract_strided_slice %get3A_168 {offsets = [3], sizes = [1], strides = [1]} : vector<16xf32> to vector<1xf32>
        %squeeze3A_811 = vector.extract %slice3A_810[0] : f32 from vector<1xf32>
        %sub3A_812 = vector.broadcast %squeeze3A_811 : f32 to vector<16xf32>
        %sub3A_813 = arith.subf %sub3A_812, %get3A_109 : vector<16xf32>
        %mul3A_814 = arith.mulf %sub3A_813, %sub3A_813 : vector<16xf32>
        %add3A_815 = arith.addf %add3A_809, %mul3A_814 : vector<16xf32>
        %slice3A_816 = vector.extract_strided_slice %get3A_175 {offsets = [3], sizes = [1], strides = [1]} : vector<16xf32> to vector<1xf32>
        %squeeze3A_817 = vector.extract %slice3A_816[0] : f32 from vector<1xf32>
        %sub3A_818 = vector.broadcast %squeeze3A_817 : f32 to vector<16xf32>
        %sub3A_819 = arith.subf %sub3A_818, %get3A_141 : vector<16xf32>
        %mul3A_820 = arith.mulf %sub3A_819, %sub3A_819 : vector<16xf32>
        %add3A_821 = arith.addf %add3A_815, %mul3A_820 : vector<16xf32>
        %add3A_822 = arith.constant 48 : i32
        %add3A_823 = vector.broadcast %add3A_822 : i32 to vector<16xi32>
        %add3A_824 = arith.addi %iota3A, %add3A_823 : vector<16xi32>
        %masked_sort3A_825 = arith.constant dense<true> : vector<16xi1>
        %masked_sort3A_826, %masked_sort3A_827, %masked_sort3A_828 = tpu.sort %add3A_821, %add3A_824 masked %masked_sort3A_825 : (vector<16xf32>, vector<16xi32>, vector<16xi1>) -> (vector<16xi1>, vector<16xf32>, vector<16xi32>)
        %rev3A_829 = arith.constant 15 : i32
        %rev3A_830 = vector.broadcast %rev3A_829 : i32 to vector<16xi32>
        %rev3A_831 = tpu.iota {dimensions = array<i32: 0>} : vector<16xi32>
        %rev3A_832 = arith.subi %rev3A_830, %rev3A_831 : vector<16xi32>
        %rev3A_833 = tpu.dynamic_gather %masked_sort3A_767[%rev3A_832] in [0] : vector<16xf32>, vector<16xi32> -> vector<16xf32>
        %rev3A_834 = arith.constant 15 : i32
        %rev3A_835 = vector.broadcast %rev3A_834 : i32 to vector<16xi32>
        %rev3A_836 = tpu.iota {dimensions = array<i32: 0>} : vector<16xi32>
        %rev3A_837 = arith.subi %rev3A_835, %rev3A_836 : vector<16xi32>
        %rev3A_838 = tpu.dynamic_gather %masked_sort3A_768[%rev3A_837] in [0] : vector<16xi32>, vector<16xi32> -> vector<16xi32>
        %le3A_839 = arith.cmpf ole, %masked_sort3A_737, %rev3A_833 : vector<16xf32>
        %select_n3A_840 = arith.select %le3A_839, %masked_sort3A_737, %rev3A_833 : vector<16xi1>, vector<16xf32>
        %select_n3A_841 = arith.select %le3A_839, %masked_sort3A_738, %rev3A_838 : vector<16xi1>, vector<16xi32>
        %masked_sort3A_842 = arith.constant dense<true> : vector<16xi1>
        %masked_sort3A_843, %masked_sort3A_844, %masked_sort3A_845 = tpu.sort %select_n3A_840, %select_n3A_841 masked %masked_sort3A_842 : (vector<16xf32>, vector<16xi32>, vector<16xi1>) -> (vector<16xi1>, vector<16xf32>, vector<16xi32>)
        %rev3A_846 = arith.constant 15 : i32
        %rev3A_847 = vector.broadcast %rev3A_846 : i32 to vector<16xi32>
        %rev3A_848 = tpu.iota {dimensions = array<i32: 0>} : vector<16xi32>
        %rev3A_849 = arith.subi %rev3A_847, %rev3A_848 : vector<16xi32>
        %rev3A_850 = tpu.dynamic_gather %masked_sort3A_827[%rev3A_849] in [0] : vector<16xf32>, vector<16xi32> -> vector<16xf32>
        %rev3A_851 = arith.constant 15 : i32
        %rev3A_852 = vector.broadcast %rev3A_851 : i32 to vector<16xi32>
        %rev3A_853 = tpu.iota {dimensions = array<i32: 0>} : vector<16xi32>
        %rev3A_854 = arith.subi %rev3A_852, %rev3A_853 : vector<16xi32>
        %rev3A_855 = tpu.dynamic_gather %masked_sort3A_828[%rev3A_854] in [0] : vector<16xi32>, vector<16xi32> -> vector<16xi32>
        %le3A_856 = arith.cmpf ole, %masked_sort3A_797, %rev3A_850 : vector<16xf32>
        %select_n3A_857 = arith.select %le3A_856, %masked_sort3A_797, %rev3A_850 : vector<16xi1>, vector<16xf32>
        %select_n3A_858 = arith.select %le3A_856, %masked_sort3A_798, %rev3A_855 : vector<16xi1>, vector<16xi32>
        %masked_sort3A_859 = arith.constant dense<true> : vector<16xi1>
        %masked_sort3A_860, %masked_sort3A_861, %masked_sort3A_862 = tpu.sort %select_n3A_857, %select_n3A_858 masked %masked_sort3A_859 : (vector<16xf32>, vector<16xi32>, vector<16xi1>) -> (vector<16xi1>, vector<16xf32>, vector<16xi32>)
        %rev3A_863 = arith.constant 15 : i32
        %rev3A_864 = vector.broadcast %rev3A_863 : i32 to vector<16xi32>
        %rev3A_865 = tpu.iota {dimensions = array<i32: 0>} : vector<16xi32>
        %rev3A_866 = arith.subi %rev3A_864, %rev3A_865 : vector<16xi32>
        %rev3A_867 = tpu.dynamic_gather %masked_sort3A_861[%rev3A_866] in [0] : vector<16xf32>, vector<16xi32> -> vector<16xf32>
        %rev3A_868 = arith.constant 15 : i32
        %rev3A_869 = vector.broadcast %rev3A_868 : i32 to vector<16xi32>
        %rev3A_870 = tpu.iota {dimensions = array<i32: 0>} : vector<16xi32>
        %rev3A_871 = arith.subi %rev3A_869, %rev3A_870 : vector<16xi32>
        %rev3A_872 = tpu.dynamic_gather %masked_sort3A_862[%rev3A_871] in [0] : vector<16xi32>, vector<16xi32> -> vector<16xi32>
        %le3A_873 = arith.cmpf ole, %masked_sort3A_844, %rev3A_867 : vector<16xf32>
        %select_n3A_874 = arith.select %le3A_873, %masked_sort3A_844, %rev3A_867 : vector<16xi1>, vector<16xf32>
        %select_n3A_875 = arith.select %le3A_873, %masked_sort3A_845, %rev3A_872 : vector<16xi1>, vector<16xi32>
        %masked_sort3A_876 = arith.constant dense<true> : vector<16xi1>
        %masked_sort3A_877, %masked_sort3A_878, %masked_sort3A_879 = tpu.sort %select_n3A_874, %select_n3A_875 masked %masked_sort3A_876 : (vector<16xf32>, vector<16xi32>, vector<16xi1>) -> (vector<16xi1>, vector<16xf32>, vector<16xi32>)
        %mul3A_880 = arith.constant 64 : i32
        %mul3A_881 = vector.broadcast %mul3A_880 : i32 to vector<16xi32>
        %mul3A_882 = arith.muli %iota3A, %mul3A_881 : vector<16xi32>
        %mul3A_883 = arith.constant 16 : i32
        %mul3A_884 = arith.muli %scan3A_147, %mul3A_883 : i32
        %add3A_885 = arith.constant 3 : i32
        %add3A_886 = arith.addi %mul3A_884, %add3A_885 : i32
        %add3A_887 = vector.broadcast %add3A_886 : i32 to vector<16xi32>
        %add3A_888 = arith.addi %mul3A_882, %add3A_887 : vector<16xi32>
        tpu.vector_store_idx %arg5[%broadcast_in_dim3A, %add3A_888], %masked_sort3A_879 : memref<8x1024xi32, #tpu.memory_space<vmem>>[vector<16xi32>, vector<16xi32>], vector<16xi32>,
        %slice3A_889 = vector.extract_strided_slice %get3A_154 {offsets = [4], sizes = [1], strides = [1]} : vector<16xf32> to vector<1xf32>
        %squeeze3A_890 = vector.extract %slice3A_889[0] : f32 from vector<1xf32>
        %sub3A_891 = vector.broadcast %squeeze3A_890 : f32 to vector<16xf32>
        %sub3A_892 = arith.subf %sub3A_891, %get3A_21 : vector<16xf32>
        %mul3A_893 = arith.mulf %sub3A_892, %sub3A_892 : vector<16xf32>
        %slice3A_894 = vector.extract_strided_slice %get3A_161 {offsets = [4], sizes = [1], strides = [1]} : vector<16xf32> to vector<1xf32>
        %squeeze3A_895 = vector.extract %slice3A_894[0] : f32 from vector<1xf32>
        %sub3A_896 = vector.broadcast %squeeze3A_895 : f32 to vector<16xf32>
        %sub3A_897 = arith.subf %sub3A_896, %get3A_53 : vector<16xf32>
        %mul3A_898 = arith.mulf %sub3A_897, %sub3A_897 : vector<16xf32>
        %add3A_899 = arith.addf %mul3A_893, %mul3A_898 : vector<16xf32>
        %slice3A_900 = vector.extract_strided_slice %get3A_168 {offsets = [4], sizes = [1], strides = [1]} : vector<16xf32> to vector<1xf32>
        %squeeze3A_901 = vector.extract %slice3A_900[0] : f32 from vector<1xf32>
        %sub3A_902 = vector.broadcast %squeeze3A_901 : f32 to vector<16xf32>
        %sub3A_903 = arith.subf %sub3A_902, %get3A_85 : vector<16xf32>
        %mul3A_904 = arith.mulf %sub3A_903, %sub3A_903 : vector<16xf32>
        %add3A_905 = arith.addf %add3A_899, %mul3A_904 : vector<16xf32>
        %slice3A_906 = vector.extract_strided_slice %get3A_175 {offsets = [4], sizes = [1], strides = [1]} : vector<16xf32> to vector<1xf32>
        %squeeze3A_907 = vector.extract %slice3A_906[0] : f32 from vector<1xf32>
        %sub3A_908 = vector.broadcast %squeeze3A_907 : f32 to vector<16xf32>
        %sub3A_909 = arith.subf %sub3A_908, %get3A_117 : vector<16xf32>
        %mul3A_910 = arith.mulf %sub3A_909, %sub3A_909 : vector<16xf32>
        %add3A_911 = arith.addf %add3A_905, %mul3A_910 : vector<16xf32>
        %add3A_912 = arith.constant 0 : i32
        %add3A_913 = vector.broadcast %add3A_912 : i32 to vector<16xi32>
        %add3A_914 = arith.addi %iota3A, %add3A_913 : vector<16xi32>
        %masked_sort3A_915 = arith.constant dense<true> : vector<16xi1>
        %masked_sort3A_916, %masked_sort3A_917, %masked_sort3A_918 = tpu.sort %add3A_911, %add3A_914 masked %masked_sort3A_915 : (vector<16xf32>, vector<16xi32>, vector<16xi1>) -> (vector<16xi1>, vector<16xf32>, vector<16xi32>)
        %slice3A_919 = vector.extract_strided_slice %get3A_154 {offsets = [4], sizes = [1], strides = [1]} : vector<16xf32> to vector<1xf32>
        %squeeze3A_920 = vector.extract %slice3A_919[0] : f32 from vector<1xf32>
        %sub3A_921 = vector.broadcast %squeeze3A_920 : f32 to vector<16xf32>
        %sub3A_922 = arith.subf %sub3A_921, %get3A_29 : vector<16xf32>
        %mul3A_923 = arith.mulf %sub3A_922, %sub3A_922 : vector<16xf32>
        %slice3A_924 = vector.extract_strided_slice %get3A_161 {offsets = [4], sizes = [1], strides = [1]} : vector<16xf32> to vector<1xf32>
        %squeeze3A_925 = vector.extract %slice3A_924[0] : f32 from vector<1xf32>
        %sub3A_926 = vector.broadcast %squeeze3A_925 : f32 to vector<16xf32>
        %sub3A_927 = arith.subf %sub3A_926, %get3A_61 : vector<16xf32>
        %mul3A_928 = arith.mulf %sub3A_927, %sub3A_927 : vector<16xf32>
        %add3A_929 = arith.addf %mul3A_923, %mul3A_928 : vector<16xf32>
        %slice3A_930 = vector.extract_strided_slice %get3A_168 {offsets = [4], sizes = [1], strides = [1]} : vector<16xf32> to vector<1xf32>
        %squeeze3A_931 = vector.extract %slice3A_930[0] : f32 from vector<1xf32>
        %sub3A_932 = vector.broadcast %squeeze3A_931 : f32 to vector<16xf32>
        %sub3A_933 = arith.subf %sub3A_932, %get3A_93 : vector<16xf32>
        %mul3A_934 = arith.mulf %sub3A_933, %sub3A_933 : vector<16xf32>
        %add3A_935 = arith.addf %add3A_929, %mul3A_934 : vector<16xf32>
        %slice3A_936 = vector.extract_strided_slice %get3A_175 {offsets = [4], sizes = [1], strides = [1]} : vector<16xf32> to vector<1xf32>
        %squeeze3A_937 = vector.extract %slice3A_936[0] : f32 from vector<1xf32>
        %sub3A_938 = vector.broadcast %squeeze3A_937 : f32 to vector<16xf32>
        %sub3A_939 = arith.subf %sub3A_938, %get3A_125 : vector<16xf32>
        %mul3A_940 = arith.mulf %sub3A_939, %sub3A_939 : vector<16xf32>
        %add3A_941 = arith.addf %add3A_935, %mul3A_940 : vector<16xf32>
        %add3A_942 = arith.constant 16 : i32
        %add3A_943 = vector.broadcast %add3A_942 : i32 to vector<16xi32>
        %add3A_944 = arith.addi %iota3A, %add3A_943 : vector<16xi32>
        %masked_sort3A_945 = arith.constant dense<true> : vector<16xi1>
        %masked_sort3A_946, %masked_sort3A_947, %masked_sort3A_948 = tpu.sort %add3A_941, %add3A_944 masked %masked_sort3A_945 : (vector<16xf32>, vector<16xi32>, vector<16xi1>) -> (vector<16xi1>, vector<16xf32>, vector<16xi32>)
        %slice3A_949 = vector.extract_strided_slice %get3A_154 {offsets = [4], sizes = [1], strides = [1]} : vector<16xf32> to vector<1xf32>
        %squeeze3A_950 = vector.extract %slice3A_949[0] : f32 from vector<1xf32>
        %sub3A_951 = vector.broadcast %squeeze3A_950 : f32 to vector<16xf32>
        %sub3A_952 = arith.subf %sub3A_951, %get3A_37 : vector<16xf32>
        %mul3A_953 = arith.mulf %sub3A_952, %sub3A_952 : vector<16xf32>
        %slice3A_954 = vector.extract_strided_slice %get3A_161 {offsets = [4], sizes = [1], strides = [1]} : vector<16xf32> to vector<1xf32>
        %squeeze3A_955 = vector.extract %slice3A_954[0] : f32 from vector<1xf32>
        %sub3A_956 = vector.broadcast %squeeze3A_955 : f32 to vector<16xf32>
        %sub3A_957 = arith.subf %sub3A_956, %get3A_69 : vector<16xf32>
        %mul3A_958 = arith.mulf %sub3A_957, %sub3A_957 : vector<16xf32>
        %add3A_959 = arith.addf %mul3A_953, %mul3A_958 : vector<16xf32>
        %slice3A_960 = vector.extract_strided_slice %get3A_168 {offsets = [4], sizes = [1], strides = [1]} : vector<16xf32> to vector<1xf32>
        %squeeze3A_961 = vector.extract %slice3A_960[0] : f32 from vector<1xf32>
        %sub3A_962 = vector.broadcast %squeeze3A_961 : f32 to vector<16xf32>
        %sub3A_963 = arith.subf %sub3A_962, %get3A_101 : vector<16xf32>
        %mul3A_964 = arith.mulf %sub3A_963, %sub3A_963 : vector<16xf32>
        %add3A_965 = arith.addf %add3A_959, %mul3A_964 : vector<16xf32>
        %slice3A_966 = vector.extract_strided_slice %get3A_175 {offsets = [4], sizes = [1], strides = [1]} : vector<16xf32> to vector<1xf32>
        %squeeze3A_967 = vector.extract %slice3A_966[0] : f32 from vector<1xf32>
        %sub3A_968 = vector.broadcast %squeeze3A_967 : f32 to vector<16xf32>
        %sub3A_969 = arith.subf %sub3A_968, %get3A_133 : vector<16xf32>
        %mul3A_970 = arith.mulf %sub3A_969, %sub3A_969 : vector<16xf32>
        %add3A_971 = arith.addf %add3A_965, %mul3A_970 : vector<16xf32>
        %add3A_972 = arith.constant 32 : i32
        %add3A_973 = vector.broadcast %add3A_972 : i32 to vector<16xi32>
        %add3A_974 = arith.addi %iota3A, %add3A_973 : vector<16xi32>
        %masked_sort3A_975 = arith.constant dense<true> : vector<16xi1>
        %masked_sort3A_976, %masked_sort3A_977, %masked_sort3A_978 = tpu.sort %add3A_971, %add3A_974 masked %masked_sort3A_975 : (vector<16xf32>, vector<16xi32>, vector<16xi1>) -> (vector<16xi1>, vector<16xf32>, vector<16xi32>)
        %slice3A_979 = vector.extract_strided_slice %get3A_154 {offsets = [4], sizes = [1], strides = [1]} : vector<16xf32> to vector<1xf32>
        %squeeze3A_980 = vector.extract %slice3A_979[0] : f32 from vector<1xf32>
        %sub3A_981 = vector.broadcast %squeeze3A_980 : f32 to vector<16xf32>
        %sub3A_982 = arith.subf %sub3A_981, %get3A_45 : vector<16xf32>
        %mul3A_983 = arith.mulf %sub3A_982, %sub3A_982 : vector<16xf32>
        %slice3A_984 = vector.extract_strided_slice %get3A_161 {offsets = [4], sizes = [1], strides = [1]} : vector<16xf32> to vector<1xf32>
        %squeeze3A_985 = vector.extract %slice3A_984[0] : f32 from vector<1xf32>
        %sub3A_986 = vector.broadcast %squeeze3A_985 : f32 to vector<16xf32>
        %sub3A_987 = arith.subf %sub3A_986, %get3A_77 : vector<16xf32>
        %mul3A_988 = arith.mulf %sub3A_987, %sub3A_987 : vector<16xf32>
        %add3A_989 = arith.addf %mul3A_983, %mul3A_988 : vector<16xf32>
        %slice3A_990 = vector.extract_strided_slice %get3A_168 {offsets = [4], sizes = [1], strides = [1]} : vector<16xf32> to vector<1xf32>
        %squeeze3A_991 = vector.extract %slice3A_990[0] : f32 from vector<1xf32>
        %sub3A_992 = vector.broadcast %squeeze3A_991 : f32 to vector<16xf32>
        %sub3A_993 = arith.subf %sub3A_992, %get3A_109 : vector<16xf32>
        %mul3A_994 = arith.mulf %sub3A_993, %sub3A_993 : vector<16xf32>
        %add3A_995 = arith.addf %add3A_989, %mul3A_994 : vector<16xf32>
        %slice3A_996 = vector.extract_strided_slice %get3A_175 {offsets = [4], sizes = [1], strides = [1]} : vector<16xf32> to vector<1xf32>
        %squeeze3A_997 = vector.extract %slice3A_996[0] : f32 from vector<1xf32>
        %sub3A_998 = vector.broadcast %squeeze3A_997 : f32 to vector<16xf32>
        %sub3A_999 = arith.subf %sub3A_998, %get3A_141 : vector<16xf32>
        %mul3A_1000 = arith.mulf %sub3A_999, %sub3A_999 : vector<16xf32>
        %add3A_1001 = arith.addf %add3A_995, %mul3A_1000 : vector<16xf32>
        %add3A_1002 = arith.constant 48 : i32
        %add3A_1003 = vector.broadcast %add3A_1002 : i32 to vector<16xi32>
        %add3A_1004 = arith.addi %iota3A, %add3A_1003 : vector<16xi32>
        %masked_sort3A_1005 = arith.constant dense<true> : vector<16xi1>
        %masked_sort3A_1006, %masked_sort3A_1007, %masked_sort3A_1008 = tpu.sort %add3A_1001, %add3A_1004 masked %masked_sort3A_1005 : (vector<16xf32>, vector<16xi32>, vector<16xi1>) -> (vector<16xi1>, vector<16xf32>, vector<16xi32>)
        %rev3A_1009 = arith.constant 15 : i32
        %rev3A_1010 = vector.broadcast %rev3A_1009 : i32 to vector<16xi32>
        %rev3A_1011 = tpu.iota {dimensions = array<i32: 0>} : vector<16xi32>
        %rev3A_1012 = arith.subi %rev3A_1010, %rev3A_1011 : vector<16xi32>
        %rev3A_1013 = tpu.dynamic_gather %masked_sort3A_947[%rev3A_1012] in [0] : vector<16xf32>, vector<16xi32> -> vector<16xf32>
        %rev3A_1014 = arith.constant 15 : i32
        %rev3A_1015 = vector.broadcast %rev3A_1014 : i32 to vector<16xi32>
        %rev3A_1016 = tpu.iota {dimensions = array<i32: 0>} : vector<16xi32>
        %rev3A_1017 = arith.subi %rev3A_1015, %rev3A_1016 : vector<16xi32>
        %rev3A_1018 = tpu.dynamic_gather %masked_sort3A_948[%rev3A_1017] in [0] : vector<16xi32>, vector<16xi32> -> vector<16xi32>
        %le3A_1019 = arith.cmpf ole, %masked_sort3A_917, %rev3A_1013 : vector<16xf32>
        %select_n3A_1020 = arith.select %le3A_1019, %masked_sort3A_917, %rev3A_1013 : vector<16xi1>, vector<16xf32>
        %select_n3A_1021 = arith.select %le3A_1019, %masked_sort3A_918, %rev3A_1018 : vector<16xi1>, vector<16xi32>
        %masked_sort3A_1022 = arith.constant dense<true> : vector<16xi1>
        %masked_sort3A_1023, %masked_sort3A_1024, %masked_sort3A_1025 = tpu.sort %select_n3A_1020, %select_n3A_1021 masked %masked_sort3A_1022 : (vector<16xf32>, vector<16xi32>, vector<16xi1>) -> (vector<16xi1>, vector<16xf32>, vector<16xi32>)
        %rev3A_1026 = arith.constant 15 : i32
        %rev3A_1027 = vector.broadcast %rev3A_1026 : i32 to vector<16xi32>
        %rev3A_1028 = tpu.iota {dimensions = array<i32: 0>} : vector<16xi32>
        %rev3A_1029 = arith.subi %rev3A_1027, %rev3A_1028 : vector<16xi32>
        %rev3A_1030 = tpu.dynamic_gather %masked_sort3A_1007[%rev3A_1029] in [0] : vector<16xf32>, vector<16xi32> -> vector<16xf32>
        %rev3A_1031 = arith.constant 15 : i32
        %rev3A_1032 = vector.broadcast %rev3A_1031 : i32 to vector<16xi32>
        %rev3A_1033 = tpu.iota {dimensions = array<i32: 0>} : vector<16xi32>
        %rev3A_1034 = arith.subi %rev3A_1032, %rev3A_1033 : vector<16xi32>
        %rev3A_1035 = tpu.dynamic_gather %masked_sort3A_1008[%rev3A_1034] in [0] : vector<16xi32>, vector<16xi32> -> vector<16xi32>
        %le3A_1036 = arith.cmpf ole, %masked_sort3A_977, %rev3A_1030 : vector<16xf32>
        %select_n3A_1037 = arith.select %le3A_1036, %masked_sort3A_977, %rev3A_1030 : vector<16xi1>, vector<16xf32>
        %select_n3A_1038 = arith.select %le3A_1036, %masked_sort3A_978, %rev3A_1035 : vector<16xi1>, vector<16xi32>
        %masked_sort3A_1039 = arith.constant dense<true> : vector<16xi1>
        %masked_sort3A_1040, %masked_sort3A_1041, %masked_sort3A_1042 = tpu.sort %select_n3A_1037, %select_n3A_1038 masked %masked_sort3A_1039 : (vector<16xf32>, vector<16xi32>, vector<16xi1>) -> (vector<16xi1>, vector<16xf32>, vector<16xi32>)
        %rev3A_1043 = arith.constant 15 : i32
        %rev3A_1044 = vector.broadcast %rev3A_1043 : i32 to vector<16xi32>
        %rev3A_1045 = tpu.iota {dimensions = array<i32: 0>} : vector<16xi32>
        %rev3A_1046 = arith.subi %rev3A_1044, %rev3A_1045 : vector<16xi32>
        %rev3A_1047 = tpu.dynamic_gather %masked_sort3A_1041[%rev3A_1046] in [0] : vector<16xf32>, vector<16xi32> -> vector<16xf32>
        %rev3A_1048 = arith.constant 15 : i32
        %rev3A_1049 = vector.broadcast %rev3A_1048 : i32 to vector<16xi32>
        %rev3A_1050 = tpu.iota {dimensions = array<i32: 0>} : vector<16xi32>
        %rev3A_1051 = arith.subi %rev3A_1049, %rev3A_1050 : vector<16xi32>
        %rev3A_1052 = tpu.dynamic_gather %masked_sort3A_1042[%rev3A_1051] in [0] : vector<16xi32>, vector<16xi32> -> vector<16xi32>
        %le3A_1053 = arith.cmpf ole, %masked_sort3A_1024, %rev3A_1047 : vector<16xf32>
        %select_n3A_1054 = arith.select %le3A_1053, %masked_sort3A_1024, %rev3A_1047 : vector<16xi1>, vector<16xf32>
        %select_n3A_1055 = arith.select %le3A_1053, %masked_sort3A_1025, %rev3A_1052 : vector<16xi1>, vector<16xi32>
        %masked_sort3A_1056 = arith.constant dense<true> : vector<16xi1>
        %masked_sort3A_1057, %masked_sort3A_1058, %masked_sort3A_1059 = tpu.sort %select_n3A_1054, %select_n3A_1055 masked %masked_sort3A_1056 : (vector<16xf32>, vector<16xi32>, vector<16xi1>) -> (vector<16xi1>, vector<16xf32>, vector<16xi32>)
        %mul3A_1060 = arith.constant 64 : i32
        %mul3A_1061 = vector.broadcast %mul3A_1060 : i32 to vector<16xi32>
        %mul3A_1062 = arith.muli %iota3A, %mul3A_1061 : vector<16xi32>
        %mul3A_1063 = arith.constant 16 : i32
        %mul3A_1064 = arith.muli %scan3A_147, %mul3A_1063 : i32
        %add3A_1065 = arith.constant 4 : i32
        %add3A_1066 = arith.addi %mul3A_1064, %add3A_1065 : i32
        %add3A_1067 = vector.broadcast %add3A_1066 : i32 to vector<16xi32>
        %add3A_1068 = arith.addi %mul3A_1062, %add3A_1067 : vector<16xi32>
        tpu.vector_store_idx %arg5[%broadcast_in_dim3A, %add3A_1068], %masked_sort3A_1059 : memref<8x1024xi32, #tpu.memory_space<vmem>>[vector<16xi32>, vector<16xi32>], vector<16xi32>,
        %slice3A_1069 = vector.extract_strided_slice %get3A_154 {offsets = [5], sizes = [1], strides = [1]} : vector<16xf32> to vector<1xf32>
        %squeeze3A_1070 = vector.extract %slice3A_1069[0] : f32 from vector<1xf32>
        %sub3A_1071 = vector.broadcast %squeeze3A_1070 : f32 to vector<16xf32>
        %sub3A_1072 = arith.subf %sub3A_1071, %get3A_21 : vector<16xf32>
        %mul3A_1073 = arith.mulf %sub3A_1072, %sub3A_1072 : vector<16xf32>
        %slice3A_1074 = vector.extract_strided_slice %get3A_161 {offsets = [5], sizes = [1], strides = [1]} : vector<16xf32> to vector<1xf32>
        %squeeze3A_1075 = vector.extract %slice3A_1074[0] : f32 from vector<1xf32>
        %sub3A_1076 = vector.broadcast %squeeze3A_1075 : f32 to vector<16xf32>
        %sub3A_1077 = arith.subf %sub3A_1076, %get3A_53 : vector<16xf32>
        %mul3A_1078 = arith.mulf %sub3A_1077, %sub3A_1077 : vector<16xf32>
        %add3A_1079 = arith.addf %mul3A_1073, %mul3A_1078 : vector<16xf32>
        %slice3A_1080 = vector.extract_strided_slice %get3A_168 {offsets = [5], sizes = [1], strides = [1]} : vector<16xf32> to vector<1xf32>
        %squeeze3A_1081 = vector.extract %slice3A_1080[0] : f32 from vector<1xf32>
        %sub3A_1082 = vector.broadcast %squeeze3A_1081 : f32 to vector<16xf32>
        %sub3A_1083 = arith.subf %sub3A_1082, %get3A_85 : vector<16xf32>
        %mul3A_1084 = arith.mulf %sub3A_1083, %sub3A_1083 : vector<16xf32>
        %add3A_1085 = arith.addf %add3A_1079, %mul3A_1084 : vector<16xf32>
        %slice3A_1086 = vector.extract_strided_slice %get3A_175 {offsets = [5], sizes = [1], strides = [1]} : vector<16xf32> to vector<1xf32>
        %squeeze3A_1087 = vector.extract %slice3A_1086[0] : f32 from vector<1xf32>
        %sub3A_1088 = vector.broadcast %squeeze3A_1087 : f32 to vector<16xf32>
        %sub3A_1089 = arith.subf %sub3A_1088, %get3A_117 : vector<16xf32>
        %mul3A_1090 = arith.mulf %sub3A_1089, %sub3A_1089 : vector<16xf32>
        %add3A_1091 = arith.addf %add3A_1085, %mul3A_1090 : vector<16xf32>
        %add3A_1092 = arith.constant 0 : i32
        %add3A_1093 = vector.broadcast %add3A_1092 : i32 to vector<16xi32>
        %add3A_1094 = arith.addi %iota3A, %add3A_1093 : vector<16xi32>
        %masked_sort3A_1095 = arith.constant dense<true> : vector<16xi1>
        %masked_sort3A_1096, %masked_sort3A_1097, %masked_sort3A_1098 = tpu.sort %add3A_1091, %add3A_1094 masked %masked_sort3A_1095 : (vector<16xf32>, vector<16xi32>, vector<16xi1>) -> (vector<16xi1>, vector<16xf32>, vector<16xi32>)
        %slice3A_1099 = vector.extract_strided_slice %get3A_154 {offsets = [5], sizes = [1], strides = [1]} : vector<16xf32> to vector<1xf32>
        %squeeze3A_1100 = vector.extract %slice3A_1099[0] : f32 from vector<1xf32>
        %sub3A_1101 = vector.broadcast %squeeze3A_1100 : f32 to vector<16xf32>
        %sub3A_1102 = arith.subf %sub3A_1101, %get3A_29 : vector<16xf32>
        %mul3A_1103 = arith.mulf %sub3A_1102, %sub3A_1102 : vector<16xf32>
        %slice3A_1104 = vector.extract_strided_slice %get3A_161 {offsets = [5], sizes = [1], strides = [1]} : vector<16xf32> to vector<1xf32>
        %squeeze3A_1105 = vector.extract %slice3A_1104[0] : f32 from vector<1xf32>
        %sub3A_1106 = vector.broadcast %squeeze3A_1105 : f32 to vector<16xf32>
        %sub3A_1107 = arith.subf %sub3A_1106, %get3A_61 : vector<16xf32>
        %mul3A_1108 = arith.mulf %sub3A_1107, %sub3A_1107 : vector<16xf32>
        %add3A_1109 = arith.addf %mul3A_1103, %mul3A_1108 : vector<16xf32>
        %slice3A_1110 = vector.extract_strided_slice %get3A_168 {offsets = [5], sizes = [1], strides = [1]} : vector<16xf32> to vector<1xf32>
        %squeeze3A_1111 = vector.extract %slice3A_1110[0] : f32 from vector<1xf32>
        %sub3A_1112 = vector.broadcast %squeeze3A_1111 : f32 to vector<16xf32>
        %sub3A_1113 = arith.subf %sub3A_1112, %get3A_93 : vector<16xf32>
        %mul3A_1114 = arith.mulf %sub3A_1113, %sub3A_1113 : vector<16xf32>
        %add3A_1115 = arith.addf %add3A_1109, %mul3A_1114 : vector<16xf32>
        %slice3A_1116 = vector.extract_strided_slice %get3A_175 {offsets = [5], sizes = [1], strides = [1]} : vector<16xf32> to vector<1xf32>
        %squeeze3A_1117 = vector.extract %slice3A_1116[0] : f32 from vector<1xf32>
        %sub3A_1118 = vector.broadcast %squeeze3A_1117 : f32 to vector<16xf32>
        %sub3A_1119 = arith.subf %sub3A_1118, %get3A_125 : vector<16xf32>
        %mul3A_1120 = arith.mulf %sub3A_1119, %sub3A_1119 : vector<16xf32>
        %add3A_1121 = arith.addf %add3A_1115, %mul3A_1120 : vector<16xf32>
        %add3A_1122 = arith.constant 16 : i32
        %add3A_1123 = vector.broadcast %add3A_1122 : i32 to vector<16xi32>
        %add3A_1124 = arith.addi %iota3A, %add3A_1123 : vector<16xi32>
        %masked_sort3A_1125 = arith.constant dense<true> : vector<16xi1>
        %masked_sort3A_1126, %masked_sort3A_1127, %masked_sort3A_1128 = tpu.sort %add3A_1121, %add3A_1124 masked %masked_sort3A_1125 : (vector<16xf32>, vector<16xi32>, vector<16xi1>) -> (vector<16xi1>, vector<16xf32>, vector<16xi32>)
        %slice3A_1129 = vector.extract_strided_slice %get3A_154 {offsets = [5], sizes = [1], strides = [1]} : vector<16xf32> to vector<1xf32>
        %squeeze3A_1130 = vector.extract %slice3A_1129[0] : f32 from vector<1xf32>
        %sub3A_1131 = vector.broadcast %squeeze3A_1130 : f32 to vector<16xf32>
        %sub3A_1132 = arith.subf %sub3A_1131, %get3A_37 : vector<16xf32>
        %mul3A_1133 = arith.mulf %sub3A_1132, %sub3A_1132 : vector<16xf32>
        %slice3A_1134 = vector.extract_strided_slice %get3A_161 {offsets = [5], sizes = [1], strides = [1]} : vector<16xf32> to vector<1xf32>
        %squeeze3A_1135 = vector.extract %slice3A_1134[0] : f32 from vector<1xf32>
        %sub3A_1136 = vector.broadcast %squeeze3A_1135 : f32 to vector<16xf32>
        %sub3A_1137 = arith.subf %sub3A_1136, %get3A_69 : vector<16xf32>
        %mul3A_1138 = arith.mulf %sub3A_1137, %sub3A_1137 : vector<16xf32>
        %add3A_1139 = arith.addf %mul3A_1133, %mul3A_1138 : vector<16xf32>
        %slice3A_1140 = vector.extract_strided_slice %get3A_168 {offsets = [5], sizes = [1], strides = [1]} : vector<16xf32> to vector<1xf32>
        %squeeze3A_1141 = vector.extract %slice3A_1140[0] : f32 from vector<1xf32>
        %sub3A_1142 = vector.broadcast %squeeze3A_1141 : f32 to vector<16xf32>
        %sub3A_1143 = arith.subf %sub3A_1142, %get3A_101 : vector<16xf32>
        %mul3A_1144 = arith.mulf %sub3A_1143, %sub3A_1143 : vector<16xf32>
        %add3A_1145 = arith.addf %add3A_1139, %mul3A_1144 : vector<16xf32>
        %slice3A_1146 = vector.extract_strided_slice %get3A_175 {offsets = [5], sizes = [1], strides = [1]} : vector<16xf32> to vector<1xf32>
        %squeeze3A_1147 = vector.extract %slice3A_1146[0] : f32 from vector<1xf32>
        %sub3A_1148 = vector.broadcast %squeeze3A_1147 : f32 to vector<16xf32>
        %sub3A_1149 = arith.subf %sub3A_1148, %get3A_133 : vector<16xf32>
        %mul3A_1150 = arith.mulf %sub3A_1149, %sub3A_1149 : vector<16xf32>
        %add3A_1151 = arith.addf %add3A_1145, %mul3A_1150 : vector<16xf32>
        %add3A_1152 = arith.constant 32 : i32
        %add3A_1153 = vector.broadcast %add3A_1152 : i32 to vector<16xi32>
        %add3A_1154 = arith.addi %iota3A, %add3A_1153 : vector<16xi32>
        %masked_sort3A_1155 = arith.constant dense<true> : vector<16xi1>
        %masked_sort3A_1156, %masked_sort3A_1157, %masked_sort3A_1158 = tpu.sort %add3A_1151, %add3A_1154 masked %masked_sort3A_1155 : (vector<16xf32>, vector<16xi32>, vector<16xi1>) -> (vector<16xi1>, vector<16xf32>, vector<16xi32>)
        %slice3A_1159 = vector.extract_strided_slice %get3A_154 {offsets = [5], sizes = [1], strides = [1]} : vector<16xf32> to vector<1xf32>
        %squeeze3A_1160 = vector.extract %slice3A_1159[0] : f32 from vector<1xf32>
        %sub3A_1161 = vector.broadcast %squeeze3A_1160 : f32 to vector<16xf32>
        %sub3A_1162 = arith.subf %sub3A_1161, %get3A_45 : vector<16xf32>
        %mul3A_1163 = arith.mulf %sub3A_1162, %sub3A_1162 : vector<16xf32>
        %slice3A_1164 = vector.extract_strided_slice %get3A_161 {offsets = [5], sizes = [1], strides = [1]} : vector<16xf32> to vector<1xf32>
        %squeeze3A_1165 = vector.extract %slice3A_1164[0] : f32 from vector<1xf32>
        %sub3A_1166 = vector.broadcast %squeeze3A_1165 : f32 to vector<16xf32>
        %sub3A_1167 = arith.subf %sub3A_1166, %get3A_77 : vector<16xf32>
        %mul3A_1168 = arith.mulf %sub3A_1167, %sub3A_1167 : vector<16xf32>
        %add3A_1169 = arith.addf %mul3A_1163, %mul3A_1168 : vector<16xf32>
        %slice3A_1170 = vector.extract_strided_slice %get3A_168 {offsets = [5], sizes = [1], strides = [1]} : vector<16xf32> to vector<1xf32>
        %squeeze3A_1171 = vector.extract %slice3A_1170[0] : f32 from vector<1xf32>
        %sub3A_1172 = vector.broadcast %squeeze3A_1171 : f32 to vector<16xf32>
        %sub3A_1173 = arith.subf %sub3A_1172, %get3A_109 : vector<16xf32>
        %mul3A_1174 = arith.mulf %sub3A_1173, %sub3A_1173 : vector<16xf32>
        %add3A_1175 = arith.addf %add3A_1169, %mul3A_1174 : vector<16xf32>
        %slice3A_1176 = vector.extract_strided_slice %get3A_175 {offsets = [5], sizes = [1], strides = [1]} : vector<16xf32> to vector<1xf32>
        %squeeze3A_1177 = vector.extract %slice3A_1176[0] : f32 from vector<1xf32>
        %sub3A_1178 = vector.broadcast %squeeze3A_1177 : f32 to vector<16xf32>
        %sub3A_1179 = arith.subf %sub3A_1178, %get3A_141 : vector<16xf32>
        %mul3A_1180 = arith.mulf %sub3A_1179, %sub3A_1179 : vector<16xf32>
        %add3A_1181 = arith.addf %add3A_1175, %mul3A_1180 : vector<16xf32>
        %add3A_1182 = arith.constant 48 : i32
        %add3A_1183 = vector.broadcast %add3A_1182 : i32 to vector<16xi32>
        %add3A_1184 = arith.addi %iota3A, %add3A_1183 : vector<16xi32>
        %masked_sort3A_1185 = arith.constant dense<true> : vector<16xi1>
        %masked_sort3A_1186, %masked_sort3A_1187, %masked_sort3A_1188 = tpu.sort %add3A_1181, %add3A_1184 masked %masked_sort3A_1185 : (vector<16xf32>, vector<16xi32>, vector<16xi1>) -> (vector<16xi1>, vector<16xf32>, vector<16xi32>)
        %rev3A_1189 = arith.constant 15 : i32
        %rev3A_1190 = vector.broadcast %rev3A_1189 : i32 to vector<16xi32>
        %rev3A_1191 = tpu.iota {dimensions = array<i32: 0>} : vector<16xi32>
        %rev3A_1192 = arith.subi %rev3A_1190, %rev3A_1191 : vector<16xi32>
        %rev3A_1193 = tpu.dynamic_gather %masked_sort3A_1127[%rev3A_1192] in [0] : vector<16xf32>, vector<16xi32> -> vector<16xf32>
        %rev3A_1194 = arith.constant 15 : i32
        %rev3A_1195 = vector.broadcast %rev3A_1194 : i32 to vector<16xi32>
        %rev3A_1196 = tpu.iota {dimensions = array<i32: 0>} : vector<16xi32>
        %rev3A_1197 = arith.subi %rev3A_1195, %rev3A_1196 : vector<16xi32>
        %rev3A_1198 = tpu.dynamic_gather %masked_sort3A_1128[%rev3A_1197] in [0] : vector<16xi32>, vector<16xi32> -> vector<16xi32>
        %le3A_1199 = arith.cmpf ole, %masked_sort3A_1097, %rev3A_1193 : vector<16xf32>
        %select_n3A_1200 = arith.select %le3A_1199, %masked_sort3A_1097, %rev3A_1193 : vector<16xi1>, vector<16xf32>
        %select_n3A_1201 = arith.select %le3A_1199, %masked_sort3A_1098, %rev3A_1198 : vector<16xi1>, vector<16xi32>
        %masked_sort3A_1202 = arith.constant dense<true> : vector<16xi1>
        %masked_sort3A_1203, %masked_sort3A_1204, %masked_sort3A_1205 = tpu.sort %select_n3A_1200, %select_n3A_1201 masked %masked_sort3A_1202 : (vector<16xf32>, vector<16xi32>, vector<16xi1>) -> (vector<16xi1>, vector<16xf32>, vector<16xi32>)
        %rev3A_1206 = arith.constant 15 : i32
        %rev3A_1207 = vector.broadcast %rev3A_1206 : i32 to vector<16xi32>
        %rev3A_1208 = tpu.iota {dimensions = array<i32: 0>} : vector<16xi32>
        %rev3A_1209 = arith.subi %rev3A_1207, %rev3A_1208 : vector<16xi32>
        %rev3A_1210 = tpu.dynamic_gather %masked_sort3A_1187[%rev3A_1209] in [0] : vector<16xf32>, vector<16xi32> -> vector<16xf32>
        %rev3A_1211 = arith.constant 15 : i32
        %rev3A_1212 = vector.broadcast %rev3A_1211 : i32 to vector<16xi32>
        %rev3A_1213 = tpu.iota {dimensions = array<i32: 0>} : vector<16xi32>
        %rev3A_1214 = arith.subi %rev3A_1212, %rev3A_1213 : vector<16xi32>
        %rev3A_1215 = tpu.dynamic_gather %masked_sort3A_1188[%rev3A_1214] in [0] : vector<16xi32>, vector<16xi32> -> vector<16xi32>
        %le3A_1216 = arith.cmpf ole, %masked_sort3A_1157, %rev3A_1210 : vector<16xf32>
        %select_n3A_1217 = arith.select %le3A_1216, %masked_sort3A_1157, %rev3A_1210 : vector<16xi1>, vector<16xf32>
        %select_n3A_1218 = arith.select %le3A_1216, %masked_sort3A_1158, %rev3A_1215 : vector<16xi1>, vector<16xi32>
        %masked_sort3A_1219 = arith.constant dense<true> : vector<16xi1>
        %masked_sort3A_1220, %masked_sort3A_1221, %masked_sort3A_1222 = tpu.sort %select_n3A_1217, %select_n3A_1218 masked %masked_sort3A_1219 : (vector<16xf32>, vector<16xi32>, vector<16xi1>) -> (vector<16xi1>, vector<16xf32>, vector<16xi32>)
        %rev3A_1223 = arith.constant 15 : i32
        %rev3A_1224 = vector.broadcast %rev3A_1223 : i32 to vector<16xi32>
        %rev3A_1225 = tpu.iota {dimensions = array<i32: 0>} : vector<16xi32>
        %rev3A_1226 = arith.subi %rev3A_1224, %rev3A_1225 : vector<16xi32>
        %rev3A_1227 = tpu.dynamic_gather %masked_sort3A_1221[%rev3A_1226] in [0] : vector<16xf32>, vector<16xi32> -> vector<16xf32>
        %rev3A_1228 = arith.constant 15 : i32
        %rev3A_1229 = vector.broadcast %rev3A_1228 : i32 to vector<16xi32>
        %rev3A_1230 = tpu.iota {dimensions = array<i32: 0>} : vector<16xi32>
        %rev3A_1231 = arith.subi %rev3A_1229, %rev3A_1230 : vector<16xi32>
        %rev3A_1232 = tpu.dynamic_gather %masked_sort3A_1222[%rev3A_1231] in [0] : vector<16xi32>, vector<16xi32> -> vector<16xi32>
        %le3A_1233 = arith.cmpf ole, %masked_sort3A_1204, %rev3A_1227 : vector<16xf32>
        %select_n3A_1234 = arith.select %le3A_1233, %masked_sort3A_1204, %rev3A_1227 : vector<16xi1>, vector<16xf32>
        %select_n3A_1235 = arith.select %le3A_1233, %masked_sort3A_1205, %rev3A_1232 : vector<16xi1>, vector<16xi32>
        %masked_sort3A_1236 = arith.constant dense<true> : vector<16xi1>
        %masked_sort3A_1237, %masked_sort3A_1238, %masked_sort3A_1239 = tpu.sort %select_n3A_1234, %select_n3A_1235 masked %masked_sort3A_1236 : (vector<16xf32>, vector<16xi32>, vector<16xi1>) -> (vector<16xi1>, vector<16xf32>, vector<16xi32>)
        %mul3A_1240 = arith.constant 64 : i32
        %mul3A_1241 = vector.broadcast %mul3A_1240 : i32 to vector<16xi32>
        %mul3A_1242 = arith.muli %iota3A, %mul3A_1241 : vector<16xi32>
        %mul3A_1243 = arith.constant 16 : i32
        %mul3A_1244 = arith.muli %scan3A_147, %mul3A_1243 : i32
        %add3A_1245 = arith.constant 5 : i32
        %add3A_1246 = arith.addi %mul3A_1244, %add3A_1245 : i32
        %add3A_1247 = vector.broadcast %add3A_1246 : i32 to vector<16xi32>
        %add3A_1248 = arith.addi %mul3A_1242, %add3A_1247 : vector<16xi32>
        tpu.vector_store_idx %arg5[%broadcast_in_dim3A, %add3A_1248], %masked_sort3A_1239 : memref<8x1024xi32, #tpu.memory_space<vmem>>[vector<16xi32>, vector<16xi32>], vector<16xi32>,
        %slice3A_1249 = vector.extract_strided_slice %get3A_154 {offsets = [6], sizes = [1], strides = [1]} : vector<16xf32> to vector<1xf32>
        %squeeze3A_1250 = vector.extract %slice3A_1249[0] : f32 from vector<1xf32>
        %sub3A_1251 = vector.broadcast %squeeze3A_1250 : f32 to vector<16xf32>
        %sub3A_1252 = arith.subf %sub3A_1251, %get3A_21 : vector<16xf32>
        %mul3A_1253 = arith.mulf %sub3A_1252, %sub3A_1252 : vector<16xf32>
        %slice3A_1254 = vector.extract_strided_slice %get3A_161 {offsets = [6], sizes = [1], strides = [1]} : vector<16xf32> to vector<1xf32>
        %squeeze3A_1255 = vector.extract %slice3A_1254[0] : f32 from vector<1xf32>
        %sub3A_1256 = vector.broadcast %squeeze3A_1255 : f32 to vector<16xf32>
        %sub3A_1257 = arith.subf %sub3A_1256, %get3A_53 : vector<16xf32>
        %mul3A_1258 = arith.mulf %sub3A_1257, %sub3A_1257 : vector<16xf32>
        %add3A_1259 = arith.addf %mul3A_1253, %mul3A_1258 : vector<16xf32>
        %slice3A_1260 = vector.extract_strided_slice %get3A_168 {offsets = [6], sizes = [1], strides = [1]} : vector<16xf32> to vector<1xf32>
        %squeeze3A_1261 = vector.extract %slice3A_1260[0] : f32 from vector<1xf32>
        %sub3A_1262 = vector.broadcast %squeeze3A_1261 : f32 to vector<16xf32>
        %sub3A_1263 = arith.subf %sub3A_1262, %get3A_85 : vector<16xf32>
        %mul3A_1264 = arith.mulf %sub3A_1263, %sub3A_1263 : vector<16xf32>
        %add3A_1265 = arith.addf %add3A_1259, %mul3A_1264 : vector<16xf32>
        %slice3A_1266 = vector.extract_strided_slice %get3A_175 {offsets = [6], sizes = [1], strides = [1]} : vector<16xf32> to vector<1xf32>
        %squeeze3A_1267 = vector.extract %slice3A_1266[0] : f32 from vector<1xf32>
        %sub3A_1268 = vector.broadcast %squeeze3A_1267 : f32 to vector<16xf32>
        %sub3A_1269 = arith.subf %sub3A_1268, %get3A_117 : vector<16xf32>
        %mul3A_1270 = arith.mulf %sub3A_1269, %sub3A_1269 : vector<16xf32>
        %add3A_1271 = arith.addf %add3A_1265, %mul3A_1270 : vector<16xf32>
        %add3A_1272 = arith.constant 0 : i32
        %add3A_1273 = vector.broadcast %add3A_1272 : i32 to vector<16xi32>
        %add3A_1274 = arith.addi %iota3A, %add3A_1273 : vector<16xi32>
        %masked_sort3A_1275 = arith.constant dense<true> : vector<16xi1>
        %masked_sort3A_1276, %masked_sort3A_1277, %masked_sort3A_1278 = tpu.sort %add3A_1271, %add3A_1274 masked %masked_sort3A_1275 : (vector<16xf32>, vector<16xi32>, vector<16xi1>) -> (vector<16xi1>, vector<16xf32>, vector<16xi32>)
        %slice3A_1279 = vector.extract_strided_slice %get3A_154 {offsets = [6], sizes = [1], strides = [1]} : vector<16xf32> to vector<1xf32>
        %squeeze3A_1280 = vector.extract %slice3A_1279[0] : f32 from vector<1xf32>
        %sub3A_1281 = vector.broadcast %squeeze3A_1280 : f32 to vector<16xf32>
        %sub3A_1282 = arith.subf %sub3A_1281, %get3A_29 : vector<16xf32>
        %mul3A_1283 = arith.mulf %sub3A_1282, %sub3A_1282 : vector<16xf32>
        %slice3A_1284 = vector.extract_strided_slice %get3A_161 {offsets = [6], sizes = [1], strides = [1]} : vector<16xf32> to vector<1xf32>
        %squeeze3A_1285 = vector.extract %slice3A_1284[0] : f32 from vector<1xf32>
        %sub3A_1286 = vector.broadcast %squeeze3A_1285 : f32 to vector<16xf32>
        %sub3A_1287 = arith.subf %sub3A_1286, %get3A_61 : vector<16xf32>
        %mul3A_1288 = arith.mulf %sub3A_1287, %sub3A_1287 : vector<16xf32>
        %add3A_1289 = arith.addf %mul3A_1283, %mul3A_1288 : vector<16xf32>
        %slice3A_1290 = vector.extract_strided_slice %get3A_168 {offsets = [6], sizes = [1], strides = [1]} : vector<16xf32> to vector<1xf32>
        %squeeze3A_1291 = vector.extract %slice3A_1290[0] : f32 from vector<1xf32>
        %sub3A_1292 = vector.broadcast %squeeze3A_1291 : f32 to vector<16xf32>
        %sub3A_1293 = arith.subf %sub3A_1292, %get3A_93 : vector<16xf32>
        %mul3A_1294 = arith.mulf %sub3A_1293, %sub3A_1293 : vector<16xf32>
        %add3A_1295 = arith.addf %add3A_1289, %mul3A_1294 : vector<16xf32>
        %slice3A_1296 = vector.extract_strided_slice %get3A_175 {offsets = [6], sizes = [1], strides = [1]} : vector<16xf32> to vector<1xf32>
        %squeeze3A_1297 = vector.extract %slice3A_1296[0] : f32 from vector<1xf32>
        %sub3A_1298 = vector.broadcast %squeeze3A_1297 : f32 to vector<16xf32>
        %sub3A_1299 = arith.subf %sub3A_1298, %get3A_125 : vector<16xf32>
        %mul3A_1300 = arith.mulf %sub3A_1299, %sub3A_1299 : vector<16xf32>
        %add3A_1301 = arith.addf %add3A_1295, %mul3A_1300 : vector<16xf32>
        %add3A_1302 = arith.constant 16 : i32
        %add3A_1303 = vector.broadcast %add3A_1302 : i32 to vector<16xi32>
        %add3A_1304 = arith.addi %iota3A, %add3A_1303 : vector<16xi32>
        %masked_sort3A_1305 = arith.constant dense<true> : vector<16xi1>
        %masked_sort3A_1306, %masked_sort3A_1307, %masked_sort3A_1308 = tpu.sort %add3A_1301, %add3A_1304 masked %masked_sort3A_1305 : (vector<16xf32>, vector<16xi32>, vector<16xi1>) -> (vector<16xi1>, vector<16xf32>, vector<16xi32>)
        %slice3A_1309 = vector.extract_strided_slice %get3A_154 {offsets = [6], sizes = [1], strides = [1]} : vector<16xf32> to vector<1xf32>
        %squeeze3A_1310 = vector.extract %slice3A_1309[0] : f32 from vector<1xf32>
        %sub3A_1311 = vector.broadcast %squeeze3A_1310 : f32 to vector<16xf32>
        %sub3A_1312 = arith.subf %sub3A_1311, %get3A_37 : vector<16xf32>
        %mul3A_1313 = arith.mulf %sub3A_1312, %sub3A_1312 : vector<16xf32>
        %slice3A_1314 = vector.extract_strided_slice %get3A_161 {offsets = [6], sizes = [1], strides = [1]} : vector<16xf32> to vector<1xf32>
        %squeeze3A_1315 = vector.extract %slice3A_1314[0] : f32 from vector<1xf32>
        %sub3A_1316 = vector.broadcast %squeeze3A_1315 : f32 to vector<16xf32>
        %sub3A_1317 = arith.subf %sub3A_1316, %get3A_69 : vector<16xf32>
        %mul3A_1318 = arith.mulf %sub3A_1317, %sub3A_1317 : vector<16xf32>
        %add3A_1319 = arith.addf %mul3A_1313, %mul3A_1318 : vector<16xf32>
        %slice3A_1320 = vector.extract_strided_slice %get3A_168 {offsets = [6], sizes = [1], strides = [1]} : vector<16xf32> to vector<1xf32>
        %squeeze3A_1321 = vector.extract %slice3A_1320[0] : f32 from vector<1xf32>
        %sub3A_1322 = vector.broadcast %squeeze3A_1321 : f32 to vector<16xf32>
        %sub3A_1323 = arith.subf %sub3A_1322, %get3A_101 : vector<16xf32>
        %mul3A_1324 = arith.mulf %sub3A_1323, %sub3A_1323 : vector<16xf32>
        %add3A_1325 = arith.addf %add3A_1319, %mul3A_1324 : vector<16xf32>
        %slice3A_1326 = vector.extract_strided_slice %get3A_175 {offsets = [6], sizes = [1], strides = [1]} : vector<16xf32> to vector<1xf32>
        %squeeze3A_1327 = vector.extract %slice3A_1326[0] : f32 from vector<1xf32>
        %sub3A_1328 = vector.broadcast %squeeze3A_1327 : f32 to vector<16xf32>
        %sub3A_1329 = arith.subf %sub3A_1328, %get3A_133 : vector<16xf32>
        %mul3A_1330 = arith.mulf %sub3A_1329, %sub3A_1329 : vector<16xf32>
        %add3A_1331 = arith.addf %add3A_1325, %mul3A_1330 : vector<16xf32>
        %add3A_1332 = arith.constant 32 : i32
        %add3A_1333 = vector.broadcast %add3A_1332 : i32 to vector<16xi32>
        %add3A_1334 = arith.addi %iota3A, %add3A_1333 : vector<16xi32>
        %masked_sort3A_1335 = arith.constant dense<true> : vector<16xi1>
        %masked_sort3A_1336, %masked_sort3A_1337, %masked_sort3A_1338 = tpu.sort %add3A_1331, %add3A_1334 masked %masked_sort3A_1335 : (vector<16xf32>, vector<16xi32>, vector<16xi1>) -> (vector<16xi1>, vector<16xf32>, vector<16xi32>)
        %slice3A_1339 = vector.extract_strided_slice %get3A_154 {offsets = [6], sizes = [1], strides = [1]} : vector<16xf32> to vector<1xf32>
        %squeeze3A_1340 = vector.extract %slice3A_1339[0] : f32 from vector<1xf32>
        %sub3A_1341 = vector.broadcast %squeeze3A_1340 : f32 to vector<16xf32>
        %sub3A_1342 = arith.subf %sub3A_1341, %get3A_45 : vector<16xf32>
        %mul3A_1343 = arith.mulf %sub3A_1342, %sub3A_1342 : vector<16xf32>
        %slice3A_1344 = vector.extract_strided_slice %get3A_161 {offsets = [6], sizes = [1], strides = [1]} : vector<16xf32> to vector<1xf32>
        %squeeze3A_1345 = vector.extract %slice3A_1344[0] : f32 from vector<1xf32>
        %sub3A_1346 = vector.broadcast %squeeze3A_1345 : f32 to vector<16xf32>
        %sub3A_1347 = arith.subf %sub3A_1346, %get3A_77 : vector<16xf32>
        %mul3A_1348 = arith.mulf %sub3A_1347, %sub3A_1347 : vector<16xf32>
        %add3A_1349 = arith.addf %mul3A_1343, %mul3A_1348 : vector<16xf32>
        %slice3A_1350 = vector.extract_strided_slice %get3A_168 {offsets = [6], sizes = [1], strides = [1]} : vector<16xf32> to vector<1xf32>
        %squeeze3A_1351 = vector.extract %slice3A_1350[0] : f32 from vector<1xf32>
        %sub3A_1352 = vector.broadcast %squeeze3A_1351 : f32 to vector<16xf32>
        %sub3A_1353 = arith.subf %sub3A_1352, %get3A_109 : vector<16xf32>
        %mul3A_1354 = arith.mulf %sub3A_1353, %sub3A_1353 : vector<16xf32>
        %add3A_1355 = arith.addf %add3A_1349, %mul3A_1354 : vector<16xf32>
        %slice3A_1356 = vector.extract_strided_slice %get3A_175 {offsets = [6], sizes = [1], strides = [1]} : vector<16xf32> to vector<1xf32>
        %squeeze3A_1357 = vector.extract %slice3A_1356[0] : f32 from vector<1xf32>
        %sub3A_1358 = vector.broadcast %squeeze3A_1357 : f32 to vector<16xf32>
        %sub3A_1359 = arith.subf %sub3A_1358, %get3A_141 : vector<16xf32>
        %mul3A_1360 = arith.mulf %sub3A_1359, %sub3A_1359 : vector<16xf32>
        %add3A_1361 = arith.addf %add3A_1355, %mul3A_1360 : vector<16xf32>
        %add3A_1362 = arith.constant 48 : i32
        %add3A_1363 = vector.broadcast %add3A_1362 : i32 to vector<16xi32>
        %add3A_1364 = arith.addi %iota3A, %add3A_1363 : vector<16xi32>
        %masked_sort3A_1365 = arith.constant dense<true> : vector<16xi1>
        %masked_sort3A_1366, %masked_sort3A_1367, %masked_sort3A_1368 = tpu.sort %add3A_1361, %add3A_1364 masked %masked_sort3A_1365 : (vector<16xf32>, vector<16xi32>, vector<16xi1>) -> (vector<16xi1>, vector<16xf32>, vector<16xi32>)
        %rev3A_1369 = arith.constant 15 : i32
        %rev3A_1370 = vector.broadcast %rev3A_1369 : i32 to vector<16xi32>
        %rev3A_1371 = tpu.iota {dimensions = array<i32: 0>} : vector<16xi32>
        %rev3A_1372 = arith.subi %rev3A_1370, %rev3A_1371 : vector<16xi32>
        %rev3A_1373 = tpu.dynamic_gather %masked_sort3A_1307[%rev3A_1372] in [0] : vector<16xf32>, vector<16xi32> -> vector<16xf32>
        %rev3A_1374 = arith.constant 15 : i32
        %rev3A_1375 = vector.broadcast %rev3A_1374 : i32 to vector<16xi32>
        %rev3A_1376 = tpu.iota {dimensions = array<i32: 0>} : vector<16xi32>
        %rev3A_1377 = arith.subi %rev3A_1375, %rev3A_1376 : vector<16xi32>
        %rev3A_1378 = tpu.dynamic_gather %masked_sort3A_1308[%rev3A_1377] in [0] : vector<16xi32>, vector<16xi32> -> vector<16xi32>
        %le3A_1379 = arith.cmpf ole, %masked_sort3A_1277, %rev3A_1373 : vector<16xf32>
        %select_n3A_1380 = arith.select %le3A_1379, %masked_sort3A_1277, %rev3A_1373 : vector<16xi1>, vector<16xf32>
        %select_n3A_1381 = arith.select %le3A_1379, %masked_sort3A_1278, %rev3A_1378 : vector<16xi1>, vector<16xi32>
        %masked_sort3A_1382 = arith.constant dense<true> : vector<16xi1>
        %masked_sort3A_1383, %masked_sort3A_1384, %masked_sort3A_1385 = tpu.sort %select_n3A_1380, %select_n3A_1381 masked %masked_sort3A_1382 : (vector<16xf32>, vector<16xi32>, vector<16xi1>) -> (vector<16xi1>, vector<16xf32>, vector<16xi32>)
        %rev3A_1386 = arith.constant 15 : i32
        %rev3A_1387 = vector.broadcast %rev3A_1386 : i32 to vector<16xi32>
        %rev3A_1388 = tpu.iota {dimensions = array<i32: 0>} : vector<16xi32>
        %rev3A_1389 = arith.subi %rev3A_1387, %rev3A_1388 : vector<16xi32>
        %rev3A_1390 = tpu.dynamic_gather %masked_sort3A_1367[%rev3A_1389] in [0] : vector<16xf32>, vector<16xi32> -> vector<16xf32>
        %rev3A_1391 = arith.constant 15 : i32
        %rev3A_1392 = vector.broadcast %rev3A_1391 : i32 to vector<16xi32>
        %rev3A_1393 = tpu.iota {dimensions = array<i32: 0>} : vector<16xi32>
        %rev3A_1394 = arith.subi %rev3A_1392, %rev3A_1393 : vector<16xi32>
        %rev3A_1395 = tpu.dynamic_gather %masked_sort3A_1368[%rev3A_1394] in [0] : vector<16xi32>, vector<16xi32> -> vector<16xi32>
        %le3A_1396 = arith.cmpf ole, %masked_sort3A_1337, %rev3A_1390 : vector<16xf32>
        %select_n3A_1397 = arith.select %le3A_1396, %masked_sort3A_1337, %rev3A_1390 : vector<16xi1>, vector<16xf32>
        %select_n3A_1398 = arith.select %le3A_1396, %masked_sort3A_1338, %rev3A_1395 : vector<16xi1>, vector<16xi32>
        %masked_sort3A_1399 = arith.constant dense<true> : vector<16xi1>
        %masked_sort3A_1400, %masked_sort3A_1401, %masked_sort3A_1402 = tpu.sort %select_n3A_1397, %select_n3A_1398 masked %masked_sort3A_1399 : (vector<16xf32>, vector<16xi32>, vector<16xi1>) -> (vector<16xi1>, vector<16xf32>, vector<16xi32>)
        %rev3A_1403 = arith.constant 15 : i32
        %rev3A_1404 = vector.broadcast %rev3A_1403 : i32 to vector<16xi32>
        %rev3A_1405 = tpu.iota {dimensions = array<i32: 0>} : vector<16xi32>
        %rev3A_1406 = arith.subi %rev3A_1404, %rev3A_1405 : vector<16xi32>
        %rev3A_1407 = tpu.dynamic_gather %masked_sort3A_1401[%rev3A_1406] in [0] : vector<16xf32>, vector<16xi32> -> vector<16xf32>
        %rev3A_1408 = arith.constant 15 : i32
        %rev3A_1409 = vector.broadcast %rev3A_1408 : i32 to vector<16xi32>
        %rev3A_1410 = tpu.iota {dimensions = array<i32: 0>} : vector<16xi32>
        %rev3A_1411 = arith.subi %rev3A_1409, %rev3A_1410 : vector<16xi32>
        %rev3A_1412 = tpu.dynamic_gather %masked_sort3A_1402[%rev3A_1411] in [0] : vector<16xi32>, vector<16xi32> -> vector<16xi32>
        %le3A_1413 = arith.cmpf ole, %masked_sort3A_1384, %rev3A_1407 : vector<16xf32>
        %select_n3A_1414 = arith.select %le3A_1413, %masked_sort3A_1384, %rev3A_1407 : vector<16xi1>, vector<16xf32>
        %select_n3A_1415 = arith.select %le3A_1413, %masked_sort3A_1385, %rev3A_1412 : vector<16xi1>, vector<16xi32>
        %masked_sort3A_1416 = arith.constant dense<true> : vector<16xi1>
        %masked_sort3A_1417, %masked_sort3A_1418, %masked_sort3A_1419 = tpu.sort %select_n3A_1414, %select_n3A_1415 masked %masked_sort3A_1416 : (vector<16xf32>, vector<16xi32>, vector<16xi1>) -> (vector<16xi1>, vector<16xf32>, vector<16xi32>)
        %mul3A_1420 = arith.constant 64 : i32
        %mul3A_1421 = vector.broadcast %mul3A_1420 : i32 to vector<16xi32>
        %mul3A_1422 = arith.muli %iota3A, %mul3A_1421 : vector<16xi32>
        %mul3A_1423 = arith.constant 16 : i32
        %mul3A_1424 = arith.muli %scan3A_147, %mul3A_1423 : i32
        %add3A_1425 = arith.constant 6 : i32
        %add3A_1426 = arith.addi %mul3A_1424, %add3A_1425 : i32
        %add3A_1427 = vector.broadcast %add3A_1426 : i32 to vector<16xi32>
        %add3A_1428 = arith.addi %mul3A_1422, %add3A_1427 : vector<16xi32>
        tpu.vector_store_idx %arg5[%broadcast_in_dim3A, %add3A_1428], %masked_sort3A_1419 : memref<8x1024xi32, #tpu.memory_space<vmem>>[vector<16xi32>, vector<16xi32>], vector<16xi32>,
        %slice3A_1429 = vector.extract_strided_slice %get3A_154 {offsets = [7], sizes = [1], strides = [1]} : vector<16xf32> to vector<1xf32>
        %squeeze3A_1430 = vector.extract %slice3A_1429[0] : f32 from vector<1xf32>
        %sub3A_1431 = vector.broadcast %squeeze3A_1430 : f32 to vector<16xf32>
        %sub3A_1432 = arith.subf %sub3A_1431, %get3A_21 : vector<16xf32>
        %mul3A_1433 = arith.mulf %sub3A_1432, %sub3A_1432 : vector<16xf32>
        %slice3A_1434 = vector.extract_strided_slice %get3A_161 {offsets = [7], sizes = [1], strides = [1]} : vector<16xf32> to vector<1xf32>
        %squeeze3A_1435 = vector.extract %slice3A_1434[0] : f32 from vector<1xf32>
        %sub3A_1436 = vector.broadcast %squeeze3A_1435 : f32 to vector<16xf32>
        %sub3A_1437 = arith.subf %sub3A_1436, %get3A_53 : vector<16xf32>
        %mul3A_1438 = arith.mulf %sub3A_1437, %sub3A_1437 : vector<16xf32>
        %add3A_1439 = arith.addf %mul3A_1433, %mul3A_1438 : vector<16xf32>
        %slice3A_1440 = vector.extract_strided_slice %get3A_168 {offsets = [7], sizes = [1], strides = [1]} : vector<16xf32> to vector<1xf32>
        %squeeze3A_1441 = vector.extract %slice3A_1440[0] : f32 from vector<1xf32>
        %sub3A_1442 = vector.broadcast %squeeze3A_1441 : f32 to vector<16xf32>
        %sub3A_1443 = arith.subf %sub3A_1442, %get3A_85 : vector<16xf32>
        %mul3A_1444 = arith.mulf %sub3A_1443, %sub3A_1443 : vector<16xf32>
        %add3A_1445 = arith.addf %add3A_1439, %mul3A_1444 : vector<16xf32>
        %slice3A_1446 = vector.extract_strided_slice %get3A_175 {offsets = [7], sizes = [1], strides = [1]} : vector<16xf32> to vector<1xf32>
        %squeeze3A_1447 = vector.extract %slice3A_1446[0] : f32 from vector<1xf32>
        %sub3A_1448 = vector.broadcast %squeeze3A_1447 : f32 to vector<16xf32>
        %sub3A_1449 = arith.subf %sub3A_1448, %get3A_117 : vector<16xf32>
        %mul3A_1450 = arith.mulf %sub3A_1449, %sub3A_1449 : vector<16xf32>
        %add3A_1451 = arith.addf %add3A_1445, %mul3A_1450 : vector<16xf32>
        %add3A_1452 = arith.constant 0 : i32
        %add3A_1453 = vector.broadcast %add3A_1452 : i32 to vector<16xi32>
        %add3A_1454 = arith.addi %iota3A, %add3A_1453 : vector<16xi32>
        %masked_sort3A_1455 = arith.constant dense<true> : vector<16xi1>
        %masked_sort3A_1456, %masked_sort3A_1457, %masked_sort3A_1458 = tpu.sort %add3A_1451, %add3A_1454 masked %masked_sort3A_1455 : (vector<16xf32>, vector<16xi32>, vector<16xi1>) -> (vector<16xi1>, vector<16xf32>, vector<16xi32>)
        %slice3A_1459 = vector.extract_strided_slice %get3A_154 {offsets = [7], sizes = [1], strides = [1]} : vector<16xf32> to vector<1xf32>
        %squeeze3A_1460 = vector.extract %slice3A_1459[0] : f32 from vector<1xf32>
        %sub3A_1461 = vector.broadcast %squeeze3A_1460 : f32 to vector<16xf32>
        %sub3A_1462 = arith.subf %sub3A_1461, %get3A_29 : vector<16xf32>
        %mul3A_1463 = arith.mulf %sub3A_1462, %sub3A_1462 : vector<16xf32>
        %slice3A_1464 = vector.extract_strided_slice %get3A_161 {offsets = [7], sizes = [1], strides = [1]} : vector<16xf32> to vector<1xf32>
        %squeeze3A_1465 = vector.extract %slice3A_1464[0] : f32 from vector<1xf32>
        %sub3A_1466 = vector.broadcast %squeeze3A_1465 : f32 to vector<16xf32>
        %sub3A_1467 = arith.subf %sub3A_1466, %get3A_61 : vector<16xf32>
        %mul3A_1468 = arith.mulf %sub3A_1467, %sub3A_1467 : vector<16xf32>
        %add3A_1469 = arith.addf %mul3A_1463, %mul3A_1468 : vector<16xf32>
        %slice3A_1470 = vector.extract_strided_slice %get3A_168 {offsets = [7], sizes = [1], strides = [1]} : vector<16xf32> to vector<1xf32>
        %squeeze3A_1471 = vector.extract %slice3A_1470[0] : f32 from vector<1xf32>
        %sub3A_1472 = vector.broadcast %squeeze3A_1471 : f32 to vector<16xf32>
        %sub3A_1473 = arith.subf %sub3A_1472, %get3A_93 : vector<16xf32>
        %mul3A_1474 = arith.mulf %sub3A_1473, %sub3A_1473 : vector<16xf32>
        %add3A_1475 = arith.addf %add3A_1469, %mul3A_1474 : vector<16xf32>
        %slice3A_1476 = vector.extract_strided_slice %get3A_175 {offsets = [7], sizes = [1], strides = [1]} : vector<16xf32> to vector<1xf32>
        %squeeze3A_1477 = vector.extract %slice3A_1476[0] : f32 from vector<1xf32>
        %sub3A_1478 = vector.broadcast %squeeze3A_1477 : f32 to vector<16xf32>
        %sub3A_1479 = arith.subf %sub3A_1478, %get3A_125 : vector<16xf32>
        %mul3A_1480 = arith.mulf %sub3A_1479, %sub3A_1479 : vector<16xf32>
        %add3A_1481 = arith.addf %add3A_1475, %mul3A_1480 : vector<16xf32>
        %add3A_1482 = arith.constant 16 : i32
        %add3A_1483 = vector.broadcast %add3A_1482 : i32 to vector<16xi32>
        %add3A_1484 = arith.addi %iota3A, %add3A_1483 : vector<16xi32>
        %masked_sort3A_1485 = arith.constant dense<true> : vector<16xi1>
        %masked_sort3A_1486, %masked_sort3A_1487, %masked_sort3A_1488 = tpu.sort %add3A_1481, %add3A_1484 masked %masked_sort3A_1485 : (vector<16xf32>, vector<16xi32>, vector<16xi1>) -> (vector<16xi1>, vector<16xf32>, vector<16xi32>)
        %slice3A_1489 = vector.extract_strided_slice %get3A_154 {offsets = [7], sizes = [1], strides = [1]} : vector<16xf32> to vector<1xf32>
        %squeeze3A_1490 = vector.extract %slice3A_1489[0] : f32 from vector<1xf32>
        %sub3A_1491 = vector.broadcast %squeeze3A_1490 : f32 to vector<16xf32>
        %sub3A_1492 = arith.subf %sub3A_1491, %get3A_37 : vector<16xf32>
        %mul3A_1493 = arith.mulf %sub3A_1492, %sub3A_1492 : vector<16xf32>
        %slice3A_1494 = vector.extract_strided_slice %get3A_161 {offsets = [7], sizes = [1], strides = [1]} : vector<16xf32> to vector<1xf32>
        %squeeze3A_1495 = vector.extract %slice3A_1494[0] : f32 from vector<1xf32>
        %sub3A_1496 = vector.broadcast %squeeze3A_1495 : f32 to vector<16xf32>
        %sub3A_1497 = arith.subf %sub3A_1496, %get3A_69 : vector<16xf32>
        %mul3A_1498 = arith.mulf %sub3A_1497, %sub3A_1497 : vector<16xf32>
        %add3A_1499 = arith.addf %mul3A_1493, %mul3A_1498 : vector<16xf32>
        %slice3A_1500 = vector.extract_strided_slice %get3A_168 {offsets = [7], sizes = [1], strides = [1]} : vector<16xf32> to vector<1xf32>
        %squeeze3A_1501 = vector.extract %slice3A_1500[0] : f32 from vector<1xf32>
        %sub3A_1502 = vector.broadcast %squeeze3A_1501 : f32 to vector<16xf32>
        %sub3A_1503 = arith.subf %sub3A_1502, %get3A_101 : vector<16xf32>
        %mul3A_1504 = arith.mulf %sub3A_1503, %sub3A_1503 : vector<16xf32>
        %add3A_1505 = arith.addf %add3A_1499, %mul3A_1504 : vector<16xf32>
        %slice3A_1506 = vector.extract_strided_slice %get3A_175 {offsets = [7], sizes = [1], strides = [1]} : vector<16xf32> to vector<1xf32>
        %squeeze3A_1507 = vector.extract %slice3A_1506[0] : f32 from vector<1xf32>
        %sub3A_1508 = vector.broadcast %squeeze3A_1507 : f32 to vector<16xf32>
        %sub3A_1509 = arith.subf %sub3A_1508, %get3A_133 : vector<16xf32>
        %mul3A_1510 = arith.mulf %sub3A_1509, %sub3A_1509 : vector<16xf32>
        %add3A_1511 = arith.addf %add3A_1505, %mul3A_1510 : vector<16xf32>
        %add3A_1512 = arith.constant 32 : i32
        %add3A_1513 = vector.broadcast %add3A_1512 : i32 to vector<16xi32>
        %add3A_1514 = arith.addi %iota3A, %add3A_1513 : vector<16xi32>
        %masked_sort3A_1515 = arith.constant dense<true> : vector<16xi1>
        %masked_sort3A_1516, %masked_sort3A_1517, %masked_sort3A_1518 = tpu.sort %add3A_1511, %add3A_1514 masked %masked_sort3A_1515 : (vector<16xf32>, vector<16xi32>, vector<16xi1>) -> (vector<16xi1>, vector<16xf32>, vector<16xi32>)
        %slice3A_1519 = vector.extract_strided_slice %get3A_154 {offsets = [7], sizes = [1], strides = [1]} : vector<16xf32> to vector<1xf32>
        %squeeze3A_1520 = vector.extract %slice3A_1519[0] : f32 from vector<1xf32>
        %sub3A_1521 = vector.broadcast %squeeze3A_1520 : f32 to vector<16xf32>
        %sub3A_1522 = arith.subf %sub3A_1521, %get3A_45 : vector<16xf32>
        %mul3A_1523 = arith.mulf %sub3A_1522, %sub3A_1522 : vector<16xf32>
        %slice3A_1524 = vector.extract_strided_slice %get3A_161 {offsets = [7], sizes = [1], strides = [1]} : vector<16xf32> to vector<1xf32>
        %squeeze3A_1525 = vector.extract %slice3A_1524[0] : f32 from vector<1xf32>
        %sub3A_1526 = vector.broadcast %squeeze3A_1525 : f32 to vector<16xf32>
        %sub3A_1527 = arith.subf %sub3A_1526, %get3A_77 : vector<16xf32>
        %mul3A_1528 = arith.mulf %sub3A_1527, %sub3A_1527 : vector<16xf32>
        %add3A_1529 = arith.addf %mul3A_1523, %mul3A_1528 : vector<16xf32>
        %slice3A_1530 = vector.extract_strided_slice %get3A_168 {offsets = [7], sizes = [1], strides = [1]} : vector<16xf32> to vector<1xf32>
        %squeeze3A_1531 = vector.extract %slice3A_1530[0] : f32 from vector<1xf32>
        %sub3A_1532 = vector.broadcast %squeeze3A_1531 : f32 to vector<16xf32>
        %sub3A_1533 = arith.subf %sub3A_1532, %get3A_109 : vector<16xf32>
        %mul3A_1534 = arith.mulf %sub3A_1533, %sub3A_1533 : vector<16xf32>
        %add3A_1535 = arith.addf %add3A_1529, %mul3A_1534 : vector<16xf32>
        %slice3A_1536 = vector.extract_strided_slice %get3A_175 {offsets = [7], sizes = [1], strides = [1]} : vector<16xf32> to vector<1xf32>
        %squeeze3A_1537 = vector.extract %slice3A_1536[0] : f32 from vector<1xf32>
        %sub3A_1538 = vector.broadcast %squeeze3A_1537 : f32 to vector<16xf32>
        %sub3A_1539 = arith.subf %sub3A_1538, %get3A_141 : vector<16xf32>
        %mul3A_1540 = arith.mulf %sub3A_1539, %sub3A_1539 : vector<16xf32>
        %add3A_1541 = arith.addf %add3A_1535, %mul3A_1540 : vector<16xf32>
        %add3A_1542 = arith.constant 48 : i32
        %add3A_1543 = vector.broadcast %add3A_1542 : i32 to vector<16xi32>
        %add3A_1544 = arith.addi %iota3A, %add3A_1543 : vector<16xi32>
        %masked_sort3A_1545 = arith.constant dense<true> : vector<16xi1>
        %masked_sort3A_1546, %masked_sort3A_1547, %masked_sort3A_1548 = tpu.sort %add3A_1541, %add3A_1544 masked %masked_sort3A_1545 : (vector<16xf32>, vector<16xi32>, vector<16xi1>) -> (vector<16xi1>, vector<16xf32>, vector<16xi32>)
        %rev3A_1549 = arith.constant 15 : i32
        %rev3A_1550 = vector.broadcast %rev3A_1549 : i32 to vector<16xi32>
        %rev3A_1551 = tpu.iota {dimensions = array<i32: 0>} : vector<16xi32>
        %rev3A_1552 = arith.subi %rev3A_1550, %rev3A_1551 : vector<16xi32>
        %rev3A_1553 = tpu.dynamic_gather %masked_sort3A_1487[%rev3A_1552] in [0] : vector<16xf32>, vector<16xi32> -> vector<16xf32>
        %rev3A_1554 = arith.constant 15 : i32
        %rev3A_1555 = vector.broadcast %rev3A_1554 : i32 to vector<16xi32>
        %rev3A_1556 = tpu.iota {dimensions = array<i32: 0>} : vector<16xi32>
        %rev3A_1557 = arith.subi %rev3A_1555, %rev3A_1556 : vector<16xi32>
        %rev3A_1558 = tpu.dynamic_gather %masked_sort3A_1488[%rev3A_1557] in [0] : vector<16xi32>, vector<16xi32> -> vector<16xi32>
        %le3A_1559 = arith.cmpf ole, %masked_sort3A_1457, %rev3A_1553 : vector<16xf32>
        %select_n3A_1560 = arith.select %le3A_1559, %masked_sort3A_1457, %rev3A_1553 : vector<16xi1>, vector<16xf32>
        %select_n3A_1561 = arith.select %le3A_1559, %masked_sort3A_1458, %rev3A_1558 : vector<16xi1>, vector<16xi32>
        %masked_sort3A_1562 = arith.constant dense<true> : vector<16xi1>
        %masked_sort3A_1563, %masked_sort3A_1564, %masked_sort3A_1565 = tpu.sort %select_n3A_1560, %select_n3A_1561 masked %masked_sort3A_1562 : (vector<16xf32>, vector<16xi32>, vector<16xi1>) -> (vector<16xi1>, vector<16xf32>, vector<16xi32>)
        %rev3A_1566 = arith.constant 15 : i32
        %rev3A_1567 = vector.broadcast %rev3A_1566 : i32 to vector<16xi32>
        %rev3A_1568 = tpu.iota {dimensions = array<i32: 0>} : vector<16xi32>
        %rev3A_1569 = arith.subi %rev3A_1567, %rev3A_1568 : vector<16xi32>
        %rev3A_1570 = tpu.dynamic_gather %masked_sort3A_1547[%rev3A_1569] in [0] : vector<16xf32>, vector<16xi32> -> vector<16xf32>
        %rev3A_1571 = arith.constant 15 : i32
        %rev3A_1572 = vector.broadcast %rev3A_1571 : i32 to vector<16xi32>
        %rev3A_1573 = tpu.iota {dimensions = array<i32: 0>} : vector<16xi32>
        %rev3A_1574 = arith.subi %rev3A_1572, %rev3A_1573 : vector<16xi32>
        %rev3A_1575 = tpu.dynamic_gather %masked_sort3A_1548[%rev3A_1574] in [0] : vector<16xi32>, vector<16xi32> -> vector<16xi32>
        %le3A_1576 = arith.cmpf ole, %masked_sort3A_1517, %rev3A_1570 : vector<16xf32>
        %select_n3A_1577 = arith.select %le3A_1576, %masked_sort3A_1517, %rev3A_1570 : vector<16xi1>, vector<16xf32>
        %select_n3A_1578 = arith.select %le3A_1576, %masked_sort3A_1518, %rev3A_1575 : vector<16xi1>, vector<16xi32>
        %masked_sort3A_1579 = arith.constant dense<true> : vector<16xi1>
        %masked_sort3A_1580, %masked_sort3A_1581, %masked_sort3A_1582 = tpu.sort %select_n3A_1577, %select_n3A_1578 masked %masked_sort3A_1579 : (vector<16xf32>, vector<16xi32>, vector<16xi1>) -> (vector<16xi1>, vector<16xf32>, vector<16xi32>)
        %rev3A_1583 = arith.constant 15 : i32
        %rev3A_1584 = vector.broadcast %rev3A_1583 : i32 to vector<16xi32>
        %rev3A_1585 = tpu.iota {dimensions = array<i32: 0>} : vector<16xi32>
        %rev3A_1586 = arith.subi %rev3A_1584, %rev3A_1585 : vector<16xi32>
        %rev3A_1587 = tpu.dynamic_gather %masked_sort3A_1581[%rev3A_1586] in [0] : vector<16xf32>, vector<16xi32> -> vector<16xf32>
        %rev3A_1588 = arith.constant 15 : i32
        %rev3A_1589 = vector.broadcast %rev3A_1588 : i32 to vector<16xi32>
        %rev3A_1590 = tpu.iota {dimensions = array<i32: 0>} : vector<16xi32>
        %rev3A_1591 = arith.subi %rev3A_1589, %rev3A_1590 : vector<16xi32>
        %rev3A_1592 = tpu.dynamic_gather %masked_sort3A_1582[%rev3A_1591] in [0] : vector<16xi32>, vector<16xi32> -> vector<16xi32>
        %le3A_1593 = arith.cmpf ole, %masked_sort3A_1564, %rev3A_1587 : vector<16xf32>
        %select_n3A_1594 = arith.select %le3A_1593, %masked_sort3A_1564, %rev3A_1587 : vector<16xi1>, vector<16xf32>
        %select_n3A_1595 = arith.select %le3A_1593, %masked_sort3A_1565, %rev3A_1592 : vector<16xi1>, vector<16xi32>
        %masked_sort3A_1596 = arith.constant dense<true> : vector<16xi1>
        %masked_sort3A_1597, %masked_sort3A_1598, %masked_sort3A_1599 = tpu.sort %select_n3A_1594, %select_n3A_1595 masked %masked_sort3A_1596 : (vector<16xf32>, vector<16xi32>, vector<16xi1>) -> (vector<16xi1>, vector<16xf32>, vector<16xi32>)
        %mul3A_1600 = arith.constant 64 : i32
        %mul3A_1601 = vector.broadcast %mul3A_1600 : i32 to vector<16xi32>
        %mul3A_1602 = arith.muli %iota3A, %mul3A_1601 : vector<16xi32>
        %mul3A_1603 = arith.constant 16 : i32
        %mul3A_1604 = arith.muli %scan3A_147, %mul3A_1603 : i32
        %add3A_1605 = arith.constant 7 : i32
        %add3A_1606 = arith.addi %mul3A_1604, %add3A_1605 : i32
        %add3A_1607 = vector.broadcast %add3A_1606 : i32 to vector<16xi32>
        %add3A_1608 = arith.addi %mul3A_1602, %add3A_1607 : vector<16xi32>
        tpu.vector_store_idx %arg5[%broadcast_in_dim3A, %add3A_1608], %masked_sort3A_1599 : memref<8x1024xi32, #tpu.memory_space<vmem>>[vector<16xi32>, vector<16xi32>], vector<16xi32>,
        %slice3A_1609 = vector.extract_strided_slice %get3A_154 {offsets = [8], sizes = [1], strides = [1]} : vector<16xf32> to vector<1xf32>
        %squeeze3A_1610 = vector.extract %slice3A_1609[0] : f32 from vector<1xf32>
        %sub3A_1611 = vector.broadcast %squeeze3A_1610 : f32 to vector<16xf32>
        %sub3A_1612 = arith.subf %sub3A_1611, %get3A_21 : vector<16xf32>
        %mul3A_1613 = arith.mulf %sub3A_1612, %sub3A_1612 : vector<16xf32>
        %slice3A_1614 = vector.extract_strided_slice %get3A_161 {offsets = [8], sizes = [1], strides = [1]} : vector<16xf32> to vector<1xf32>
        %squeeze3A_1615 = vector.extract %slice3A_1614[0] : f32 from vector<1xf32>
        %sub3A_1616 = vector.broadcast %squeeze3A_1615 : f32 to vector<16xf32>
        %sub3A_1617 = arith.subf %sub3A_1616, %get3A_53 : vector<16xf32>
        %mul3A_1618 = arith.mulf %sub3A_1617, %sub3A_1617 : vector<16xf32>
        %add3A_1619 = arith.addf %mul3A_1613, %mul3A_1618 : vector<16xf32>
        %slice3A_1620 = vector.extract_strided_slice %get3A_168 {offsets = [8], sizes = [1], strides = [1]} : vector<16xf32> to vector<1xf32>
        %squeeze3A_1621 = vector.extract %slice3A_1620[0] : f32 from vector<1xf32>
        %sub3A_1622 = vector.broadcast %squeeze3A_1621 : f32 to vector<16xf32>
        %sub3A_1623 = arith.subf %sub3A_1622, %get3A_85 : vector<16xf32>
        %mul3A_1624 = arith.mulf %sub3A_1623, %sub3A_1623 : vector<16xf32>
        %add3A_1625 = arith.addf %add3A_1619, %mul3A_1624 : vector<16xf32>
        %slice3A_1626 = vector.extract_strided_slice %get3A_175 {offsets = [8], sizes = [1], strides = [1]} : vector<16xf32> to vector<1xf32>
        %squeeze3A_1627 = vector.extract %slice3A_1626[0] : f32 from vector<1xf32>
        %sub3A_1628 = vector.broadcast %squeeze3A_1627 : f32 to vector<16xf32>
        %sub3A_1629 = arith.subf %sub3A_1628, %get3A_117 : vector<16xf32>
        %mul3A_1630 = arith.mulf %sub3A_1629, %sub3A_1629 : vector<16xf32>
        %add3A_1631 = arith.addf %add3A_1625, %mul3A_1630 : vector<16xf32>
        %add3A_1632 = arith.constant 0 : i32
        %add3A_1633 = vector.broadcast %add3A_1632 : i32 to vector<16xi32>
        %add3A_1634 = arith.addi %iota3A, %add3A_1633 : vector<16xi32>
        %masked_sort3A_1635 = arith.constant dense<true> : vector<16xi1>
        %masked_sort3A_1636, %masked_sort3A_1637, %masked_sort3A_1638 = tpu.sort %add3A_1631, %add3A_1634 masked %masked_sort3A_1635 : (vector<16xf32>, vector<16xi32>, vector<16xi1>) -> (vector<16xi1>, vector<16xf32>, vector<16xi32>)
        %slice3A_1639 = vector.extract_strided_slice %get3A_154 {offsets = [8], sizes = [1], strides = [1]} : vector<16xf32> to vector<1xf32>
        %squeeze3A_1640 = vector.extract %slice3A_1639[0] : f32 from vector<1xf32>
        %sub3A_1641 = vector.broadcast %squeeze3A_1640 : f32 to vector<16xf32>
        %sub3A_1642 = arith.subf %sub3A_1641, %get3A_29 : vector<16xf32>
        %mul3A_1643 = arith.mulf %sub3A_1642, %sub3A_1642 : vector<16xf32>
        %slice3A_1644 = vector.extract_strided_slice %get3A_161 {offsets = [8], sizes = [1], strides = [1]} : vector<16xf32> to vector<1xf32>
        %squeeze3A_1645 = vector.extract %slice3A_1644[0] : f32 from vector<1xf32>
        %sub3A_1646 = vector.broadcast %squeeze3A_1645 : f32 to vector<16xf32>
        %sub3A_1647 = arith.subf %sub3A_1646, %get3A_61 : vector<16xf32>
        %mul3A_1648 = arith.mulf %sub3A_1647, %sub3A_1647 : vector<16xf32>
        %add3A_1649 = arith.addf %mul3A_1643, %mul3A_1648 : vector<16xf32>
        %slice3A_1650 = vector.extract_strided_slice %get3A_168 {offsets = [8], sizes = [1], strides = [1]} : vector<16xf32> to vector<1xf32>
        %squeeze3A_1651 = vector.extract %slice3A_1650[0] : f32 from vector<1xf32>
        %sub3A_1652 = vector.broadcast %squeeze3A_1651 : f32 to vector<16xf32>
        %sub3A_1653 = arith.subf %sub3A_1652, %get3A_93 : vector<16xf32>
        %mul3A_1654 = arith.mulf %sub3A_1653, %sub3A_1653 : vector<16xf32>
        %add3A_1655 = arith.addf %add3A_1649, %mul3A_1654 : vector<16xf32>
        %slice3A_1656 = vector.extract_strided_slice %get3A_175 {offsets = [8], sizes = [1], strides = [1]} : vector<16xf32> to vector<1xf32>
        %squeeze3A_1657 = vector.extract %slice3A_1656[0] : f32 from vector<1xf32>
        %sub3A_1658 = vector.broadcast %squeeze3A_1657 : f32 to vector<16xf32>
        %sub3A_1659 = arith.subf %sub3A_1658, %get3A_125 : vector<16xf32>
        %mul3A_1660 = arith.mulf %sub3A_1659, %sub3A_1659 : vector<16xf32>
        %add3A_1661 = arith.addf %add3A_1655, %mul3A_1660 : vector<16xf32>
        %add3A_1662 = arith.constant 16 : i32
        %add3A_1663 = vector.broadcast %add3A_1662 : i32 to vector<16xi32>
        %add3A_1664 = arith.addi %iota3A, %add3A_1663 : vector<16xi32>
        %masked_sort3A_1665 = arith.constant dense<true> : vector<16xi1>
        %masked_sort3A_1666, %masked_sort3A_1667, %masked_sort3A_1668 = tpu.sort %add3A_1661, %add3A_1664 masked %masked_sort3A_1665 : (vector<16xf32>, vector<16xi32>, vector<16xi1>) -> (vector<16xi1>, vector<16xf32>, vector<16xi32>)
        %slice3A_1669 = vector.extract_strided_slice %get3A_154 {offsets = [8], sizes = [1], strides = [1]} : vector<16xf32> to vector<1xf32>
        %squeeze3A_1670 = vector.extract %slice3A_1669[0] : f32 from vector<1xf32>
        %sub3A_1671 = vector.broadcast %squeeze3A_1670 : f32 to vector<16xf32>
        %sub3A_1672 = arith.subf %sub3A_1671, %get3A_37 : vector<16xf32>
        %mul3A_1673 = arith.mulf %sub3A_1672, %sub3A_1672 : vector<16xf32>
        %slice3A_1674 = vector.extract_strided_slice %get3A_161 {offsets = [8], sizes = [1], strides = [1]} : vector<16xf32> to vector<1xf32>
        %squeeze3A_1675 = vector.extract %slice3A_1674[0] : f32 from vector<1xf32>
        %sub3A_1676 = vector.broadcast %squeeze3A_1675 : f32 to vector<16xf32>
        %sub3A_1677 = arith.subf %sub3A_1676, %get3A_69 : vector<16xf32>
        %mul3A_1678 = arith.mulf %sub3A_1677, %sub3A_1677 : vector<16xf32>
        %add3A_1679 = arith.addf %mul3A_1673, %mul3A_1678 : vector<16xf32>
        %slice3A_1680 = vector.extract_strided_slice %get3A_168 {offsets = [8], sizes = [1], strides = [1]} : vector<16xf32> to vector<1xf32>
        %squeeze3A_1681 = vector.extract %slice3A_1680[0] : f32 from vector<1xf32>
        %sub3A_1682 = vector.broadcast %squeeze3A_1681 : f32 to vector<16xf32>
        %sub3A_1683 = arith.subf %sub3A_1682, %get3A_101 : vector<16xf32>
        %mul3A_1684 = arith.mulf %sub3A_1683, %sub3A_1683 : vector<16xf32>
        %add3A_1685 = arith.addf %add3A_1679, %mul3A_1684 : vector<16xf32>
        %slice3A_1686 = vector.extract_strided_slice %get3A_175 {offsets = [8], sizes = [1], strides = [1]} : vector<16xf32> to vector<1xf32>
        %squeeze3A_1687 = vector.extract %slice3A_1686[0] : f32 from vector<1xf32>
        %sub3A_1688 = vector.broadcast %squeeze3A_1687 : f32 to vector<16xf32>
        %sub3A_1689 = arith.subf %sub3A_1688, %get3A_133 : vector<16xf32>
        %mul3A_1690 = arith.mulf %sub3A_1689, %sub3A_1689 : vector<16xf32>
        %add3A_1691 = arith.addf %add3A_1685, %mul3A_1690 : vector<16xf32>
        %add3A_1692 = arith.constant 32 : i32
        %add3A_1693 = vector.broadcast %add3A_1692 : i32 to vector<16xi32>
        %add3A_1694 = arith.addi %iota3A, %add3A_1693 : vector<16xi32>
        %masked_sort3A_1695 = arith.constant dense<true> : vector<16xi1>
        %masked_sort3A_1696, %masked_sort3A_1697, %masked_sort3A_1698 = tpu.sort %add3A_1691, %add3A_1694 masked %masked_sort3A_1695 : (vector<16xf32>, vector<16xi32>, vector<16xi1>) -> (vector<16xi1>, vector<16xf32>, vector<16xi32>)
        %slice3A_1699 = vector.extract_strided_slice %get3A_154 {offsets = [8], sizes = [1], strides = [1]} : vector<16xf32> to vector<1xf32>
        %squeeze3A_1700 = vector.extract %slice3A_1699[0] : f32 from vector<1xf32>
        %sub3A_1701 = vector.broadcast %squeeze3A_1700 : f32 to vector<16xf32>
        %sub3A_1702 = arith.subf %sub3A_1701, %get3A_45 : vector<16xf32>
        %mul3A_1703 = arith.mulf %sub3A_1702, %sub3A_1702 : vector<16xf32>
        %slice3A_1704 = vector.extract_strided_slice %get3A_161 {offsets = [8], sizes = [1], strides = [1]} : vector<16xf32> to vector<1xf32>
        %squeeze3A_1705 = vector.extract %slice3A_1704[0] : f32 from vector<1xf32>
        %sub3A_1706 = vector.broadcast %squeeze3A_1705 : f32 to vector<16xf32>
        %sub3A_1707 = arith.subf %sub3A_1706, %get3A_77 : vector<16xf32>
        %mul3A_1708 = arith.mulf %sub3A_1707, %sub3A_1707 : vector<16xf32>
        %add3A_1709 = arith.addf %mul3A_1703, %mul3A_1708 : vector<16xf32>
        %slice3A_1710 = vector.extract_strided_slice %get3A_168 {offsets = [8], sizes = [1], strides = [1]} : vector<16xf32> to vector<1xf32>
        %squeeze3A_1711 = vector.extract %slice3A_1710[0] : f32 from vector<1xf32>
        %sub3A_1712 = vector.broadcast %squeeze3A_1711 : f32 to vector<16xf32>
        %sub3A_1713 = arith.subf %sub3A_1712, %get3A_109 : vector<16xf32>
        %mul3A_1714 = arith.mulf %sub3A_1713, %sub3A_1713 : vector<16xf32>
        %add3A_1715 = arith.addf %add3A_1709, %mul3A_1714 : vector<16xf32>
        %slice3A_1716 = vector.extract_strided_slice %get3A_175 {offsets = [8], sizes = [1], strides = [1]} : vector<16xf32> to vector<1xf32>
        %squeeze3A_1717 = vector.extract %slice3A_1716[0] : f32 from vector<1xf32>
        %sub3A_1718 = vector.broadcast %squeeze3A_1717 : f32 to vector<16xf32>
        %sub3A_1719 = arith.subf %sub3A_1718, %get3A_141 : vector<16xf32>
        %mul3A_1720 = arith.mulf %sub3A_1719, %sub3A_1719 : vector<16xf32>
        %add3A_1721 = arith.addf %add3A_1715, %mul3A_1720 : vector<16xf32>
        %add3A_1722 = arith.constant 48 : i32
        %add3A_1723 = vector.broadcast %add3A_1722 : i32 to vector<16xi32>
        %add3A_1724 = arith.addi %iota3A, %add3A_1723 : vector<16xi32>
        %masked_sort3A_1725 = arith.constant dense<true> : vector<16xi1>
        %masked_sort3A_1726, %masked_sort3A_1727, %masked_sort3A_1728 = tpu.sort %add3A_1721, %add3A_1724 masked %masked_sort3A_1725 : (vector<16xf32>, vector<16xi32>, vector<16xi1>) -> (vector<16xi1>, vector<16xf32>, vector<16xi32>)
        %rev3A_1729 = arith.constant 15 : i32
        %rev3A_1730 = vector.broadcast %rev3A_1729 : i32 to vector<16xi32>
        %rev3A_1731 = tpu.iota {dimensions = array<i32: 0>} : vector<16xi32>
        %rev3A_1732 = arith.subi %rev3A_1730, %rev3A_1731 : vector<16xi32>
        %rev3A_1733 = tpu.dynamic_gather %masked_sort3A_1667[%rev3A_1732] in [0] : vector<16xf32>, vector<16xi32> -> vector<16xf32>
        %rev3A_1734 = arith.constant 15 : i32
        %rev3A_1735 = vector.broadcast %rev3A_1734 : i32 to vector<16xi32>
        %rev3A_1736 = tpu.iota {dimensions = array<i32: 0>} : vector<16xi32>
        %rev3A_1737 = arith.subi %rev3A_1735, %rev3A_1736 : vector<16xi32>
        %rev3A_1738 = tpu.dynamic_gather %masked_sort3A_1668[%rev3A_1737] in [0] : vector<16xi32>, vector<16xi32> -> vector<16xi32>
        %le3A_1739 = arith.cmpf ole, %masked_sort3A_1637, %rev3A_1733 : vector<16xf32>
        %select_n3A_1740 = arith.select %le3A_1739, %masked_sort3A_1637, %rev3A_1733 : vector<16xi1>, vector<16xf32>
        %select_n3A_1741 = arith.select %le3A_1739, %masked_sort3A_1638, %rev3A_1738 : vector<16xi1>, vector<16xi32>
        %masked_sort3A_1742 = arith.constant dense<true> : vector<16xi1>
        %masked_sort3A_1743, %masked_sort3A_1744, %masked_sort3A_1745 = tpu.sort %select_n3A_1740, %select_n3A_1741 masked %masked_sort3A_1742 : (vector<16xf32>, vector<16xi32>, vector<16xi1>) -> (vector<16xi1>, vector<16xf32>, vector<16xi32>)
        %rev3A_1746 = arith.constant 15 : i32
        %rev3A_1747 = vector.broadcast %rev3A_1746 : i32 to vector<16xi32>
        %rev3A_1748 = tpu.iota {dimensions = array<i32: 0>} : vector<16xi32>
        %rev3A_1749 = arith.subi %rev3A_1747, %rev3A_1748 : vector<16xi32>
        %rev3A_1750 = tpu.dynamic_gather %masked_sort3A_1727[%rev3A_1749] in [0] : vector<16xf32>, vector<16xi32> -> vector<16xf32>
        %rev3A_1751 = arith.constant 15 : i32
        %rev3A_1752 = vector.broadcast %rev3A_1751 : i32 to vector<16xi32>
        %rev3A_1753 = tpu.iota {dimensions = array<i32: 0>} : vector<16xi32>
        %rev3A_1754 = arith.subi %rev3A_1752, %rev3A_1753 : vector<16xi32>
        %rev3A_1755 = tpu.dynamic_gather %masked_sort3A_1728[%rev3A_1754] in [0] : vector<16xi32>, vector<16xi32> -> vector<16xi32>
        %le3A_1756 = arith.cmpf ole, %masked_sort3A_1697, %rev3A_1750 : vector<16xf32>
        %select_n3A_1757 = arith.select %le3A_1756, %masked_sort3A_1697, %rev3A_1750 : vector<16xi1>, vector<16xf32>
        %select_n3A_1758 = arith.select %le3A_1756, %masked_sort3A_1698, %rev3A_1755 : vector<16xi1>, vector<16xi32>
        %masked_sort3A_1759 = arith.constant dense<true> : vector<16xi1>
        %masked_sort3A_1760, %masked_sort3A_1761, %masked_sort3A_1762 = tpu.sort %select_n3A_1757, %select_n3A_1758 masked %masked_sort3A_1759 : (vector<16xf32>, vector<16xi32>, vector<16xi1>) -> (vector<16xi1>, vector<16xf32>, vector<16xi32>)
        %rev3A_1763 = arith.constant 15 : i32
        %rev3A_1764 = vector.broadcast %rev3A_1763 : i32 to vector<16xi32>
        %rev3A_1765 = tpu.iota {dimensions = array<i32: 0>} : vector<16xi32>
        %rev3A_1766 = arith.subi %rev3A_1764, %rev3A_1765 : vector<16xi32>
        %rev3A_1767 = tpu.dynamic_gather %masked_sort3A_1761[%rev3A_1766] in [0] : vector<16xf32>, vector<16xi32> -> vector<16xf32>
        %rev3A_1768 = arith.constant 15 : i32
        %rev3A_1769 = vector.broadcast %rev3A_1768 : i32 to vector<16xi32>
        %rev3A_1770 = tpu.iota {dimensions = array<i32: 0>} : vector<16xi32>
        %rev3A_1771 = arith.subi %rev3A_1769, %rev3A_1770 : vector<16xi32>
        %rev3A_1772 = tpu.dynamic_gather %masked_sort3A_1762[%rev3A_1771] in [0] : vector<16xi32>, vector<16xi32> -> vector<16xi32>
        %le3A_1773 = arith.cmpf ole, %masked_sort3A_1744, %rev3A_1767 : vector<16xf32>
        %select_n3A_1774 = arith.select %le3A_1773, %masked_sort3A_1744, %rev3A_1767 : vector<16xi1>, vector<16xf32>
        %select_n3A_1775 = arith.select %le3A_1773, %masked_sort3A_1745, %rev3A_1772 : vector<16xi1>, vector<16xi32>
        %masked_sort3A_1776 = arith.constant dense<true> : vector<16xi1>
        %masked_sort3A_1777, %masked_sort3A_1778, %masked_sort3A_1779 = tpu.sort %select_n3A_1774, %select_n3A_1775 masked %masked_sort3A_1776 : (vector<16xf32>, vector<16xi32>, vector<16xi1>) -> (vector<16xi1>, vector<16xf32>, vector<16xi32>)
        %mul3A_1780 = arith.constant 64 : i32
        %mul3A_1781 = vector.broadcast %mul3A_1780 : i32 to vector<16xi32>
        %mul3A_1782 = arith.muli %iota3A, %mul3A_1781 : vector<16xi32>
        %mul3A_1783 = arith.constant 16 : i32
        %mul3A_1784 = arith.muli %scan3A_147, %mul3A_1783 : i32
        %add3A_1785 = arith.constant 8 : i32
        %add3A_1786 = arith.addi %mul3A_1784, %add3A_1785 : i32
        %add3A_1787 = vector.broadcast %add3A_1786 : i32 to vector<16xi32>
        %add3A_1788 = arith.addi %mul3A_1782, %add3A_1787 : vector<16xi32>
        tpu.vector_store_idx %arg5[%broadcast_in_dim3A, %add3A_1788], %masked_sort3A_1779 : memref<8x1024xi32, #tpu.memory_space<vmem>>[vector<16xi32>, vector<16xi32>], vector<16xi32>,
        %slice3A_1789 = vector.extract_strided_slice %get3A_154 {offsets = [9], sizes = [1], strides = [1]} : vector<16xf32> to vector<1xf32>
        %squeeze3A_1790 = vector.extract %slice3A_1789[0] : f32 from vector<1xf32>
        %sub3A_1791 = vector.broadcast %squeeze3A_1790 : f32 to vector<16xf32>
        %sub3A_1792 = arith.subf %sub3A_1791, %get3A_21 : vector<16xf32>
        %mul3A_1793 = arith.mulf %sub3A_1792, %sub3A_1792 : vector<16xf32>
        %slice3A_1794 = vector.extract_strided_slice %get3A_161 {offsets = [9], sizes = [1], strides = [1]} : vector<16xf32> to vector<1xf32>
        %squeeze3A_1795 = vector.extract %slice3A_1794[0] : f32 from vector<1xf32>
        %sub3A_1796 = vector.broadcast %squeeze3A_1795 : f32 to vector<16xf32>
        %sub3A_1797 = arith.subf %sub3A_1796, %get3A_53 : vector<16xf32>
        %mul3A_1798 = arith.mulf %sub3A_1797, %sub3A_1797 : vector<16xf32>
        %add3A_1799 = arith.addf %mul3A_1793, %mul3A_1798 : vector<16xf32>
        %slice3A_1800 = vector.extract_strided_slice %get3A_168 {offsets = [9], sizes = [1], strides = [1]} : vector<16xf32> to vector<1xf32>
        %squeeze3A_1801 = vector.extract %slice3A_1800[0] : f32 from vector<1xf32>
        %sub3A_1802 = vector.broadcast %squeeze3A_1801 : f32 to vector<16xf32>
        %sub3A_1803 = arith.subf %sub3A_1802, %get3A_85 : vector<16xf32>
        %mul3A_1804 = arith.mulf %sub3A_1803, %sub3A_1803 : vector<16xf32>
        %add3A_1805 = arith.addf %add3A_1799, %mul3A_1804 : vector<16xf32>
        %slice3A_1806 = vector.extract_strided_slice %get3A_175 {offsets = [9], sizes = [1], strides = [1]} : vector<16xf32> to vector<1xf32>
        %squeeze3A_1807 = vector.extract %slice3A_1806[0] : f32 from vector<1xf32>
        %sub3A_1808 = vector.broadcast %squeeze3A_1807 : f32 to vector<16xf32>
        %sub3A_1809 = arith.subf %sub3A_1808, %get3A_117 : vector<16xf32>
        %mul3A_1810 = arith.mulf %sub3A_1809, %sub3A_1809 : vector<16xf32>
        %add3A_1811 = arith.addf %add3A_1805, %mul3A_1810 : vector<16xf32>
        %add3A_1812 = arith.constant 0 : i32
        %add3A_1813 = vector.broadcast %add3A_1812 : i32 to vector<16xi32>
        %add3A_1814 = arith.addi %iota3A, %add3A_1813 : vector<16xi32>
        %masked_sort3A_1815 = arith.constant dense<true> : vector<16xi1>
        %masked_sort3A_1816, %masked_sort3A_1817, %masked_sort3A_1818 = tpu.sort %add3A_1811, %add3A_1814 masked %masked_sort3A_1815 : (vector<16xf32>, vector<16xi32>, vector<16xi1>) -> (vector<16xi1>, vector<16xf32>, vector<16xi32>)
        %slice3A_1819 = vector.extract_strided_slice %get3A_154 {offsets = [9], sizes = [1], strides = [1]} : vector<16xf32> to vector<1xf32>
        %squeeze3A_1820 = vector.extract %slice3A_1819[0] : f32 from vector<1xf32>
        %sub3A_1821 = vector.broadcast %squeeze3A_1820 : f32 to vector<16xf32>
        %sub3A_1822 = arith.subf %sub3A_1821, %get3A_29 : vector<16xf32>
        %mul3A_1823 = arith.mulf %sub3A_1822, %sub3A_1822 : vector<16xf32>
        %slice3A_1824 = vector.extract_strided_slice %get3A_161 {offsets = [9], sizes = [1], strides = [1]} : vector<16xf32> to vector<1xf32>
        %squeeze3A_1825 = vector.extract %slice3A_1824[0] : f32 from vector<1xf32>
        %sub3A_1826 = vector.broadcast %squeeze3A_1825 : f32 to vector<16xf32>
        %sub3A_1827 = arith.subf %sub3A_1826, %get3A_61 : vector<16xf32>
        %mul3A_1828 = arith.mulf %sub3A_1827, %sub3A_1827 : vector<16xf32>
        %add3A_1829 = arith.addf %mul3A_1823, %mul3A_1828 : vector<16xf32>
        %slice3A_1830 = vector.extract_strided_slice %get3A_168 {offsets = [9], sizes = [1], strides = [1]} : vector<16xf32> to vector<1xf32>
        %squeeze3A_1831 = vector.extract %slice3A_1830[0] : f32 from vector<1xf32>
        %sub3A_1832 = vector.broadcast %squeeze3A_1831 : f32 to vector<16xf32>
        %sub3A_1833 = arith.subf %sub3A_1832, %get3A_93 : vector<16xf32>
        %mul3A_1834 = arith.mulf %sub3A_1833, %sub3A_1833 : vector<16xf32>
        %add3A_1835 = arith.addf %add3A_1829, %mul3A_1834 : vector<16xf32>
        %slice3A_1836 = vector.extract_strided_slice %get3A_175 {offsets = [9], sizes = [1], strides = [1]} : vector<16xf32> to vector<1xf32>
        %squeeze3A_1837 = vector.extract %slice3A_1836[0] : f32 from vector<1xf32>
        %sub3A_1838 = vector.broadcast %squeeze3A_1837 : f32 to vector<16xf32>
        %sub3A_1839 = arith.subf %sub3A_1838, %get3A_125 : vector<16xf32>
        %mul3A_1840 = arith.mulf %sub3A_1839, %sub3A_1839 : vector<16xf32>
        %add3A_1841 = arith.addf %add3A_1835, %mul3A_1840 : vector<16xf32>
        %add3A_1842 = arith.constant 16 : i32
        %add3A_1843 = vector.broadcast %add3A_1842 : i32 to vector<16xi32>
        %add3A_1844 = arith.addi %iota3A, %add3A_1843 : vector<16xi32>
        %masked_sort3A_1845 = arith.constant dense<true> : vector<16xi1>
        %masked_sort3A_1846, %masked_sort3A_1847, %masked_sort3A_1848 = tpu.sort %add3A_1841, %add3A_1844 masked %masked_sort3A_1845 : (vector<16xf32>, vector<16xi32>, vector<16xi1>) -> (vector<16xi1>, vector<16xf32>, vector<16xi32>)
        %slice3A_1849 = vector.extract_strided_slice %get3A_154 {offsets = [9], sizes = [1], strides = [1]} : vector<16xf32> to vector<1xf32>
        %squeeze3A_1850 = vector.extract %slice3A_1849[0] : f32 from vector<1xf32>
        %sub3A_1851 = vector.broadcast %squeeze3A_1850 : f32 to vector<16xf32>
        %sub3A_1852 = arith.subf %sub3A_1851, %get3A_37 : vector<16xf32>
        %mul3A_1853 = arith.mulf %sub3A_1852, %sub3A_1852 : vector<16xf32>
        %slice3A_1854 = vector.extract_strided_slice %get3A_161 {offsets = [9], sizes = [1], strides = [1]} : vector<16xf32> to vector<1xf32>
        %squeeze3A_1855 = vector.extract %slice3A_1854[0] : f32 from vector<1xf32>
        %sub3A_1856 = vector.broadcast %squeeze3A_1855 : f32 to vector<16xf32>
        %sub3A_1857 = arith.subf %sub3A_1856, %get3A_69 : vector<16xf32>
        %mul3A_1858 = arith.mulf %sub3A_1857, %sub3A_1857 : vector<16xf32>
        %add3A_1859 = arith.addf %mul3A_1853, %mul3A_1858 : vector<16xf32>
        %slice3A_1860 = vector.extract_strided_slice %get3A_168 {offsets = [9], sizes = [1], strides = [1]} : vector<16xf32> to vector<1xf32>
        %squeeze3A_1861 = vector.extract %slice3A_1860[0] : f32 from vector<1xf32>
        %sub3A_1862 = vector.broadcast %squeeze3A_1861 : f32 to vector<16xf32>
        %sub3A_1863 = arith.subf %sub3A_1862, %get3A_101 : vector<16xf32>
        %mul3A_1864 = arith.mulf %sub3A_1863, %sub3A_1863 : vector<16xf32>
        %add3A_1865 = arith.addf %add3A_1859, %mul3A_1864 : vector<16xf32>
        %slice3A_1866 = vector.extract_strided_slice %get3A_175 {offsets = [9], sizes = [1], strides = [1]} : vector<16xf32> to vector<1xf32>
        %squeeze3A_1867 = vector.extract %slice3A_1866[0] : f32 from vector<1xf32>
        %sub3A_1868 = vector.broadcast %squeeze3A_1867 : f32 to vector<16xf32>
        %sub3A_1869 = arith.subf %sub3A_1868, %get3A_133 : vector<16xf32>
        %mul3A_1870 = arith.mulf %sub3A_1869, %sub3A_1869 : vector<16xf32>
        %add3A_1871 = arith.addf %add3A_1865, %mul3A_1870 : vector<16xf32>
        %add3A_1872 = arith.constant 32 : i32
        %add3A_1873 = vector.broadcast %add3A_1872 : i32 to vector<16xi32>
        %add3A_1874 = arith.addi %iota3A, %add3A_1873 : vector<16xi32>
        %masked_sort3A_1875 = arith.constant dense<true> : vector<16xi1>
        %masked_sort3A_1876, %masked_sort3A_1877, %masked_sort3A_1878 = tpu.sort %add3A_1871, %add3A_1874 masked %masked_sort3A_1875 : (vector<16xf32>, vector<16xi32>, vector<16xi1>) -> (vector<16xi1>, vector<16xf32>, vector<16xi32>)
        %slice3A_1879 = vector.extract_strided_slice %get3A_154 {offsets = [9], sizes = [1], strides = [1]} : vector<16xf32> to vector<1xf32>
        %squeeze3A_1880 = vector.extract %slice3A_1879[0] : f32 from vector<1xf32>
        %sub3A_1881 = vector.broadcast %squeeze3A_1880 : f32 to vector<16xf32>
        %sub3A_1882 = arith.subf %sub3A_1881, %get3A_45 : vector<16xf32>
        %mul3A_1883 = arith.mulf %sub3A_1882, %sub3A_1882 : vector<16xf32>
        %slice3A_1884 = vector.extract_strided_slice %get3A_161 {offsets = [9], sizes = [1], strides = [1]} : vector<16xf32> to vector<1xf32>
        %squeeze3A_1885 = vector.extract %slice3A_1884[0] : f32 from vector<1xf32>
        %sub3A_1886 = vector.broadcast %squeeze3A_1885 : f32 to vector<16xf32>
        %sub3A_1887 = arith.subf %sub3A_1886, %get3A_77 : vector<16xf32>
        %mul3A_1888 = arith.mulf %sub3A_1887, %sub3A_1887 : vector<16xf32>
        %add3A_1889 = arith.addf %mul3A_1883, %mul3A_1888 : vector<16xf32>
        %slice3A_1890 = vector.extract_strided_slice %get3A_168 {offsets = [9], sizes = [1], strides = [1]} : vector<16xf32> to vector<1xf32>
        %squeeze3A_1891 = vector.extract %slice3A_1890[0] : f32 from vector<1xf32>
        %sub3A_1892 = vector.broadcast %squeeze3A_1891 : f32 to vector<16xf32>
        %sub3A_1893 = arith.subf %sub3A_1892, %get3A_109 : vector<16xf32>
        %mul3A_1894 = arith.mulf %sub3A_1893, %sub3A_1893 : vector<16xf32>
        %add3A_1895 = arith.addf %add3A_1889, %mul3A_1894 : vector<16xf32>
        %slice3A_1896 = vector.extract_strided_slice %get3A_175 {offsets = [9], sizes = [1], strides = [1]} : vector<16xf32> to vector<1xf32>
        %squeeze3A_1897 = vector.extract %slice3A_1896[0] : f32 from vector<1xf32>
        %sub3A_1898 = vector.broadcast %squeeze3A_1897 : f32 to vector<16xf32>
        %sub3A_1899 = arith.subf %sub3A_1898, %get3A_141 : vector<16xf32>
        %mul3A_1900 = arith.mulf %sub3A_1899, %sub3A_1899 : vector<16xf32>
        %add3A_1901 = arith.addf %add3A_1895, %mul3A_1900 : vector<16xf32>
        %add3A_1902 = arith.constant 48 : i32
        %add3A_1903 = vector.broadcast %add3A_1902 : i32 to vector<16xi32>
        %add3A_1904 = arith.addi %iota3A, %add3A_1903 : vector<16xi32>
        %masked_sort3A_1905 = arith.constant dense<true> : vector<16xi1>
        %masked_sort3A_1906, %masked_sort3A_1907, %masked_sort3A_1908 = tpu.sort %add3A_1901, %add3A_1904 masked %masked_sort3A_1905 : (vector<16xf32>, vector<16xi32>, vector<16xi1>) -> (vector<16xi1>, vector<16xf32>, vector<16xi32>)
        %rev3A_1909 = arith.constant 15 : i32
        %rev3A_1910 = vector.broadcast %rev3A_1909 : i32 to vector<16xi32>
        %rev3A_1911 = tpu.iota {dimensions = array<i32: 0>} : vector<16xi32>
        %rev3A_1912 = arith.subi %rev3A_1910, %rev3A_1911 : vector<16xi32>
        %rev3A_1913 = tpu.dynamic_gather %masked_sort3A_1847[%rev3A_1912] in [0] : vector<16xf32>, vector<16xi32> -> vector<16xf32>
        %rev3A_1914 = arith.constant 15 : i32
        %rev3A_1915 = vector.broadcast %rev3A_1914 : i32 to vector<16xi32>
        %rev3A_1916 = tpu.iota {dimensions = array<i32: 0>} : vector<16xi32>
        %rev3A_1917 = arith.subi %rev3A_1915, %rev3A_1916 : vector<16xi32>
        %rev3A_1918 = tpu.dynamic_gather %masked_sort3A_1848[%rev3A_1917] in [0] : vector<16xi32>, vector<16xi32> -> vector<16xi32>
        %le3A_1919 = arith.cmpf ole, %masked_sort3A_1817, %rev3A_1913 : vector<16xf32>
        %select_n3A_1920 = arith.select %le3A_1919, %masked_sort3A_1817, %rev3A_1913 : vector<16xi1>, vector<16xf32>
        %select_n3A_1921 = arith.select %le3A_1919, %masked_sort3A_1818, %rev3A_1918 : vector<16xi1>, vector<16xi32>
        %masked_sort3A_1922 = arith.constant dense<true> : vector<16xi1>
        %masked_sort3A_1923, %masked_sort3A_1924, %masked_sort3A_1925 = tpu.sort %select_n3A_1920, %select_n3A_1921 masked %masked_sort3A_1922 : (vector<16xf32>, vector<16xi32>, vector<16xi1>) -> (vector<16xi1>, vector<16xf32>, vector<16xi32>)
        %rev3A_1926 = arith.constant 15 : i32
        %rev3A_1927 = vector.broadcast %rev3A_1926 : i32 to vector<16xi32>
        %rev3A_1928 = tpu.iota {dimensions = array<i32: 0>} : vector<16xi32>
        %rev3A_1929 = arith.subi %rev3A_1927, %rev3A_1928 : vector<16xi32>
        %rev3A_1930 = tpu.dynamic_gather %masked_sort3A_1907[%rev3A_1929] in [0] : vector<16xf32>, vector<16xi32> -> vector<16xf32>
        %rev3A_1931 = arith.constant 15 : i32
        %rev3A_1932 = vector.broadcast %rev3A_1931 : i32 to vector<16xi32>
        %rev3A_1933 = tpu.iota {dimensions = array<i32: 0>} : vector<16xi32>
        %rev3A_1934 = arith.subi %rev3A_1932, %rev3A_1933 : vector<16xi32>
        %rev3A_1935 = tpu.dynamic_gather %masked_sort3A_1908[%rev3A_1934] in [0] : vector<16xi32>, vector<16xi32> -> vector<16xi32>
        %le3A_1936 = arith.cmpf ole, %masked_sort3A_1877, %rev3A_1930 : vector<16xf32>
        %select_n3A_1937 = arith.select %le3A_1936, %masked_sort3A_1877, %rev3A_1930 : vector<16xi1>, vector<16xf32>
        %select_n3A_1938 = arith.select %le3A_1936, %masked_sort3A_1878, %rev3A_1935 : vector<16xi1>, vector<16xi32>
        %masked_sort3A_1939 = arith.constant dense<true> : vector<16xi1>
        %masked_sort3A_1940, %masked_sort3A_1941, %masked_sort3A_1942 = tpu.sort %select_n3A_1937, %select_n3A_1938 masked %masked_sort3A_1939 : (vector<16xf32>, vector<16xi32>, vector<16xi1>) -> (vector<16xi1>, vector<16xf32>, vector<16xi32>)
        %rev3A_1943 = arith.constant 15 : i32
        %rev3A_1944 = vector.broadcast %rev3A_1943 : i32 to vector<16xi32>
        %rev3A_1945 = tpu.iota {dimensions = array<i32: 0>} : vector<16xi32>
        %rev3A_1946 = arith.subi %rev3A_1944, %rev3A_1945 : vector<16xi32>
        %rev3A_1947 = tpu.dynamic_gather %masked_sort3A_1941[%rev3A_1946] in [0] : vector<16xf32>, vector<16xi32> -> vector<16xf32>
        %rev3A_1948 = arith.constant 15 : i32
        %rev3A_1949 = vector.broadcast %rev3A_1948 : i32 to vector<16xi32>
        %rev3A_1950 = tpu.iota {dimensions = array<i32: 0>} : vector<16xi32>
        %rev3A_1951 = arith.subi %rev3A_1949, %rev3A_1950 : vector<16xi32>
        %rev3A_1952 = tpu.dynamic_gather %masked_sort3A_1942[%rev3A_1951] in [0] : vector<16xi32>, vector<16xi32> -> vector<16xi32>
        %le3A_1953 = arith.cmpf ole, %masked_sort3A_1924, %rev3A_1947 : vector<16xf32>
        %select_n3A_1954 = arith.select %le3A_1953, %masked_sort3A_1924, %rev3A_1947 : vector<16xi1>, vector<16xf32>
        %select_n3A_1955 = arith.select %le3A_1953, %masked_sort3A_1925, %rev3A_1952 : vector<16xi1>, vector<16xi32>
        %masked_sort3A_1956 = arith.constant dense<true> : vector<16xi1>
        %masked_sort3A_1957, %masked_sort3A_1958, %masked_sort3A_1959 = tpu.sort %select_n3A_1954, %select_n3A_1955 masked %masked_sort3A_1956 : (vector<16xf32>, vector<16xi32>, vector<16xi1>) -> (vector<16xi1>, vector<16xf32>, vector<16xi32>)
        %mul3A_1960 = arith.constant 64 : i32
        %mul3A_1961 = vector.broadcast %mul3A_1960 : i32 to vector<16xi32>
        %mul3A_1962 = arith.muli %iota3A, %mul3A_1961 : vector<16xi32>
        %mul3A_1963 = arith.constant 16 : i32
        %mul3A_1964 = arith.muli %scan3A_147, %mul3A_1963 : i32
        %add3A_1965 = arith.constant 9 : i32
        %add3A_1966 = arith.addi %mul3A_1964, %add3A_1965 : i32
        %add3A_1967 = vector.broadcast %add3A_1966 : i32 to vector<16xi32>
        %add3A_1968 = arith.addi %mul3A_1962, %add3A_1967 : vector<16xi32>
        tpu.vector_store_idx %arg5[%broadcast_in_dim3A, %add3A_1968], %masked_sort3A_1959 : memref<8x1024xi32, #tpu.memory_space<vmem>>[vector<16xi32>, vector<16xi32>], vector<16xi32>,
        %slice3A_1969 = vector.extract_strided_slice %get3A_154 {offsets = [10], sizes = [1], strides = [1]} : vector<16xf32> to vector<1xf32>
        %squeeze3A_1970 = vector.extract %slice3A_1969[0] : f32 from vector<1xf32>
        %sub3A_1971 = vector.broadcast %squeeze3A_1970 : f32 to vector<16xf32>
        %sub3A_1972 = arith.subf %sub3A_1971, %get3A_21 : vector<16xf32>
        %mul3A_1973 = arith.mulf %sub3A_1972, %sub3A_1972 : vector<16xf32>
        %slice3A_1974 = vector.extract_strided_slice %get3A_161 {offsets = [10], sizes = [1], strides = [1]} : vector<16xf32> to vector<1xf32>
        %squeeze3A_1975 = vector.extract %slice3A_1974[0] : f32 from vector<1xf32>
        %sub3A_1976 = vector.broadcast %squeeze3A_1975 : f32 to vector<16xf32>
        %sub3A_1977 = arith.subf %sub3A_1976, %get3A_53 : vector<16xf32>
        %mul3A_1978 = arith.mulf %sub3A_1977, %sub3A_1977 : vector<16xf32>
        %add3A_1979 = arith.addf %mul3A_1973, %mul3A_1978 : vector<16xf32>
        %slice3A_1980 = vector.extract_strided_slice %get3A_168 {offsets = [10], sizes = [1], strides = [1]} : vector<16xf32> to vector<1xf32>
        %squeeze3A_1981 = vector.extract %slice3A_1980[0] : f32 from vector<1xf32>
        %sub3A_1982 = vector.broadcast %squeeze3A_1981 : f32 to vector<16xf32>
        %sub3A_1983 = arith.subf %sub3A_1982, %get3A_85 : vector<16xf32>
        %mul3A_1984 = arith.mulf %sub3A_1983, %sub3A_1983 : vector<16xf32>
        %add3A_1985 = arith.addf %add3A_1979, %mul3A_1984 : vector<16xf32>
        %slice3A_1986 = vector.extract_strided_slice %get3A_175 {offsets = [10], sizes = [1], strides = [1]} : vector<16xf32> to vector<1xf32>
        %squeeze3A_1987 = vector.extract %slice3A_1986[0] : f32 from vector<1xf32>
        %sub3A_1988 = vector.broadcast %squeeze3A_1987 : f32 to vector<16xf32>
        %sub3A_1989 = arith.subf %sub3A_1988, %get3A_117 : vector<16xf32>
        %mul3A_1990 = arith.mulf %sub3A_1989, %sub3A_1989 : vector<16xf32>
        %add3A_1991 = arith.addf %add3A_1985, %mul3A_1990 : vector<16xf32>
        %add3A_1992 = arith.constant 0 : i32
        %add3A_1993 = vector.broadcast %add3A_1992 : i32 to vector<16xi32>
        %add3A_1994 = arith.addi %iota3A, %add3A_1993 : vector<16xi32>
        %masked_sort3A_1995 = arith.constant dense<true> : vector<16xi1>
        %masked_sort3A_1996, %masked_sort3A_1997, %masked_sort3A_1998 = tpu.sort %add3A_1991, %add3A_1994 masked %masked_sort3A_1995 : (vector<16xf32>, vector<16xi32>, vector<16xi1>) -> (vector<16xi1>, vector<16xf32>, vector<16xi32>)
        %slice3A_1999 = vector.extract_strided_slice %get3A_154 {offsets = [10], sizes = [1], strides = [1]} : vector<16xf32> to vector<1xf32>
        %squeeze3A_2000 = vector.extract %slice3A_1999[0] : f32 from vector<1xf32>
        %sub3A_2001 = vector.broadcast %squeeze3A_2000 : f32 to vector<16xf32>
        %sub3A_2002 = arith.subf %sub3A_2001, %get3A_29 : vector<16xf32>
        %mul3A_2003 = arith.mulf %sub3A_2002, %sub3A_2002 : vector<16xf32>
        %slice3A_2004 = vector.extract_strided_slice %get3A_161 {offsets = [10], sizes = [1], strides = [1]} : vector<16xf32> to vector<1xf32>
        %squeeze3A_2005 = vector.extract %slice3A_2004[0] : f32 from vector<1xf32>
        %sub3A_2006 = vector.broadcast %squeeze3A_2005 : f32 to vector<16xf32>
        %sub3A_2007 = arith.subf %sub3A_2006, %get3A_61 : vector<16xf32>
        %mul3A_2008 = arith.mulf %sub3A_2007, %sub3A_2007 : vector<16xf32>
        %add3A_2009 = arith.addf %mul3A_2003, %mul3A_2008 : vector<16xf32>
        %slice3A_2010 = vector.extract_strided_slice %get3A_168 {offsets = [10], sizes = [1], strides = [1]} : vector<16xf32> to vector<1xf32>
        %squeeze3A_2011 = vector.extract %slice3A_2010[0] : f32 from vector<1xf32>
        %sub3A_2012 = vector.broadcast %squeeze3A_2011 : f32 to vector<16xf32>
        %sub3A_2013 = arith.subf %sub3A_2012, %get3A_93 : vector<16xf32>
        %mul3A_2014 = arith.mulf %sub3A_2013, %sub3A_2013 : vector<16xf32>
        %add3A_2015 = arith.addf %add3A_2009, %mul3A_2014 : vector<16xf32>
        %slice3A_2016 = vector.extract_strided_slice %get3A_175 {offsets = [10], sizes = [1], strides = [1]} : vector<16xf32> to vector<1xf32>
        %squeeze3A_2017 = vector.extract %slice3A_2016[0] : f32 from vector<1xf32>
        %sub3A_2018 = vector.broadcast %squeeze3A_2017 : f32 to vector<16xf32>
        %sub3A_2019 = arith.subf %sub3A_2018, %get3A_125 : vector<16xf32>
        %mul3A_2020 = arith.mulf %sub3A_2019, %sub3A_2019 : vector<16xf32>
        %add3A_2021 = arith.addf %add3A_2015, %mul3A_2020 : vector<16xf32>
        %add3A_2022 = arith.constant 16 : i32
        %add3A_2023 = vector.broadcast %add3A_2022 : i32 to vector<16xi32>
        %add3A_2024 = arith.addi %iota3A, %add3A_2023 : vector<16xi32>
        %masked_sort3A_2025 = arith.constant dense<true> : vector<16xi1>
        %masked_sort3A_2026, %masked_sort3A_2027, %masked_sort3A_2028 = tpu.sort %add3A_2021, %add3A_2024 masked %masked_sort3A_2025 : (vector<16xf32>, vector<16xi32>, vector<16xi1>) -> (vector<16xi1>, vector<16xf32>, vector<16xi32>)
        %slice3A_2029 = vector.extract_strided_slice %get3A_154 {offsets = [10], sizes = [1], strides = [1]} : vector<16xf32> to vector<1xf32>
        %squeeze3A_2030 = vector.extract %slice3A_2029[0] : f32 from vector<1xf32>
        %sub3A_2031 = vector.broadcast %squeeze3A_2030 : f32 to vector<16xf32>
        %sub3A_2032 = arith.subf %sub3A_2031, %get3A_37 : vector<16xf32>
        %mul3A_2033 = arith.mulf %sub3A_2032, %sub3A_2032 : vector<16xf32>
        %slice3A_2034 = vector.extract_strided_slice %get3A_161 {offsets = [10], sizes = [1], strides = [1]} : vector<16xf32> to vector<1xf32>
        %squeeze3A_2035 = vector.extract %slice3A_2034[0] : f32 from vector<1xf32>
        %sub3A_2036 = vector.broadcast %squeeze3A_2035 : f32 to vector<16xf32>
        %sub3A_2037 = arith.subf %sub3A_2036, %get3A_69 : vector<16xf32>
        %mul3A_2038 = arith.mulf %sub3A_2037, %sub3A_2037 : vector<16xf32>
        %add3A_2039 = arith.addf %mul3A_2033, %mul3A_2038 : vector<16xf32>
        %slice3A_2040 = vector.extract_strided_slice %get3A_168 {offsets = [10], sizes = [1], strides = [1]} : vector<16xf32> to vector<1xf32>
        %squeeze3A_2041 = vector.extract %slice3A_2040[0] : f32 from vector<1xf32>
        %sub3A_2042 = vector.broadcast %squeeze3A_2041 : f32 to vector<16xf32>
        %sub3A_2043 = arith.subf %sub3A_2042, %get3A_101 : vector<16xf32>
        %mul3A_2044 = arith.mulf %sub3A_2043, %sub3A_2043 : vector<16xf32>
        %add3A_2045 = arith.addf %add3A_2039, %mul3A_2044 : vector<16xf32>
        %slice3A_2046 = vector.extract_strided_slice %get3A_175 {offsets = [10], sizes = [1], strides = [1]} : vector<16xf32> to vector<1xf32>
        %squeeze3A_2047 = vector.extract %slice3A_2046[0] : f32 from vector<1xf32>
        %sub3A_2048 = vector.broadcast %squeeze3A_2047 : f32 to vector<16xf32>
        %sub3A_2049 = arith.subf %sub3A_2048, %get3A_133 : vector<16xf32>
        %mul3A_2050 = arith.mulf %sub3A_2049, %sub3A_2049 : vector<16xf32>
        %add3A_2051 = arith.addf %add3A_2045, %mul3A_2050 : vector<16xf32>
        %add3A_2052 = arith.constant 32 : i32
        %add3A_2053 = vector.broadcast %add3A_2052 : i32 to vector<16xi32>
        %add3A_2054 = arith.addi %iota3A, %add3A_2053 : vector<16xi32>
        %masked_sort3A_2055 = arith.constant dense<true> : vector<16xi1>
        %masked_sort3A_2056, %masked_sort3A_2057, %masked_sort3A_2058 = tpu.sort %add3A_2051, %add3A_2054 masked %masked_sort3A_2055 : (vector<16xf32>, vector<16xi32>, vector<16xi1>) -> (vector<16xi1>, vector<16xf32>, vector<16xi32>)
        %slice3A_2059 = vector.extract_strided_slice %get3A_154 {offsets = [10], sizes = [1], strides = [1]} : vector<16xf32> to vector<1xf32>
        %squeeze3A_2060 = vector.extract %slice3A_2059[0] : f32 from vector<1xf32>
        %sub3A_2061 = vector.broadcast %squeeze3A_2060 : f32 to vector<16xf32>
        %sub3A_2062 = arith.subf %sub3A_2061, %get3A_45 : vector<16xf32>
        %mul3A_2063 = arith.mulf %sub3A_2062, %sub3A_2062 : vector<16xf32>
        %slice3A_2064 = vector.extract_strided_slice %get3A_161 {offsets = [10], sizes = [1], strides = [1]} : vector<16xf32> to vector<1xf32>
        %squeeze3A_2065 = vector.extract %slice3A_2064[0] : f32 from vector<1xf32>
        %sub3A_2066 = vector.broadcast %squeeze3A_2065 : f32 to vector<16xf32>
        %sub3A_2067 = arith.subf %sub3A_2066, %get3A_77 : vector<16xf32>
        %mul3A_2068 = arith.mulf %sub3A_2067, %sub3A_2067 : vector<16xf32>
        %add3A_2069 = arith.addf %mul3A_2063, %mul3A_2068 : vector<16xf32>
        %slice3A_2070 = vector.extract_strided_slice %get3A_168 {offsets = [10], sizes = [1], strides = [1]} : vector<16xf32> to vector<1xf32>
        %squeeze3A_2071 = vector.extract %slice3A_2070[0] : f32 from vector<1xf32>
        %sub3A_2072 = vector.broadcast %squeeze3A_2071 : f32 to vector<16xf32>
        %sub3A_2073 = arith.subf %sub3A_2072, %get3A_109 : vector<16xf32>
        %mul3A_2074 = arith.mulf %sub3A_2073, %sub3A_2073 : vector<16xf32>
        %add3A_2075 = arith.addf %add3A_2069, %mul3A_2074 : vector<16xf32>
        %slice3A_2076 = vector.extract_strided_slice %get3A_175 {offsets = [10], sizes = [1], strides = [1]} : vector<16xf32> to vector<1xf32>
        %squeeze3A_2077 = vector.extract %slice3A_2076[0] : f32 from vector<1xf32>
        %sub3A_2078 = vector.broadcast %squeeze3A_2077 : f32 to vector<16xf32>
        %sub3A_2079 = arith.subf %sub3A_2078, %get3A_141 : vector<16xf32>
        %mul3A_2080 = arith.mulf %sub3A_2079, %sub3A_2079 : vector<16xf32>
        %add3A_2081 = arith.addf %add3A_2075, %mul3A_2080 : vector<16xf32>
        %add3A_2082 = arith.constant 48 : i32
        %add3A_2083 = vector.broadcast %add3A_2082 : i32 to vector<16xi32>
        %add3A_2084 = arith.addi %iota3A, %add3A_2083 : vector<16xi32>
        %masked_sort3A_2085 = arith.constant dense<true> : vector<16xi1>
        %masked_sort3A_2086, %masked_sort3A_2087, %masked_sort3A_2088 = tpu.sort %add3A_2081, %add3A_2084 masked %masked_sort3A_2085 : (vector<16xf32>, vector<16xi32>, vector<16xi1>) -> (vector<16xi1>, vector<16xf32>, vector<16xi32>)
        %rev3A_2089 = arith.constant 15 : i32
        %rev3A_2090 = vector.broadcast %rev3A_2089 : i32 to vector<16xi32>
        %rev3A_2091 = tpu.iota {dimensions = array<i32: 0>} : vector<16xi32>
        %rev3A_2092 = arith.subi %rev3A_2090, %rev3A_2091 : vector<16xi32>
        %rev3A_2093 = tpu.dynamic_gather %masked_sort3A_2027[%rev3A_2092] in [0] : vector<16xf32>, vector<16xi32> -> vector<16xf32>
        %rev3A_2094 = arith.constant 15 : i32
        %rev3A_2095 = vector.broadcast %rev3A_2094 : i32 to vector<16xi32>
        %rev3A_2096 = tpu.iota {dimensions = array<i32: 0>} : vector<16xi32>
        %rev3A_2097 = arith.subi %rev3A_2095, %rev3A_2096 : vector<16xi32>
        %rev3A_2098 = tpu.dynamic_gather %masked_sort3A_2028[%rev3A_2097] in [0] : vector<16xi32>, vector<16xi32> -> vector<16xi32>
        %le3A_2099 = arith.cmpf ole, %masked_sort3A_1997, %rev3A_2093 : vector<16xf32>
        %select_n3A_2100 = arith.select %le3A_2099, %masked_sort3A_1997, %rev3A_2093 : vector<16xi1>, vector<16xf32>
        %select_n3A_2101 = arith.select %le3A_2099, %masked_sort3A_1998, %rev3A_2098 : vector<16xi1>, vector<16xi32>
        %masked_sort3A_2102 = arith.constant dense<true> : vector<16xi1>
        %masked_sort3A_2103, %masked_sort3A_2104, %masked_sort3A_2105 = tpu.sort %select_n3A_2100, %select_n3A_2101 masked %masked_sort3A_2102 : (vector<16xf32>, vector<16xi32>, vector<16xi1>) -> (vector<16xi1>, vector<16xf32>, vector<16xi32>)
        %rev3A_2106 = arith.constant 15 : i32
        %rev3A_2107 = vector.broadcast %rev3A_2106 : i32 to vector<16xi32>
        %rev3A_2108 = tpu.iota {dimensions = array<i32: 0>} : vector<16xi32>
        %rev3A_2109 = arith.subi %rev3A_2107, %rev3A_2108 : vector<16xi32>
        %rev3A_2110 = tpu.dynamic_gather %masked_sort3A_2087[%rev3A_2109] in [0] : vector<16xf32>, vector<16xi32> -> vector<16xf32>
        %rev3A_2111 = arith.constant 15 : i32
        %rev3A_2112 = vector.broadcast %rev3A_2111 : i32 to vector<16xi32>
        %rev3A_2113 = tpu.iota {dimensions = array<i32: 0>} : vector<16xi32>
        %rev3A_2114 = arith.subi %rev3A_2112, %rev3A_2113 : vector<16xi32>
        %rev3A_2115 = tpu.dynamic_gather %masked_sort3A_2088[%rev3A_2114] in [0] : vector<16xi32>, vector<16xi32> -> vector<16xi32>
        %le3A_2116 = arith.cmpf ole, %masked_sort3A_2057, %rev3A_2110 : vector<16xf32>
        %select_n3A_2117 = arith.select %le3A_2116, %masked_sort3A_2057, %rev3A_2110 : vector<16xi1>, vector<16xf32>
        %select_n3A_2118 = arith.select %le3A_2116, %masked_sort3A_2058, %rev3A_2115 : vector<16xi1>, vector<16xi32>
        %masked_sort3A_2119 = arith.constant dense<true> : vector<16xi1>
        %masked_sort3A_2120, %masked_sort3A_2121, %masked_sort3A_2122 = tpu.sort %select_n3A_2117, %select_n3A_2118 masked %masked_sort3A_2119 : (vector<16xf32>, vector<16xi32>, vector<16xi1>) -> (vector<16xi1>, vector<16xf32>, vector<16xi32>)
        %rev3A_2123 = arith.constant 15 : i32
        %rev3A_2124 = vector.broadcast %rev3A_2123 : i32 to vector<16xi32>
        %rev3A_2125 = tpu.iota {dimensions = array<i32: 0>} : vector<16xi32>
        %rev3A_2126 = arith.subi %rev3A_2124, %rev3A_2125 : vector<16xi32>
        %rev3A_2127 = tpu.dynamic_gather %masked_sort3A_2121[%rev3A_2126] in [0] : vector<16xf32>, vector<16xi32> -> vector<16xf32>
        %rev3A_2128 = arith.constant 15 : i32
        %rev3A_2129 = vector.broadcast %rev3A_2128 : i32 to vector<16xi32>
        %rev3A_2130 = tpu.iota {dimensions = array<i32: 0>} : vector<16xi32>
        %rev3A_2131 = arith.subi %rev3A_2129, %rev3A_2130 : vector<16xi32>
        %rev3A_2132 = tpu.dynamic_gather %masked_sort3A_2122[%rev3A_2131] in [0] : vector<16xi32>, vector<16xi32> -> vector<16xi32>
        %le3A_2133 = arith.cmpf ole, %masked_sort3A_2104, %rev3A_2127 : vector<16xf32>
        %select_n3A_2134 = arith.select %le3A_2133, %masked_sort3A_2104, %rev3A_2127 : vector<16xi1>, vector<16xf32>
        %select_n3A_2135 = arith.select %le3A_2133, %masked_sort3A_2105, %rev3A_2132 : vector<16xi1>, vector<16xi32>
        %masked_sort3A_2136 = arith.constant dense<true> : vector<16xi1>
        %masked_sort3A_2137, %masked_sort3A_2138, %masked_sort3A_2139 = tpu.sort %select_n3A_2134, %select_n3A_2135 masked %masked_sort3A_2136 : (vector<16xf32>, vector<16xi32>, vector<16xi1>) -> (vector<16xi1>, vector<16xf32>, vector<16xi32>)
        %mul3A_2140 = arith.constant 64 : i32
        %mul3A_2141 = vector.broadcast %mul3A_2140 : i32 to vector<16xi32>
        %mul3A_2142 = arith.muli %iota3A, %mul3A_2141 : vector<16xi32>
        %mul3A_2143 = arith.constant 16 : i32
        %mul3A_2144 = arith.muli %scan3A_147, %mul3A_2143 : i32
        %add3A_2145 = arith.constant 10 : i32
        %add3A_2146 = arith.addi %mul3A_2144, %add3A_2145 : i32
        %add3A_2147 = vector.broadcast %add3A_2146 : i32 to vector<16xi32>
        %add3A_2148 = arith.addi %mul3A_2142, %add3A_2147 : vector<16xi32>
        tpu.vector_store_idx %arg5[%broadcast_in_dim3A, %add3A_2148], %masked_sort3A_2139 : memref<8x1024xi32, #tpu.memory_space<vmem>>[vector<16xi32>, vector<16xi32>], vector<16xi32>,
        %slice3A_2149 = vector.extract_strided_slice %get3A_154 {offsets = [11], sizes = [1], strides = [1]} : vector<16xf32> to vector<1xf32>
        %squeeze3A_2150 = vector.extract %slice3A_2149[0] : f32 from vector<1xf32>
        %sub3A_2151 = vector.broadcast %squeeze3A_2150 : f32 to vector<16xf32>
        %sub3A_2152 = arith.subf %sub3A_2151, %get3A_21 : vector<16xf32>
        %mul3A_2153 = arith.mulf %sub3A_2152, %sub3A_2152 : vector<16xf32>
        %slice3A_2154 = vector.extract_strided_slice %get3A_161 {offsets = [11], sizes = [1], strides = [1]} : vector<16xf32> to vector<1xf32>
        %squeeze3A_2155 = vector.extract %slice3A_2154[0] : f32 from vector<1xf32>
        %sub3A_2156 = vector.broadcast %squeeze3A_2155 : f32 to vector<16xf32>
        %sub3A_2157 = arith.subf %sub3A_2156, %get3A_53 : vector<16xf32>
        %mul3A_2158 = arith.mulf %sub3A_2157, %sub3A_2157 : vector<16xf32>
        %add3A_2159 = arith.addf %mul3A_2153, %mul3A_2158 : vector<16xf32>
        %slice3A_2160 = vector.extract_strided_slice %get3A_168 {offsets = [11], sizes = [1], strides = [1]} : vector<16xf32> to vector<1xf32>
        %squeeze3A_2161 = vector.extract %slice3A_2160[0] : f32 from vector<1xf32>
        %sub3A_2162 = vector.broadcast %squeeze3A_2161 : f32 to vector<16xf32>
        %sub3A_2163 = arith.subf %sub3A_2162, %get3A_85 : vector<16xf32>
        %mul3A_2164 = arith.mulf %sub3A_2163, %sub3A_2163 : vector<16xf32>
        %add3A_2165 = arith.addf %add3A_2159, %mul3A_2164 : vector<16xf32>
        %slice3A_2166 = vector.extract_strided_slice %get3A_175 {offsets = [11], sizes = [1], strides = [1]} : vector<16xf32> to vector<1xf32>
        %squeeze3A_2167 = vector.extract %slice3A_2166[0] : f32 from vector<1xf32>
        %sub3A_2168 = vector.broadcast %squeeze3A_2167 : f32 to vector<16xf32>
        %sub3A_2169 = arith.subf %sub3A_2168, %get3A_117 : vector<16xf32>
        %mul3A_2170 = arith.mulf %sub3A_2169, %sub3A_2169 : vector<16xf32>
        %add3A_2171 = arith.addf %add3A_2165, %mul3A_2170 : vector<16xf32>
        %add3A_2172 = arith.constant 0 : i32
        %add3A_2173 = vector.broadcast %add3A_2172 : i32 to vector<16xi32>
        %add3A_2174 = arith.addi %iota3A, %add3A_2173 : vector<16xi32>
        %masked_sort3A_2175 = arith.constant dense<true> : vector<16xi1>
        %masked_sort3A_2176, %masked_sort3A_2177, %masked_sort3A_2178 = tpu.sort %add3A_2171, %add3A_2174 masked %masked_sort3A_2175 : (vector<16xf32>, vector<16xi32>, vector<16xi1>) -> (vector<16xi1>, vector<16xf32>, vector<16xi32>)
        %slice3A_2179 = vector.extract_strided_slice %get3A_154 {offsets = [11], sizes = [1], strides = [1]} : vector<16xf32> to vector<1xf32>
        %squeeze3A_2180 = vector.extract %slice3A_2179[0] : f32 from vector<1xf32>
        %sub3A_2181 = vector.broadcast %squeeze3A_2180 : f32 to vector<16xf32>
        %sub3A_2182 = arith.subf %sub3A_2181, %get3A_29 : vector<16xf32>
        %mul3A_2183 = arith.mulf %sub3A_2182, %sub3A_2182 : vector<16xf32>
        %slice3A_2184 = vector.extract_strided_slice %get3A_161 {offsets = [11], sizes = [1], strides = [1]} : vector<16xf32> to vector<1xf32>
        %squeeze3A_2185 = vector.extract %slice3A_2184[0] : f32 from vector<1xf32>
        %sub3A_2186 = vector.broadcast %squeeze3A_2185 : f32 to vector<16xf32>
        %sub3A_2187 = arith.subf %sub3A_2186, %get3A_61 : vector<16xf32>
        %mul3A_2188 = arith.mulf %sub3A_2187, %sub3A_2187 : vector<16xf32>
        %add3A_2189 = arith.addf %mul3A_2183, %mul3A_2188 : vector<16xf32>
        %slice3A_2190 = vector.extract_strided_slice %get3A_168 {offsets = [11], sizes = [1], strides = [1]} : vector<16xf32> to vector<1xf32>
        %squeeze3A_2191 = vector.extract %slice3A_2190[0] : f32 from vector<1xf32>
        %sub3A_2192 = vector.broadcast %squeeze3A_2191 : f32 to vector<16xf32>
        %sub3A_2193 = arith.subf %sub3A_2192, %get3A_93 : vector<16xf32>
        %mul3A_2194 = arith.mulf %sub3A_2193, %sub3A_2193 : vector<16xf32>
        %add3A_2195 = arith.addf %add3A_2189, %mul3A_2194 : vector<16xf32>
        %slice3A_2196 = vector.extract_strided_slice %get3A_175 {offsets = [11], sizes = [1], strides = [1]} : vector<16xf32> to vector<1xf32>
        %squeeze3A_2197 = vector.extract %slice3A_2196[0] : f32 from vector<1xf32>
        %sub3A_2198 = vector.broadcast %squeeze3A_2197 : f32 to vector<16xf32>
        %sub3A_2199 = arith.subf %sub3A_2198, %get3A_125 : vector<16xf32>
        %mul3A_2200 = arith.mulf %sub3A_2199, %sub3A_2199 : vector<16xf32>
        %add3A_2201 = arith.addf %add3A_2195, %mul3A_2200 : vector<16xf32>
        %add3A_2202 = arith.constant 16 : i32
        %add3A_2203 = vector.broadcast %add3A_2202 : i32 to vector<16xi32>
        %add3A_2204 = arith.addi %iota3A, %add3A_2203 : vector<16xi32>
        %masked_sort3A_2205 = arith.constant dense<true> : vector<16xi1>
        %masked_sort3A_2206, %masked_sort3A_2207, %masked_sort3A_2208 = tpu.sort %add3A_2201, %add3A_2204 masked %masked_sort3A_2205 : (vector<16xf32>, vector<16xi32>, vector<16xi1>) -> (vector<16xi1>, vector<16xf32>, vector<16xi32>)
        %slice3A_2209 = vector.extract_strided_slice %get3A_154 {offsets = [11], sizes = [1], strides = [1]} : vector<16xf32> to vector<1xf32>
        %squeeze3A_2210 = vector.extract %slice3A_2209[0] : f32 from vector<1xf32>
        %sub3A_2211 = vector.broadcast %squeeze3A_2210 : f32 to vector<16xf32>
        %sub3A_2212 = arith.subf %sub3A_2211, %get3A_37 : vector<16xf32>
        %mul3A_2213 = arith.mulf %sub3A_2212, %sub3A_2212 : vector<16xf32>
        %slice3A_2214 = vector.extract_strided_slice %get3A_161 {offsets = [11], sizes = [1], strides = [1]} : vector<16xf32> to vector<1xf32>
        %squeeze3A_2215 = vector.extract %slice3A_2214[0] : f32 from vector<1xf32>
        %sub3A_2216 = vector.broadcast %squeeze3A_2215 : f32 to vector<16xf32>
        %sub3A_2217 = arith.subf %sub3A_2216, %get3A_69 : vector<16xf32>
        %mul3A_2218 = arith.mulf %sub3A_2217, %sub3A_2217 : vector<16xf32>
        %add3A_2219 = arith.addf %mul3A_2213, %mul3A_2218 : vector<16xf32>
        %slice3A_2220 = vector.extract_strided_slice %get3A_168 {offsets = [11], sizes = [1], strides = [1]} : vector<16xf32> to vector<1xf32>
        %squeeze3A_2221 = vector.extract %slice3A_2220[0] : f32 from vector<1xf32>
        %sub3A_2222 = vector.broadcast %squeeze3A_2221 : f32 to vector<16xf32>
        %sub3A_2223 = arith.subf %sub3A_2222, %get3A_101 : vector<16xf32>
        %mul3A_2224 = arith.mulf %sub3A_2223, %sub3A_2223 : vector<16xf32>
        %add3A_2225 = arith.addf %add3A_2219, %mul3A_2224 : vector<16xf32>
        %slice3A_2226 = vector.extract_strided_slice %get3A_175 {offsets = [11], sizes = [1], strides = [1]} : vector<16xf32> to vector<1xf32>
        %squeeze3A_2227 = vector.extract %slice3A_2226[0] : f32 from vector<1xf32>
        %sub3A_2228 = vector.broadcast %squeeze3A_2227 : f32 to vector<16xf32>
        %sub3A_2229 = arith.subf %sub3A_2228, %get3A_133 : vector<16xf32>
        %mul3A_2230 = arith.mulf %sub3A_2229, %sub3A_2229 : vector<16xf32>
        %add3A_2231 = arith.addf %add3A_2225, %mul3A_2230 : vector<16xf32>
        %add3A_2232 = arith.constant 32 : i32
        %add3A_2233 = vector.broadcast %add3A_2232 : i32 to vector<16xi32>
        %add3A_2234 = arith.addi %iota3A, %add3A_2233 : vector<16xi32>
        %masked_sort3A_2235 = arith.constant dense<true> : vector<16xi1>
        %masked_sort3A_2236, %masked_sort3A_2237, %masked_sort3A_2238 = tpu.sort %add3A_2231, %add3A_2234 masked %masked_sort3A_2235 : (vector<16xf32>, vector<16xi32>, vector<16xi1>) -> (vector<16xi1>, vector<16xf32>, vector<16xi32>)
        %slice3A_2239 = vector.extract_strided_slice %get3A_154 {offsets = [11], sizes = [1], strides = [1]} : vector<16xf32> to vector<1xf32>
        %squeeze3A_2240 = vector.extract %slice3A_2239[0] : f32 from vector<1xf32>
        %sub3A_2241 = vector.broadcast %squeeze3A_2240 : f32 to vector<16xf32>
        %sub3A_2242 = arith.subf %sub3A_2241, %get3A_45 : vector<16xf32>
        %mul3A_2243 = arith.mulf %sub3A_2242, %sub3A_2242 : vector<16xf32>
        %slice3A_2244 = vector.extract_strided_slice %get3A_161 {offsets = [11], sizes = [1], strides = [1]} : vector<16xf32> to vector<1xf32>
        %squeeze3A_2245 = vector.extract %slice3A_2244[0] : f32 from vector<1xf32>
        %sub3A_2246 = vector.broadcast %squeeze3A_2245 : f32 to vector<16xf32>
        %sub3A_2247 = arith.subf %sub3A_2246, %get3A_77 : vector<16xf32>
        %mul3A_2248 = arith.mulf %sub3A_2247, %sub3A_2247 : vector<16xf32>
        %add3A_2249 = arith.addf %mul3A_2243, %mul3A_2248 : vector<16xf32>
        %slice3A_2250 = vector.extract_strided_slice %get3A_168 {offsets = [11], sizes = [1], strides = [1]} : vector<16xf32> to vector<1xf32>
        %squeeze3A_2251 = vector.extract %slice3A_2250[0] : f32 from vector<1xf32>
        %sub3A_2252 = vector.broadcast %squeeze3A_2251 : f32 to vector<16xf32>
        %sub3A_2253 = arith.subf %sub3A_2252, %get3A_109 : vector<16xf32>
        %mul3A_2254 = arith.mulf %sub3A_2253, %sub3A_2253 : vector<16xf32>
        %add3A_2255 = arith.addf %add3A_2249, %mul3A_2254 : vector<16xf32>
        %slice3A_2256 = vector.extract_strided_slice %get3A_175 {offsets = [11], sizes = [1], strides = [1]} : vector<16xf32> to vector<1xf32>
        %squeeze3A_2257 = vector.extract %slice3A_2256[0] : f32 from vector<1xf32>
        %sub3A_2258 = vector.broadcast %squeeze3A_2257 : f32 to vector<16xf32>
        %sub3A_2259 = arith.subf %sub3A_2258, %get3A_141 : vector<16xf32>
        %mul3A_2260 = arith.mulf %sub3A_2259, %sub3A_2259 : vector<16xf32>
        %add3A_2261 = arith.addf %add3A_2255, %mul3A_2260 : vector<16xf32>
        %add3A_2262 = arith.constant 48 : i32
        %add3A_2263 = vector.broadcast %add3A_2262 : i32 to vector<16xi32>
        %add3A_2264 = arith.addi %iota3A, %add3A_2263 : vector<16xi32>
        %masked_sort3A_2265 = arith.constant dense<true> : vector<16xi1>
        %masked_sort3A_2266, %masked_sort3A_2267, %masked_sort3A_2268 = tpu.sort %add3A_2261, %add3A_2264 masked %masked_sort3A_2265 : (vector<16xf32>, vector<16xi32>, vector<16xi1>) -> (vector<16xi1>, vector<16xf32>, vector<16xi32>)
        %rev3A_2269 = arith.constant 15 : i32
        %rev3A_2270 = vector.broadcast %rev3A_2269 : i32 to vector<16xi32>
        %rev3A_2271 = tpu.iota {dimensions = array<i32: 0>} : vector<16xi32>
        %rev3A_2272 = arith.subi %rev3A_2270, %rev3A_2271 : vector<16xi32>
        %rev3A_2273 = tpu.dynamic_gather %masked_sort3A_2207[%rev3A_2272] in [0] : vector<16xf32>, vector<16xi32> -> vector<16xf32>
        %rev3A_2274 = arith.constant 15 : i32
        %rev3A_2275 = vector.broadcast %rev3A_2274 : i32 to vector<16xi32>
        %rev3A_2276 = tpu.iota {dimensions = array<i32: 0>} : vector<16xi32>
        %rev3A_2277 = arith.subi %rev3A_2275, %rev3A_2276 : vector<16xi32>
        %rev3A_2278 = tpu.dynamic_gather %masked_sort3A_2208[%rev3A_2277] in [0] : vector<16xi32>, vector<16xi32> -> vector<16xi32>
        %le3A_2279 = arith.cmpf ole, %masked_sort3A_2177, %rev3A_2273 : vector<16xf32>
        %select_n3A_2280 = arith.select %le3A_2279, %masked_sort3A_2177, %rev3A_2273 : vector<16xi1>, vector<16xf32>
        %select_n3A_2281 = arith.select %le3A_2279, %masked_sort3A_2178, %rev3A_2278 : vector<16xi1>, vector<16xi32>
        %masked_sort3A_2282 = arith.constant dense<true> : vector<16xi1>
        %masked_sort3A_2283, %masked_sort3A_2284, %masked_sort3A_2285 = tpu.sort %select_n3A_2280, %select_n3A_2281 masked %masked_sort3A_2282 : (vector<16xf32>, vector<16xi32>, vector<16xi1>) -> (vector<16xi1>, vector<16xf32>, vector<16xi32>)
        %rev3A_2286 = arith.constant 15 : i32
        %rev3A_2287 = vector.broadcast %rev3A_2286 : i32 to vector<16xi32>
        %rev3A_2288 = tpu.iota {dimensions = array<i32: 0>} : vector<16xi32>
        %rev3A_2289 = arith.subi %rev3A_2287, %rev3A_2288 : vector<16xi32>
        %rev3A_2290 = tpu.dynamic_gather %masked_sort3A_2267[%rev3A_2289] in [0] : vector<16xf32>, vector<16xi32> -> vector<16xf32>
        %rev3A_2291 = arith.constant 15 : i32
        %rev3A_2292 = vector.broadcast %rev3A_2291 : i32 to vector<16xi32>
        %rev3A_2293 = tpu.iota {dimensions = array<i32: 0>} : vector<16xi32>
        %rev3A_2294 = arith.subi %rev3A_2292, %rev3A_2293 : vector<16xi32>
        %rev3A_2295 = tpu.dynamic_gather %masked_sort3A_2268[%rev3A_2294] in [0] : vector<16xi32>, vector<16xi32> -> vector<16xi32>
        %le3A_2296 = arith.cmpf ole, %masked_sort3A_2237, %rev3A_2290 : vector<16xf32>
        %select_n3A_2297 = arith.select %le3A_2296, %masked_sort3A_2237, %rev3A_2290 : vector<16xi1>, vector<16xf32>
        %select_n3A_2298 = arith.select %le3A_2296, %masked_sort3A_2238, %rev3A_2295 : vector<16xi1>, vector<16xi32>
        %masked_sort3A_2299 = arith.constant dense<true> : vector<16xi1>
        %masked_sort3A_2300, %masked_sort3A_2301, %masked_sort3A_2302 = tpu.sort %select_n3A_2297, %select_n3A_2298 masked %masked_sort3A_2299 : (vector<16xf32>, vector<16xi32>, vector<16xi1>) -> (vector<16xi1>, vector<16xf32>, vector<16xi32>)
        %rev3A_2303 = arith.constant 15 : i32
        %rev3A_2304 = vector.broadcast %rev3A_2303 : i32 to vector<16xi32>
        %rev3A_2305 = tpu.iota {dimensions = array<i32: 0>} : vector<16xi32>
        %rev3A_2306 = arith.subi %rev3A_2304, %rev3A_2305 : vector<16xi32>
        %rev3A_2307 = tpu.dynamic_gather %masked_sort3A_2301[%rev3A_2306] in [0] : vector<16xf32>, vector<16xi32> -> vector<16xf32>
        %rev3A_2308 = arith.constant 15 : i32
        %rev3A_2309 = vector.broadcast %rev3A_2308 : i32 to vector<16xi32>
        %rev3A_2310 = tpu.iota {dimensions = array<i32: 0>} : vector<16xi32>
        %rev3A_2311 = arith.subi %rev3A_2309, %rev3A_2310 : vector<16xi32>
        %rev3A_2312 = tpu.dynamic_gather %masked_sort3A_2302[%rev3A_2311] in [0] : vector<16xi32>, vector<16xi32> -> vector<16xi32>
        %le3A_2313 = arith.cmpf ole, %masked_sort3A_2284, %rev3A_2307 : vector<16xf32>
        %select_n3A_2314 = arith.select %le3A_2313, %masked_sort3A_2284, %rev3A_2307 : vector<16xi1>, vector<16xf32>
        %select_n3A_2315 = arith.select %le3A_2313, %masked_sort3A_2285, %rev3A_2312 : vector<16xi1>, vector<16xi32>
        %masked_sort3A_2316 = arith.constant dense<true> : vector<16xi1>
        %masked_sort3A_2317, %masked_sort3A_2318, %masked_sort3A_2319 = tpu.sort %select_n3A_2314, %select_n3A_2315 masked %masked_sort3A_2316 : (vector<16xf32>, vector<16xi32>, vector<16xi1>) -> (vector<16xi1>, vector<16xf32>, vector<16xi32>)
        %mul3A_2320 = arith.constant 64 : i32
        %mul3A_2321 = vector.broadcast %mul3A_2320 : i32 to vector<16xi32>
        %mul3A_2322 = arith.muli %iota3A, %mul3A_2321 : vector<16xi32>
        %mul3A_2323 = arith.constant 16 : i32
        %mul3A_2324 = arith.muli %scan3A_147, %mul3A_2323 : i32
        %add3A_2325 = arith.constant 11 : i32
        %add3A_2326 = arith.addi %mul3A_2324, %add3A_2325 : i32
        %add3A_2327 = vector.broadcast %add3A_2326 : i32 to vector<16xi32>
        %add3A_2328 = arith.addi %mul3A_2322, %add3A_2327 : vector<16xi32>
        tpu.vector_store_idx %arg5[%broadcast_in_dim3A, %add3A_2328], %masked_sort3A_2319 : memref<8x1024xi32, #tpu.memory_space<vmem>>[vector<16xi32>, vector<16xi32>], vector<16xi32>,
        %slice3A_2329 = vector.extract_strided_slice %get3A_154 {offsets = [12], sizes = [1], strides = [1]} : vector<16xf32> to vector<1xf32>
        %squeeze3A_2330 = vector.extract %slice3A_2329[0] : f32 from vector<1xf32>
        %sub3A_2331 = vector.broadcast %squeeze3A_2330 : f32 to vector<16xf32>
        %sub3A_2332 = arith.subf %sub3A_2331, %get3A_21 : vector<16xf32>
        %mul3A_2333 = arith.mulf %sub3A_2332, %sub3A_2332 : vector<16xf32>
        %slice3A_2334 = vector.extract_strided_slice %get3A_161 {offsets = [12], sizes = [1], strides = [1]} : vector<16xf32> to vector<1xf32>
        %squeeze3A_2335 = vector.extract %slice3A_2334[0] : f32 from vector<1xf32>
        %sub3A_2336 = vector.broadcast %squeeze3A_2335 : f32 to vector<16xf32>
        %sub3A_2337 = arith.subf %sub3A_2336, %get3A_53 : vector<16xf32>
        %mul3A_2338 = arith.mulf %sub3A_2337, %sub3A_2337 : vector<16xf32>
        %add3A_2339 = arith.addf %mul3A_2333, %mul3A_2338 : vector<16xf32>
        %slice3A_2340 = vector.extract_strided_slice %get3A_168 {offsets = [12], sizes = [1], strides = [1]} : vector<16xf32> to vector<1xf32>
        %squeeze3A_2341 = vector.extract %slice3A_2340[0] : f32 from vector<1xf32>
        %sub3A_2342 = vector.broadcast %squeeze3A_2341 : f32 to vector<16xf32>
        %sub3A_2343 = arith.subf %sub3A_2342, %get3A_85 : vector<16xf32>
        %mul3A_2344 = arith.mulf %sub3A_2343, %sub3A_2343 : vector<16xf32>
        %add3A_2345 = arith.addf %add3A_2339, %mul3A_2344 : vector<16xf32>
        %slice3A_2346 = vector.extract_strided_slice %get3A_175 {offsets = [12], sizes = [1], strides = [1]} : vector<16xf32> to vector<1xf32>
        %squeeze3A_2347 = vector.extract %slice3A_2346[0] : f32 from vector<1xf32>
        %sub3A_2348 = vector.broadcast %squeeze3A_2347 : f32 to vector<16xf32>
        %sub3A_2349 = arith.subf %sub3A_2348, %get3A_117 : vector<16xf32>
        %mul3A_2350 = arith.mulf %sub3A_2349, %sub3A_2349 : vector<16xf32>
        %add3A_2351 = arith.addf %add3A_2345, %mul3A_2350 : vector<16xf32>
        %add3A_2352 = arith.constant 0 : i32
        %add3A_2353 = vector.broadcast %add3A_2352 : i32 to vector<16xi32>
        %add3A_2354 = arith.addi %iota3A, %add3A_2353 : vector<16xi32>
        %masked_sort3A_2355 = arith.constant dense<true> : vector<16xi1>
        %masked_sort3A_2356, %masked_sort3A_2357, %masked_sort3A_2358 = tpu.sort %add3A_2351, %add3A_2354 masked %masked_sort3A_2355 : (vector<16xf32>, vector<16xi32>, vector<16xi1>) -> (vector<16xi1>, vector<16xf32>, vector<16xi32>)
        %slice3A_2359 = vector.extract_strided_slice %get3A_154 {offsets = [12], sizes = [1], strides = [1]} : vector<16xf32> to vector<1xf32>
        %squeeze3A_2360 = vector.extract %slice3A_2359[0] : f32 from vector<1xf32>
        %sub3A_2361 = vector.broadcast %squeeze3A_2360 : f32 to vector<16xf32>
        %sub3A_2362 = arith.subf %sub3A_2361, %get3A_29 : vector<16xf32>
        %mul3A_2363 = arith.mulf %sub3A_2362, %sub3A_2362 : vector<16xf32>
        %slice3A_2364 = vector.extract_strided_slice %get3A_161 {offsets = [12], sizes = [1], strides = [1]} : vector<16xf32> to vector<1xf32>
        %squeeze3A_2365 = vector.extract %slice3A_2364[0] : f32 from vector<1xf32>
        %sub3A_2366 = vector.broadcast %squeeze3A_2365 : f32 to vector<16xf32>
        %sub3A_2367 = arith.subf %sub3A_2366, %get3A_61 : vector<16xf32>
        %mul3A_2368 = arith.mulf %sub3A_2367, %sub3A_2367 : vector<16xf32>
        %add3A_2369 = arith.addf %mul3A_2363, %mul3A_2368 : vector<16xf32>
        %slice3A_2370 = vector.extract_strided_slice %get3A_168 {offsets = [12], sizes = [1], strides = [1]} : vector<16xf32> to vector<1xf32>
        %squeeze3A_2371 = vector.extract %slice3A_2370[0] : f32 from vector<1xf32>
        %sub3A_2372 = vector.broadcast %squeeze3A_2371 : f32 to vector<16xf32>
        %sub3A_2373 = arith.subf %sub3A_2372, %get3A_93 : vector<16xf32>
        %mul3A_2374 = arith.mulf %sub3A_2373, %sub3A_2373 : vector<16xf32>
        %add3A_2375 = arith.addf %add3A_2369, %mul3A_2374 : vector<16xf32>
        %slice3A_2376 = vector.extract_strided_slice %get3A_175 {offsets = [12], sizes = [1], strides = [1]} : vector<16xf32> to vector<1xf32>
        %squeeze3A_2377 = vector.extract %slice3A_2376[0] : f32 from vector<1xf32>
        %sub3A_2378 = vector.broadcast %squeeze3A_2377 : f32 to vector<16xf32>
        %sub3A_2379 = arith.subf %sub3A_2378, %get3A_125 : vector<16xf32>
        %mul3A_2380 = arith.mulf %sub3A_2379, %sub3A_2379 : vector<16xf32>
        %add3A_2381 = arith.addf %add3A_2375, %mul3A_2380 : vector<16xf32>
        %add3A_2382 = arith.constant 16 : i32
        %add3A_2383 = vector.broadcast %add3A_2382 : i32 to vector<16xi32>
        %add3A_2384 = arith.addi %iota3A, %add3A_2383 : vector<16xi32>
        %masked_sort3A_2385 = arith.constant dense<true> : vector<16xi1>
        %masked_sort3A_2386, %masked_sort3A_2387, %masked_sort3A_2388 = tpu.sort %add3A_2381, %add3A_2384 masked %masked_sort3A_2385 : (vector<16xf32>, vector<16xi32>, vector<16xi1>) -> (vector<16xi1>, vector<16xf32>, vector<16xi32>)
        %slice3A_2389 = vector.extract_strided_slice %get3A_154 {offsets = [12], sizes = [1], strides = [1]} : vector<16xf32> to vector<1xf32>
        %squeeze3A_2390 = vector.extract %slice3A_2389[0] : f32 from vector<1xf32>
        %sub3A_2391 = vector.broadcast %squeeze3A_2390 : f32 to vector<16xf32>
        %sub3A_2392 = arith.subf %sub3A_2391, %get3A_37 : vector<16xf32>
        %mul3A_2393 = arith.mulf %sub3A_2392, %sub3A_2392 : vector<16xf32>
        %slice3A_2394 = vector.extract_strided_slice %get3A_161 {offsets = [12], sizes = [1], strides = [1]} : vector<16xf32> to vector<1xf32>
        %squeeze3A_2395 = vector.extract %slice3A_2394[0] : f32 from vector<1xf32>
        %sub3A_2396 = vector.broadcast %squeeze3A_2395 : f32 to vector<16xf32>
        %sub3A_2397 = arith.subf %sub3A_2396, %get3A_69 : vector<16xf32>
        %mul3A_2398 = arith.mulf %sub3A_2397, %sub3A_2397 : vector<16xf32>
        %add3A_2399 = arith.addf %mul3A_2393, %mul3A_2398 : vector<16xf32>
        %slice3A_2400 = vector.extract_strided_slice %get3A_168 {offsets = [12], sizes = [1], strides = [1]} : vector<16xf32> to vector<1xf32>
        %squeeze3A_2401 = vector.extract %slice3A_2400[0] : f32 from vector<1xf32>
        %sub3A_2402 = vector.broadcast %squeeze3A_2401 : f32 to vector<16xf32>
        %sub3A_2403 = arith.subf %sub3A_2402, %get3A_101 : vector<16xf32>
        %mul3A_2404 = arith.mulf %sub3A_2403, %sub3A_2403 : vector<16xf32>
        %add3A_2405 = arith.addf %add3A_2399, %mul3A_2404 : vector<16xf32>
        %slice3A_2406 = vector.extract_strided_slice %get3A_175 {offsets = [12], sizes = [1], strides = [1]} : vector<16xf32> to vector<1xf32>
        %squeeze3A_2407 = vector.extract %slice3A_2406[0] : f32 from vector<1xf32>
        %sub3A_2408 = vector.broadcast %squeeze3A_2407 : f32 to vector<16xf32>
        %sub3A_2409 = arith.subf %sub3A_2408, %get3A_133 : vector<16xf32>
        %mul3A_2410 = arith.mulf %sub3A_2409, %sub3A_2409 : vector<16xf32>
        %add3A_2411 = arith.addf %add3A_2405, %mul3A_2410 : vector<16xf32>
        %add3A_2412 = arith.constant 32 : i32
        %add3A_2413 = vector.broadcast %add3A_2412 : i32 to vector<16xi32>
        %add3A_2414 = arith.addi %iota3A, %add3A_2413 : vector<16xi32>
        %masked_sort3A_2415 = arith.constant dense<true> : vector<16xi1>
        %masked_sort3A_2416, %masked_sort3A_2417, %masked_sort3A_2418 = tpu.sort %add3A_2411, %add3A_2414 masked %masked_sort3A_2415 : (vector<16xf32>, vector<16xi32>, vector<16xi1>) -> (vector<16xi1>, vector<16xf32>, vector<16xi32>)
        %slice3A_2419 = vector.extract_strided_slice %get3A_154 {offsets = [12], sizes = [1], strides = [1]} : vector<16xf32> to vector<1xf32>
        %squeeze3A_2420 = vector.extract %slice3A_2419[0] : f32 from vector<1xf32>
        %sub3A_2421 = vector.broadcast %squeeze3A_2420 : f32 to vector<16xf32>
        %sub3A_2422 = arith.subf %sub3A_2421, %get3A_45 : vector<16xf32>
        %mul3A_2423 = arith.mulf %sub3A_2422, %sub3A_2422 : vector<16xf32>
        %slice3A_2424 = vector.extract_strided_slice %get3A_161 {offsets = [12], sizes = [1], strides = [1]} : vector<16xf32> to vector<1xf32>
        %squeeze3A_2425 = vector.extract %slice3A_2424[0] : f32 from vector<1xf32>
        %sub3A_2426 = vector.broadcast %squeeze3A_2425 : f32 to vector<16xf32>
        %sub3A_2427 = arith.subf %sub3A_2426, %get3A_77 : vector<16xf32>
        %mul3A_2428 = arith.mulf %sub3A_2427, %sub3A_2427 : vector<16xf32>
        %add3A_2429 = arith.addf %mul3A_2423, %mul3A_2428 : vector<16xf32>
        %slice3A_2430 = vector.extract_strided_slice %get3A_168 {offsets = [12], sizes = [1], strides = [1]} : vector<16xf32> to vector<1xf32>
        %squeeze3A_2431 = vector.extract %slice3A_2430[0] : f32 from vector<1xf32>
        %sub3A_2432 = vector.broadcast %squeeze3A_2431 : f32 to vector<16xf32>
        %sub3A_2433 = arith.subf %sub3A_2432, %get3A_109 : vector<16xf32>
        %mul3A_2434 = arith.mulf %sub3A_2433, %sub3A_2433 : vector<16xf32>
        %add3A_2435 = arith.addf %add3A_2429, %mul3A_2434 : vector<16xf32>
        %slice3A_2436 = vector.extract_strided_slice %get3A_175 {offsets = [12], sizes = [1], strides = [1]} : vector<16xf32> to vector<1xf32>
        %squeeze3A_2437 = vector.extract %slice3A_2436[0] : f32 from vector<1xf32>
        %sub3A_2438 = vector.broadcast %squeeze3A_2437 : f32 to vector<16xf32>
        %sub3A_2439 = arith.subf %sub3A_2438, %get3A_141 : vector<16xf32>
        %mul3A_2440 = arith.mulf %sub3A_2439, %sub3A_2439 : vector<16xf32>
        %add3A_2441 = arith.addf %add3A_2435, %mul3A_2440 : vector<16xf32>
        %add3A_2442 = arith.constant 48 : i32
        %add3A_2443 = vector.broadcast %add3A_2442 : i32 to vector<16xi32>
        %add3A_2444 = arith.addi %iota3A, %add3A_2443 : vector<16xi32>
        %masked_sort3A_2445 = arith.constant dense<true> : vector<16xi1>
        %masked_sort3A_2446, %masked_sort3A_2447, %masked_sort3A_2448 = tpu.sort %add3A_2441, %add3A_2444 masked %masked_sort3A_2445 : (vector<16xf32>, vector<16xi32>, vector<16xi1>) -> (vector<16xi1>, vector<16xf32>, vector<16xi32>)
        %rev3A_2449 = arith.constant 15 : i32
        %rev3A_2450 = vector.broadcast %rev3A_2449 : i32 to vector<16xi32>
        %rev3A_2451 = tpu.iota {dimensions = array<i32: 0>} : vector<16xi32>
        %rev3A_2452 = arith.subi %rev3A_2450, %rev3A_2451 : vector<16xi32>
        %rev3A_2453 = tpu.dynamic_gather %masked_sort3A_2387[%rev3A_2452] in [0] : vector<16xf32>, vector<16xi32> -> vector<16xf32>
        %rev3A_2454 = arith.constant 15 : i32
        %rev3A_2455 = vector.broadcast %rev3A_2454 : i32 to vector<16xi32>
        %rev3A_2456 = tpu.iota {dimensions = array<i32: 0>} : vector<16xi32>
        %rev3A_2457 = arith.subi %rev3A_2455, %rev3A_2456 : vector<16xi32>
        %rev3A_2458 = tpu.dynamic_gather %masked_sort3A_2388[%rev3A_2457] in [0] : vector<16xi32>, vector<16xi32> -> vector<16xi32>
        %le3A_2459 = arith.cmpf ole, %masked_sort3A_2357, %rev3A_2453 : vector<16xf32>
        %select_n3A_2460 = arith.select %le3A_2459, %masked_sort3A_2357, %rev3A_2453 : vector<16xi1>, vector<16xf32>
        %select_n3A_2461 = arith.select %le3A_2459, %masked_sort3A_2358, %rev3A_2458 : vector<16xi1>, vector<16xi32>
        %masked_sort3A_2462 = arith.constant dense<true> : vector<16xi1>
        %masked_sort3A_2463, %masked_sort3A_2464, %masked_sort3A_2465 = tpu.sort %select_n3A_2460, %select_n3A_2461 masked %masked_sort3A_2462 : (vector<16xf32>, vector<16xi32>, vector<16xi1>) -> (vector<16xi1>, vector<16xf32>, vector<16xi32>)
        %rev3A_2466 = arith.constant 15 : i32
        %rev3A_2467 = vector.broadcast %rev3A_2466 : i32 to vector<16xi32>
        %rev3A_2468 = tpu.iota {dimensions = array<i32: 0>} : vector<16xi32>
        %rev3A_2469 = arith.subi %rev3A_2467, %rev3A_2468 : vector<16xi32>
        %rev3A_2470 = tpu.dynamic_gather %masked_sort3A_2447[%rev3A_2469] in [0] : vector<16xf32>, vector<16xi32> -> vector<16xf32>
        %rev3A_2471 = arith.constant 15 : i32
        %rev3A_2472 = vector.broadcast %rev3A_2471 : i32 to vector<16xi32>
        %rev3A_2473 = tpu.iota {dimensions = array<i32: 0>} : vector<16xi32>
        %rev3A_2474 = arith.subi %rev3A_2472, %rev3A_2473 : vector<16xi32>
        %rev3A_2475 = tpu.dynamic_gather %masked_sort3A_2448[%rev3A_2474] in [0] : vector<16xi32>, vector<16xi32> -> vector<16xi32>
        %le3A_2476 = arith.cmpf ole, %masked_sort3A_2417, %rev3A_2470 : vector<16xf32>
        %select_n3A_2477 = arith.select %le3A_2476, %masked_sort3A_2417, %rev3A_2470 : vector<16xi1>, vector<16xf32>
        %select_n3A_2478 = arith.select %le3A_2476, %masked_sort3A_2418, %rev3A_2475 : vector<16xi1>, vector<16xi32>
        %masked_sort3A_2479 = arith.constant dense<true> : vector<16xi1>
        %masked_sort3A_2480, %masked_sort3A_2481, %masked_sort3A_2482 = tpu.sort %select_n3A_2477, %select_n3A_2478 masked %masked_sort3A_2479 : (vector<16xf32>, vector<16xi32>, vector<16xi1>) -> (vector<16xi1>, vector<16xf32>, vector<16xi32>)
        %rev3A_2483 = arith.constant 15 : i32
        %rev3A_2484 = vector.broadcast %rev3A_2483 : i32 to vector<16xi32>
        %rev3A_2485 = tpu.iota {dimensions = array<i32: 0>} : vector<16xi32>
        %rev3A_2486 = arith.subi %rev3A_2484, %rev3A_2485 : vector<16xi32>
        %rev3A_2487 = tpu.dynamic_gather %masked_sort3A_2481[%rev3A_2486] in [0] : vector<16xf32>, vector<16xi32> -> vector<16xf32>
        %rev3A_2488 = arith.constant 15 : i32
        %rev3A_2489 = vector.broadcast %rev3A_2488 : i32 to vector<16xi32>
        %rev3A_2490 = tpu.iota {dimensions = array<i32: 0>} : vector<16xi32>
        %rev3A_2491 = arith.subi %rev3A_2489, %rev3A_2490 : vector<16xi32>
        %rev3A_2492 = tpu.dynamic_gather %masked_sort3A_2482[%rev3A_2491] in [0] : vector<16xi32>, vector<16xi32> -> vector<16xi32>
        %le3A_2493 = arith.cmpf ole, %masked_sort3A_2464, %rev3A_2487 : vector<16xf32>
        %select_n3A_2494 = arith.select %le3A_2493, %masked_sort3A_2464, %rev3A_2487 : vector<16xi1>, vector<16xf32>
        %select_n3A_2495 = arith.select %le3A_2493, %masked_sort3A_2465, %rev3A_2492 : vector<16xi1>, vector<16xi32>
        %masked_sort3A_2496 = arith.constant dense<true> : vector<16xi1>
        %masked_sort3A_2497, %masked_sort3A_2498, %masked_sort3A_2499 = tpu.sort %select_n3A_2494, %select_n3A_2495 masked %masked_sort3A_2496 : (vector<16xf32>, vector<16xi32>, vector<16xi1>) -> (vector<16xi1>, vector<16xf32>, vector<16xi32>)
        %mul3A_2500 = arith.constant 64 : i32
        %mul3A_2501 = vector.broadcast %mul3A_2500 : i32 to vector<16xi32>
        %mul3A_2502 = arith.muli %iota3A, %mul3A_2501 : vector<16xi32>
        %mul3A_2503 = arith.constant 16 : i32
        %mul3A_2504 = arith.muli %scan3A_147, %mul3A_2503 : i32
        %add3A_2505 = arith.constant 12 : i32
        %add3A_2506 = arith.addi %mul3A_2504, %add3A_2505 : i32
        %add3A_2507 = vector.broadcast %add3A_2506 : i32 to vector<16xi32>
        %add3A_2508 = arith.addi %mul3A_2502, %add3A_2507 : vector<16xi32>
        tpu.vector_store_idx %arg5[%broadcast_in_dim3A, %add3A_2508], %masked_sort3A_2499 : memref<8x1024xi32, #tpu.memory_space<vmem>>[vector<16xi32>, vector<16xi32>], vector<16xi32>,
        %slice3A_2509 = vector.extract_strided_slice %get3A_154 {offsets = [13], sizes = [1], strides = [1]} : vector<16xf32> to vector<1xf32>
        %squeeze3A_2510 = vector.extract %slice3A_2509[0] : f32 from vector<1xf32>
        %sub3A_2511 = vector.broadcast %squeeze3A_2510 : f32 to vector<16xf32>
        %sub3A_2512 = arith.subf %sub3A_2511, %get3A_21 : vector<16xf32>
        %mul3A_2513 = arith.mulf %sub3A_2512, %sub3A_2512 : vector<16xf32>
        %slice3A_2514 = vector.extract_strided_slice %get3A_161 {offsets = [13], sizes = [1], strides = [1]} : vector<16xf32> to vector<1xf32>
        %squeeze3A_2515 = vector.extract %slice3A_2514[0] : f32 from vector<1xf32>
        %sub3A_2516 = vector.broadcast %squeeze3A_2515 : f32 to vector<16xf32>
        %sub3A_2517 = arith.subf %sub3A_2516, %get3A_53 : vector<16xf32>
        %mul3A_2518 = arith.mulf %sub3A_2517, %sub3A_2517 : vector<16xf32>
        %add3A_2519 = arith.addf %mul3A_2513, %mul3A_2518 : vector<16xf32>
        %slice3A_2520 = vector.extract_strided_slice %get3A_168 {offsets = [13], sizes = [1], strides = [1]} : vector<16xf32> to vector<1xf32>
        %squeeze3A_2521 = vector.extract %slice3A_2520[0] : f32 from vector<1xf32>
        %sub3A_2522 = vector.broadcast %squeeze3A_2521 : f32 to vector<16xf32>
        %sub3A_2523 = arith.subf %sub3A_2522, %get3A_85 : vector<16xf32>
        %mul3A_2524 = arith.mulf %sub3A_2523, %sub3A_2523 : vector<16xf32>
        %add3A_2525 = arith.addf %add3A_2519, %mul3A_2524 : vector<16xf32>
        %slice3A_2526 = vector.extract_strided_slice %get3A_175 {offsets = [13], sizes = [1], strides = [1]} : vector<16xf32> to vector<1xf32>
        %squeeze3A_2527 = vector.extract %slice3A_2526[0] : f32 from vector<1xf32>
        %sub3A_2528 = vector.broadcast %squeeze3A_2527 : f32 to vector<16xf32>
        %sub3A_2529 = arith.subf %sub3A_2528, %get3A_117 : vector<16xf32>
        %mul3A_2530 = arith.mulf %sub3A_2529, %sub3A_2529 : vector<16xf32>
        %add3A_2531 = arith.addf %add3A_2525, %mul3A_2530 : vector<16xf32>
        %add3A_2532 = arith.constant 0 : i32
        %add3A_2533 = vector.broadcast %add3A_2532 : i32 to vector<16xi32>
        %add3A_2534 = arith.addi %iota3A, %add3A_2533 : vector<16xi32>
        %masked_sort3A_2535 = arith.constant dense<true> : vector<16xi1>
        %masked_sort3A_2536, %masked_sort3A_2537, %masked_sort3A_2538 = tpu.sort %add3A_2531, %add3A_2534 masked %masked_sort3A_2535 : (vector<16xf32>, vector<16xi32>, vector<16xi1>) -> (vector<16xi1>, vector<16xf32>, vector<16xi32>)
        %slice3A_2539 = vector.extract_strided_slice %get3A_154 {offsets = [13], sizes = [1], strides = [1]} : vector<16xf32> to vector<1xf32>
        %squeeze3A_2540 = vector.extract %slice3A_2539[0] : f32 from vector<1xf32>
        %sub3A_2541 = vector.broadcast %squeeze3A_2540 : f32 to vector<16xf32>
        %sub3A_2542 = arith.subf %sub3A_2541, %get3A_29 : vector<16xf32>
        %mul3A_2543 = arith.mulf %sub3A_2542, %sub3A_2542 : vector<16xf32>
        %slice3A_2544 = vector.extract_strided_slice %get3A_161 {offsets = [13], sizes = [1], strides = [1]} : vector<16xf32> to vector<1xf32>
        %squeeze3A_2545 = vector.extract %slice3A_2544[0] : f32 from vector<1xf32>
        %sub3A_2546 = vector.broadcast %squeeze3A_2545 : f32 to vector<16xf32>
        %sub3A_2547 = arith.subf %sub3A_2546, %get3A_61 : vector<16xf32>
        %mul3A_2548 = arith.mulf %sub3A_2547, %sub3A_2547 : vector<16xf32>
        %add3A_2549 = arith.addf %mul3A_2543, %mul3A_2548 : vector<16xf32>
        %slice3A_2550 = vector.extract_strided_slice %get3A_168 {offsets = [13], sizes = [1], strides = [1]} : vector<16xf32> to vector<1xf32>
        %squeeze3A_2551 = vector.extract %slice3A_2550[0] : f32 from vector<1xf32>
        %sub3A_2552 = vector.broadcast %squeeze3A_2551 : f32 to vector<16xf32>
        %sub3A_2553 = arith.subf %sub3A_2552, %get3A_93 : vector<16xf32>
        %mul3A_2554 = arith.mulf %sub3A_2553, %sub3A_2553 : vector<16xf32>
        %add3A_2555 = arith.addf %add3A_2549, %mul3A_2554 : vector<16xf32>
        %slice3A_2556 = vector.extract_strided_slice %get3A_175 {offsets = [13], sizes = [1], strides = [1]} : vector<16xf32> to vector<1xf32>
        %squeeze3A_2557 = vector.extract %slice3A_2556[0] : f32 from vector<1xf32>
        %sub3A_2558 = vector.broadcast %squeeze3A_2557 : f32 to vector<16xf32>
        %sub3A_2559 = arith.subf %sub3A_2558, %get3A_125 : vector<16xf32>
        %mul3A_2560 = arith.mulf %sub3A_2559, %sub3A_2559 : vector<16xf32>
        %add3A_2561 = arith.addf %add3A_2555, %mul3A_2560 : vector<16xf32>
        %add3A_2562 = arith.constant 16 : i32
        %add3A_2563 = vector.broadcast %add3A_2562 : i32 to vector<16xi32>
        %add3A_2564 = arith.addi %iota3A, %add3A_2563 : vector<16xi32>
        %masked_sort3A_2565 = arith.constant dense<true> : vector<16xi1>
        %masked_sort3A_2566, %masked_sort3A_2567, %masked_sort3A_2568 = tpu.sort %add3A_2561, %add3A_2564 masked %masked_sort3A_2565 : (vector<16xf32>, vector<16xi32>, vector<16xi1>) -> (vector<16xi1>, vector<16xf32>, vector<16xi32>)
        %slice3A_2569 = vector.extract_strided_slice %get3A_154 {offsets = [13], sizes = [1], strides = [1]} : vector<16xf32> to vector<1xf32>
        %squeeze3A_2570 = vector.extract %slice3A_2569[0] : f32 from vector<1xf32>
        %sub3A_2571 = vector.broadcast %squeeze3A_2570 : f32 to vector<16xf32>
        %sub3A_2572 = arith.subf %sub3A_2571, %get3A_37 : vector<16xf32>
        %mul3A_2573 = arith.mulf %sub3A_2572, %sub3A_2572 : vector<16xf32>
        %slice3A_2574 = vector.extract_strided_slice %get3A_161 {offsets = [13], sizes = [1], strides = [1]} : vector<16xf32> to vector<1xf32>
        %squeeze3A_2575 = vector.extract %slice3A_2574[0] : f32 from vector<1xf32>
        %sub3A_2576 = vector.broadcast %squeeze3A_2575 : f32 to vector<16xf32>
        %sub3A_2577 = arith.subf %sub3A_2576, %get3A_69 : vector<16xf32>
        %mul3A_2578 = arith.mulf %sub3A_2577, %sub3A_2577 : vector<16xf32>
        %add3A_2579 = arith.addf %mul3A_2573, %mul3A_2578 : vector<16xf32>
        %slice3A_2580 = vector.extract_strided_slice %get3A_168 {offsets = [13], sizes = [1], strides = [1]} : vector<16xf32> to vector<1xf32>
        %squeeze3A_2581 = vector.extract %slice3A_2580[0] : f32 from vector<1xf32>
        %sub3A_2582 = vector.broadcast %squeeze3A_2581 : f32 to vector<16xf32>
        %sub3A_2583 = arith.subf %sub3A_2582, %get3A_101 : vector<16xf32>
        %mul3A_2584 = arith.mulf %sub3A_2583, %sub3A_2583 : vector<16xf32>
        %add3A_2585 = arith.addf %add3A_2579, %mul3A_2584 : vector<16xf32>
        %slice3A_2586 = vector.extract_strided_slice %get3A_175 {offsets = [13], sizes = [1], strides = [1]} : vector<16xf32> to vector<1xf32>
        %squeeze3A_2587 = vector.extract %slice3A_2586[0] : f32 from vector<1xf32>
        %sub3A_2588 = vector.broadcast %squeeze3A_2587 : f32 to vector<16xf32>
        %sub3A_2589 = arith.subf %sub3A_2588, %get3A_133 : vector<16xf32>
        %mul3A_2590 = arith.mulf %sub3A_2589, %sub3A_2589 : vector<16xf32>
        %add3A_2591 = arith.addf %add3A_2585, %mul3A_2590 : vector<16xf32>
        %add3A_2592 = arith.constant 32 : i32
        %add3A_2593 = vector.broadcast %add3A_2592 : i32 to vector<16xi32>
        %add3A_2594 = arith.addi %iota3A, %add3A_2593 : vector<16xi32>
        %masked_sort3A_2595 = arith.constant dense<true> : vector<16xi1>
        %masked_sort3A_2596, %masked_sort3A_2597, %masked_sort3A_2598 = tpu.sort %add3A_2591, %add3A_2594 masked %masked_sort3A_2595 : (vector<16xf32>, vector<16xi32>, vector<16xi1>) -> (vector<16xi1>, vector<16xf32>, vector<16xi32>)
        %slice3A_2599 = vector.extract_strided_slice %get3A_154 {offsets = [13], sizes = [1], strides = [1]} : vector<16xf32> to vector<1xf32>
        %squeeze3A_2600 = vector.extract %slice3A_2599[0] : f32 from vector<1xf32>
        %sub3A_2601 = vector.broadcast %squeeze3A_2600 : f32 to vector<16xf32>
        %sub3A_2602 = arith.subf %sub3A_2601, %get3A_45 : vector<16xf32>
        %mul3A_2603 = arith.mulf %sub3A_2602, %sub3A_2602 : vector<16xf32>
        %slice3A_2604 = vector.extract_strided_slice %get3A_161 {offsets = [13], sizes = [1], strides = [1]} : vector<16xf32> to vector<1xf32>
        %squeeze3A_2605 = vector.extract %slice3A_2604[0] : f32 from vector<1xf32>
        %sub3A_2606 = vector.broadcast %squeeze3A_2605 : f32 to vector<16xf32>
        %sub3A_2607 = arith.subf %sub3A_2606, %get3A_77 : vector<16xf32>
        %mul3A_2608 = arith.mulf %sub3A_2607, %sub3A_2607 : vector<16xf32>
        %add3A_2609 = arith.addf %mul3A_2603, %mul3A_2608 : vector<16xf32>
        %slice3A_2610 = vector.extract_strided_slice %get3A_168 {offsets = [13], sizes = [1], strides = [1]} : vector<16xf32> to vector<1xf32>
        %squeeze3A_2611 = vector.extract %slice3A_2610[0] : f32 from vector<1xf32>
        %sub3A_2612 = vector.broadcast %squeeze3A_2611 : f32 to vector<16xf32>
        %sub3A_2613 = arith.subf %sub3A_2612, %get3A_109 : vector<16xf32>
        %mul3A_2614 = arith.mulf %sub3A_2613, %sub3A_2613 : vector<16xf32>
        %add3A_2615 = arith.addf %add3A_2609, %mul3A_2614 : vector<16xf32>
        %slice3A_2616 = vector.extract_strided_slice %get3A_175 {offsets = [13], sizes = [1], strides = [1]} : vector<16xf32> to vector<1xf32>
        %squeeze3A_2617 = vector.extract %slice3A_2616[0] : f32 from vector<1xf32>
        %sub3A_2618 = vector.broadcast %squeeze3A_2617 : f32 to vector<16xf32>
        %sub3A_2619 = arith.subf %sub3A_2618, %get3A_141 : vector<16xf32>
        %mul3A_2620 = arith.mulf %sub3A_2619, %sub3A_2619 : vector<16xf32>
        %add3A_2621 = arith.addf %add3A_2615, %mul3A_2620 : vector<16xf32>
        %add3A_2622 = arith.constant 48 : i32
        %add3A_2623 = vector.broadcast %add3A_2622 : i32 to vector<16xi32>
        %add3A_2624 = arith.addi %iota3A, %add3A_2623 : vector<16xi32>
        %masked_sort3A_2625 = arith.constant dense<true> : vector<16xi1>
        %masked_sort3A_2626, %masked_sort3A_2627, %masked_sort3A_2628 = tpu.sort %add3A_2621, %add3A_2624 masked %masked_sort3A_2625 : (vector<16xf32>, vector<16xi32>, vector<16xi1>) -> (vector<16xi1>, vector<16xf32>, vector<16xi32>)
        %rev3A_2629 = arith.constant 15 : i32
        %rev3A_2630 = vector.broadcast %rev3A_2629 : i32 to vector<16xi32>
        %rev3A_2631 = tpu.iota {dimensions = array<i32: 0>} : vector<16xi32>
        %rev3A_2632 = arith.subi %rev3A_2630, %rev3A_2631 : vector<16xi32>
        %rev3A_2633 = tpu.dynamic_gather %masked_sort3A_2567[%rev3A_2632] in [0] : vector<16xf32>, vector<16xi32> -> vector<16xf32>
        %rev3A_2634 = arith.constant 15 : i32
        %rev3A_2635 = vector.broadcast %rev3A_2634 : i32 to vector<16xi32>
        %rev3A_2636 = tpu.iota {dimensions = array<i32: 0>} : vector<16xi32>
        %rev3A_2637 = arith.subi %rev3A_2635, %rev3A_2636 : vector<16xi32>
        %rev3A_2638 = tpu.dynamic_gather %masked_sort3A_2568[%rev3A_2637] in [0] : vector<16xi32>, vector<16xi32> -> vector<16xi32>
        %le3A_2639 = arith.cmpf ole, %masked_sort3A_2537, %rev3A_2633 : vector<16xf32>
        %select_n3A_2640 = arith.select %le3A_2639, %masked_sort3A_2537, %rev3A_2633 : vector<16xi1>, vector<16xf32>
        %select_n3A_2641 = arith.select %le3A_2639, %masked_sort3A_2538, %rev3A_2638 : vector<16xi1>, vector<16xi32>
        %masked_sort3A_2642 = arith.constant dense<true> : vector<16xi1>
        %masked_sort3A_2643, %masked_sort3A_2644, %masked_sort3A_2645 = tpu.sort %select_n3A_2640, %select_n3A_2641 masked %masked_sort3A_2642 : (vector<16xf32>, vector<16xi32>, vector<16xi1>) -> (vector<16xi1>, vector<16xf32>, vector<16xi32>)
        %rev3A_2646 = arith.constant 15 : i32
        %rev3A_2647 = vector.broadcast %rev3A_2646 : i32 to vector<16xi32>
        %rev3A_2648 = tpu.iota {dimensions = array<i32: 0>} : vector<16xi32>
        %rev3A_2649 = arith.subi %rev3A_2647, %rev3A_2648 : vector<16xi32>
        %rev3A_2650 = tpu.dynamic_gather %masked_sort3A_2627[%rev3A_2649] in [0] : vector<16xf32>, vector<16xi32> -> vector<16xf32>
        %rev3A_2651 = arith.constant 15 : i32
        %rev3A_2652 = vector.broadcast %rev3A_2651 : i32 to vector<16xi32>
        %rev3A_2653 = tpu.iota {dimensions = array<i32: 0>} : vector<16xi32>
        %rev3A_2654 = arith.subi %rev3A_2652, %rev3A_2653 : vector<16xi32>
        %rev3A_2655 = tpu.dynamic_gather %masked_sort3A_2628[%rev3A_2654] in [0] : vector<16xi32>, vector<16xi32> -> vector<16xi32>
        %le3A_2656 = arith.cmpf ole, %masked_sort3A_2597, %rev3A_2650 : vector<16xf32>
        %select_n3A_2657 = arith.select %le3A_2656, %masked_sort3A_2597, %rev3A_2650 : vector<16xi1>, vector<16xf32>
        %select_n3A_2658 = arith.select %le3A_2656, %masked_sort3A_2598, %rev3A_2655 : vector<16xi1>, vector<16xi32>
        %masked_sort3A_2659 = arith.constant dense<true> : vector<16xi1>
        %masked_sort3A_2660, %masked_sort3A_2661, %masked_sort3A_2662 = tpu.sort %select_n3A_2657, %select_n3A_2658 masked %masked_sort3A_2659 : (vector<16xf32>, vector<16xi32>, vector<16xi1>) -> (vector<16xi1>, vector<16xf32>, vector<16xi32>)
        %rev3A_2663 = arith.constant 15 : i32
        %rev3A_2664 = vector.broadcast %rev3A_2663 : i32 to vector<16xi32>
        %rev3A_2665 = tpu.iota {dimensions = array<i32: 0>} : vector<16xi32>
        %rev3A_2666 = arith.subi %rev3A_2664, %rev3A_2665 : vector<16xi32>
        %rev3A_2667 = tpu.dynamic_gather %masked_sort3A_2661[%rev3A_2666] in [0] : vector<16xf32>, vector<16xi32> -> vector<16xf32>
        %rev3A_2668 = arith.constant 15 : i32
        %rev3A_2669 = vector.broadcast %rev3A_2668 : i32 to vector<16xi32>
        %rev3A_2670 = tpu.iota {dimensions = array<i32: 0>} : vector<16xi32>
        %rev3A_2671 = arith.subi %rev3A_2669, %rev3A_2670 : vector<16xi32>
        %rev3A_2672 = tpu.dynamic_gather %masked_sort3A_2662[%rev3A_2671] in [0] : vector<16xi32>, vector<16xi32> -> vector<16xi32>
        %le3A_2673 = arith.cmpf ole, %masked_sort3A_2644, %rev3A_2667 : vector<16xf32>
        %select_n3A_2674 = arith.select %le3A_2673, %masked_sort3A_2644, %rev3A_2667 : vector<16xi1>, vector<16xf32>
        %select_n3A_2675 = arith.select %le3A_2673, %masked_sort3A_2645, %rev3A_2672 : vector<16xi1>, vector<16xi32>
        %masked_sort3A_2676 = arith.constant dense<true> : vector<16xi1>
        %masked_sort3A_2677, %masked_sort3A_2678, %masked_sort3A_2679 = tpu.sort %select_n3A_2674, %select_n3A_2675 masked %masked_sort3A_2676 : (vector<16xf32>, vector<16xi32>, vector<16xi1>) -> (vector<16xi1>, vector<16xf32>, vector<16xi32>)
        %mul3A_2680 = arith.constant 64 : i32
        %mul3A_2681 = vector.broadcast %mul3A_2680 : i32 to vector<16xi32>
        %mul3A_2682 = arith.muli %iota3A, %mul3A_2681 : vector<16xi32>
        %mul3A_2683 = arith.constant 16 : i32
        %mul3A_2684 = arith.muli %scan3A_147, %mul3A_2683 : i32
        %add3A_2685 = arith.constant 13 : i32
        %add3A_2686 = arith.addi %mul3A_2684, %add3A_2685 : i32
        %add3A_2687 = vector.broadcast %add3A_2686 : i32 to vector<16xi32>
        %add3A_2688 = arith.addi %mul3A_2682, %add3A_2687 : vector<16xi32>
        tpu.vector_store_idx %arg5[%broadcast_in_dim3A, %add3A_2688], %masked_sort3A_2679 : memref<8x1024xi32, #tpu.memory_space<vmem>>[vector<16xi32>, vector<16xi32>], vector<16xi32>,
        %slice3A_2689 = vector.extract_strided_slice %get3A_154 {offsets = [14], sizes = [1], strides = [1]} : vector<16xf32> to vector<1xf32>
        %squeeze3A_2690 = vector.extract %slice3A_2689[0] : f32 from vector<1xf32>
        %sub3A_2691 = vector.broadcast %squeeze3A_2690 : f32 to vector<16xf32>
        %sub3A_2692 = arith.subf %sub3A_2691, %get3A_21 : vector<16xf32>
        %mul3A_2693 = arith.mulf %sub3A_2692, %sub3A_2692 : vector<16xf32>
        %slice3A_2694 = vector.extract_strided_slice %get3A_161 {offsets = [14], sizes = [1], strides = [1]} : vector<16xf32> to vector<1xf32>
        %squeeze3A_2695 = vector.extract %slice3A_2694[0] : f32 from vector<1xf32>
        %sub3A_2696 = vector.broadcast %squeeze3A_2695 : f32 to vector<16xf32>
        %sub3A_2697 = arith.subf %sub3A_2696, %get3A_53 : vector<16xf32>
        %mul3A_2698 = arith.mulf %sub3A_2697, %sub3A_2697 : vector<16xf32>
        %add3A_2699 = arith.addf %mul3A_2693, %mul3A_2698 : vector<16xf32>
        %slice3A_2700 = vector.extract_strided_slice %get3A_168 {offsets = [14], sizes = [1], strides = [1]} : vector<16xf32> to vector<1xf32>
        %squeeze3A_2701 = vector.extract %slice3A_2700[0] : f32 from vector<1xf32>
        %sub3A_2702 = vector.broadcast %squeeze3A_2701 : f32 to vector<16xf32>
        %sub3A_2703 = arith.subf %sub3A_2702, %get3A_85 : vector<16xf32>
        %mul3A_2704 = arith.mulf %sub3A_2703, %sub3A_2703 : vector<16xf32>
        %add3A_2705 = arith.addf %add3A_2699, %mul3A_2704 : vector<16xf32>
        %slice3A_2706 = vector.extract_strided_slice %get3A_175 {offsets = [14], sizes = [1], strides = [1]} : vector<16xf32> to vector<1xf32>
        %squeeze3A_2707 = vector.extract %slice3A_2706[0] : f32 from vector<1xf32>
        %sub3A_2708 = vector.broadcast %squeeze3A_2707 : f32 to vector<16xf32>
        %sub3A_2709 = arith.subf %sub3A_2708, %get3A_117 : vector<16xf32>
        %mul3A_2710 = arith.mulf %sub3A_2709, %sub3A_2709 : vector<16xf32>
        %add3A_2711 = arith.addf %add3A_2705, %mul3A_2710 : vector<16xf32>
        %add3A_2712 = arith.constant 0 : i32
        %add3A_2713 = vector.broadcast %add3A_2712 : i32 to vector<16xi32>
        %add3A_2714 = arith.addi %iota3A, %add3A_2713 : vector<16xi32>
        %masked_sort3A_2715 = arith.constant dense<true> : vector<16xi1>
        %masked_sort3A_2716, %masked_sort3A_2717, %masked_sort3A_2718 = tpu.sort %add3A_2711, %add3A_2714 masked %masked_sort3A_2715 : (vector<16xf32>, vector<16xi32>, vector<16xi1>) -> (vector<16xi1>, vector<16xf32>, vector<16xi32>)
        %slice3A_2719 = vector.extract_strided_slice %get3A_154 {offsets = [14], sizes = [1], strides = [1]} : vector<16xf32> to vector<1xf32>
        %squeeze3A_2720 = vector.extract %slice3A_2719[0] : f32 from vector<1xf32>
        %sub3A_2721 = vector.broadcast %squeeze3A_2720 : f32 to vector<16xf32>
        %sub3A_2722 = arith.subf %sub3A_2721, %get3A_29 : vector<16xf32>
        %mul3A_2723 = arith.mulf %sub3A_2722, %sub3A_2722 : vector<16xf32>
        %slice3A_2724 = vector.extract_strided_slice %get3A_161 {offsets = [14], sizes = [1], strides = [1]} : vector<16xf32> to vector<1xf32>
        %squeeze3A_2725 = vector.extract %slice3A_2724[0] : f32 from vector<1xf32>
        %sub3A_2726 = vector.broadcast %squeeze3A_2725 : f32 to vector<16xf32>
        %sub3A_2727 = arith.subf %sub3A_2726, %get3A_61 : vector<16xf32>
        %mul3A_2728 = arith.mulf %sub3A_2727, %sub3A_2727 : vector<16xf32>
        %add3A_2729 = arith.addf %mul3A_2723, %mul3A_2728 : vector<16xf32>
        %slice3A_2730 = vector.extract_strided_slice %get3A_168 {offsets = [14], sizes = [1], strides = [1]} : vector<16xf32> to vector<1xf32>
        %squeeze3A_2731 = vector.extract %slice3A_2730[0] : f32 from vector<1xf32>
        %sub3A_2732 = vector.broadcast %squeeze3A_2731 : f32 to vector<16xf32>
        %sub3A_2733 = arith.subf %sub3A_2732, %get3A_93 : vector<16xf32>
        %mul3A_2734 = arith.mulf %sub3A_2733, %sub3A_2733 : vector<16xf32>
        %add3A_2735 = arith.addf %add3A_2729, %mul3A_2734 : vector<16xf32>
        %slice3A_2736 = vector.extract_strided_slice %get3A_175 {offsets = [14], sizes = [1], strides = [1]} : vector<16xf32> to vector<1xf32>
        %squeeze3A_2737 = vector.extract %slice3A_2736[0] : f32 from vector<1xf32>
        %sub3A_2738 = vector.broadcast %squeeze3A_2737 : f32 to vector<16xf32>
        %sub3A_2739 = arith.subf %sub3A_2738, %get3A_125 : vector<16xf32>
        %mul3A_2740 = arith.mulf %sub3A_2739, %sub3A_2739 : vector<16xf32>
        %add3A_2741 = arith.addf %add3A_2735, %mul3A_2740 : vector<16xf32>
        %add3A_2742 = arith.constant 16 : i32
        %add3A_2743 = vector.broadcast %add3A_2742 : i32 to vector<16xi32>
        %add3A_2744 = arith.addi %iota3A, %add3A_2743 : vector<16xi32>
        %masked_sort3A_2745 = arith.constant dense<true> : vector<16xi1>
        %masked_sort3A_2746, %masked_sort3A_2747, %masked_sort3A_2748 = tpu.sort %add3A_2741, %add3A_2744 masked %masked_sort3A_2745 : (vector<16xf32>, vector<16xi32>, vector<16xi1>) -> (vector<16xi1>, vector<16xf32>, vector<16xi32>)
        %slice3A_2749 = vector.extract_strided_slice %get3A_154 {offsets = [14], sizes = [1], strides = [1]} : vector<16xf32> to vector<1xf32>
        %squeeze3A_2750 = vector.extract %slice3A_2749[0] : f32 from vector<1xf32>
        %sub3A_2751 = vector.broadcast %squeeze3A_2750 : f32 to vector<16xf32>
        %sub3A_2752 = arith.subf %sub3A_2751, %get3A_37 : vector<16xf32>
        %mul3A_2753 = arith.mulf %sub3A_2752, %sub3A_2752 : vector<16xf32>
        %slice3A_2754 = vector.extract_strided_slice %get3A_161 {offsets = [14], sizes = [1], strides = [1]} : vector<16xf32> to vector<1xf32>
        %squeeze3A_2755 = vector.extract %slice3A_2754[0] : f32 from vector<1xf32>
        %sub3A_2756 = vector.broadcast %squeeze3A_2755 : f32 to vector<16xf32>
        %sub3A_2757 = arith.subf %sub3A_2756, %get3A_69 : vector<16xf32>
        %mul3A_2758 = arith.mulf %sub3A_2757, %sub3A_2757 : vector<16xf32>
        %add3A_2759 = arith.addf %mul3A_2753, %mul3A_2758 : vector<16xf32>
        %slice3A_2760 = vector.extract_strided_slice %get3A_168 {offsets = [14], sizes = [1], strides = [1]} : vector<16xf32> to vector<1xf32>
        %squeeze3A_2761 = vector.extract %slice3A_2760[0] : f32 from vector<1xf32>
        %sub3A_2762 = vector.broadcast %squeeze3A_2761 : f32 to vector<16xf32>
        %sub3A_2763 = arith.subf %sub3A_2762, %get3A_101 : vector<16xf32>
        %mul3A_2764 = arith.mulf %sub3A_2763, %sub3A_2763 : vector<16xf32>
        %add3A_2765 = arith.addf %add3A_2759, %mul3A_2764 : vector<16xf32>
        %slice3A_2766 = vector.extract_strided_slice %get3A_175 {offsets = [14], sizes = [1], strides = [1]} : vector<16xf32> to vector<1xf32>
        %squeeze3A_2767 = vector.extract %slice3A_2766[0] : f32 from vector<1xf32>
        %sub3A_2768 = vector.broadcast %squeeze3A_2767 : f32 to vector<16xf32>
        %sub3A_2769 = arith.subf %sub3A_2768, %get3A_133 : vector<16xf32>
        %mul3A_2770 = arith.mulf %sub3A_2769, %sub3A_2769 : vector<16xf32>
        %add3A_2771 = arith.addf %add3A_2765, %mul3A_2770 : vector<16xf32>
        %add3A_2772 = arith.constant 32 : i32
        %add3A_2773 = vector.broadcast %add3A_2772 : i32 to vector<16xi32>
        %add3A_2774 = arith.addi %iota3A, %add3A_2773 : vector<16xi32>
        %masked_sort3A_2775 = arith.constant dense<true> : vector<16xi1>
        %masked_sort3A_2776, %masked_sort3A_2777, %masked_sort3A_2778 = tpu.sort %add3A_2771, %add3A_2774 masked %masked_sort3A_2775 : (vector<16xf32>, vector<16xi32>, vector<16xi1>) -> (vector<16xi1>, vector<16xf32>, vector<16xi32>)
        %slice3A_2779 = vector.extract_strided_slice %get3A_154 {offsets = [14], sizes = [1], strides = [1]} : vector<16xf32> to vector<1xf32>
        %squeeze3A_2780 = vector.extract %slice3A_2779[0] : f32 from vector<1xf32>
        %sub3A_2781 = vector.broadcast %squeeze3A_2780 : f32 to vector<16xf32>
        %sub3A_2782 = arith.subf %sub3A_2781, %get3A_45 : vector<16xf32>
        %mul3A_2783 = arith.mulf %sub3A_2782, %sub3A_2782 : vector<16xf32>
        %slice3A_2784 = vector.extract_strided_slice %get3A_161 {offsets = [14], sizes = [1], strides = [1]} : vector<16xf32> to vector<1xf32>
        %squeeze3A_2785 = vector.extract %slice3A_2784[0] : f32 from vector<1xf32>
        %sub3A_2786 = vector.broadcast %squeeze3A_2785 : f32 to vector<16xf32>
        %sub3A_2787 = arith.subf %sub3A_2786, %get3A_77 : vector<16xf32>
        %mul3A_2788 = arith.mulf %sub3A_2787, %sub3A_2787 : vector<16xf32>
        %add3A_2789 = arith.addf %mul3A_2783, %mul3A_2788 : vector<16xf32>
        %slice3A_2790 = vector.extract_strided_slice %get3A_168 {offsets = [14], sizes = [1], strides = [1]} : vector<16xf32> to vector<1xf32>
        %squeeze3A_2791 = vector.extract %slice3A_2790[0] : f32 from vector<1xf32>
        %sub3A_2792 = vector.broadcast %squeeze3A_2791 : f32 to vector<16xf32>
        %sub3A_2793 = arith.subf %sub3A_2792, %get3A_109 : vector<16xf32>
        %mul3A_2794 = arith.mulf %sub3A_2793, %sub3A_2793 : vector<16xf32>
        %add3A_2795 = arith.addf %add3A_2789, %mul3A_2794 : vector<16xf32>
        %slice3A_2796 = vector.extract_strided_slice %get3A_175 {offsets = [14], sizes = [1], strides = [1]} : vector<16xf32> to vector<1xf32>
        %squeeze3A_2797 = vector.extract %slice3A_2796[0] : f32 from vector<1xf32>
        %sub3A_2798 = vector.broadcast %squeeze3A_2797 : f32 to vector<16xf32>
        %sub3A_2799 = arith.subf %sub3A_2798, %get3A_141 : vector<16xf32>
        %mul3A_2800 = arith.mulf %sub3A_2799, %sub3A_2799 : vector<16xf32>
        %add3A_2801 = arith.addf %add3A_2795, %mul3A_2800 : vector<16xf32>
        %add3A_2802 = arith.constant 48 : i32
        %add3A_2803 = vector.broadcast %add3A_2802 : i32 to vector<16xi32>
        %add3A_2804 = arith.addi %iota3A, %add3A_2803 : vector<16xi32>
        %masked_sort3A_2805 = arith.constant dense<true> : vector<16xi1>
        %masked_sort3A_2806, %masked_sort3A_2807, %masked_sort3A_2808 = tpu.sort %add3A_2801, %add3A_2804 masked %masked_sort3A_2805 : (vector<16xf32>, vector<16xi32>, vector<16xi1>) -> (vector<16xi1>, vector<16xf32>, vector<16xi32>)
        %rev3A_2809 = arith.constant 15 : i32
        %rev3A_2810 = vector.broadcast %rev3A_2809 : i32 to vector<16xi32>
        %rev3A_2811 = tpu.iota {dimensions = array<i32: 0>} : vector<16xi32>
        %rev3A_2812 = arith.subi %rev3A_2810, %rev3A_2811 : vector<16xi32>
        %rev3A_2813 = tpu.dynamic_gather %masked_sort3A_2747[%rev3A_2812] in [0] : vector<16xf32>, vector<16xi32> -> vector<16xf32>
        %rev3A_2814 = arith.constant 15 : i32
        %rev3A_2815 = vector.broadcast %rev3A_2814 : i32 to vector<16xi32>
        %rev3A_2816 = tpu.iota {dimensions = array<i32: 0>} : vector<16xi32>
        %rev3A_2817 = arith.subi %rev3A_2815, %rev3A_2816 : vector<16xi32>
        %rev3A_2818 = tpu.dynamic_gather %masked_sort3A_2748[%rev3A_2817] in [0] : vector<16xi32>, vector<16xi32> -> vector<16xi32>
        %le3A_2819 = arith.cmpf ole, %masked_sort3A_2717, %rev3A_2813 : vector<16xf32>
        %select_n3A_2820 = arith.select %le3A_2819, %masked_sort3A_2717, %rev3A_2813 : vector<16xi1>, vector<16xf32>
        %select_n3A_2821 = arith.select %le3A_2819, %masked_sort3A_2718, %rev3A_2818 : vector<16xi1>, vector<16xi32>
        %masked_sort3A_2822 = arith.constant dense<true> : vector<16xi1>
        %masked_sort3A_2823, %masked_sort3A_2824, %masked_sort3A_2825 = tpu.sort %select_n3A_2820, %select_n3A_2821 masked %masked_sort3A_2822 : (vector<16xf32>, vector<16xi32>, vector<16xi1>) -> (vector<16xi1>, vector<16xf32>, vector<16xi32>)
        %rev3A_2826 = arith.constant 15 : i32
        %rev3A_2827 = vector.broadcast %rev3A_2826 : i32 to vector<16xi32>
        %rev3A_2828 = tpu.iota {dimensions = array<i32: 0>} : vector<16xi32>
        %rev3A_2829 = arith.subi %rev3A_2827, %rev3A_2828 : vector<16xi32>
        %rev3A_2830 = tpu.dynamic_gather %masked_sort3A_2807[%rev3A_2829] in [0] : vector<16xf32>, vector<16xi32> -> vector<16xf32>
        %rev3A_2831 = arith.constant 15 : i32
        %rev3A_2832 = vector.broadcast %rev3A_2831 : i32 to vector<16xi32>
        %rev3A_2833 = tpu.iota {dimensions = array<i32: 0>} : vector<16xi32>
        %rev3A_2834 = arith.subi %rev3A_2832, %rev3A_2833 : vector<16xi32>
        %rev3A_2835 = tpu.dynamic_gather %masked_sort3A_2808[%rev3A_2834] in [0] : vector<16xi32>, vector<16xi32> -> vector<16xi32>
        %le3A_2836 = arith.cmpf ole, %masked_sort3A_2777, %rev3A_2830 : vector<16xf32>
        %select_n3A_2837 = arith.select %le3A_2836, %masked_sort3A_2777, %rev3A_2830 : vector<16xi1>, vector<16xf32>
        %select_n3A_2838 = arith.select %le3A_2836, %masked_sort3A_2778, %rev3A_2835 : vector<16xi1>, vector<16xi32>
        %masked_sort3A_2839 = arith.constant dense<true> : vector<16xi1>
        %masked_sort3A_2840, %masked_sort3A_2841, %masked_sort3A_2842 = tpu.sort %select_n3A_2837, %select_n3A_2838 masked %masked_sort3A_2839 : (vector<16xf32>, vector<16xi32>, vector<16xi1>) -> (vector<16xi1>, vector<16xf32>, vector<16xi32>)
        %rev3A_2843 = arith.constant 15 : i32
        %rev3A_2844 = vector.broadcast %rev3A_2843 : i32 to vector<16xi32>
        %rev3A_2845 = tpu.iota {dimensions = array<i32: 0>} : vector<16xi32>
        %rev3A_2846 = arith.subi %rev3A_2844, %rev3A_2845 : vector<16xi32>
        %rev3A_2847 = tpu.dynamic_gather %masked_sort3A_2841[%rev3A_2846] in [0] : vector<16xf32>, vector<16xi32> -> vector<16xf32>
        %rev3A_2848 = arith.constant 15 : i32
        %rev3A_2849 = vector.broadcast %rev3A_2848 : i32 to vector<16xi32>
        %rev3A_2850 = tpu.iota {dimensions = array<i32: 0>} : vector<16xi32>
        %rev3A_2851 = arith.subi %rev3A_2849, %rev3A_2850 : vector<16xi32>
        %rev3A_2852 = tpu.dynamic_gather %masked_sort3A_2842[%rev3A_2851] in [0] : vector<16xi32>, vector<16xi32> -> vector<16xi32>
        %le3A_2853 = arith.cmpf ole, %masked_sort3A_2824, %rev3A_2847 : vector<16xf32>
        %select_n3A_2854 = arith.select %le3A_2853, %masked_sort3A_2824, %rev3A_2847 : vector<16xi1>, vector<16xf32>
        %select_n3A_2855 = arith.select %le3A_2853, %masked_sort3A_2825, %rev3A_2852 : vector<16xi1>, vector<16xi32>
        %masked_sort3A_2856 = arith.constant dense<true> : vector<16xi1>
        %masked_sort3A_2857, %masked_sort3A_2858, %masked_sort3A_2859 = tpu.sort %select_n3A_2854, %select_n3A_2855 masked %masked_sort3A_2856 : (vector<16xf32>, vector<16xi32>, vector<16xi1>) -> (vector<16xi1>, vector<16xf32>, vector<16xi32>)
        %mul3A_2860 = arith.constant 64 : i32
        %mul3A_2861 = vector.broadcast %mul3A_2860 : i32 to vector<16xi32>
        %mul3A_2862 = arith.muli %iota3A, %mul3A_2861 : vector<16xi32>
        %mul3A_2863 = arith.constant 16 : i32
        %mul3A_2864 = arith.muli %scan3A_147, %mul3A_2863 : i32
        %add3A_2865 = arith.constant 14 : i32
        %add3A_2866 = arith.addi %mul3A_2864, %add3A_2865 : i32
        %add3A_2867 = vector.broadcast %add3A_2866 : i32 to vector<16xi32>
        %add3A_2868 = arith.addi %mul3A_2862, %add3A_2867 : vector<16xi32>
        tpu.vector_store_idx %arg5[%broadcast_in_dim3A, %add3A_2868], %masked_sort3A_2859 : memref<8x1024xi32, #tpu.memory_space<vmem>>[vector<16xi32>, vector<16xi32>], vector<16xi32>,
        %slice3A_2869 = vector.extract_strided_slice %get3A_154 {offsets = [15], sizes = [1], strides = [1]} : vector<16xf32> to vector<1xf32>
        %squeeze3A_2870 = vector.extract %slice3A_2869[0] : f32 from vector<1xf32>
        %sub3A_2871 = vector.broadcast %squeeze3A_2870 : f32 to vector<16xf32>
        %sub3A_2872 = arith.subf %sub3A_2871, %get3A_21 : vector<16xf32>
        %mul3A_2873 = arith.mulf %sub3A_2872, %sub3A_2872 : vector<16xf32>
        %slice3A_2874 = vector.extract_strided_slice %get3A_161 {offsets = [15], sizes = [1], strides = [1]} : vector<16xf32> to vector<1xf32>
        %squeeze3A_2875 = vector.extract %slice3A_2874[0] : f32 from vector<1xf32>
        %sub3A_2876 = vector.broadcast %squeeze3A_2875 : f32 to vector<16xf32>
        %sub3A_2877 = arith.subf %sub3A_2876, %get3A_53 : vector<16xf32>
        %mul3A_2878 = arith.mulf %sub3A_2877, %sub3A_2877 : vector<16xf32>
        %add3A_2879 = arith.addf %mul3A_2873, %mul3A_2878 : vector<16xf32>
        %slice3A_2880 = vector.extract_strided_slice %get3A_168 {offsets = [15], sizes = [1], strides = [1]} : vector<16xf32> to vector<1xf32>
        %squeeze3A_2881 = vector.extract %slice3A_2880[0] : f32 from vector<1xf32>
        %sub3A_2882 = vector.broadcast %squeeze3A_2881 : f32 to vector<16xf32>
        %sub3A_2883 = arith.subf %sub3A_2882, %get3A_85 : vector<16xf32>
        %mul3A_2884 = arith.mulf %sub3A_2883, %sub3A_2883 : vector<16xf32>
        %add3A_2885 = arith.addf %add3A_2879, %mul3A_2884 : vector<16xf32>
        %slice3A_2886 = vector.extract_strided_slice %get3A_175 {offsets = [15], sizes = [1], strides = [1]} : vector<16xf32> to vector<1xf32>
        %squeeze3A_2887 = vector.extract %slice3A_2886[0] : f32 from vector<1xf32>
        %sub3A_2888 = vector.broadcast %squeeze3A_2887 : f32 to vector<16xf32>
        %sub3A_2889 = arith.subf %sub3A_2888, %get3A_117 : vector<16xf32>
        %mul3A_2890 = arith.mulf %sub3A_2889, %sub3A_2889 : vector<16xf32>
        %add3A_2891 = arith.addf %add3A_2885, %mul3A_2890 : vector<16xf32>
        %add3A_2892 = arith.constant 0 : i32
        %add3A_2893 = vector.broadcast %add3A_2892 : i32 to vector<16xi32>
        %add3A_2894 = arith.addi %iota3A, %add3A_2893 : vector<16xi32>
        %masked_sort3A_2895 = arith.constant dense<true> : vector<16xi1>
        %masked_sort3A_2896, %masked_sort3A_2897, %masked_sort3A_2898 = tpu.sort %add3A_2891, %add3A_2894 masked %masked_sort3A_2895 : (vector<16xf32>, vector<16xi32>, vector<16xi1>) -> (vector<16xi1>, vector<16xf32>, vector<16xi32>)
        %slice3A_2899 = vector.extract_strided_slice %get3A_154 {offsets = [15], sizes = [1], strides = [1]} : vector<16xf32> to vector<1xf32>
        %squeeze3A_2900 = vector.extract %slice3A_2899[0] : f32 from vector<1xf32>
        %sub3A_2901 = vector.broadcast %squeeze3A_2900 : f32 to vector<16xf32>
        %sub3A_2902 = arith.subf %sub3A_2901, %get3A_29 : vector<16xf32>
        %mul3A_2903 = arith.mulf %sub3A_2902, %sub3A_2902 : vector<16xf32>
        %slice3A_2904 = vector.extract_strided_slice %get3A_161 {offsets = [15], sizes = [1], strides = [1]} : vector<16xf32> to vector<1xf32>
        %squeeze3A_2905 = vector.extract %slice3A_2904[0] : f32 from vector<1xf32>
        %sub3A_2906 = vector.broadcast %squeeze3A_2905 : f32 to vector<16xf32>
        %sub3A_2907 = arith.subf %sub3A_2906, %get3A_61 : vector<16xf32>
        %mul3A_2908 = arith.mulf %sub3A_2907, %sub3A_2907 : vector<16xf32>
        %add3A_2909 = arith.addf %mul3A_2903, %mul3A_2908 : vector<16xf32>
        %slice3A_2910 = vector.extract_strided_slice %get3A_168 {offsets = [15], sizes = [1], strides = [1]} : vector<16xf32> to vector<1xf32>
        %squeeze3A_2911 = vector.extract %slice3A_2910[0] : f32 from vector<1xf32>
        %sub3A_2912 = vector.broadcast %squeeze3A_2911 : f32 to vector<16xf32>
        %sub3A_2913 = arith.subf %sub3A_2912, %get3A_93 : vector<16xf32>
        %mul3A_2914 = arith.mulf %sub3A_2913, %sub3A_2913 : vector<16xf32>
        %add3A_2915 = arith.addf %add3A_2909, %mul3A_2914 : vector<16xf32>
        %slice3A_2916 = vector.extract_strided_slice %get3A_175 {offsets = [15], sizes = [1], strides = [1]} : vector<16xf32> to vector<1xf32>
        %squeeze3A_2917 = vector.extract %slice3A_2916[0] : f32 from vector<1xf32>
        %sub3A_2918 = vector.broadcast %squeeze3A_2917 : f32 to vector<16xf32>
        %sub3A_2919 = arith.subf %sub3A_2918, %get3A_125 : vector<16xf32>
        %mul3A_2920 = arith.mulf %sub3A_2919, %sub3A_2919 : vector<16xf32>
        %add3A_2921 = arith.addf %add3A_2915, %mul3A_2920 : vector<16xf32>
        %add3A_2922 = arith.constant 16 : i32
        %add3A_2923 = vector.broadcast %add3A_2922 : i32 to vector<16xi32>
        %add3A_2924 = arith.addi %iota3A, %add3A_2923 : vector<16xi32>
        %masked_sort3A_2925 = arith.constant dense<true> : vector<16xi1>
        %masked_sort3A_2926, %masked_sort3A_2927, %masked_sort3A_2928 = tpu.sort %add3A_2921, %add3A_2924 masked %masked_sort3A_2925 : (vector<16xf32>, vector<16xi32>, vector<16xi1>) -> (vector<16xi1>, vector<16xf32>, vector<16xi32>)
        %slice3A_2929 = vector.extract_strided_slice %get3A_154 {offsets = [15], sizes = [1], strides = [1]} : vector<16xf32> to vector<1xf32>
        %squeeze3A_2930 = vector.extract %slice3A_2929[0] : f32 from vector<1xf32>
        %sub3A_2931 = vector.broadcast %squeeze3A_2930 : f32 to vector<16xf32>
        %sub3A_2932 = arith.subf %sub3A_2931, %get3A_37 : vector<16xf32>
        %mul3A_2933 = arith.mulf %sub3A_2932, %sub3A_2932 : vector<16xf32>
        %slice3A_2934 = vector.extract_strided_slice %get3A_161 {offsets = [15], sizes = [1], strides = [1]} : vector<16xf32> to vector<1xf32>
        %squeeze3A_2935 = vector.extract %slice3A_2934[0] : f32 from vector<1xf32>
        %sub3A_2936 = vector.broadcast %squeeze3A_2935 : f32 to vector<16xf32>
        %sub3A_2937 = arith.subf %sub3A_2936, %get3A_69 : vector<16xf32>
        %mul3A_2938 = arith.mulf %sub3A_2937, %sub3A_2937 : vector<16xf32>
        %add3A_2939 = arith.addf %mul3A_2933, %mul3A_2938 : vector<16xf32>
        %slice3A_2940 = vector.extract_strided_slice %get3A_168 {offsets = [15], sizes = [1], strides = [1]} : vector<16xf32> to vector<1xf32>
        %squeeze3A_2941 = vector.extract %slice3A_2940[0] : f32 from vector<1xf32>
        %sub3A_2942 = vector.broadcast %squeeze3A_2941 : f32 to vector<16xf32>
        %sub3A_2943 = arith.subf %sub3A_2942, %get3A_101 : vector<16xf32>
        %mul3A_2944 = arith.mulf %sub3A_2943, %sub3A_2943 : vector<16xf32>
        %add3A_2945 = arith.addf %add3A_2939, %mul3A_2944 : vector<16xf32>
        %slice3A_2946 = vector.extract_strided_slice %get3A_175 {offsets = [15], sizes = [1], strides = [1]} : vector<16xf32> to vector<1xf32>
        %squeeze3A_2947 = vector.extract %slice3A_2946[0] : f32 from vector<1xf32>
        %sub3A_2948 = vector.broadcast %squeeze3A_2947 : f32 to vector<16xf32>
        %sub3A_2949 = arith.subf %sub3A_2948, %get3A_133 : vector<16xf32>
        %mul3A_2950 = arith.mulf %sub3A_2949, %sub3A_2949 : vector<16xf32>
        %add3A_2951 = arith.addf %add3A_2945, %mul3A_2950 : vector<16xf32>
        %add3A_2952 = arith.constant 32 : i32
        %add3A_2953 = vector.broadcast %add3A_2952 : i32 to vector<16xi32>
        %add3A_2954 = arith.addi %iota3A, %add3A_2953 : vector<16xi32>
        %masked_sort3A_2955 = arith.constant dense<true> : vector<16xi1>
        %masked_sort3A_2956, %masked_sort3A_2957, %masked_sort3A_2958 = tpu.sort %add3A_2951, %add3A_2954 masked %masked_sort3A_2955 : (vector<16xf32>, vector<16xi32>, vector<16xi1>) -> (vector<16xi1>, vector<16xf32>, vector<16xi32>)
        %slice3A_2959 = vector.extract_strided_slice %get3A_154 {offsets = [15], sizes = [1], strides = [1]} : vector<16xf32> to vector<1xf32>
        %squeeze3A_2960 = vector.extract %slice3A_2959[0] : f32 from vector<1xf32>
        %sub3A_2961 = vector.broadcast %squeeze3A_2960 : f32 to vector<16xf32>
        %sub3A_2962 = arith.subf %sub3A_2961, %get3A_45 : vector<16xf32>
        %mul3A_2963 = arith.mulf %sub3A_2962, %sub3A_2962 : vector<16xf32>
        %slice3A_2964 = vector.extract_strided_slice %get3A_161 {offsets = [15], sizes = [1], strides = [1]} : vector<16xf32> to vector<1xf32>
        %squeeze3A_2965 = vector.extract %slice3A_2964[0] : f32 from vector<1xf32>
        %sub3A_2966 = vector.broadcast %squeeze3A_2965 : f32 to vector<16xf32>
        %sub3A_2967 = arith.subf %sub3A_2966, %get3A_77 : vector<16xf32>
        %mul3A_2968 = arith.mulf %sub3A_2967, %sub3A_2967 : vector<16xf32>
        %add3A_2969 = arith.addf %mul3A_2963, %mul3A_2968 : vector<16xf32>
        %slice3A_2970 = vector.extract_strided_slice %get3A_168 {offsets = [15], sizes = [1], strides = [1]} : vector<16xf32> to vector<1xf32>
        %squeeze3A_2971 = vector.extract %slice3A_2970[0] : f32 from vector<1xf32>
        %sub3A_2972 = vector.broadcast %squeeze3A_2971 : f32 to vector<16xf32>
        %sub3A_2973 = arith.subf %sub3A_2972, %get3A_109 : vector<16xf32>
        %mul3A_2974 = arith.mulf %sub3A_2973, %sub3A_2973 : vector<16xf32>
        %add3A_2975 = arith.addf %add3A_2969, %mul3A_2974 : vector<16xf32>
        %slice3A_2976 = vector.extract_strided_slice %get3A_175 {offsets = [15], sizes = [1], strides = [1]} : vector<16xf32> to vector<1xf32>
        %squeeze3A_2977 = vector.extract %slice3A_2976[0] : f32 from vector<1xf32>
        %sub3A_2978 = vector.broadcast %squeeze3A_2977 : f32 to vector<16xf32>
        %sub3A_2979 = arith.subf %sub3A_2978, %get3A_141 : vector<16xf32>
        %mul3A_2980 = arith.mulf %sub3A_2979, %sub3A_2979 : vector<16xf32>
        %add3A_2981 = arith.addf %add3A_2975, %mul3A_2980 : vector<16xf32>
        %add3A_2982 = arith.constant 48 : i32
        %add3A_2983 = vector.broadcast %add3A_2982 : i32 to vector<16xi32>
        %add3A_2984 = arith.addi %iota3A, %add3A_2983 : vector<16xi32>
        %masked_sort3A_2985 = arith.constant dense<true> : vector<16xi1>
        %masked_sort3A_2986, %masked_sort3A_2987, %masked_sort3A_2988 = tpu.sort %add3A_2981, %add3A_2984 masked %masked_sort3A_2985 : (vector<16xf32>, vector<16xi32>, vector<16xi1>) -> (vector<16xi1>, vector<16xf32>, vector<16xi32>)
        %rev3A_2989 = arith.constant 15 : i32
        %rev3A_2990 = vector.broadcast %rev3A_2989 : i32 to vector<16xi32>
        %rev3A_2991 = tpu.iota {dimensions = array<i32: 0>} : vector<16xi32>
        %rev3A_2992 = arith.subi %rev3A_2990, %rev3A_2991 : vector<16xi32>
        %rev3A_2993 = tpu.dynamic_gather %masked_sort3A_2927[%rev3A_2992] in [0] : vector<16xf32>, vector<16xi32> -> vector<16xf32>
        %rev3A_2994 = arith.constant 15 : i32
        %rev3A_2995 = vector.broadcast %rev3A_2994 : i32 to vector<16xi32>
        %rev3A_2996 = tpu.iota {dimensions = array<i32: 0>} : vector<16xi32>
        %rev3A_2997 = arith.subi %rev3A_2995, %rev3A_2996 : vector<16xi32>
        %rev3A_2998 = tpu.dynamic_gather %masked_sort3A_2928[%rev3A_2997] in [0] : vector<16xi32>, vector<16xi32> -> vector<16xi32>
        %le3A_2999 = arith.cmpf ole, %masked_sort3A_2897, %rev3A_2993 : vector<16xf32>
        %select_n3A_3000 = arith.select %le3A_2999, %masked_sort3A_2897, %rev3A_2993 : vector<16xi1>, vector<16xf32>
        %select_n3A_3001 = arith.select %le3A_2999, %masked_sort3A_2898, %rev3A_2998 : vector<16xi1>, vector<16xi32>
        %masked_sort3A_3002 = arith.constant dense<true> : vector<16xi1>
        %masked_sort3A_3003, %masked_sort3A_3004, %masked_sort3A_3005 = tpu.sort %select_n3A_3000, %select_n3A_3001 masked %masked_sort3A_3002 : (vector<16xf32>, vector<16xi32>, vector<16xi1>) -> (vector<16xi1>, vector<16xf32>, vector<16xi32>)
        %rev3A_3006 = arith.constant 15 : i32
        %rev3A_3007 = vector.broadcast %rev3A_3006 : i32 to vector<16xi32>
        %rev3A_3008 = tpu.iota {dimensions = array<i32: 0>} : vector<16xi32>
        %rev3A_3009 = arith.subi %rev3A_3007, %rev3A_3008 : vector<16xi32>
        %rev3A_3010 = tpu.dynamic_gather %masked_sort3A_2987[%rev3A_3009] in [0] : vector<16xf32>, vector<16xi32> -> vector<16xf32>
        %rev3A_3011 = arith.constant 15 : i32
        %rev3A_3012 = vector.broadcast %rev3A_3011 : i32 to vector<16xi32>
        %rev3A_3013 = tpu.iota {dimensions = array<i32: 0>} : vector<16xi32>
        %rev3A_3014 = arith.subi %rev3A_3012, %rev3A_3013 : vector<16xi32>
        %rev3A_3015 = tpu.dynamic_gather %masked_sort3A_2988[%rev3A_3014] in [0] : vector<16xi32>, vector<16xi32> -> vector<16xi32>
        %le3A_3016 = arith.cmpf ole, %masked_sort3A_2957, %rev3A_3010 : vector<16xf32>
        %select_n3A_3017 = arith.select %le3A_3016, %masked_sort3A_2957, %rev3A_3010 : vector<16xi1>, vector<16xf32>
        %select_n3A_3018 = arith.select %le3A_3016, %masked_sort3A_2958, %rev3A_3015 : vector<16xi1>, vector<16xi32>
        %masked_sort3A_3019 = arith.constant dense<true> : vector<16xi1>
        %masked_sort3A_3020, %masked_sort3A_3021, %masked_sort3A_3022 = tpu.sort %select_n3A_3017, %select_n3A_3018 masked %masked_sort3A_3019 : (vector<16xf32>, vector<16xi32>, vector<16xi1>) -> (vector<16xi1>, vector<16xf32>, vector<16xi32>)
        %rev3A_3023 = arith.constant 15 : i32
        %rev3A_3024 = vector.broadcast %rev3A_3023 : i32 to vector<16xi32>
        %rev3A_3025 = tpu.iota {dimensions = array<i32: 0>} : vector<16xi32>
        %rev3A_3026 = arith.subi %rev3A_3024, %rev3A_3025 : vector<16xi32>
        %rev3A_3027 = tpu.dynamic_gather %masked_sort3A_3021[%rev3A_3026] in [0] : vector<16xf32>, vector<16xi32> -> vector<16xf32>
        %rev3A_3028 = arith.constant 15 : i32
        %rev3A_3029 = vector.broadcast %rev3A_3028 : i32 to vector<16xi32>
        %rev3A_3030 = tpu.iota {dimensions = array<i32: 0>} : vector<16xi32>
        %rev3A_3031 = arith.subi %rev3A_3029, %rev3A_3030 : vector<16xi32>
        %rev3A_3032 = tpu.dynamic_gather %masked_sort3A_3022[%rev3A_3031] in [0] : vector<16xi32>, vector<16xi32> -> vector<16xi32>
        %le3A_3033 = arith.cmpf ole, %masked_sort3A_3004, %rev3A_3027 : vector<16xf32>
        %select_n3A_3034 = arith.select %le3A_3033, %masked_sort3A_3004, %rev3A_3027 : vector<16xi1>, vector<16xf32>
        %select_n3A_3035 = arith.select %le3A_3033, %masked_sort3A_3005, %rev3A_3032 : vector<16xi1>, vector<16xi32>
        %masked_sort3A_3036 = arith.constant dense<true> : vector<16xi1>
        %masked_sort3A_3037, %masked_sort3A_3038, %masked_sort3A_3039 = tpu.sort %select_n3A_3034, %select_n3A_3035 masked %masked_sort3A_3036 : (vector<16xf32>, vector<16xi32>, vector<16xi1>) -> (vector<16xi1>, vector<16xf32>, vector<16xi32>)
        %mul3A_3040 = arith.constant 64 : i32
        %mul3A_3041 = vector.broadcast %mul3A_3040 : i32 to vector<16xi32>
        %mul3A_3042 = arith.muli %iota3A, %mul3A_3041 : vector<16xi32>
        %mul3A_3043 = arith.constant 16 : i32
        %mul3A_3044 = arith.muli %scan3A_147, %mul3A_3043 : i32
        %add3A_3045 = arith.constant 15 : i32
        %add3A_3046 = arith.addi %mul3A_3044, %add3A_3045 : i32
        %add3A_3047 = vector.broadcast %add3A_3046 : i32 to vector<16xi32>
        %add3A_3048 = arith.addi %mul3A_3042, %add3A_3047 : vector<16xi32>
        tpu.vector_store_idx %arg5[%broadcast_in_dim3A, %add3A_3048], %masked_sort3A_3039 : memref<8x1024xi32, #tpu.memory_space<vmem>>[vector<16xi32>, vector<16xi32>], vector<16xi32>,
      }
      %scan3A_146 = arith.constant 4 : i32
    }
    %scan3A_9 = arith.constant 8 : i32
    %mul3A_10 = arith.constant 8 : i32
    %mul3A_11 = arith.muli %add3A, %mul3A_10 : i32
    "tpu.region"() ({
      %run_scoped3A = tpu.sem_alloc : memref<!tpu.dma_semaphore, #tpu.memory_space<semaphore_mem>>
      %dma_start3A = arith.constant 0 : i32
      %dma_start3A_12 = tpu.memref_slice %arg3[%mul3A_11, %dma_start3A] : memref<256x1024xi32, #tpu.memory_space<hbm>> -> memref<8x1024xi32, #tpu.memory_space<hbm>>
      %dma_start3A_13 = arith.constant 0 : i32
      %dma_start3A_14 = tpu.memref_slice %arg3[%mul3A_11, %dma_start3A_13] : memref<256x1024xi32, #tpu.memory_space<hbm>> -> memref<8x1024xi32, #tpu.memory_space<hbm>>
      tpu.enqueue_dma source(%arg5 : memref<8x1024xi32, #tpu.memory_space<vmem>>) target(%dma_start3A_14 : memref<8x1024xi32, #tpu.memory_space<hbm>>) target_semaphore(%run_scoped3A : memref<!tpu.dma_semaphore, #tpu.memory_space<semaphore_mem>>)
      %dma_wait3A = arith.constant 0 : i32
      %dma_wait3A_15 = tpu.memref_slice %arg3[%mul3A_11, %dma_wait3A] : memref<256x1024xi32, #tpu.memory_space<hbm>> -> memref<8x1024xi32, #tpu.memory_space<hbm>>
      %dma_wait3A_16 = arith.constant 0 : i32
      %dma_wait3A_17 = tpu.memref_slice %arg3[%mul3A_11, %dma_wait3A_16] : memref<256x1024xi32, #tpu.memory_space<hbm>> -> memref<8x1024xi32, #tpu.memory_space<hbm>>
      tpu.wait_dma2 semaphore(%run_scoped3A : memref<!tpu.dma_semaphore, #tpu.memory_space<semaphore_mem>>) src(%arg5 : memref<8x1024xi32, #tpu.memory_space<vmem>>) dst(%dma_wait3A_17 : memref<8x1024xi32, #tpu.memory_space<hbm>>)
      tpu.yield
    }) : () -> ()
    return
  }
}

module attributes {stable_mosaic.version = 14 : i64} {
  func.func @_step_kernel(%arg0: i32, %arg1: memref<1x132x512xf32, #tpu.memory_space<vmem>>, %arg2: memref<8x1x1x1024xi32, #tpu.memory_space<vmem>>, %arg3: memref<1024x392xf32, #tpu.memory_space<vmem>>, %arg4: memref<1024x1xf32, #tpu.memory_space<vmem>>, %arg5: memref<8x1x260x64xf32, #tpu.memory_space<vmem>>, %arg6: memref<260x512xf32, #tpu.memory_space<vmem>>, %arg7: memref<256x512xf32, #tpu.memory_space<vmem>>) attributes {dimension_semantics = [#tpu.dimension_semantics<arbitrary>], iteration_bounds = array<i64: 32>, scalar_prefetch = 0 : i64, scratch_operands = 2 : i64, tpu.core_type = #tpu.core_type<tc>, window_params = [{transform_indices = @transform_0, window_bounds = array<i64: 1, 132, 512>}, {transform_indices = @transform_1, window_bounds = array<i64: 8, 1, 1, 1024>}, {pipeline_mode = #tpu.pipeline_mode<synchronous>, transform_indices = @transform_2, window_bounds = array<i64: 1024, 392>}, {pipeline_mode = #tpu.pipeline_mode<synchronous>, transform_indices = @transform_3, window_bounds = array<i64: 1024, 1>}, {transform_indices = @transform_4, window_bounds = array<i64: 8, 1, 260, 64>}]} {
    %eq3A = arith.constant 0 : i32
    %eq3A_0 = arith.cmpi eq, %arg0, %eq3A : i32
    %convert_element_type3A = arith.extui %eq3A_0 : i1 to i32
    %cond3A = arith.constant 0 : i32
    %cond3A_1 = arith.cmpi ne, %convert_element_type3A, %cond3A : i32
    scf.if %cond3A_1 {
      %broadcast_in_dim3A_931 = arith.constant 0.000000e+00 : f32
      %broadcast_in_dim3A_932 = vector.broadcast %broadcast_in_dim3A_931 : f32 to vector<260x512xf32>
      %swap3A_933 = arith.constant 0 : index
      %swap3A_934 = arith.constant 0 : index
      %swap3A_935 = vector.load %arg6[%swap3A_933, %swap3A_934] : memref<260x512xf32, #tpu.memory_space<vmem>>, vector<260x512xf32>
      tpu.vector_store %arg6[%swap3A_933, %swap3A_934], %broadcast_in_dim3A_932 {strides = array<i32>} : memref<260x512xf32, #tpu.memory_space<vmem>>, vector<260x512xf32>,
      %broadcast_in_dim3A_936 = arith.constant 0.000000e+00 : f32
      %broadcast_in_dim3A_937 = vector.broadcast %broadcast_in_dim3A_936 : f32 to vector<256x512xf32>
      %swap3A_938 = arith.constant 0 : index
      %swap3A_939 = arith.constant 0 : index
      %swap3A_940 = vector.load %arg7[%swap3A_938, %swap3A_939] : memref<256x512xf32, #tpu.memory_space<vmem>>, vector<256x512xf32>
      tpu.vector_store %arg7[%swap3A_938, %swap3A_939], %broadcast_in_dim3A_937 {strides = array<i32>} : memref<256x512xf32, #tpu.memory_space<vmem>>, vector<256x512xf32>,
    } else {
    }
    %get3A = arith.constant 0 : index
    %get3A_2 = arith.constant 0 : index
    %get3A_3 = vector.load %arg3[%get3A, %get3A_2] : memref<1024x392xf32, #tpu.memory_space<vmem>>, vector<1024x132xf32>
    %get3A_4 = arith.constant 0 : index
    %get3A_5 = arith.constant 132 : index
    %get3A_6 = vector.load %arg3[%get3A_4, %get3A_5] : memref<1024x392xf32, #tpu.memory_space<vmem>>, vector<1024x4xf32>
    %get3A_7 = arith.constant 0 : index
    %get3A_8 = arith.constant 132 : index
    %get3A_9 = vector.load %arg3[%get3A_7, %get3A_8] : memref<1024x392xf32, #tpu.memory_space<vmem>>, vector<1024x260xf32>
    %get3A_10 = arith.constant 0 : index
    %get3A_11 = arith.constant 0 : index
    %get3A_12 = vector.load %arg6[%get3A_10, %get3A_11] : memref<260x512xf32, #tpu.memory_space<vmem>>, vector<260x512xf32>
    %dot_general3A = arith.constant dense<0.000000e+00> : vector<1024x512xf32>
    %dot_general3A_13 = tpu.matmul %get3A_9, %get3A_12, %dot_general3A {dimension_numbers = #tpu.dot_dimension_numbers<[1], [0], [0], [1], [0, 0, 1, 1], [], []>, transpose_lhs_hint = false} : vector<1024x260xf32>, vector<260x512xf32>, vector<1024x512xf32> -> vector<1024x512xf32>
    %get3A_14 = arith.constant 0 : index
    %get3A_15 = arith.constant 0 : index
    %get3A_16 = arith.constant 0 : index
    %get3A_17 = vector.load %arg1[%get3A_14, %get3A_15, %get3A_16] : memref<1x132x512xf32, #tpu.memory_space<vmem>>, vector<1x132x512xf32>
    %get3A_18 = vector.shape_cast %get3A_17 : vector<1x132x512xf32> to vector<132x512xf32>
    %slice3A = vector.extract_strided_slice %get3A_18 {offsets = [0, 0], sizes = [4, 512], strides = [1, 1]} : vector<132x512xf32> to vector<4x512xf32>
    %dot_general3A_19 = arith.constant dense<0.000000e+00> : vector<1024x512xf32>
    %dot_general3A_20 = tpu.matmul %get3A_3, %get3A_18, %dot_general3A_19 {dimension_numbers = #tpu.dot_dimension_numbers<[1], [0], [0], [1], [0, 0, 1, 1], [], []>, transpose_lhs_hint = false} : vector<1024x132xf32>, vector<132x512xf32>, vector<1024x512xf32> -> vector<1024x512xf32>
    %dot_general3A_21 = arith.constant dense<0.000000e+00> : vector<1024x512xf32>
    %dot_general3A_22 = tpu.matmul %get3A_6, %slice3A, %dot_general3A_21 {dimension_numbers = #tpu.dot_dimension_numbers<[1], [0], [0], [1], [0, 0, 1, 1], [], []>, transpose_lhs_hint = false} : vector<1024x4xf32>, vector<4x512xf32>, vector<1024x512xf32> -> vector<1024x512xf32>
    %sub3A = arith.subf %dot_general3A_20, %dot_general3A_22 : vector<1024x512xf32>
    %get3A_23 = arith.constant 0 : index
    %get3A_24 = arith.constant 0 : index
    %get3A_25 = vector.load %arg4[%get3A_23, %get3A_24] : memref<1024x1xf32, #tpu.memory_space<vmem>>, vector<1024x1xf32>
    %add3A = vector.broadcast %get3A_25 : vector<1024x1xf32> to vector<1024x512xf32>
    %add3A_26 = arith.addf %sub3A, %add3A : vector<1024x512xf32>
    %iota3A = tpu.iota {dimensions = array<i32: 0>} : vector<64x1024xi32>
    %iota3A_27 = tpu.iota {dimensions = array<i32: 1>} : vector<64x1024xi32>
    %jit3A = arith.constant 64 : i32
    %eq3A_28 = arith.constant 0 : i32
    %eq3A_29 = arith.cmpi eq, %jit3A, %eq3A_28 : i32
    %jit3A_30 = arith.constant 1 : i32
    %select_n3A = arith.select %eq3A_29, %jit3A_30, %jit3A : i32
    %rem3A = vector.broadcast %select_n3A : i32 to vector<64x1024xi32>
    %rem3A_31 = arith.remsi %iota3A_27, %rem3A : vector<64x1024xi32>
    %ne3A = arith.constant 0 : i32
    %ne3A_32 = vector.broadcast %ne3A : i32 to vector<64x1024xi32>
    %ne3A_33 = arith.cmpi ne, %rem3A_31, %ne3A_32 : vector<64x1024xi32>
    %lt3A = arith.constant 0 : i32
    %lt3A_34 = vector.broadcast %lt3A : i32 to vector<64x1024xi32>
    %lt3A_35 = arith.cmpi slt, %rem3A_31, %lt3A_34 : vector<64x1024xi32>
    %lt3A_36 = arith.constant 0 : i32
    %lt3A_37 = arith.cmpi slt, %select_n3A, %lt3A_36 : i32
    %ne3A_38 = vector.broadcast %lt3A_37 : i1 to vector<64x1024xi1>
    %ne3A_39 = vector.broadcast %ne3A_38 : vector<64x1024xi1> to vector<64x1024xi1>
    %ne3A_40 = arith.xori %lt3A_35, %ne3A_39 : vector<64x1024xi1>
    %and3A = arith.andi %ne3A_40, %ne3A_33 : vector<64x1024xi1>
    %add3A_41 = vector.broadcast %select_n3A : i32 to vector<64x1024xi32>
    %add3A_42 = arith.addi %rem3A_31, %add3A_41 : vector<64x1024xi32>
    %select_n3A_43 = arith.select %and3A, %add3A_42, %rem3A_31 : vector<64x1024xi1>, vector<64x1024xi32>
    %eq3A_44 = arith.cmpi eq, %iota3A, %select_n3A_43 : vector<64x1024xi32>
    %convert_element_type3A_45 = arith.extui %eq3A_44 : vector<64x1024xi1> to vector<64x1024xi32>
    %convert_element_type3A_46 = arith.sitofp %convert_element_type3A_45 : vector<64x1024xi32> to vector<64x1024xf32>
    %broadcast_in_dim3A = arith.constant 0.000000e+00 : f32
    %broadcast_in_dim3A_47 = vector.broadcast %broadcast_in_dim3A : f32 to vector<256x64xf32>
    %slice3A_48 = vector.extract_strided_slice %slice3A {offsets = [0, 0], sizes = [4, 64], strides = [1, 1]} : vector<4x512xf32> to vector<4x64xf32>
    %slice3A_49 = vector.extract_strided_slice %add3A_26 {offsets = [0, 0], sizes = [1024, 64], strides = [1, 1]} : vector<1024x512xf32> to vector<1024x64xf32>
    %get3A_50 = arith.constant 0 : index
    %get3A_51 = arith.constant 0 : index
    %get3A_52 = arith.constant 0 : index
    %get3A_53 = arith.constant 0 : index
    %get3A_54 = vector.load %arg2[%get3A_50, %get3A_51, %get3A_52, %get3A_53] : memref<8x1x1x1024xi32, #tpu.memory_space<vmem>>, vector<1x1x1x1024xi32>
    %get3A_55 = vector.shape_cast %get3A_54 : vector<1x1x1x1024xi32> to vector<1024xi32>
    %broadcast_in_dim3A_56 = vector.shape_cast %get3A_55 : vector<1024xi32> to vector<1x1024xi32>
    %eq3A_57 = vector.broadcast %broadcast_in_dim3A_56 : vector<1x1024xi32> to vector<64x1024xi32>
    %eq3A_58 = arith.cmpi eq, %iota3A, %eq3A_57 : vector<64x1024xi32>
    %convert_element_type3A_59 = arith.extui %eq3A_58 : vector<64x1024xi1> to vector<64x1024xi32>
    %convert_element_type3A_60 = arith.sitofp %convert_element_type3A_59 : vector<64x1024xi32> to vector<64x1024xf32>
    %slice3A_61 = vector.extract_strided_slice %dot_general3A_13 {offsets = [0, 0], sizes = [1024, 64], strides = [1, 1]} : vector<1024x512xf32> to vector<1024x64xf32>
    %concatenate3A = tpu.concatenate %slice3A_61, %slice3A_49 in 1 : vector<1024x64xf32>, vector<1024x64xf32> -> vector<1024x128xf32>
    %get3A_62 = arith.constant 0 : index
    %get3A_63 = arith.constant 0 : index
    %get3A_64 = vector.load %arg7[%get3A_62, %get3A_63] : memref<256x512xf32, #tpu.memory_space<vmem>>, vector<256x64xf32>
    %concatenate3A_65 = tpu.concatenate %get3A_64, %broadcast_in_dim3A_47 in 1 : vector<256x64xf32>, vector<256x64xf32> -> vector<256x128xf32>
    %concatenate3A_66 = tpu.concatenate %concatenate3A, %concatenate3A_65 in 0 : vector<1024x128xf32>, vector<256x128xf32> -> vector<1280x128xf32>
    %concatenate3A_67 = tpu.concatenate %convert_element_type3A_60, %convert_element_type3A_46 in 0 : vector<64x1024xf32>, vector<64x1024xf32> -> vector<128x1024xf32>
    %dot_general3A_68 = arith.constant dense<0.000000e+00> : vector<1280x1024xf32>
    %dot_general3A_69 = tpu.matmul %concatenate3A_66, %concatenate3A_67, %dot_general3A_68 {dimension_numbers = #tpu.dot_dimension_numbers<[1], [0], [0], [1], [0, 0, 1, 1], [], []>, transpose_lhs_hint = false} : vector<1280x128xf32>, vector<128x1024xf32>, vector<1280x1024xf32> -> vector<1280x1024xf32>
    %slice3A_70 = vector.extract_strided_slice %dot_general3A_69 {offsets = [0, 0], sizes = [256, 1024], strides = [1, 1]} : vector<1280x1024xf32> to vector<256x1024xf32>
    %slice3A_71 = vector.extract_strided_slice %dot_general3A_69 {offsets = [256, 0], sizes = [256, 1024], strides = [1, 1]} : vector<1280x1024xf32> to vector<256x1024xf32>
    %slice3A_72 = vector.extract_strided_slice %dot_general3A_69 {offsets = [512, 0], sizes = [256, 1024], strides = [1, 1]} : vector<1280x1024xf32> to vector<256x1024xf32>
    %slice3A_73 = vector.extract_strided_slice %dot_general3A_69 {offsets = [768, 0], sizes = [256, 1024], strides = [1, 1]} : vector<1280x1024xf32> to vector<256x1024xf32>
    %slice3A_74 = vector.extract_strided_slice %dot_general3A_69 {offsets = [1024, 0], sizes = [256, 1024], strides = [1, 1]} : vector<1280x1024xf32> to vector<256x1024xf32>
    %mul3A = arith.constant 5.000000e-01 : f32
    %mul3A_75 = vector.broadcast %mul3A : f32 to vector<256x1024xf32>
    %mul3A_76 = arith.mulf %mul3A_75, %slice3A_71 : vector<256x1024xf32>
    %tanh3A = math.tanh %mul3A_76 : vector<256x1024xf32>
    %mul3A_77 = arith.constant 5.000000e-01 : f32
    %mul3A_78 = vector.broadcast %mul3A_77 : f32 to vector<256x1024xf32>
    %mul3A_79 = arith.mulf %mul3A_78, %tanh3A : vector<256x1024xf32>
    %add3A_80 = arith.constant 5.000000e-01 : f32
    %add3A_81 = vector.broadcast %add3A_80 : f32 to vector<256x1024xf32>
    %add3A_82 = arith.addf %mul3A_79, %add3A_81 : vector<256x1024xf32>
    %mul3A_83 = arith.mulf %add3A_82, %slice3A_74 : vector<256x1024xf32>
    %mul3A_84 = arith.constant 5.000000e-01 : f32
    %mul3A_85 = vector.broadcast %mul3A_84 : f32 to vector<256x1024xf32>
    %mul3A_86 = arith.mulf %mul3A_85, %slice3A_70 : vector<256x1024xf32>
    %tanh3A_87 = math.tanh %mul3A_86 : vector<256x1024xf32>
    %mul3A_88 = arith.constant 5.000000e-01 : f32
    %mul3A_89 = vector.broadcast %mul3A_88 : f32 to vector<256x1024xf32>
    %mul3A_90 = arith.mulf %mul3A_89, %tanh3A_87 : vector<256x1024xf32>
    %add3A_91 = arith.constant 5.000000e-01 : f32
    %add3A_92 = vector.broadcast %add3A_91 : f32 to vector<256x1024xf32>
    %add3A_93 = arith.addf %mul3A_90, %add3A_92 : vector<256x1024xf32>
    %tanh3A_94 = math.tanh %slice3A_73 : vector<256x1024xf32>
    %mul3A_95 = arith.mulf %add3A_93, %tanh3A_94 : vector<256x1024xf32>
    %add3A_96 = arith.addf %mul3A_83, %mul3A_95 : vector<256x1024xf32>
    %mul3A_97 = arith.constant 5.000000e-01 : f32
    %mul3A_98 = vector.broadcast %mul3A_97 : f32 to vector<256x1024xf32>
    %mul3A_99 = arith.mulf %mul3A_98, %slice3A_72 : vector<256x1024xf32>
    %tanh3A_100 = math.tanh %mul3A_99 : vector<256x1024xf32>
    %mul3A_101 = arith.constant 5.000000e-01 : f32
    %mul3A_102 = vector.broadcast %mul3A_101 : f32 to vector<256x1024xf32>
    %mul3A_103 = arith.mulf %mul3A_102, %tanh3A_100 : vector<256x1024xf32>
    %add3A_104 = arith.constant 5.000000e-01 : f32
    %add3A_105 = vector.broadcast %add3A_104 : f32 to vector<256x1024xf32>
    %add3A_106 = arith.addf %mul3A_103, %add3A_105 : vector<256x1024xf32>
    %tanh3A_107 = math.tanh %add3A_96 : vector<256x1024xf32>
    %mul3A_108 = arith.mulf %add3A_106, %tanh3A_107 : vector<256x1024xf32>
    %slice3A_109 = vector.extract_strided_slice %add3A_96 {offsets = [0, 0], sizes = [256, 512], strides = [1, 1]} : vector<256x1024xf32> to vector<256x512xf32>
    %slice3A_110 = vector.extract_strided_slice %add3A_96 {offsets = [0, 512], sizes = [256, 512], strides = [1, 1]} : vector<256x1024xf32> to vector<256x512xf32>
    %max3A = arith.maximumf %slice3A_109, %slice3A_110 : vector<256x512xf32>
    %slice3A_111 = vector.extract_strided_slice %mul3A_108 {offsets = [0, 0], sizes = [256, 512], strides = [1, 1]} : vector<256x1024xf32> to vector<256x512xf32>
    %slice3A_112 = vector.extract_strided_slice %mul3A_108 {offsets = [0, 512], sizes = [256, 512], strides = [1, 1]} : vector<256x1024xf32> to vector<256x512xf32>
    %max3A_113 = arith.maximumf %slice3A_111, %slice3A_112 : vector<256x512xf32>
    %slice3A_114 = vector.extract_strided_slice %max3A {offsets = [0, 0], sizes = [256, 256], strides = [1, 1]} : vector<256x512xf32> to vector<256x256xf32>
    %slice3A_115 = vector.extract_strided_slice %max3A {offsets = [0, 256], sizes = [256, 256], strides = [1, 1]} : vector<256x512xf32> to vector<256x256xf32>
    %max3A_116 = arith.maximumf %slice3A_114, %slice3A_115 : vector<256x256xf32>
    %slice3A_117 = vector.extract_strided_slice %max3A_113 {offsets = [0, 0], sizes = [256, 256], strides = [1, 1]} : vector<256x512xf32> to vector<256x256xf32>
    %slice3A_118 = vector.extract_strided_slice %max3A_113 {offsets = [0, 256], sizes = [256, 256], strides = [1, 1]} : vector<256x512xf32> to vector<256x256xf32>
    %max3A_119 = arith.maximumf %slice3A_117, %slice3A_118 : vector<256x256xf32>
    %slice3A_120 = vector.extract_strided_slice %max3A_116 {offsets = [0, 0], sizes = [256, 128], strides = [1, 1]} : vector<256x256xf32> to vector<256x128xf32>
    %slice3A_121 = vector.extract_strided_slice %max3A_116 {offsets = [0, 128], sizes = [256, 128], strides = [1, 1]} : vector<256x256xf32> to vector<256x128xf32>
    %max3A_122 = arith.maximumf %slice3A_120, %slice3A_121 : vector<256x128xf32>
    %slice3A_123 = vector.extract_strided_slice %max3A_119 {offsets = [0, 0], sizes = [256, 128], strides = [1, 1]} : vector<256x256xf32> to vector<256x128xf32>
    %slice3A_124 = vector.extract_strided_slice %max3A_119 {offsets = [0, 128], sizes = [256, 128], strides = [1, 1]} : vector<256x256xf32> to vector<256x128xf32>
    %max3A_125 = arith.maximumf %slice3A_123, %slice3A_124 : vector<256x128xf32>
    %slice3A_126 = vector.extract_strided_slice %max3A_122 {offsets = [0, 0], sizes = [256, 64], strides = [1, 1]} : vector<256x128xf32> to vector<256x64xf32>
    %slice3A_127 = vector.extract_strided_slice %max3A_122 {offsets = [0, 64], sizes = [256, 64], strides = [1, 1]} : vector<256x128xf32> to vector<256x64xf32>
    %max3A_128 = arith.maximumf %slice3A_126, %slice3A_127 : vector<256x64xf32>
    %slice3A_129 = vector.extract_strided_slice %max3A_125 {offsets = [0, 0], sizes = [256, 64], strides = [1, 1]} : vector<256x128xf32> to vector<256x64xf32>
    %slice3A_130 = vector.extract_strided_slice %max3A_125 {offsets = [0, 64], sizes = [256, 64], strides = [1, 1]} : vector<256x128xf32> to vector<256x64xf32>
    %max3A_131 = arith.maximumf %slice3A_129, %slice3A_130 : vector<256x64xf32>
    %swap3A = arith.constant 0 : index
    %swap3A_132 = arith.constant 0 : index
    %swap3A_133 = vector.load %arg7[%swap3A, %swap3A_132] : memref<256x512xf32, #tpu.memory_space<vmem>>, vector<256x64xf32>
    tpu.vector_store %arg7[%swap3A, %swap3A_132], %max3A_128 {strides = array<i32>} : memref<256x512xf32, #tpu.memory_space<vmem>>, vector<256x64xf32>,
    %swap3A_134 = arith.constant 4 : index
    %swap3A_135 = arith.constant 0 : index
    %swap3A_136 = vector.load %arg6[%swap3A_134, %swap3A_135] : memref<260x512xf32, #tpu.memory_space<vmem>>, vector<256x64xf32>
    tpu.vector_store %arg6[%swap3A_134, %swap3A_135], %max3A_131 {strides = array<i32>} : memref<260x512xf32, #tpu.memory_space<vmem>>, vector<256x64xf32>,
    %swap3A_137 = arith.constant 0 : index
    %swap3A_138 = arith.constant 0 : index
    %swap3A_139 = vector.load %arg6[%swap3A_137, %swap3A_138] : memref<260x512xf32, #tpu.memory_space<vmem>>, vector<4x64xf32>
    tpu.vector_store %arg6[%swap3A_137, %swap3A_138], %slice3A_48 {strides = array<i32>} : memref<260x512xf32, #tpu.memory_space<vmem>>, vector<4x64xf32>,
    %swap3A_140 = arith.constant 0 : index
    %swap3A_141 = arith.constant 0 : index
    %swap3A_142 = arith.constant 4 : index
    %swap3A_143 = arith.constant 0 : index
    %swap3A_144 = vector.load %arg5[%swap3A_140, %swap3A_141, %swap3A_142, %swap3A_143] : memref<8x1x260x64xf32, #tpu.memory_space<vmem>>, vector<1x1x256x64xf32>
    %swap3A_145 = vector.shape_cast %swap3A_144 : vector<1x1x256x64xf32> to vector<256x64xf32>
    %swap3A_146 = vector.shape_cast %max3A_131 : vector<256x64xf32> to vector<1x1x256x64xf32>
    tpu.vector_store %arg5[%swap3A_140, %swap3A_141, %swap3A_142, %swap3A_143], %swap3A_146 {strides = array<i32>} : memref<8x1x260x64xf32, #tpu.memory_space<vmem>>, vector<1x1x256x64xf32>,
    %swap3A_147 = arith.constant 0 : index
    %swap3A_148 = arith.constant 0 : index
    %swap3A_149 = arith.constant 0 : index
    %swap3A_150 = arith.constant 0 : index
    %swap3A_151 = vector.load %arg5[%swap3A_147, %swap3A_148, %swap3A_149, %swap3A_150] : memref<8x1x260x64xf32, #tpu.memory_space<vmem>>, vector<1x1x4x64xf32>
    %swap3A_152 = vector.shape_cast %swap3A_151 : vector<1x1x4x64xf32> to vector<4x64xf32>
    %swap3A_153 = vector.shape_cast %slice3A_48 : vector<4x64xf32> to vector<1x1x4x64xf32>
    tpu.vector_store %arg5[%swap3A_147, %swap3A_148, %swap3A_149, %swap3A_150], %swap3A_153 {strides = array<i32>} : memref<8x1x260x64xf32, #tpu.memory_space<vmem>>, vector<1x1x4x64xf32>,
    %slice3A_154 = vector.extract_strided_slice %slice3A {offsets = [0, 64], sizes = [4, 64], strides = [1, 1]} : vector<4x512xf32> to vector<4x64xf32>
    %slice3A_155 = vector.extract_strided_slice %add3A_26 {offsets = [0, 64], sizes = [1024, 64], strides = [1, 1]} : vector<1024x512xf32> to vector<1024x64xf32>
    %get3A_156 = arith.constant 1 : index
    %get3A_157 = arith.constant 0 : index
    %get3A_158 = arith.constant 0 : index
    %get3A_159 = arith.constant 0 : index
    %get3A_160 = vector.load %arg2[%get3A_156, %get3A_157, %get3A_158, %get3A_159] : memref<8x1x1x1024xi32, #tpu.memory_space<vmem>>, vector<1x1x1x1024xi32>
    %get3A_161 = vector.shape_cast %get3A_160 : vector<1x1x1x1024xi32> to vector<1024xi32>
    %broadcast_in_dim3A_162 = vector.shape_cast %get3A_161 : vector<1024xi32> to vector<1x1024xi32>
    %eq3A_163 = vector.broadcast %broadcast_in_dim3A_162 : vector<1x1024xi32> to vector<64x1024xi32>
    %eq3A_164 = arith.cmpi eq, %iota3A, %eq3A_163 : vector<64x1024xi32>
    %convert_element_type3A_165 = arith.extui %eq3A_164 : vector<64x1024xi1> to vector<64x1024xi32>
    %convert_element_type3A_166 = arith.sitofp %convert_element_type3A_165 : vector<64x1024xi32> to vector<64x1024xf32>
    %slice3A_167 = vector.extract_strided_slice %dot_general3A_13 {offsets = [0, 64], sizes = [1024, 64], strides = [1, 1]} : vector<1024x512xf32> to vector<1024x64xf32>
    %concatenate3A_168 = tpu.concatenate %slice3A_167, %slice3A_155 in 1 : vector<1024x64xf32>, vector<1024x64xf32> -> vector<1024x128xf32>
    %get3A_169 = arith.constant 0 : index
    %get3A_170 = arith.constant 64 : index
    %get3A_171 = vector.load %arg7[%get3A_169, %get3A_170] : memref<256x512xf32, #tpu.memory_space<vmem>>, vector<256x64xf32>
    %concatenate3A_172 = tpu.concatenate %get3A_171, %broadcast_in_dim3A_47 in 1 : vector<256x64xf32>, vector<256x64xf32> -> vector<256x128xf32>
    %concatenate3A_173 = tpu.concatenate %concatenate3A_168, %concatenate3A_172 in 0 : vector<1024x128xf32>, vector<256x128xf32> -> vector<1280x128xf32>
    %concatenate3A_174 = tpu.concatenate %convert_element_type3A_166, %convert_element_type3A_46 in 0 : vector<64x1024xf32>, vector<64x1024xf32> -> vector<128x1024xf32>
    %dot_general3A_175 = arith.constant dense<0.000000e+00> : vector<1280x1024xf32>
    %dot_general3A_176 = tpu.matmul %concatenate3A_173, %concatenate3A_174, %dot_general3A_175 {dimension_numbers = #tpu.dot_dimension_numbers<[1], [0], [0], [1], [0, 0, 1, 1], [], []>, transpose_lhs_hint = false} : vector<1280x128xf32>, vector<128x1024xf32>, vector<1280x1024xf32> -> vector<1280x1024xf32>
    %slice3A_177 = vector.extract_strided_slice %dot_general3A_176 {offsets = [0, 0], sizes = [256, 1024], strides = [1, 1]} : vector<1280x1024xf32> to vector<256x1024xf32>
    %slice3A_178 = vector.extract_strided_slice %dot_general3A_176 {offsets = [256, 0], sizes = [256, 1024], strides = [1, 1]} : vector<1280x1024xf32> to vector<256x1024xf32>
    %slice3A_179 = vector.extract_strided_slice %dot_general3A_176 {offsets = [512, 0], sizes = [256, 1024], strides = [1, 1]} : vector<1280x1024xf32> to vector<256x1024xf32>
    %slice3A_180 = vector.extract_strided_slice %dot_general3A_176 {offsets = [768, 0], sizes = [256, 1024], strides = [1, 1]} : vector<1280x1024xf32> to vector<256x1024xf32>
    %slice3A_181 = vector.extract_strided_slice %dot_general3A_176 {offsets = [1024, 0], sizes = [256, 1024], strides = [1, 1]} : vector<1280x1024xf32> to vector<256x1024xf32>
    %mul3A_182 = arith.constant 5.000000e-01 : f32
    %mul3A_183 = vector.broadcast %mul3A_182 : f32 to vector<256x1024xf32>
    %mul3A_184 = arith.mulf %mul3A_183, %slice3A_178 : vector<256x1024xf32>
    %tanh3A_185 = math.tanh %mul3A_184 : vector<256x1024xf32>
    %mul3A_186 = arith.constant 5.000000e-01 : f32
    %mul3A_187 = vector.broadcast %mul3A_186 : f32 to vector<256x1024xf32>
    %mul3A_188 = arith.mulf %mul3A_187, %tanh3A_185 : vector<256x1024xf32>
    %add3A_189 = arith.constant 5.000000e-01 : f32
    %add3A_190 = vector.broadcast %add3A_189 : f32 to vector<256x1024xf32>
    %add3A_191 = arith.addf %mul3A_188, %add3A_190 : vector<256x1024xf32>
    %mul3A_192 = arith.mulf %add3A_191, %slice3A_181 : vector<256x1024xf32>
    %mul3A_193 = arith.constant 5.000000e-01 : f32
    %mul3A_194 = vector.broadcast %mul3A_193 : f32 to vector<256x1024xf32>
    %mul3A_195 = arith.mulf %mul3A_194, %slice3A_177 : vector<256x1024xf32>
    %tanh3A_196 = math.tanh %mul3A_195 : vector<256x1024xf32>
    %mul3A_197 = arith.constant 5.000000e-01 : f32
    %mul3A_198 = vector.broadcast %mul3A_197 : f32 to vector<256x1024xf32>
    %mul3A_199 = arith.mulf %mul3A_198, %tanh3A_196 : vector<256x1024xf32>
    %add3A_200 = arith.constant 5.000000e-01 : f32
    %add3A_201 = vector.broadcast %add3A_200 : f32 to vector<256x1024xf32>
    %add3A_202 = arith.addf %mul3A_199, %add3A_201 : vector<256x1024xf32>
    %tanh3A_203 = math.tanh %slice3A_180 : vector<256x1024xf32>
    %mul3A_204 = arith.mulf %add3A_202, %tanh3A_203 : vector<256x1024xf32>
    %add3A_205 = arith.addf %mul3A_192, %mul3A_204 : vector<256x1024xf32>
    %mul3A_206 = arith.constant 5.000000e-01 : f32
    %mul3A_207 = vector.broadcast %mul3A_206 : f32 to vector<256x1024xf32>
    %mul3A_208 = arith.mulf %mul3A_207, %slice3A_179 : vector<256x1024xf32>
    %tanh3A_209 = math.tanh %mul3A_208 : vector<256x1024xf32>
    %mul3A_210 = arith.constant 5.000000e-01 : f32
    %mul3A_211 = vector.broadcast %mul3A_210 : f32 to vector<256x1024xf32>
    %mul3A_212 = arith.mulf %mul3A_211, %tanh3A_209 : vector<256x1024xf32>
    %add3A_213 = arith.constant 5.000000e-01 : f32
    %add3A_214 = vector.broadcast %add3A_213 : f32 to vector<256x1024xf32>
    %add3A_215 = arith.addf %mul3A_212, %add3A_214 : vector<256x1024xf32>
    %tanh3A_216 = math.tanh %add3A_205 : vector<256x1024xf32>
    %mul3A_217 = arith.mulf %add3A_215, %tanh3A_216 : vector<256x1024xf32>
    %slice3A_218 = vector.extract_strided_slice %add3A_205 {offsets = [0, 0], sizes = [256, 512], strides = [1, 1]} : vector<256x1024xf32> to vector<256x512xf32>
    %slice3A_219 = vector.extract_strided_slice %add3A_205 {offsets = [0, 512], sizes = [256, 512], strides = [1, 1]} : vector<256x1024xf32> to vector<256x512xf32>
    %max3A_220 = arith.maximumf %slice3A_218, %slice3A_219 : vector<256x512xf32>
    %slice3A_221 = vector.extract_strided_slice %mul3A_217 {offsets = [0, 0], sizes = [256, 512], strides = [1, 1]} : vector<256x1024xf32> to vector<256x512xf32>
    %slice3A_222 = vector.extract_strided_slice %mul3A_217 {offsets = [0, 512], sizes = [256, 512], strides = [1, 1]} : vector<256x1024xf32> to vector<256x512xf32>
    %max3A_223 = arith.maximumf %slice3A_221, %slice3A_222 : vector<256x512xf32>
    %slice3A_224 = vector.extract_strided_slice %max3A_220 {offsets = [0, 0], sizes = [256, 256], strides = [1, 1]} : vector<256x512xf32> to vector<256x256xf32>
    %slice3A_225 = vector.extract_strided_slice %max3A_220 {offsets = [0, 256], sizes = [256, 256], strides = [1, 1]} : vector<256x512xf32> to vector<256x256xf32>
    %max3A_226 = arith.maximumf %slice3A_224, %slice3A_225 : vector<256x256xf32>
    %slice3A_227 = vector.extract_strided_slice %max3A_223 {offsets = [0, 0], sizes = [256, 256], strides = [1, 1]} : vector<256x512xf32> to vector<256x256xf32>
    %slice3A_228 = vector.extract_strided_slice %max3A_223 {offsets = [0, 256], sizes = [256, 256], strides = [1, 1]} : vector<256x512xf32> to vector<256x256xf32>
    %max3A_229 = arith.maximumf %slice3A_227, %slice3A_228 : vector<256x256xf32>
    %slice3A_230 = vector.extract_strided_slice %max3A_226 {offsets = [0, 0], sizes = [256, 128], strides = [1, 1]} : vector<256x256xf32> to vector<256x128xf32>
    %slice3A_231 = vector.extract_strided_slice %max3A_226 {offsets = [0, 128], sizes = [256, 128], strides = [1, 1]} : vector<256x256xf32> to vector<256x128xf32>
    %max3A_232 = arith.maximumf %slice3A_230, %slice3A_231 : vector<256x128xf32>
    %slice3A_233 = vector.extract_strided_slice %max3A_229 {offsets = [0, 0], sizes = [256, 128], strides = [1, 1]} : vector<256x256xf32> to vector<256x128xf32>
    %slice3A_234 = vector.extract_strided_slice %max3A_229 {offsets = [0, 128], sizes = [256, 128], strides = [1, 1]} : vector<256x256xf32> to vector<256x128xf32>
    %max3A_235 = arith.maximumf %slice3A_233, %slice3A_234 : vector<256x128xf32>
    %slice3A_236 = vector.extract_strided_slice %max3A_232 {offsets = [0, 0], sizes = [256, 64], strides = [1, 1]} : vector<256x128xf32> to vector<256x64xf32>
    %slice3A_237 = vector.extract_strided_slice %max3A_232 {offsets = [0, 64], sizes = [256, 64], strides = [1, 1]} : vector<256x128xf32> to vector<256x64xf32>
    %max3A_238 = arith.maximumf %slice3A_236, %slice3A_237 : vector<256x64xf32>
    %slice3A_239 = vector.extract_strided_slice %max3A_235 {offsets = [0, 0], sizes = [256, 64], strides = [1, 1]} : vector<256x128xf32> to vector<256x64xf32>
    %slice3A_240 = vector.extract_strided_slice %max3A_235 {offsets = [0, 64], sizes = [256, 64], strides = [1, 1]} : vector<256x128xf32> to vector<256x64xf32>
    %max3A_241 = arith.maximumf %slice3A_239, %slice3A_240 : vector<256x64xf32>
    %swap3A_242 = arith.constant 0 : index
    %swap3A_243 = arith.constant 64 : index
    %swap3A_244 = vector.load %arg7[%swap3A_242, %swap3A_243] : memref<256x512xf32, #tpu.memory_space<vmem>>, vector<256x64xf32>
    tpu.vector_store %arg7[%swap3A_242, %swap3A_243], %max3A_238 {strides = array<i32>} : memref<256x512xf32, #tpu.memory_space<vmem>>, vector<256x64xf32>,
    %swap3A_245 = arith.constant 4 : index
    %swap3A_246 = arith.constant 64 : index
    %swap3A_247 = vector.load %arg6[%swap3A_245, %swap3A_246] : memref<260x512xf32, #tpu.memory_space<vmem>>, vector<256x64xf32>
    tpu.vector_store %arg6[%swap3A_245, %swap3A_246], %max3A_241 {strides = array<i32>} : memref<260x512xf32, #tpu.memory_space<vmem>>, vector<256x64xf32>,
    %swap3A_248 = arith.constant 0 : index
    %swap3A_249 = arith.constant 64 : index
    %swap3A_250 = vector.load %arg6[%swap3A_248, %swap3A_249] : memref<260x512xf32, #tpu.memory_space<vmem>>, vector<4x64xf32>
    tpu.vector_store %arg6[%swap3A_248, %swap3A_249], %slice3A_154 {strides = array<i32>} : memref<260x512xf32, #tpu.memory_space<vmem>>, vector<4x64xf32>,
    %swap3A_251 = arith.constant 1 : index
    %swap3A_252 = arith.constant 0 : index
    %swap3A_253 = arith.constant 4 : index
    %swap3A_254 = arith.constant 0 : index
    %swap3A_255 = vector.load %arg5[%swap3A_251, %swap3A_252, %swap3A_253, %swap3A_254] : memref<8x1x260x64xf32, #tpu.memory_space<vmem>>, vector<1x1x256x64xf32>
    %swap3A_256 = vector.shape_cast %swap3A_255 : vector<1x1x256x64xf32> to vector<256x64xf32>
    %swap3A_257 = vector.shape_cast %max3A_241 : vector<256x64xf32> to vector<1x1x256x64xf32>
    tpu.vector_store %arg5[%swap3A_251, %swap3A_252, %swap3A_253, %swap3A_254], %swap3A_257 {strides = array<i32>} : memref<8x1x260x64xf32, #tpu.memory_space<vmem>>, vector<1x1x256x64xf32>,
    %swap3A_258 = arith.constant 1 : index
    %swap3A_259 = arith.constant 0 : index
    %swap3A_260 = arith.constant 0 : index
    %swap3A_261 = arith.constant 0 : index
    %swap3A_262 = vector.load %arg5[%swap3A_258, %swap3A_259, %swap3A_260, %swap3A_261] : memref<8x1x260x64xf32, #tpu.memory_space<vmem>>, vector<1x1x4x64xf32>
    %swap3A_263 = vector.shape_cast %swap3A_262 : vector<1x1x4x64xf32> to vector<4x64xf32>
    %swap3A_264 = vector.shape_cast %slice3A_154 : vector<4x64xf32> to vector<1x1x4x64xf32>
    tpu.vector_store %arg5[%swap3A_258, %swap3A_259, %swap3A_260, %swap3A_261], %swap3A_264 {strides = array<i32>} : memref<8x1x260x64xf32, #tpu.memory_space<vmem>>, vector<1x1x4x64xf32>,
    %slice3A_265 = vector.extract_strided_slice %slice3A {offsets = [0, 128], sizes = [4, 64], strides = [1, 1]} : vector<4x512xf32> to vector<4x64xf32>
    %slice3A_266 = vector.extract_strided_slice %add3A_26 {offsets = [0, 128], sizes = [1024, 64], strides = [1, 1]} : vector<1024x512xf32> to vector<1024x64xf32>
    %get3A_267 = arith.constant 2 : index
    %get3A_268 = arith.constant 0 : index
    %get3A_269 = arith.constant 0 : index
    %get3A_270 = arith.constant 0 : index
    %get3A_271 = vector.load %arg2[%get3A_267, %get3A_268, %get3A_269, %get3A_270] : memref<8x1x1x1024xi32, #tpu.memory_space<vmem>>, vector<1x1x1x1024xi32>
    %get3A_272 = vector.shape_cast %get3A_271 : vector<1x1x1x1024xi32> to vector<1024xi32>
    %broadcast_in_dim3A_273 = vector.shape_cast %get3A_272 : vector<1024xi32> to vector<1x1024xi32>
    %eq3A_274 = vector.broadcast %broadcast_in_dim3A_273 : vector<1x1024xi32> to vector<64x1024xi32>
    %eq3A_275 = arith.cmpi eq, %iota3A, %eq3A_274 : vector<64x1024xi32>
    %convert_element_type3A_276 = arith.extui %eq3A_275 : vector<64x1024xi1> to vector<64x1024xi32>
    %convert_element_type3A_277 = arith.sitofp %convert_element_type3A_276 : vector<64x1024xi32> to vector<64x1024xf32>
    %slice3A_278 = vector.extract_strided_slice %dot_general3A_13 {offsets = [0, 128], sizes = [1024, 64], strides = [1, 1]} : vector<1024x512xf32> to vector<1024x64xf32>
    %concatenate3A_279 = tpu.concatenate %slice3A_278, %slice3A_266 in 1 : vector<1024x64xf32>, vector<1024x64xf32> -> vector<1024x128xf32>
    %get3A_280 = arith.constant 0 : index
    %get3A_281 = arith.constant 128 : index
    %get3A_282 = vector.load %arg7[%get3A_280, %get3A_281] : memref<256x512xf32, #tpu.memory_space<vmem>>, vector<256x64xf32>
    %concatenate3A_283 = tpu.concatenate %get3A_282, %broadcast_in_dim3A_47 in 1 : vector<256x64xf32>, vector<256x64xf32> -> vector<256x128xf32>
    %concatenate3A_284 = tpu.concatenate %concatenate3A_279, %concatenate3A_283 in 0 : vector<1024x128xf32>, vector<256x128xf32> -> vector<1280x128xf32>
    %concatenate3A_285 = tpu.concatenate %convert_element_type3A_277, %convert_element_type3A_46 in 0 : vector<64x1024xf32>, vector<64x1024xf32> -> vector<128x1024xf32>
    %dot_general3A_286 = arith.constant dense<0.000000e+00> : vector<1280x1024xf32>
    %dot_general3A_287 = tpu.matmul %concatenate3A_284, %concatenate3A_285, %dot_general3A_286 {dimension_numbers = #tpu.dot_dimension_numbers<[1], [0], [0], [1], [0, 0, 1, 1], [], []>, transpose_lhs_hint = false} : vector<1280x128xf32>, vector<128x1024xf32>, vector<1280x1024xf32> -> vector<1280x1024xf32>
    %slice3A_288 = vector.extract_strided_slice %dot_general3A_287 {offsets = [0, 0], sizes = [256, 1024], strides = [1, 1]} : vector<1280x1024xf32> to vector<256x1024xf32>
    %slice3A_289 = vector.extract_strided_slice %dot_general3A_287 {offsets = [256, 0], sizes = [256, 1024], strides = [1, 1]} : vector<1280x1024xf32> to vector<256x1024xf32>
    %slice3A_290 = vector.extract_strided_slice %dot_general3A_287 {offsets = [512, 0], sizes = [256, 1024], strides = [1, 1]} : vector<1280x1024xf32> to vector<256x1024xf32>
    %slice3A_291 = vector.extract_strided_slice %dot_general3A_287 {offsets = [768, 0], sizes = [256, 1024], strides = [1, 1]} : vector<1280x1024xf32> to vector<256x1024xf32>
    %slice3A_292 = vector.extract_strided_slice %dot_general3A_287 {offsets = [1024, 0], sizes = [256, 1024], strides = [1, 1]} : vector<1280x1024xf32> to vector<256x1024xf32>
    %mul3A_293 = arith.constant 5.000000e-01 : f32
    %mul3A_294 = vector.broadcast %mul3A_293 : f32 to vector<256x1024xf32>
    %mul3A_295 = arith.mulf %mul3A_294, %slice3A_289 : vector<256x1024xf32>
    %tanh3A_296 = math.tanh %mul3A_295 : vector<256x1024xf32>
    %mul3A_297 = arith.constant 5.000000e-01 : f32
    %mul3A_298 = vector.broadcast %mul3A_297 : f32 to vector<256x1024xf32>
    %mul3A_299 = arith.mulf %mul3A_298, %tanh3A_296 : vector<256x1024xf32>
    %add3A_300 = arith.constant 5.000000e-01 : f32
    %add3A_301 = vector.broadcast %add3A_300 : f32 to vector<256x1024xf32>
    %add3A_302 = arith.addf %mul3A_299, %add3A_301 : vector<256x1024xf32>
    %mul3A_303 = arith.mulf %add3A_302, %slice3A_292 : vector<256x1024xf32>
    %mul3A_304 = arith.constant 5.000000e-01 : f32
    %mul3A_305 = vector.broadcast %mul3A_304 : f32 to vector<256x1024xf32>
    %mul3A_306 = arith.mulf %mul3A_305, %slice3A_288 : vector<256x1024xf32>
    %tanh3A_307 = math.tanh %mul3A_306 : vector<256x1024xf32>
    %mul3A_308 = arith.constant 5.000000e-01 : f32
    %mul3A_309 = vector.broadcast %mul3A_308 : f32 to vector<256x1024xf32>
    %mul3A_310 = arith.mulf %mul3A_309, %tanh3A_307 : vector<256x1024xf32>
    %add3A_311 = arith.constant 5.000000e-01 : f32
    %add3A_312 = vector.broadcast %add3A_311 : f32 to vector<256x1024xf32>
    %add3A_313 = arith.addf %mul3A_310, %add3A_312 : vector<256x1024xf32>
    %tanh3A_314 = math.tanh %slice3A_291 : vector<256x1024xf32>
    %mul3A_315 = arith.mulf %add3A_313, %tanh3A_314 : vector<256x1024xf32>
    %add3A_316 = arith.addf %mul3A_303, %mul3A_315 : vector<256x1024xf32>
    %mul3A_317 = arith.constant 5.000000e-01 : f32
    %mul3A_318 = vector.broadcast %mul3A_317 : f32 to vector<256x1024xf32>
    %mul3A_319 = arith.mulf %mul3A_318, %slice3A_290 : vector<256x1024xf32>
    %tanh3A_320 = math.tanh %mul3A_319 : vector<256x1024xf32>
    %mul3A_321 = arith.constant 5.000000e-01 : f32
    %mul3A_322 = vector.broadcast %mul3A_321 : f32 to vector<256x1024xf32>
    %mul3A_323 = arith.mulf %mul3A_322, %tanh3A_320 : vector<256x1024xf32>
    %add3A_324 = arith.constant 5.000000e-01 : f32
    %add3A_325 = vector.broadcast %add3A_324 : f32 to vector<256x1024xf32>
    %add3A_326 = arith.addf %mul3A_323, %add3A_325 : vector<256x1024xf32>
    %tanh3A_327 = math.tanh %add3A_316 : vector<256x1024xf32>
    %mul3A_328 = arith.mulf %add3A_326, %tanh3A_327 : vector<256x1024xf32>
    %slice3A_329 = vector.extract_strided_slice %add3A_316 {offsets = [0, 0], sizes = [256, 512], strides = [1, 1]} : vector<256x1024xf32> to vector<256x512xf32>
    %slice3A_330 = vector.extract_strided_slice %add3A_316 {offsets = [0, 512], sizes = [256, 512], strides = [1, 1]} : vector<256x1024xf32> to vector<256x512xf32>
    %max3A_331 = arith.maximumf %slice3A_329, %slice3A_330 : vector<256x512xf32>
    %slice3A_332 = vector.extract_strided_slice %mul3A_328 {offsets = [0, 0], sizes = [256, 512], strides = [1, 1]} : vector<256x1024xf32> to vector<256x512xf32>
    %slice3A_333 = vector.extract_strided_slice %mul3A_328 {offsets = [0, 512], sizes = [256, 512], strides = [1, 1]} : vector<256x1024xf32> to vector<256x512xf32>
    %max3A_334 = arith.maximumf %slice3A_332, %slice3A_333 : vector<256x512xf32>
    %slice3A_335 = vector.extract_strided_slice %max3A_331 {offsets = [0, 0], sizes = [256, 256], strides = [1, 1]} : vector<256x512xf32> to vector<256x256xf32>
    %slice3A_336 = vector.extract_strided_slice %max3A_331 {offsets = [0, 256], sizes = [256, 256], strides = [1, 1]} : vector<256x512xf32> to vector<256x256xf32>
    %max3A_337 = arith.maximumf %slice3A_335, %slice3A_336 : vector<256x256xf32>
    %slice3A_338 = vector.extract_strided_slice %max3A_334 {offsets = [0, 0], sizes = [256, 256], strides = [1, 1]} : vector<256x512xf32> to vector<256x256xf32>
    %slice3A_339 = vector.extract_strided_slice %max3A_334 {offsets = [0, 256], sizes = [256, 256], strides = [1, 1]} : vector<256x512xf32> to vector<256x256xf32>
    %max3A_340 = arith.maximumf %slice3A_338, %slice3A_339 : vector<256x256xf32>
    %slice3A_341 = vector.extract_strided_slice %max3A_337 {offsets = [0, 0], sizes = [256, 128], strides = [1, 1]} : vector<256x256xf32> to vector<256x128xf32>
    %slice3A_342 = vector.extract_strided_slice %max3A_337 {offsets = [0, 128], sizes = [256, 128], strides = [1, 1]} : vector<256x256xf32> to vector<256x128xf32>
    %max3A_343 = arith.maximumf %slice3A_341, %slice3A_342 : vector<256x128xf32>
    %slice3A_344 = vector.extract_strided_slice %max3A_340 {offsets = [0, 0], sizes = [256, 128], strides = [1, 1]} : vector<256x256xf32> to vector<256x128xf32>
    %slice3A_345 = vector.extract_strided_slice %max3A_340 {offsets = [0, 128], sizes = [256, 128], strides = [1, 1]} : vector<256x256xf32> to vector<256x128xf32>
    %max3A_346 = arith.maximumf %slice3A_344, %slice3A_345 : vector<256x128xf32>
    %slice3A_347 = vector.extract_strided_slice %max3A_343 {offsets = [0, 0], sizes = [256, 64], strides = [1, 1]} : vector<256x128xf32> to vector<256x64xf32>
    %slice3A_348 = vector.extract_strided_slice %max3A_343 {offsets = [0, 64], sizes = [256, 64], strides = [1, 1]} : vector<256x128xf32> to vector<256x64xf32>
    %max3A_349 = arith.maximumf %slice3A_347, %slice3A_348 : vector<256x64xf32>
    %slice3A_350 = vector.extract_strided_slice %max3A_346 {offsets = [0, 0], sizes = [256, 64], strides = [1, 1]} : vector<256x128xf32> to vector<256x64xf32>
    %slice3A_351 = vector.extract_strided_slice %max3A_346 {offsets = [0, 64], sizes = [256, 64], strides = [1, 1]} : vector<256x128xf32> to vector<256x64xf32>
    %max3A_352 = arith.maximumf %slice3A_350, %slice3A_351 : vector<256x64xf32>
    %swap3A_353 = arith.constant 0 : index
    %swap3A_354 = arith.constant 128 : index
    %swap3A_355 = vector.load %arg7[%swap3A_353, %swap3A_354] : memref<256x512xf32, #tpu.memory_space<vmem>>, vector<256x64xf32>
    tpu.vector_store %arg7[%swap3A_353, %swap3A_354], %max3A_349 {strides = array<i32>} : memref<256x512xf32, #tpu.memory_space<vmem>>, vector<256x64xf32>,
    %swap3A_356 = arith.constant 4 : index
    %swap3A_357 = arith.constant 128 : index
    %swap3A_358 = vector.load %arg6[%swap3A_356, %swap3A_357] : memref<260x512xf32, #tpu.memory_space<vmem>>, vector<256x64xf32>
    tpu.vector_store %arg6[%swap3A_356, %swap3A_357], %max3A_352 {strides = array<i32>} : memref<260x512xf32, #tpu.memory_space<vmem>>, vector<256x64xf32>,
    %swap3A_359 = arith.constant 0 : index
    %swap3A_360 = arith.constant 128 : index
    %swap3A_361 = vector.load %arg6[%swap3A_359, %swap3A_360] : memref<260x512xf32, #tpu.memory_space<vmem>>, vector<4x64xf32>
    tpu.vector_store %arg6[%swap3A_359, %swap3A_360], %slice3A_265 {strides = array<i32>} : memref<260x512xf32, #tpu.memory_space<vmem>>, vector<4x64xf32>,
    %swap3A_362 = arith.constant 2 : index
    %swap3A_363 = arith.constant 0 : index
    %swap3A_364 = arith.constant 4 : index
    %swap3A_365 = arith.constant 0 : index
    %swap3A_366 = vector.load %arg5[%swap3A_362, %swap3A_363, %swap3A_364, %swap3A_365] : memref<8x1x260x64xf32, #tpu.memory_space<vmem>>, vector<1x1x256x64xf32>
    %swap3A_367 = vector.shape_cast %swap3A_366 : vector<1x1x256x64xf32> to vector<256x64xf32>
    %swap3A_368 = vector.shape_cast %max3A_352 : vector<256x64xf32> to vector<1x1x256x64xf32>
    tpu.vector_store %arg5[%swap3A_362, %swap3A_363, %swap3A_364, %swap3A_365], %swap3A_368 {strides = array<i32>} : memref<8x1x260x64xf32, #tpu.memory_space<vmem>>, vector<1x1x256x64xf32>,
    %swap3A_369 = arith.constant 2 : index
    %swap3A_370 = arith.constant 0 : index
    %swap3A_371 = arith.constant 0 : index
    %swap3A_372 = arith.constant 0 : index
    %swap3A_373 = vector.load %arg5[%swap3A_369, %swap3A_370, %swap3A_371, %swap3A_372] : memref<8x1x260x64xf32, #tpu.memory_space<vmem>>, vector<1x1x4x64xf32>
    %swap3A_374 = vector.shape_cast %swap3A_373 : vector<1x1x4x64xf32> to vector<4x64xf32>
    %swap3A_375 = vector.shape_cast %slice3A_265 : vector<4x64xf32> to vector<1x1x4x64xf32>
    tpu.vector_store %arg5[%swap3A_369, %swap3A_370, %swap3A_371, %swap3A_372], %swap3A_375 {strides = array<i32>} : memref<8x1x260x64xf32, #tpu.memory_space<vmem>>, vector<1x1x4x64xf32>,
    %slice3A_376 = vector.extract_strided_slice %slice3A {offsets = [0, 192], sizes = [4, 64], strides = [1, 1]} : vector<4x512xf32> to vector<4x64xf32>
    %slice3A_377 = vector.extract_strided_slice %add3A_26 {offsets = [0, 192], sizes = [1024, 64], strides = [1, 1]} : vector<1024x512xf32> to vector<1024x64xf32>
    %get3A_378 = arith.constant 3 : index
    %get3A_379 = arith.constant 0 : index
    %get3A_380 = arith.constant 0 : index
    %get3A_381 = arith.constant 0 : index
    %get3A_382 = vector.load %arg2[%get3A_378, %get3A_379, %get3A_380, %get3A_381] : memref<8x1x1x1024xi32, #tpu.memory_space<vmem>>, vector<1x1x1x1024xi32>
    %get3A_383 = vector.shape_cast %get3A_382 : vector<1x1x1x1024xi32> to vector<1024xi32>
    %broadcast_in_dim3A_384 = vector.shape_cast %get3A_383 : vector<1024xi32> to vector<1x1024xi32>
    %eq3A_385 = vector.broadcast %broadcast_in_dim3A_384 : vector<1x1024xi32> to vector<64x1024xi32>
    %eq3A_386 = arith.cmpi eq, %iota3A, %eq3A_385 : vector<64x1024xi32>
    %convert_element_type3A_387 = arith.extui %eq3A_386 : vector<64x1024xi1> to vector<64x1024xi32>
    %convert_element_type3A_388 = arith.sitofp %convert_element_type3A_387 : vector<64x1024xi32> to vector<64x1024xf32>
    %slice3A_389 = vector.extract_strided_slice %dot_general3A_13 {offsets = [0, 192], sizes = [1024, 64], strides = [1, 1]} : vector<1024x512xf32> to vector<1024x64xf32>
    %concatenate3A_390 = tpu.concatenate %slice3A_389, %slice3A_377 in 1 : vector<1024x64xf32>, vector<1024x64xf32> -> vector<1024x128xf32>
    %get3A_391 = arith.constant 0 : index
    %get3A_392 = arith.constant 192 : index
    %get3A_393 = vector.load %arg7[%get3A_391, %get3A_392] : memref<256x512xf32, #tpu.memory_space<vmem>>, vector<256x64xf32>
    %concatenate3A_394 = tpu.concatenate %get3A_393, %broadcast_in_dim3A_47 in 1 : vector<256x64xf32>, vector<256x64xf32> -> vector<256x128xf32>
    %concatenate3A_395 = tpu.concatenate %concatenate3A_390, %concatenate3A_394 in 0 : vector<1024x128xf32>, vector<256x128xf32> -> vector<1280x128xf32>
    %concatenate3A_396 = tpu.concatenate %convert_element_type3A_388, %convert_element_type3A_46 in 0 : vector<64x1024xf32>, vector<64x1024xf32> -> vector<128x1024xf32>
    %dot_general3A_397 = arith.constant dense<0.000000e+00> : vector<1280x1024xf32>
    %dot_general3A_398 = tpu.matmul %concatenate3A_395, %concatenate3A_396, %dot_general3A_397 {dimension_numbers = #tpu.dot_dimension_numbers<[1], [0], [0], [1], [0, 0, 1, 1], [], []>, transpose_lhs_hint = false} : vector<1280x128xf32>, vector<128x1024xf32>, vector<1280x1024xf32> -> vector<1280x1024xf32>
    %slice3A_399 = vector.extract_strided_slice %dot_general3A_398 {offsets = [0, 0], sizes = [256, 1024], strides = [1, 1]} : vector<1280x1024xf32> to vector<256x1024xf32>
    %slice3A_400 = vector.extract_strided_slice %dot_general3A_398 {offsets = [256, 0], sizes = [256, 1024], strides = [1, 1]} : vector<1280x1024xf32> to vector<256x1024xf32>
    %slice3A_401 = vector.extract_strided_slice %dot_general3A_398 {offsets = [512, 0], sizes = [256, 1024], strides = [1, 1]} : vector<1280x1024xf32> to vector<256x1024xf32>
    %slice3A_402 = vector.extract_strided_slice %dot_general3A_398 {offsets = [768, 0], sizes = [256, 1024], strides = [1, 1]} : vector<1280x1024xf32> to vector<256x1024xf32>
    %slice3A_403 = vector.extract_strided_slice %dot_general3A_398 {offsets = [1024, 0], sizes = [256, 1024], strides = [1, 1]} : vector<1280x1024xf32> to vector<256x1024xf32>
    %mul3A_404 = arith.constant 5.000000e-01 : f32
    %mul3A_405 = vector.broadcast %mul3A_404 : f32 to vector<256x1024xf32>
    %mul3A_406 = arith.mulf %mul3A_405, %slice3A_400 : vector<256x1024xf32>
    %tanh3A_407 = math.tanh %mul3A_406 : vector<256x1024xf32>
    %mul3A_408 = arith.constant 5.000000e-01 : f32
    %mul3A_409 = vector.broadcast %mul3A_408 : f32 to vector<256x1024xf32>
    %mul3A_410 = arith.mulf %mul3A_409, %tanh3A_407 : vector<256x1024xf32>
    %add3A_411 = arith.constant 5.000000e-01 : f32
    %add3A_412 = vector.broadcast %add3A_411 : f32 to vector<256x1024xf32>
    %add3A_413 = arith.addf %mul3A_410, %add3A_412 : vector<256x1024xf32>
    %mul3A_414 = arith.mulf %add3A_413, %slice3A_403 : vector<256x1024xf32>
    %mul3A_415 = arith.constant 5.000000e-01 : f32
    %mul3A_416 = vector.broadcast %mul3A_415 : f32 to vector<256x1024xf32>
    %mul3A_417 = arith.mulf %mul3A_416, %slice3A_399 : vector<256x1024xf32>
    %tanh3A_418 = math.tanh %mul3A_417 : vector<256x1024xf32>
    %mul3A_419 = arith.constant 5.000000e-01 : f32
    %mul3A_420 = vector.broadcast %mul3A_419 : f32 to vector<256x1024xf32>
    %mul3A_421 = arith.mulf %mul3A_420, %tanh3A_418 : vector<256x1024xf32>
    %add3A_422 = arith.constant 5.000000e-01 : f32
    %add3A_423 = vector.broadcast %add3A_422 : f32 to vector<256x1024xf32>
    %add3A_424 = arith.addf %mul3A_421, %add3A_423 : vector<256x1024xf32>
    %tanh3A_425 = math.tanh %slice3A_402 : vector<256x1024xf32>
    %mul3A_426 = arith.mulf %add3A_424, %tanh3A_425 : vector<256x1024xf32>
    %add3A_427 = arith.addf %mul3A_414, %mul3A_426 : vector<256x1024xf32>
    %mul3A_428 = arith.constant 5.000000e-01 : f32
    %mul3A_429 = vector.broadcast %mul3A_428 : f32 to vector<256x1024xf32>
    %mul3A_430 = arith.mulf %mul3A_429, %slice3A_401 : vector<256x1024xf32>
    %tanh3A_431 = math.tanh %mul3A_430 : vector<256x1024xf32>
    %mul3A_432 = arith.constant 5.000000e-01 : f32
    %mul3A_433 = vector.broadcast %mul3A_432 : f32 to vector<256x1024xf32>
    %mul3A_434 = arith.mulf %mul3A_433, %tanh3A_431 : vector<256x1024xf32>
    %add3A_435 = arith.constant 5.000000e-01 : f32
    %add3A_436 = vector.broadcast %add3A_435 : f32 to vector<256x1024xf32>
    %add3A_437 = arith.addf %mul3A_434, %add3A_436 : vector<256x1024xf32>
    %tanh3A_438 = math.tanh %add3A_427 : vector<256x1024xf32>
    %mul3A_439 = arith.mulf %add3A_437, %tanh3A_438 : vector<256x1024xf32>
    %slice3A_440 = vector.extract_strided_slice %add3A_427 {offsets = [0, 0], sizes = [256, 512], strides = [1, 1]} : vector<256x1024xf32> to vector<256x512xf32>
    %slice3A_441 = vector.extract_strided_slice %add3A_427 {offsets = [0, 512], sizes = [256, 512], strides = [1, 1]} : vector<256x1024xf32> to vector<256x512xf32>
    %max3A_442 = arith.maximumf %slice3A_440, %slice3A_441 : vector<256x512xf32>
    %slice3A_443 = vector.extract_strided_slice %mul3A_439 {offsets = [0, 0], sizes = [256, 512], strides = [1, 1]} : vector<256x1024xf32> to vector<256x512xf32>
    %slice3A_444 = vector.extract_strided_slice %mul3A_439 {offsets = [0, 512], sizes = [256, 512], strides = [1, 1]} : vector<256x1024xf32> to vector<256x512xf32>
    %max3A_445 = arith.maximumf %slice3A_443, %slice3A_444 : vector<256x512xf32>
    %slice3A_446 = vector.extract_strided_slice %max3A_442 {offsets = [0, 0], sizes = [256, 256], strides = [1, 1]} : vector<256x512xf32> to vector<256x256xf32>
    %slice3A_447 = vector.extract_strided_slice %max3A_442 {offsets = [0, 256], sizes = [256, 256], strides = [1, 1]} : vector<256x512xf32> to vector<256x256xf32>
    %max3A_448 = arith.maximumf %slice3A_446, %slice3A_447 : vector<256x256xf32>
    %slice3A_449 = vector.extract_strided_slice %max3A_445 {offsets = [0, 0], sizes = [256, 256], strides = [1, 1]} : vector<256x512xf32> to vector<256x256xf32>
    %slice3A_450 = vector.extract_strided_slice %max3A_445 {offsets = [0, 256], sizes = [256, 256], strides = [1, 1]} : vector<256x512xf32> to vector<256x256xf32>
    %max3A_451 = arith.maximumf %slice3A_449, %slice3A_450 : vector<256x256xf32>
    %slice3A_452 = vector.extract_strided_slice %max3A_448 {offsets = [0, 0], sizes = [256, 128], strides = [1, 1]} : vector<256x256xf32> to vector<256x128xf32>
    %slice3A_453 = vector.extract_strided_slice %max3A_448 {offsets = [0, 128], sizes = [256, 128], strides = [1, 1]} : vector<256x256xf32> to vector<256x128xf32>
    %max3A_454 = arith.maximumf %slice3A_452, %slice3A_453 : vector<256x128xf32>
    %slice3A_455 = vector.extract_strided_slice %max3A_451 {offsets = [0, 0], sizes = [256, 128], strides = [1, 1]} : vector<256x256xf32> to vector<256x128xf32>
    %slice3A_456 = vector.extract_strided_slice %max3A_451 {offsets = [0, 128], sizes = [256, 128], strides = [1, 1]} : vector<256x256xf32> to vector<256x128xf32>
    %max3A_457 = arith.maximumf %slice3A_455, %slice3A_456 : vector<256x128xf32>
    %slice3A_458 = vector.extract_strided_slice %max3A_454 {offsets = [0, 0], sizes = [256, 64], strides = [1, 1]} : vector<256x128xf32> to vector<256x64xf32>
    %slice3A_459 = vector.extract_strided_slice %max3A_454 {offsets = [0, 64], sizes = [256, 64], strides = [1, 1]} : vector<256x128xf32> to vector<256x64xf32>
    %max3A_460 = arith.maximumf %slice3A_458, %slice3A_459 : vector<256x64xf32>
    %slice3A_461 = vector.extract_strided_slice %max3A_457 {offsets = [0, 0], sizes = [256, 64], strides = [1, 1]} : vector<256x128xf32> to vector<256x64xf32>
    %slice3A_462 = vector.extract_strided_slice %max3A_457 {offsets = [0, 64], sizes = [256, 64], strides = [1, 1]} : vector<256x128xf32> to vector<256x64xf32>
    %max3A_463 = arith.maximumf %slice3A_461, %slice3A_462 : vector<256x64xf32>
    %swap3A_464 = arith.constant 0 : index
    %swap3A_465 = arith.constant 192 : index
    %swap3A_466 = vector.load %arg7[%swap3A_464, %swap3A_465] : memref<256x512xf32, #tpu.memory_space<vmem>>, vector<256x64xf32>
    tpu.vector_store %arg7[%swap3A_464, %swap3A_465], %max3A_460 {strides = array<i32>} : memref<256x512xf32, #tpu.memory_space<vmem>>, vector<256x64xf32>,
    %swap3A_467 = arith.constant 4 : index
    %swap3A_468 = arith.constant 192 : index
    %swap3A_469 = vector.load %arg6[%swap3A_467, %swap3A_468] : memref<260x512xf32, #tpu.memory_space<vmem>>, vector<256x64xf32>
    tpu.vector_store %arg6[%swap3A_467, %swap3A_468], %max3A_463 {strides = array<i32>} : memref<260x512xf32, #tpu.memory_space<vmem>>, vector<256x64xf32>,
    %swap3A_470 = arith.constant 0 : index
    %swap3A_471 = arith.constant 192 : index
    %swap3A_472 = vector.load %arg6[%swap3A_470, %swap3A_471] : memref<260x512xf32, #tpu.memory_space<vmem>>, vector<4x64xf32>
    tpu.vector_store %arg6[%swap3A_470, %swap3A_471], %slice3A_376 {strides = array<i32>} : memref<260x512xf32, #tpu.memory_space<vmem>>, vector<4x64xf32>,
    %swap3A_473 = arith.constant 3 : index
    %swap3A_474 = arith.constant 0 : index
    %swap3A_475 = arith.constant 4 : index
    %swap3A_476 = arith.constant 0 : index
    %swap3A_477 = vector.load %arg5[%swap3A_473, %swap3A_474, %swap3A_475, %swap3A_476] : memref<8x1x260x64xf32, #tpu.memory_space<vmem>>, vector<1x1x256x64xf32>
    %swap3A_478 = vector.shape_cast %swap3A_477 : vector<1x1x256x64xf32> to vector<256x64xf32>
    %swap3A_479 = vector.shape_cast %max3A_463 : vector<256x64xf32> to vector<1x1x256x64xf32>
    tpu.vector_store %arg5[%swap3A_473, %swap3A_474, %swap3A_475, %swap3A_476], %swap3A_479 {strides = array<i32>} : memref<8x1x260x64xf32, #tpu.memory_space<vmem>>, vector<1x1x256x64xf32>,
    %swap3A_480 = arith.constant 3 : index
    %swap3A_481 = arith.constant 0 : index
    %swap3A_482 = arith.constant 0 : index
    %swap3A_483 = arith.constant 0 : index
    %swap3A_484 = vector.load %arg5[%swap3A_480, %swap3A_481, %swap3A_482, %swap3A_483] : memref<8x1x260x64xf32, #tpu.memory_space<vmem>>, vector<1x1x4x64xf32>
    %swap3A_485 = vector.shape_cast %swap3A_484 : vector<1x1x4x64xf32> to vector<4x64xf32>
    %swap3A_486 = vector.shape_cast %slice3A_376 : vector<4x64xf32> to vector<1x1x4x64xf32>
    tpu.vector_store %arg5[%swap3A_480, %swap3A_481, %swap3A_482, %swap3A_483], %swap3A_486 {strides = array<i32>} : memref<8x1x260x64xf32, #tpu.memory_space<vmem>>, vector<1x1x4x64xf32>,
    %slice3A_487 = vector.extract_strided_slice %slice3A {offsets = [0, 256], sizes = [4, 64], strides = [1, 1]} : vector<4x512xf32> to vector<4x64xf32>
    %slice3A_488 = vector.extract_strided_slice %add3A_26 {offsets = [0, 256], sizes = [1024, 64], strides = [1, 1]} : vector<1024x512xf32> to vector<1024x64xf32>
    %get3A_489 = arith.constant 4 : index
    %get3A_490 = arith.constant 0 : index
    %get3A_491 = arith.constant 0 : index
    %get3A_492 = arith.constant 0 : index
    %get3A_493 = vector.load %arg2[%get3A_489, %get3A_490, %get3A_491, %get3A_492] : memref<8x1x1x1024xi32, #tpu.memory_space<vmem>>, vector<1x1x1x1024xi32>
    %get3A_494 = vector.shape_cast %get3A_493 : vector<1x1x1x1024xi32> to vector<1024xi32>
    %broadcast_in_dim3A_495 = vector.shape_cast %get3A_494 : vector<1024xi32> to vector<1x1024xi32>
    %eq3A_496 = vector.broadcast %broadcast_in_dim3A_495 : vector<1x1024xi32> to vector<64x1024xi32>
    %eq3A_497 = arith.cmpi eq, %iota3A, %eq3A_496 : vector<64x1024xi32>
    %convert_element_type3A_498 = arith.extui %eq3A_497 : vector<64x1024xi1> to vector<64x1024xi32>
    %convert_element_type3A_499 = arith.sitofp %convert_element_type3A_498 : vector<64x1024xi32> to vector<64x1024xf32>
    %slice3A_500 = vector.extract_strided_slice %dot_general3A_13 {offsets = [0, 256], sizes = [1024, 64], strides = [1, 1]} : vector<1024x512xf32> to vector<1024x64xf32>
    %concatenate3A_501 = tpu.concatenate %slice3A_500, %slice3A_488 in 1 : vector<1024x64xf32>, vector<1024x64xf32> -> vector<1024x128xf32>
    %get3A_502 = arith.constant 0 : index
    %get3A_503 = arith.constant 256 : index
    %get3A_504 = vector.load %arg7[%get3A_502, %get3A_503] : memref<256x512xf32, #tpu.memory_space<vmem>>, vector<256x64xf32>
    %concatenate3A_505 = tpu.concatenate %get3A_504, %broadcast_in_dim3A_47 in 1 : vector<256x64xf32>, vector<256x64xf32> -> vector<256x128xf32>
    %concatenate3A_506 = tpu.concatenate %concatenate3A_501, %concatenate3A_505 in 0 : vector<1024x128xf32>, vector<256x128xf32> -> vector<1280x128xf32>
    %concatenate3A_507 = tpu.concatenate %convert_element_type3A_499, %convert_element_type3A_46 in 0 : vector<64x1024xf32>, vector<64x1024xf32> -> vector<128x1024xf32>
    %dot_general3A_508 = arith.constant dense<0.000000e+00> : vector<1280x1024xf32>
    %dot_general3A_509 = tpu.matmul %concatenate3A_506, %concatenate3A_507, %dot_general3A_508 {dimension_numbers = #tpu.dot_dimension_numbers<[1], [0], [0], [1], [0, 0, 1, 1], [], []>, transpose_lhs_hint = false} : vector<1280x128xf32>, vector<128x1024xf32>, vector<1280x1024xf32> -> vector<1280x1024xf32>
    %slice3A_510 = vector.extract_strided_slice %dot_general3A_509 {offsets = [0, 0], sizes = [256, 1024], strides = [1, 1]} : vector<1280x1024xf32> to vector<256x1024xf32>
    %slice3A_511 = vector.extract_strided_slice %dot_general3A_509 {offsets = [256, 0], sizes = [256, 1024], strides = [1, 1]} : vector<1280x1024xf32> to vector<256x1024xf32>
    %slice3A_512 = vector.extract_strided_slice %dot_general3A_509 {offsets = [512, 0], sizes = [256, 1024], strides = [1, 1]} : vector<1280x1024xf32> to vector<256x1024xf32>
    %slice3A_513 = vector.extract_strided_slice %dot_general3A_509 {offsets = [768, 0], sizes = [256, 1024], strides = [1, 1]} : vector<1280x1024xf32> to vector<256x1024xf32>
    %slice3A_514 = vector.extract_strided_slice %dot_general3A_509 {offsets = [1024, 0], sizes = [256, 1024], strides = [1, 1]} : vector<1280x1024xf32> to vector<256x1024xf32>
    %mul3A_515 = arith.constant 5.000000e-01 : f32
    %mul3A_516 = vector.broadcast %mul3A_515 : f32 to vector<256x1024xf32>
    %mul3A_517 = arith.mulf %mul3A_516, %slice3A_511 : vector<256x1024xf32>
    %tanh3A_518 = math.tanh %mul3A_517 : vector<256x1024xf32>
    %mul3A_519 = arith.constant 5.000000e-01 : f32
    %mul3A_520 = vector.broadcast %mul3A_519 : f32 to vector<256x1024xf32>
    %mul3A_521 = arith.mulf %mul3A_520, %tanh3A_518 : vector<256x1024xf32>
    %add3A_522 = arith.constant 5.000000e-01 : f32
    %add3A_523 = vector.broadcast %add3A_522 : f32 to vector<256x1024xf32>
    %add3A_524 = arith.addf %mul3A_521, %add3A_523 : vector<256x1024xf32>
    %mul3A_525 = arith.mulf %add3A_524, %slice3A_514 : vector<256x1024xf32>
    %mul3A_526 = arith.constant 5.000000e-01 : f32
    %mul3A_527 = vector.broadcast %mul3A_526 : f32 to vector<256x1024xf32>
    %mul3A_528 = arith.mulf %mul3A_527, %slice3A_510 : vector<256x1024xf32>
    %tanh3A_529 = math.tanh %mul3A_528 : vector<256x1024xf32>
    %mul3A_530 = arith.constant 5.000000e-01 : f32
    %mul3A_531 = vector.broadcast %mul3A_530 : f32 to vector<256x1024xf32>
    %mul3A_532 = arith.mulf %mul3A_531, %tanh3A_529 : vector<256x1024xf32>
    %add3A_533 = arith.constant 5.000000e-01 : f32
    %add3A_534 = vector.broadcast %add3A_533 : f32 to vector<256x1024xf32>
    %add3A_535 = arith.addf %mul3A_532, %add3A_534 : vector<256x1024xf32>
    %tanh3A_536 = math.tanh %slice3A_513 : vector<256x1024xf32>
    %mul3A_537 = arith.mulf %add3A_535, %tanh3A_536 : vector<256x1024xf32>
    %add3A_538 = arith.addf %mul3A_525, %mul3A_537 : vector<256x1024xf32>
    %mul3A_539 = arith.constant 5.000000e-01 : f32
    %mul3A_540 = vector.broadcast %mul3A_539 : f32 to vector<256x1024xf32>
    %mul3A_541 = arith.mulf %mul3A_540, %slice3A_512 : vector<256x1024xf32>
    %tanh3A_542 = math.tanh %mul3A_541 : vector<256x1024xf32>
    %mul3A_543 = arith.constant 5.000000e-01 : f32
    %mul3A_544 = vector.broadcast %mul3A_543 : f32 to vector<256x1024xf32>
    %mul3A_545 = arith.mulf %mul3A_544, %tanh3A_542 : vector<256x1024xf32>
    %add3A_546 = arith.constant 5.000000e-01 : f32
    %add3A_547 = vector.broadcast %add3A_546 : f32 to vector<256x1024xf32>
    %add3A_548 = arith.addf %mul3A_545, %add3A_547 : vector<256x1024xf32>
    %tanh3A_549 = math.tanh %add3A_538 : vector<256x1024xf32>
    %mul3A_550 = arith.mulf %add3A_548, %tanh3A_549 : vector<256x1024xf32>
    %slice3A_551 = vector.extract_strided_slice %add3A_538 {offsets = [0, 0], sizes = [256, 512], strides = [1, 1]} : vector<256x1024xf32> to vector<256x512xf32>
    %slice3A_552 = vector.extract_strided_slice %add3A_538 {offsets = [0, 512], sizes = [256, 512], strides = [1, 1]} : vector<256x1024xf32> to vector<256x512xf32>
    %max3A_553 = arith.maximumf %slice3A_551, %slice3A_552 : vector<256x512xf32>
    %slice3A_554 = vector.extract_strided_slice %mul3A_550 {offsets = [0, 0], sizes = [256, 512], strides = [1, 1]} : vector<256x1024xf32> to vector<256x512xf32>
    %slice3A_555 = vector.extract_strided_slice %mul3A_550 {offsets = [0, 512], sizes = [256, 512], strides = [1, 1]} : vector<256x1024xf32> to vector<256x512xf32>
    %max3A_556 = arith.maximumf %slice3A_554, %slice3A_555 : vector<256x512xf32>
    %slice3A_557 = vector.extract_strided_slice %max3A_553 {offsets = [0, 0], sizes = [256, 256], strides = [1, 1]} : vector<256x512xf32> to vector<256x256xf32>
    %slice3A_558 = vector.extract_strided_slice %max3A_553 {offsets = [0, 256], sizes = [256, 256], strides = [1, 1]} : vector<256x512xf32> to vector<256x256xf32>
    %max3A_559 = arith.maximumf %slice3A_557, %slice3A_558 : vector<256x256xf32>
    %slice3A_560 = vector.extract_strided_slice %max3A_556 {offsets = [0, 0], sizes = [256, 256], strides = [1, 1]} : vector<256x512xf32> to vector<256x256xf32>
    %slice3A_561 = vector.extract_strided_slice %max3A_556 {offsets = [0, 256], sizes = [256, 256], strides = [1, 1]} : vector<256x512xf32> to vector<256x256xf32>
    %max3A_562 = arith.maximumf %slice3A_560, %slice3A_561 : vector<256x256xf32>
    %slice3A_563 = vector.extract_strided_slice %max3A_559 {offsets = [0, 0], sizes = [256, 128], strides = [1, 1]} : vector<256x256xf32> to vector<256x128xf32>
    %slice3A_564 = vector.extract_strided_slice %max3A_559 {offsets = [0, 128], sizes = [256, 128], strides = [1, 1]} : vector<256x256xf32> to vector<256x128xf32>
    %max3A_565 = arith.maximumf %slice3A_563, %slice3A_564 : vector<256x128xf32>
    %slice3A_566 = vector.extract_strided_slice %max3A_562 {offsets = [0, 0], sizes = [256, 128], strides = [1, 1]} : vector<256x256xf32> to vector<256x128xf32>
    %slice3A_567 = vector.extract_strided_slice %max3A_562 {offsets = [0, 128], sizes = [256, 128], strides = [1, 1]} : vector<256x256xf32> to vector<256x128xf32>
    %max3A_568 = arith.maximumf %slice3A_566, %slice3A_567 : vector<256x128xf32>
    %slice3A_569 = vector.extract_strided_slice %max3A_565 {offsets = [0, 0], sizes = [256, 64], strides = [1, 1]} : vector<256x128xf32> to vector<256x64xf32>
    %slice3A_570 = vector.extract_strided_slice %max3A_565 {offsets = [0, 64], sizes = [256, 64], strides = [1, 1]} : vector<256x128xf32> to vector<256x64xf32>
    %max3A_571 = arith.maximumf %slice3A_569, %slice3A_570 : vector<256x64xf32>
    %slice3A_572 = vector.extract_strided_slice %max3A_568 {offsets = [0, 0], sizes = [256, 64], strides = [1, 1]} : vector<256x128xf32> to vector<256x64xf32>
    %slice3A_573 = vector.extract_strided_slice %max3A_568 {offsets = [0, 64], sizes = [256, 64], strides = [1, 1]} : vector<256x128xf32> to vector<256x64xf32>
    %max3A_574 = arith.maximumf %slice3A_572, %slice3A_573 : vector<256x64xf32>
    %swap3A_575 = arith.constant 0 : index
    %swap3A_576 = arith.constant 256 : index
    %swap3A_577 = vector.load %arg7[%swap3A_575, %swap3A_576] : memref<256x512xf32, #tpu.memory_space<vmem>>, vector<256x64xf32>
    tpu.vector_store %arg7[%swap3A_575, %swap3A_576], %max3A_571 {strides = array<i32>} : memref<256x512xf32, #tpu.memory_space<vmem>>, vector<256x64xf32>,
    %swap3A_578 = arith.constant 4 : index
    %swap3A_579 = arith.constant 256 : index
    %swap3A_580 = vector.load %arg6[%swap3A_578, %swap3A_579] : memref<260x512xf32, #tpu.memory_space<vmem>>, vector<256x64xf32>
    tpu.vector_store %arg6[%swap3A_578, %swap3A_579], %max3A_574 {strides = array<i32>} : memref<260x512xf32, #tpu.memory_space<vmem>>, vector<256x64xf32>,
    %swap3A_581 = arith.constant 0 : index
    %swap3A_582 = arith.constant 256 : index
    %swap3A_583 = vector.load %arg6[%swap3A_581, %swap3A_582] : memref<260x512xf32, #tpu.memory_space<vmem>>, vector<4x64xf32>
    tpu.vector_store %arg6[%swap3A_581, %swap3A_582], %slice3A_487 {strides = array<i32>} : memref<260x512xf32, #tpu.memory_space<vmem>>, vector<4x64xf32>,
    %swap3A_584 = arith.constant 4 : index
    %swap3A_585 = arith.constant 0 : index
    %swap3A_586 = arith.constant 4 : index
    %swap3A_587 = arith.constant 0 : index
    %swap3A_588 = vector.load %arg5[%swap3A_584, %swap3A_585, %swap3A_586, %swap3A_587] : memref<8x1x260x64xf32, #tpu.memory_space<vmem>>, vector<1x1x256x64xf32>
    %swap3A_589 = vector.shape_cast %swap3A_588 : vector<1x1x256x64xf32> to vector<256x64xf32>
    %swap3A_590 = vector.shape_cast %max3A_574 : vector<256x64xf32> to vector<1x1x256x64xf32>
    tpu.vector_store %arg5[%swap3A_584, %swap3A_585, %swap3A_586, %swap3A_587], %swap3A_590 {strides = array<i32>} : memref<8x1x260x64xf32, #tpu.memory_space<vmem>>, vector<1x1x256x64xf32>,
    %swap3A_591 = arith.constant 4 : index
    %swap3A_592 = arith.constant 0 : index
    %swap3A_593 = arith.constant 0 : index
    %swap3A_594 = arith.constant 0 : index
    %swap3A_595 = vector.load %arg5[%swap3A_591, %swap3A_592, %swap3A_593, %swap3A_594] : memref<8x1x260x64xf32, #tpu.memory_space<vmem>>, vector<1x1x4x64xf32>
    %swap3A_596 = vector.shape_cast %swap3A_595 : vector<1x1x4x64xf32> to vector<4x64xf32>
    %swap3A_597 = vector.shape_cast %slice3A_487 : vector<4x64xf32> to vector<1x1x4x64xf32>
    tpu.vector_store %arg5[%swap3A_591, %swap3A_592, %swap3A_593, %swap3A_594], %swap3A_597 {strides = array<i32>} : memref<8x1x260x64xf32, #tpu.memory_space<vmem>>, vector<1x1x4x64xf32>,
    %slice3A_598 = vector.extract_strided_slice %slice3A {offsets = [0, 320], sizes = [4, 64], strides = [1, 1]} : vector<4x512xf32> to vector<4x64xf32>
    %slice3A_599 = vector.extract_strided_slice %add3A_26 {offsets = [0, 320], sizes = [1024, 64], strides = [1, 1]} : vector<1024x512xf32> to vector<1024x64xf32>
    %get3A_600 = arith.constant 5 : index
    %get3A_601 = arith.constant 0 : index
    %get3A_602 = arith.constant 0 : index
    %get3A_603 = arith.constant 0 : index
    %get3A_604 = vector.load %arg2[%get3A_600, %get3A_601, %get3A_602, %get3A_603] : memref<8x1x1x1024xi32, #tpu.memory_space<vmem>>, vector<1x1x1x1024xi32>
    %get3A_605 = vector.shape_cast %get3A_604 : vector<1x1x1x1024xi32> to vector<1024xi32>
    %broadcast_in_dim3A_606 = vector.shape_cast %get3A_605 : vector<1024xi32> to vector<1x1024xi32>
    %eq3A_607 = vector.broadcast %broadcast_in_dim3A_606 : vector<1x1024xi32> to vector<64x1024xi32>
    %eq3A_608 = arith.cmpi eq, %iota3A, %eq3A_607 : vector<64x1024xi32>
    %convert_element_type3A_609 = arith.extui %eq3A_608 : vector<64x1024xi1> to vector<64x1024xi32>
    %convert_element_type3A_610 = arith.sitofp %convert_element_type3A_609 : vector<64x1024xi32> to vector<64x1024xf32>
    %slice3A_611 = vector.extract_strided_slice %dot_general3A_13 {offsets = [0, 320], sizes = [1024, 64], strides = [1, 1]} : vector<1024x512xf32> to vector<1024x64xf32>
    %concatenate3A_612 = tpu.concatenate %slice3A_611, %slice3A_599 in 1 : vector<1024x64xf32>, vector<1024x64xf32> -> vector<1024x128xf32>
    %get3A_613 = arith.constant 0 : index
    %get3A_614 = arith.constant 320 : index
    %get3A_615 = vector.load %arg7[%get3A_613, %get3A_614] : memref<256x512xf32, #tpu.memory_space<vmem>>, vector<256x64xf32>
    %concatenate3A_616 = tpu.concatenate %get3A_615, %broadcast_in_dim3A_47 in 1 : vector<256x64xf32>, vector<256x64xf32> -> vector<256x128xf32>
    %concatenate3A_617 = tpu.concatenate %concatenate3A_612, %concatenate3A_616 in 0 : vector<1024x128xf32>, vector<256x128xf32> -> vector<1280x128xf32>
    %concatenate3A_618 = tpu.concatenate %convert_element_type3A_610, %convert_element_type3A_46 in 0 : vector<64x1024xf32>, vector<64x1024xf32> -> vector<128x1024xf32>
    %dot_general3A_619 = arith.constant dense<0.000000e+00> : vector<1280x1024xf32>
    %dot_general3A_620 = tpu.matmul %concatenate3A_617, %concatenate3A_618, %dot_general3A_619 {dimension_numbers = #tpu.dot_dimension_numbers<[1], [0], [0], [1], [0, 0, 1, 1], [], []>, transpose_lhs_hint = false} : vector<1280x128xf32>, vector<128x1024xf32>, vector<1280x1024xf32> -> vector<1280x1024xf32>
    %slice3A_621 = vector.extract_strided_slice %dot_general3A_620 {offsets = [0, 0], sizes = [256, 1024], strides = [1, 1]} : vector<1280x1024xf32> to vector<256x1024xf32>
    %slice3A_622 = vector.extract_strided_slice %dot_general3A_620 {offsets = [256, 0], sizes = [256, 1024], strides = [1, 1]} : vector<1280x1024xf32> to vector<256x1024xf32>
    %slice3A_623 = vector.extract_strided_slice %dot_general3A_620 {offsets = [512, 0], sizes = [256, 1024], strides = [1, 1]} : vector<1280x1024xf32> to vector<256x1024xf32>
    %slice3A_624 = vector.extract_strided_slice %dot_general3A_620 {offsets = [768, 0], sizes = [256, 1024], strides = [1, 1]} : vector<1280x1024xf32> to vector<256x1024xf32>
    %slice3A_625 = vector.extract_strided_slice %dot_general3A_620 {offsets = [1024, 0], sizes = [256, 1024], strides = [1, 1]} : vector<1280x1024xf32> to vector<256x1024xf32>
    %mul3A_626 = arith.constant 5.000000e-01 : f32
    %mul3A_627 = vector.broadcast %mul3A_626 : f32 to vector<256x1024xf32>
    %mul3A_628 = arith.mulf %mul3A_627, %slice3A_622 : vector<256x1024xf32>
    %tanh3A_629 = math.tanh %mul3A_628 : vector<256x1024xf32>
    %mul3A_630 = arith.constant 5.000000e-01 : f32
    %mul3A_631 = vector.broadcast %mul3A_630 : f32 to vector<256x1024xf32>
    %mul3A_632 = arith.mulf %mul3A_631, %tanh3A_629 : vector<256x1024xf32>
    %add3A_633 = arith.constant 5.000000e-01 : f32
    %add3A_634 = vector.broadcast %add3A_633 : f32 to vector<256x1024xf32>
    %add3A_635 = arith.addf %mul3A_632, %add3A_634 : vector<256x1024xf32>
    %mul3A_636 = arith.mulf %add3A_635, %slice3A_625 : vector<256x1024xf32>
    %mul3A_637 = arith.constant 5.000000e-01 : f32
    %mul3A_638 = vector.broadcast %mul3A_637 : f32 to vector<256x1024xf32>
    %mul3A_639 = arith.mulf %mul3A_638, %slice3A_621 : vector<256x1024xf32>
    %tanh3A_640 = math.tanh %mul3A_639 : vector<256x1024xf32>
    %mul3A_641 = arith.constant 5.000000e-01 : f32
    %mul3A_642 = vector.broadcast %mul3A_641 : f32 to vector<256x1024xf32>
    %mul3A_643 = arith.mulf %mul3A_642, %tanh3A_640 : vector<256x1024xf32>
    %add3A_644 = arith.constant 5.000000e-01 : f32
    %add3A_645 = vector.broadcast %add3A_644 : f32 to vector<256x1024xf32>
    %add3A_646 = arith.addf %mul3A_643, %add3A_645 : vector<256x1024xf32>
    %tanh3A_647 = math.tanh %slice3A_624 : vector<256x1024xf32>
    %mul3A_648 = arith.mulf %add3A_646, %tanh3A_647 : vector<256x1024xf32>
    %add3A_649 = arith.addf %mul3A_636, %mul3A_648 : vector<256x1024xf32>
    %mul3A_650 = arith.constant 5.000000e-01 : f32
    %mul3A_651 = vector.broadcast %mul3A_650 : f32 to vector<256x1024xf32>
    %mul3A_652 = arith.mulf %mul3A_651, %slice3A_623 : vector<256x1024xf32>
    %tanh3A_653 = math.tanh %mul3A_652 : vector<256x1024xf32>
    %mul3A_654 = arith.constant 5.000000e-01 : f32
    %mul3A_655 = vector.broadcast %mul3A_654 : f32 to vector<256x1024xf32>
    %mul3A_656 = arith.mulf %mul3A_655, %tanh3A_653 : vector<256x1024xf32>
    %add3A_657 = arith.constant 5.000000e-01 : f32
    %add3A_658 = vector.broadcast %add3A_657 : f32 to vector<256x1024xf32>
    %add3A_659 = arith.addf %mul3A_656, %add3A_658 : vector<256x1024xf32>
    %tanh3A_660 = math.tanh %add3A_649 : vector<256x1024xf32>
    %mul3A_661 = arith.mulf %add3A_659, %tanh3A_660 : vector<256x1024xf32>
    %slice3A_662 = vector.extract_strided_slice %add3A_649 {offsets = [0, 0], sizes = [256, 512], strides = [1, 1]} : vector<256x1024xf32> to vector<256x512xf32>
    %slice3A_663 = vector.extract_strided_slice %add3A_649 {offsets = [0, 512], sizes = [256, 512], strides = [1, 1]} : vector<256x1024xf32> to vector<256x512xf32>
    %max3A_664 = arith.maximumf %slice3A_662, %slice3A_663 : vector<256x512xf32>
    %slice3A_665 = vector.extract_strided_slice %mul3A_661 {offsets = [0, 0], sizes = [256, 512], strides = [1, 1]} : vector<256x1024xf32> to vector<256x512xf32>
    %slice3A_666 = vector.extract_strided_slice %mul3A_661 {offsets = [0, 512], sizes = [256, 512], strides = [1, 1]} : vector<256x1024xf32> to vector<256x512xf32>
    %max3A_667 = arith.maximumf %slice3A_665, %slice3A_666 : vector<256x512xf32>
    %slice3A_668 = vector.extract_strided_slice %max3A_664 {offsets = [0, 0], sizes = [256, 256], strides = [1, 1]} : vector<256x512xf32> to vector<256x256xf32>
    %slice3A_669 = vector.extract_strided_slice %max3A_664 {offsets = [0, 256], sizes = [256, 256], strides = [1, 1]} : vector<256x512xf32> to vector<256x256xf32>
    %max3A_670 = arith.maximumf %slice3A_668, %slice3A_669 : vector<256x256xf32>
    %slice3A_671 = vector.extract_strided_slice %max3A_667 {offsets = [0, 0], sizes = [256, 256], strides = [1, 1]} : vector<256x512xf32> to vector<256x256xf32>
    %slice3A_672 = vector.extract_strided_slice %max3A_667 {offsets = [0, 256], sizes = [256, 256], strides = [1, 1]} : vector<256x512xf32> to vector<256x256xf32>
    %max3A_673 = arith.maximumf %slice3A_671, %slice3A_672 : vector<256x256xf32>
    %slice3A_674 = vector.extract_strided_slice %max3A_670 {offsets = [0, 0], sizes = [256, 128], strides = [1, 1]} : vector<256x256xf32> to vector<256x128xf32>
    %slice3A_675 = vector.extract_strided_slice %max3A_670 {offsets = [0, 128], sizes = [256, 128], strides = [1, 1]} : vector<256x256xf32> to vector<256x128xf32>
    %max3A_676 = arith.maximumf %slice3A_674, %slice3A_675 : vector<256x128xf32>
    %slice3A_677 = vector.extract_strided_slice %max3A_673 {offsets = [0, 0], sizes = [256, 128], strides = [1, 1]} : vector<256x256xf32> to vector<256x128xf32>
    %slice3A_678 = vector.extract_strided_slice %max3A_673 {offsets = [0, 128], sizes = [256, 128], strides = [1, 1]} : vector<256x256xf32> to vector<256x128xf32>
    %max3A_679 = arith.maximumf %slice3A_677, %slice3A_678 : vector<256x128xf32>
    %slice3A_680 = vector.extract_strided_slice %max3A_676 {offsets = [0, 0], sizes = [256, 64], strides = [1, 1]} : vector<256x128xf32> to vector<256x64xf32>
    %slice3A_681 = vector.extract_strided_slice %max3A_676 {offsets = [0, 64], sizes = [256, 64], strides = [1, 1]} : vector<256x128xf32> to vector<256x64xf32>
    %max3A_682 = arith.maximumf %slice3A_680, %slice3A_681 : vector<256x64xf32>
    %slice3A_683 = vector.extract_strided_slice %max3A_679 {offsets = [0, 0], sizes = [256, 64], strides = [1, 1]} : vector<256x128xf32> to vector<256x64xf32>
    %slice3A_684 = vector.extract_strided_slice %max3A_679 {offsets = [0, 64], sizes = [256, 64], strides = [1, 1]} : vector<256x128xf32> to vector<256x64xf32>
    %max3A_685 = arith.maximumf %slice3A_683, %slice3A_684 : vector<256x64xf32>
    %swap3A_686 = arith.constant 0 : index
    %swap3A_687 = arith.constant 320 : index
    %swap3A_688 = vector.load %arg7[%swap3A_686, %swap3A_687] : memref<256x512xf32, #tpu.memory_space<vmem>>, vector<256x64xf32>
    tpu.vector_store %arg7[%swap3A_686, %swap3A_687], %max3A_682 {strides = array<i32>} : memref<256x512xf32, #tpu.memory_space<vmem>>, vector<256x64xf32>,
    %swap3A_689 = arith.constant 4 : index
    %swap3A_690 = arith.constant 320 : index
    %swap3A_691 = vector.load %arg6[%swap3A_689, %swap3A_690] : memref<260x512xf32, #tpu.memory_space<vmem>>, vector<256x64xf32>
    tpu.vector_store %arg6[%swap3A_689, %swap3A_690], %max3A_685 {strides = array<i32>} : memref<260x512xf32, #tpu.memory_space<vmem>>, vector<256x64xf32>,
    %swap3A_692 = arith.constant 0 : index
    %swap3A_693 = arith.constant 320 : index
    %swap3A_694 = vector.load %arg6[%swap3A_692, %swap3A_693] : memref<260x512xf32, #tpu.memory_space<vmem>>, vector<4x64xf32>
    tpu.vector_store %arg6[%swap3A_692, %swap3A_693], %slice3A_598 {strides = array<i32>} : memref<260x512xf32, #tpu.memory_space<vmem>>, vector<4x64xf32>,
    %swap3A_695 = arith.constant 5 : index
    %swap3A_696 = arith.constant 0 : index
    %swap3A_697 = arith.constant 4 : index
    %swap3A_698 = arith.constant 0 : index
    %swap3A_699 = vector.load %arg5[%swap3A_695, %swap3A_696, %swap3A_697, %swap3A_698] : memref<8x1x260x64xf32, #tpu.memory_space<vmem>>, vector<1x1x256x64xf32>
    %swap3A_700 = vector.shape_cast %swap3A_699 : vector<1x1x256x64xf32> to vector<256x64xf32>
    %swap3A_701 = vector.shape_cast %max3A_685 : vector<256x64xf32> to vector<1x1x256x64xf32>
    tpu.vector_store %arg5[%swap3A_695, %swap3A_696, %swap3A_697, %swap3A_698], %swap3A_701 {strides = array<i32>} : memref<8x1x260x64xf32, #tpu.memory_space<vmem>>, vector<1x1x256x64xf32>,
    %swap3A_702 = arith.constant 5 : index
    %swap3A_703 = arith.constant 0 : index
    %swap3A_704 = arith.constant 0 : index
    %swap3A_705 = arith.constant 0 : index
    %swap3A_706 = vector.load %arg5[%swap3A_702, %swap3A_703, %swap3A_704, %swap3A_705] : memref<8x1x260x64xf32, #tpu.memory_space<vmem>>, vector<1x1x4x64xf32>
    %swap3A_707 = vector.shape_cast %swap3A_706 : vector<1x1x4x64xf32> to vector<4x64xf32>
    %swap3A_708 = vector.shape_cast %slice3A_598 : vector<4x64xf32> to vector<1x1x4x64xf32>
    tpu.vector_store %arg5[%swap3A_702, %swap3A_703, %swap3A_704, %swap3A_705], %swap3A_708 {strides = array<i32>} : memref<8x1x260x64xf32, #tpu.memory_space<vmem>>, vector<1x1x4x64xf32>,
    %slice3A_709 = vector.extract_strided_slice %slice3A {offsets = [0, 384], sizes = [4, 64], strides = [1, 1]} : vector<4x512xf32> to vector<4x64xf32>
    %slice3A_710 = vector.extract_strided_slice %add3A_26 {offsets = [0, 384], sizes = [1024, 64], strides = [1, 1]} : vector<1024x512xf32> to vector<1024x64xf32>
    %get3A_711 = arith.constant 6 : index
    %get3A_712 = arith.constant 0 : index
    %get3A_713 = arith.constant 0 : index
    %get3A_714 = arith.constant 0 : index
    %get3A_715 = vector.load %arg2[%get3A_711, %get3A_712, %get3A_713, %get3A_714] : memref<8x1x1x1024xi32, #tpu.memory_space<vmem>>, vector<1x1x1x1024xi32>
    %get3A_716 = vector.shape_cast %get3A_715 : vector<1x1x1x1024xi32> to vector<1024xi32>
    %broadcast_in_dim3A_717 = vector.shape_cast %get3A_716 : vector<1024xi32> to vector<1x1024xi32>
    %eq3A_718 = vector.broadcast %broadcast_in_dim3A_717 : vector<1x1024xi32> to vector<64x1024xi32>
    %eq3A_719 = arith.cmpi eq, %iota3A, %eq3A_718 : vector<64x1024xi32>
    %convert_element_type3A_720 = arith.extui %eq3A_719 : vector<64x1024xi1> to vector<64x1024xi32>
    %convert_element_type3A_721 = arith.sitofp %convert_element_type3A_720 : vector<64x1024xi32> to vector<64x1024xf32>
    %slice3A_722 = vector.extract_strided_slice %dot_general3A_13 {offsets = [0, 384], sizes = [1024, 64], strides = [1, 1]} : vector<1024x512xf32> to vector<1024x64xf32>
    %concatenate3A_723 = tpu.concatenate %slice3A_722, %slice3A_710 in 1 : vector<1024x64xf32>, vector<1024x64xf32> -> vector<1024x128xf32>
    %get3A_724 = arith.constant 0 : index
    %get3A_725 = arith.constant 384 : index
    %get3A_726 = vector.load %arg7[%get3A_724, %get3A_725] : memref<256x512xf32, #tpu.memory_space<vmem>>, vector<256x64xf32>
    %concatenate3A_727 = tpu.concatenate %get3A_726, %broadcast_in_dim3A_47 in 1 : vector<256x64xf32>, vector<256x64xf32> -> vector<256x128xf32>
    %concatenate3A_728 = tpu.concatenate %concatenate3A_723, %concatenate3A_727 in 0 : vector<1024x128xf32>, vector<256x128xf32> -> vector<1280x128xf32>
    %concatenate3A_729 = tpu.concatenate %convert_element_type3A_721, %convert_element_type3A_46 in 0 : vector<64x1024xf32>, vector<64x1024xf32> -> vector<128x1024xf32>
    %dot_general3A_730 = arith.constant dense<0.000000e+00> : vector<1280x1024xf32>
    %dot_general3A_731 = tpu.matmul %concatenate3A_728, %concatenate3A_729, %dot_general3A_730 {dimension_numbers = #tpu.dot_dimension_numbers<[1], [0], [0], [1], [0, 0, 1, 1], [], []>, transpose_lhs_hint = false} : vector<1280x128xf32>, vector<128x1024xf32>, vector<1280x1024xf32> -> vector<1280x1024xf32>
    %slice3A_732 = vector.extract_strided_slice %dot_general3A_731 {offsets = [0, 0], sizes = [256, 1024], strides = [1, 1]} : vector<1280x1024xf32> to vector<256x1024xf32>
    %slice3A_733 = vector.extract_strided_slice %dot_general3A_731 {offsets = [256, 0], sizes = [256, 1024], strides = [1, 1]} : vector<1280x1024xf32> to vector<256x1024xf32>
    %slice3A_734 = vector.extract_strided_slice %dot_general3A_731 {offsets = [512, 0], sizes = [256, 1024], strides = [1, 1]} : vector<1280x1024xf32> to vector<256x1024xf32>
    %slice3A_735 = vector.extract_strided_slice %dot_general3A_731 {offsets = [768, 0], sizes = [256, 1024], strides = [1, 1]} : vector<1280x1024xf32> to vector<256x1024xf32>
    %slice3A_736 = vector.extract_strided_slice %dot_general3A_731 {offsets = [1024, 0], sizes = [256, 1024], strides = [1, 1]} : vector<1280x1024xf32> to vector<256x1024xf32>
    %mul3A_737 = arith.constant 5.000000e-01 : f32
    %mul3A_738 = vector.broadcast %mul3A_737 : f32 to vector<256x1024xf32>
    %mul3A_739 = arith.mulf %mul3A_738, %slice3A_733 : vector<256x1024xf32>
    %tanh3A_740 = math.tanh %mul3A_739 : vector<256x1024xf32>
    %mul3A_741 = arith.constant 5.000000e-01 : f32
    %mul3A_742 = vector.broadcast %mul3A_741 : f32 to vector<256x1024xf32>
    %mul3A_743 = arith.mulf %mul3A_742, %tanh3A_740 : vector<256x1024xf32>
    %add3A_744 = arith.constant 5.000000e-01 : f32
    %add3A_745 = vector.broadcast %add3A_744 : f32 to vector<256x1024xf32>
    %add3A_746 = arith.addf %mul3A_743, %add3A_745 : vector<256x1024xf32>
    %mul3A_747 = arith.mulf %add3A_746, %slice3A_736 : vector<256x1024xf32>
    %mul3A_748 = arith.constant 5.000000e-01 : f32
    %mul3A_749 = vector.broadcast %mul3A_748 : f32 to vector<256x1024xf32>
    %mul3A_750 = arith.mulf %mul3A_749, %slice3A_732 : vector<256x1024xf32>
    %tanh3A_751 = math.tanh %mul3A_750 : vector<256x1024xf32>
    %mul3A_752 = arith.constant 5.000000e-01 : f32
    %mul3A_753 = vector.broadcast %mul3A_752 : f32 to vector<256x1024xf32>
    %mul3A_754 = arith.mulf %mul3A_753, %tanh3A_751 : vector<256x1024xf32>
    %add3A_755 = arith.constant 5.000000e-01 : f32
    %add3A_756 = vector.broadcast %add3A_755 : f32 to vector<256x1024xf32>
    %add3A_757 = arith.addf %mul3A_754, %add3A_756 : vector<256x1024xf32>
    %tanh3A_758 = math.tanh %slice3A_735 : vector<256x1024xf32>
    %mul3A_759 = arith.mulf %add3A_757, %tanh3A_758 : vector<256x1024xf32>
    %add3A_760 = arith.addf %mul3A_747, %mul3A_759 : vector<256x1024xf32>
    %mul3A_761 = arith.constant 5.000000e-01 : f32
    %mul3A_762 = vector.broadcast %mul3A_761 : f32 to vector<256x1024xf32>
    %mul3A_763 = arith.mulf %mul3A_762, %slice3A_734 : vector<256x1024xf32>
    %tanh3A_764 = math.tanh %mul3A_763 : vector<256x1024xf32>
    %mul3A_765 = arith.constant 5.000000e-01 : f32
    %mul3A_766 = vector.broadcast %mul3A_765 : f32 to vector<256x1024xf32>
    %mul3A_767 = arith.mulf %mul3A_766, %tanh3A_764 : vector<256x1024xf32>
    %add3A_768 = arith.constant 5.000000e-01 : f32
    %add3A_769 = vector.broadcast %add3A_768 : f32 to vector<256x1024xf32>
    %add3A_770 = arith.addf %mul3A_767, %add3A_769 : vector<256x1024xf32>
    %tanh3A_771 = math.tanh %add3A_760 : vector<256x1024xf32>
    %mul3A_772 = arith.mulf %add3A_770, %tanh3A_771 : vector<256x1024xf32>
    %slice3A_773 = vector.extract_strided_slice %add3A_760 {offsets = [0, 0], sizes = [256, 512], strides = [1, 1]} : vector<256x1024xf32> to vector<256x512xf32>
    %slice3A_774 = vector.extract_strided_slice %add3A_760 {offsets = [0, 512], sizes = [256, 512], strides = [1, 1]} : vector<256x1024xf32> to vector<256x512xf32>
    %max3A_775 = arith.maximumf %slice3A_773, %slice3A_774 : vector<256x512xf32>
    %slice3A_776 = vector.extract_strided_slice %mul3A_772 {offsets = [0, 0], sizes = [256, 512], strides = [1, 1]} : vector<256x1024xf32> to vector<256x512xf32>
    %slice3A_777 = vector.extract_strided_slice %mul3A_772 {offsets = [0, 512], sizes = [256, 512], strides = [1, 1]} : vector<256x1024xf32> to vector<256x512xf32>
    %max3A_778 = arith.maximumf %slice3A_776, %slice3A_777 : vector<256x512xf32>
    %slice3A_779 = vector.extract_strided_slice %max3A_775 {offsets = [0, 0], sizes = [256, 256], strides = [1, 1]} : vector<256x512xf32> to vector<256x256xf32>
    %slice3A_780 = vector.extract_strided_slice %max3A_775 {offsets = [0, 256], sizes = [256, 256], strides = [1, 1]} : vector<256x512xf32> to vector<256x256xf32>
    %max3A_781 = arith.maximumf %slice3A_779, %slice3A_780 : vector<256x256xf32>
    %slice3A_782 = vector.extract_strided_slice %max3A_778 {offsets = [0, 0], sizes = [256, 256], strides = [1, 1]} : vector<256x512xf32> to vector<256x256xf32>
    %slice3A_783 = vector.extract_strided_slice %max3A_778 {offsets = [0, 256], sizes = [256, 256], strides = [1, 1]} : vector<256x512xf32> to vector<256x256xf32>
    %max3A_784 = arith.maximumf %slice3A_782, %slice3A_783 : vector<256x256xf32>
    %slice3A_785 = vector.extract_strided_slice %max3A_781 {offsets = [0, 0], sizes = [256, 128], strides = [1, 1]} : vector<256x256xf32> to vector<256x128xf32>
    %slice3A_786 = vector.extract_strided_slice %max3A_781 {offsets = [0, 128], sizes = [256, 128], strides = [1, 1]} : vector<256x256xf32> to vector<256x128xf32>
    %max3A_787 = arith.maximumf %slice3A_785, %slice3A_786 : vector<256x128xf32>
    %slice3A_788 = vector.extract_strided_slice %max3A_784 {offsets = [0, 0], sizes = [256, 128], strides = [1, 1]} : vector<256x256xf32> to vector<256x128xf32>
    %slice3A_789 = vector.extract_strided_slice %max3A_784 {offsets = [0, 128], sizes = [256, 128], strides = [1, 1]} : vector<256x256xf32> to vector<256x128xf32>
    %max3A_790 = arith.maximumf %slice3A_788, %slice3A_789 : vector<256x128xf32>
    %slice3A_791 = vector.extract_strided_slice %max3A_787 {offsets = [0, 0], sizes = [256, 64], strides = [1, 1]} : vector<256x128xf32> to vector<256x64xf32>
    %slice3A_792 = vector.extract_strided_slice %max3A_787 {offsets = [0, 64], sizes = [256, 64], strides = [1, 1]} : vector<256x128xf32> to vector<256x64xf32>
    %max3A_793 = arith.maximumf %slice3A_791, %slice3A_792 : vector<256x64xf32>
    %slice3A_794 = vector.extract_strided_slice %max3A_790 {offsets = [0, 0], sizes = [256, 64], strides = [1, 1]} : vector<256x128xf32> to vector<256x64xf32>
    %slice3A_795 = vector.extract_strided_slice %max3A_790 {offsets = [0, 64], sizes = [256, 64], strides = [1, 1]} : vector<256x128xf32> to vector<256x64xf32>
    %max3A_796 = arith.maximumf %slice3A_794, %slice3A_795 : vector<256x64xf32>
    %swap3A_797 = arith.constant 0 : index
    %swap3A_798 = arith.constant 384 : index
    %swap3A_799 = vector.load %arg7[%swap3A_797, %swap3A_798] : memref<256x512xf32, #tpu.memory_space<vmem>>, vector<256x64xf32>
    tpu.vector_store %arg7[%swap3A_797, %swap3A_798], %max3A_793 {strides = array<i32>} : memref<256x512xf32, #tpu.memory_space<vmem>>, vector<256x64xf32>,
    %swap3A_800 = arith.constant 4 : index
    %swap3A_801 = arith.constant 384 : index
    %swap3A_802 = vector.load %arg6[%swap3A_800, %swap3A_801] : memref<260x512xf32, #tpu.memory_space<vmem>>, vector<256x64xf32>
    tpu.vector_store %arg6[%swap3A_800, %swap3A_801], %max3A_796 {strides = array<i32>} : memref<260x512xf32, #tpu.memory_space<vmem>>, vector<256x64xf32>,
    %swap3A_803 = arith.constant 0 : index
    %swap3A_804 = arith.constant 384 : index
    %swap3A_805 = vector.load %arg6[%swap3A_803, %swap3A_804] : memref<260x512xf32, #tpu.memory_space<vmem>>, vector<4x64xf32>
    tpu.vector_store %arg6[%swap3A_803, %swap3A_804], %slice3A_709 {strides = array<i32>} : memref<260x512xf32, #tpu.memory_space<vmem>>, vector<4x64xf32>,
    %swap3A_806 = arith.constant 6 : index
    %swap3A_807 = arith.constant 0 : index
    %swap3A_808 = arith.constant 4 : index
    %swap3A_809 = arith.constant 0 : index
    %swap3A_810 = vector.load %arg5[%swap3A_806, %swap3A_807, %swap3A_808, %swap3A_809] : memref<8x1x260x64xf32, #tpu.memory_space<vmem>>, vector<1x1x256x64xf32>
    %swap3A_811 = vector.shape_cast %swap3A_810 : vector<1x1x256x64xf32> to vector<256x64xf32>
    %swap3A_812 = vector.shape_cast %max3A_796 : vector<256x64xf32> to vector<1x1x256x64xf32>
    tpu.vector_store %arg5[%swap3A_806, %swap3A_807, %swap3A_808, %swap3A_809], %swap3A_812 {strides = array<i32>} : memref<8x1x260x64xf32, #tpu.memory_space<vmem>>, vector<1x1x256x64xf32>,
    %swap3A_813 = arith.constant 6 : index
    %swap3A_814 = arith.constant 0 : index
    %swap3A_815 = arith.constant 0 : index
    %swap3A_816 = arith.constant 0 : index
    %swap3A_817 = vector.load %arg5[%swap3A_813, %swap3A_814, %swap3A_815, %swap3A_816] : memref<8x1x260x64xf32, #tpu.memory_space<vmem>>, vector<1x1x4x64xf32>
    %swap3A_818 = vector.shape_cast %swap3A_817 : vector<1x1x4x64xf32> to vector<4x64xf32>
    %swap3A_819 = vector.shape_cast %slice3A_709 : vector<4x64xf32> to vector<1x1x4x64xf32>
    tpu.vector_store %arg5[%swap3A_813, %swap3A_814, %swap3A_815, %swap3A_816], %swap3A_819 {strides = array<i32>} : memref<8x1x260x64xf32, #tpu.memory_space<vmem>>, vector<1x1x4x64xf32>,
    %slice3A_820 = vector.extract_strided_slice %slice3A {offsets = [0, 448], sizes = [4, 64], strides = [1, 1]} : vector<4x512xf32> to vector<4x64xf32>
    %slice3A_821 = vector.extract_strided_slice %add3A_26 {offsets = [0, 448], sizes = [1024, 64], strides = [1, 1]} : vector<1024x512xf32> to vector<1024x64xf32>
    %get3A_822 = arith.constant 7 : index
    %get3A_823 = arith.constant 0 : index
    %get3A_824 = arith.constant 0 : index
    %get3A_825 = arith.constant 0 : index
    %get3A_826 = vector.load %arg2[%get3A_822, %get3A_823, %get3A_824, %get3A_825] : memref<8x1x1x1024xi32, #tpu.memory_space<vmem>>, vector<1x1x1x1024xi32>
    %get3A_827 = vector.shape_cast %get3A_826 : vector<1x1x1x1024xi32> to vector<1024xi32>
    %broadcast_in_dim3A_828 = vector.shape_cast %get3A_827 : vector<1024xi32> to vector<1x1024xi32>
    %eq3A_829 = vector.broadcast %broadcast_in_dim3A_828 : vector<1x1024xi32> to vector<64x1024xi32>
    %eq3A_830 = arith.cmpi eq, %iota3A, %eq3A_829 : vector<64x1024xi32>
    %convert_element_type3A_831 = arith.extui %eq3A_830 : vector<64x1024xi1> to vector<64x1024xi32>
    %convert_element_type3A_832 = arith.sitofp %convert_element_type3A_831 : vector<64x1024xi32> to vector<64x1024xf32>
    %slice3A_833 = vector.extract_strided_slice %dot_general3A_13 {offsets = [0, 448], sizes = [1024, 64], strides = [1, 1]} : vector<1024x512xf32> to vector<1024x64xf32>
    %concatenate3A_834 = tpu.concatenate %slice3A_833, %slice3A_821 in 1 : vector<1024x64xf32>, vector<1024x64xf32> -> vector<1024x128xf32>
    %get3A_835 = arith.constant 0 : index
    %get3A_836 = arith.constant 448 : index
    %get3A_837 = vector.load %arg7[%get3A_835, %get3A_836] : memref<256x512xf32, #tpu.memory_space<vmem>>, vector<256x64xf32>
    %concatenate3A_838 = tpu.concatenate %get3A_837, %broadcast_in_dim3A_47 in 1 : vector<256x64xf32>, vector<256x64xf32> -> vector<256x128xf32>
    %concatenate3A_839 = tpu.concatenate %concatenate3A_834, %concatenate3A_838 in 0 : vector<1024x128xf32>, vector<256x128xf32> -> vector<1280x128xf32>
    %concatenate3A_840 = tpu.concatenate %convert_element_type3A_832, %convert_element_type3A_46 in 0 : vector<64x1024xf32>, vector<64x1024xf32> -> vector<128x1024xf32>
    %dot_general3A_841 = arith.constant dense<0.000000e+00> : vector<1280x1024xf32>
    %dot_general3A_842 = tpu.matmul %concatenate3A_839, %concatenate3A_840, %dot_general3A_841 {dimension_numbers = #tpu.dot_dimension_numbers<[1], [0], [0], [1], [0, 0, 1, 1], [], []>, transpose_lhs_hint = false} : vector<1280x128xf32>, vector<128x1024xf32>, vector<1280x1024xf32> -> vector<1280x1024xf32>
    %slice3A_843 = vector.extract_strided_slice %dot_general3A_842 {offsets = [0, 0], sizes = [256, 1024], strides = [1, 1]} : vector<1280x1024xf32> to vector<256x1024xf32>
    %slice3A_844 = vector.extract_strided_slice %dot_general3A_842 {offsets = [256, 0], sizes = [256, 1024], strides = [1, 1]} : vector<1280x1024xf32> to vector<256x1024xf32>
    %slice3A_845 = vector.extract_strided_slice %dot_general3A_842 {offsets = [512, 0], sizes = [256, 1024], strides = [1, 1]} : vector<1280x1024xf32> to vector<256x1024xf32>
    %slice3A_846 = vector.extract_strided_slice %dot_general3A_842 {offsets = [768, 0], sizes = [256, 1024], strides = [1, 1]} : vector<1280x1024xf32> to vector<256x1024xf32>
    %slice3A_847 = vector.extract_strided_slice %dot_general3A_842 {offsets = [1024, 0], sizes = [256, 1024], strides = [1, 1]} : vector<1280x1024xf32> to vector<256x1024xf32>
    %mul3A_848 = arith.constant 5.000000e-01 : f32
    %mul3A_849 = vector.broadcast %mul3A_848 : f32 to vector<256x1024xf32>
    %mul3A_850 = arith.mulf %mul3A_849, %slice3A_844 : vector<256x1024xf32>
    %tanh3A_851 = math.tanh %mul3A_850 : vector<256x1024xf32>
    %mul3A_852 = arith.constant 5.000000e-01 : f32
    %mul3A_853 = vector.broadcast %mul3A_852 : f32 to vector<256x1024xf32>
    %mul3A_854 = arith.mulf %mul3A_853, %tanh3A_851 : vector<256x1024xf32>
    %add3A_855 = arith.constant 5.000000e-01 : f32
    %add3A_856 = vector.broadcast %add3A_855 : f32 to vector<256x1024xf32>
    %add3A_857 = arith.addf %mul3A_854, %add3A_856 : vector<256x1024xf32>
    %mul3A_858 = arith.mulf %add3A_857, %slice3A_847 : vector<256x1024xf32>
    %mul3A_859 = arith.constant 5.000000e-01 : f32
    %mul3A_860 = vector.broadcast %mul3A_859 : f32 to vector<256x1024xf32>
    %mul3A_861 = arith.mulf %mul3A_860, %slice3A_843 : vector<256x1024xf32>
    %tanh3A_862 = math.tanh %mul3A_861 : vector<256x1024xf32>
    %mul3A_863 = arith.constant 5.000000e-01 : f32
    %mul3A_864 = vector.broadcast %mul3A_863 : f32 to vector<256x1024xf32>
    %mul3A_865 = arith.mulf %mul3A_864, %tanh3A_862 : vector<256x1024xf32>
    %add3A_866 = arith.constant 5.000000e-01 : f32
    %add3A_867 = vector.broadcast %add3A_866 : f32 to vector<256x1024xf32>
    %add3A_868 = arith.addf %mul3A_865, %add3A_867 : vector<256x1024xf32>
    %tanh3A_869 = math.tanh %slice3A_846 : vector<256x1024xf32>
    %mul3A_870 = arith.mulf %add3A_868, %tanh3A_869 : vector<256x1024xf32>
    %add3A_871 = arith.addf %mul3A_858, %mul3A_870 : vector<256x1024xf32>
    %mul3A_872 = arith.constant 5.000000e-01 : f32
    %mul3A_873 = vector.broadcast %mul3A_872 : f32 to vector<256x1024xf32>
    %mul3A_874 = arith.mulf %mul3A_873, %slice3A_845 : vector<256x1024xf32>
    %tanh3A_875 = math.tanh %mul3A_874 : vector<256x1024xf32>
    %mul3A_876 = arith.constant 5.000000e-01 : f32
    %mul3A_877 = vector.broadcast %mul3A_876 : f32 to vector<256x1024xf32>
    %mul3A_878 = arith.mulf %mul3A_877, %tanh3A_875 : vector<256x1024xf32>
    %add3A_879 = arith.constant 5.000000e-01 : f32
    %add3A_880 = vector.broadcast %add3A_879 : f32 to vector<256x1024xf32>
    %add3A_881 = arith.addf %mul3A_878, %add3A_880 : vector<256x1024xf32>
    %tanh3A_882 = math.tanh %add3A_871 : vector<256x1024xf32>
    %mul3A_883 = arith.mulf %add3A_881, %tanh3A_882 : vector<256x1024xf32>
    %slice3A_884 = vector.extract_strided_slice %add3A_871 {offsets = [0, 0], sizes = [256, 512], strides = [1, 1]} : vector<256x1024xf32> to vector<256x512xf32>
    %slice3A_885 = vector.extract_strided_slice %add3A_871 {offsets = [0, 512], sizes = [256, 512], strides = [1, 1]} : vector<256x1024xf32> to vector<256x512xf32>
    %max3A_886 = arith.maximumf %slice3A_884, %slice3A_885 : vector<256x512xf32>
    %slice3A_887 = vector.extract_strided_slice %mul3A_883 {offsets = [0, 0], sizes = [256, 512], strides = [1, 1]} : vector<256x1024xf32> to vector<256x512xf32>
    %slice3A_888 = vector.extract_strided_slice %mul3A_883 {offsets = [0, 512], sizes = [256, 512], strides = [1, 1]} : vector<256x1024xf32> to vector<256x512xf32>
    %max3A_889 = arith.maximumf %slice3A_887, %slice3A_888 : vector<256x512xf32>
    %slice3A_890 = vector.extract_strided_slice %max3A_886 {offsets = [0, 0], sizes = [256, 256], strides = [1, 1]} : vector<256x512xf32> to vector<256x256xf32>
    %slice3A_891 = vector.extract_strided_slice %max3A_886 {offsets = [0, 256], sizes = [256, 256], strides = [1, 1]} : vector<256x512xf32> to vector<256x256xf32>
    %max3A_892 = arith.maximumf %slice3A_890, %slice3A_891 : vector<256x256xf32>
    %slice3A_893 = vector.extract_strided_slice %max3A_889 {offsets = [0, 0], sizes = [256, 256], strides = [1, 1]} : vector<256x512xf32> to vector<256x256xf32>
    %slice3A_894 = vector.extract_strided_slice %max3A_889 {offsets = [0, 256], sizes = [256, 256], strides = [1, 1]} : vector<256x512xf32> to vector<256x256xf32>
    %max3A_895 = arith.maximumf %slice3A_893, %slice3A_894 : vector<256x256xf32>
    %slice3A_896 = vector.extract_strided_slice %max3A_892 {offsets = [0, 0], sizes = [256, 128], strides = [1, 1]} : vector<256x256xf32> to vector<256x128xf32>
    %slice3A_897 = vector.extract_strided_slice %max3A_892 {offsets = [0, 128], sizes = [256, 128], strides = [1, 1]} : vector<256x256xf32> to vector<256x128xf32>
    %max3A_898 = arith.maximumf %slice3A_896, %slice3A_897 : vector<256x128xf32>
    %slice3A_899 = vector.extract_strided_slice %max3A_895 {offsets = [0, 0], sizes = [256, 128], strides = [1, 1]} : vector<256x256xf32> to vector<256x128xf32>
    %slice3A_900 = vector.extract_strided_slice %max3A_895 {offsets = [0, 128], sizes = [256, 128], strides = [1, 1]} : vector<256x256xf32> to vector<256x128xf32>
    %max3A_901 = arith.maximumf %slice3A_899, %slice3A_900 : vector<256x128xf32>
    %slice3A_902 = vector.extract_strided_slice %max3A_898 {offsets = [0, 0], sizes = [256, 64], strides = [1, 1]} : vector<256x128xf32> to vector<256x64xf32>
    %slice3A_903 = vector.extract_strided_slice %max3A_898 {offsets = [0, 64], sizes = [256, 64], strides = [1, 1]} : vector<256x128xf32> to vector<256x64xf32>
    %max3A_904 = arith.maximumf %slice3A_902, %slice3A_903 : vector<256x64xf32>
    %slice3A_905 = vector.extract_strided_slice %max3A_901 {offsets = [0, 0], sizes = [256, 64], strides = [1, 1]} : vector<256x128xf32> to vector<256x64xf32>
    %slice3A_906 = vector.extract_strided_slice %max3A_901 {offsets = [0, 64], sizes = [256, 64], strides = [1, 1]} : vector<256x128xf32> to vector<256x64xf32>
    %max3A_907 = arith.maximumf %slice3A_905, %slice3A_906 : vector<256x64xf32>
    %swap3A_908 = arith.constant 0 : index
    %swap3A_909 = arith.constant 448 : index
    %swap3A_910 = vector.load %arg7[%swap3A_908, %swap3A_909] : memref<256x512xf32, #tpu.memory_space<vmem>>, vector<256x64xf32>
    tpu.vector_store %arg7[%swap3A_908, %swap3A_909], %max3A_904 {strides = array<i32>} : memref<256x512xf32, #tpu.memory_space<vmem>>, vector<256x64xf32>,
    %swap3A_911 = arith.constant 4 : index
    %swap3A_912 = arith.constant 448 : index
    %swap3A_913 = vector.load %arg6[%swap3A_911, %swap3A_912] : memref<260x512xf32, #tpu.memory_space<vmem>>, vector<256x64xf32>
    tpu.vector_store %arg6[%swap3A_911, %swap3A_912], %max3A_907 {strides = array<i32>} : memref<260x512xf32, #tpu.memory_space<vmem>>, vector<256x64xf32>,
    %swap3A_914 = arith.constant 0 : index
    %swap3A_915 = arith.constant 448 : index
    %swap3A_916 = vector.load %arg6[%swap3A_914, %swap3A_915] : memref<260x512xf32, #tpu.memory_space<vmem>>, vector<4x64xf32>
    tpu.vector_store %arg6[%swap3A_914, %swap3A_915], %slice3A_820 {strides = array<i32>} : memref<260x512xf32, #tpu.memory_space<vmem>>, vector<4x64xf32>,
    %swap3A_917 = arith.constant 7 : index
    %swap3A_918 = arith.constant 0 : index
    %swap3A_919 = arith.constant 4 : index
    %swap3A_920 = arith.constant 0 : index
    %swap3A_921 = vector.load %arg5[%swap3A_917, %swap3A_918, %swap3A_919, %swap3A_920] : memref<8x1x260x64xf32, #tpu.memory_space<vmem>>, vector<1x1x256x64xf32>
    %swap3A_922 = vector.shape_cast %swap3A_921 : vector<1x1x256x64xf32> to vector<256x64xf32>
    %swap3A_923 = vector.shape_cast %max3A_907 : vector<256x64xf32> to vector<1x1x256x64xf32>
    tpu.vector_store %arg5[%swap3A_917, %swap3A_918, %swap3A_919, %swap3A_920], %swap3A_923 {strides = array<i32>} : memref<8x1x260x64xf32, #tpu.memory_space<vmem>>, vector<1x1x256x64xf32>,
    %swap3A_924 = arith.constant 7 : index
    %swap3A_925 = arith.constant 0 : index
    %swap3A_926 = arith.constant 0 : index
    %swap3A_927 = arith.constant 0 : index
    %swap3A_928 = vector.load %arg5[%swap3A_924, %swap3A_925, %swap3A_926, %swap3A_927] : memref<8x1x260x64xf32, #tpu.memory_space<vmem>>, vector<1x1x4x64xf32>
    %swap3A_929 = vector.shape_cast %swap3A_928 : vector<1x1x4x64xf32> to vector<4x64xf32>
    %swap3A_930 = vector.shape_cast %slice3A_820 : vector<4x64xf32> to vector<1x1x4x64xf32>
    tpu.vector_store %arg5[%swap3A_924, %swap3A_925, %swap3A_926, %swap3A_927], %swap3A_930 {strides = array<i32>} : memref<8x1x260x64xf32, #tpu.memory_space<vmem>>, vector<1x1x4x64xf32>,
    return
  }
  func.func @transform_0(%arg0: i32) -> (i32, i32, i32) {
    %c0_i32 = arith.constant 0 : i32
    %c0_i32_0 = arith.constant 0 : i32
    %c0_i32_1 = arith.constant 0 : i32
    return %arg0, %c0_i32, %c0_i32_0 : i32, i32, i32
  }
  func.func @transform_1(%arg0: i32) -> (i32, i32, i32, i32) {
    %c0_i32 = arith.constant 0 : i32
    %c0_i32_0 = arith.constant 0 : i32
    %c0_i32_1 = arith.constant 0 : i32
    %c0_i32_2 = arith.constant 0 : i32
    return %c0_i32, %arg0, %c0_i32_0, %c0_i32_1 : i32, i32, i32, i32
  }
  func.func @transform_2(%arg0: i32) -> (i32, i32) {
    %c0_i32 = arith.constant 0 : i32
    %c0_i32_0 = arith.constant 0 : i32
    %c0_i32_1 = arith.constant 0 : i32
    return %c0_i32, %c0_i32_0 : i32, i32
  }
  func.func @transform_3(%arg0: i32) -> (i32, i32) {
    %c0_i32 = arith.constant 0 : i32
    %c0_i32_0 = arith.constant 0 : i32
    %c0_i32_1 = arith.constant 0 : i32
    return %c0_i32, %c0_i32_0 : i32, i32
  }
  func.func @transform_4(%arg0: i32) -> (i32, i32, i32, i32) {
    %c0_i32 = arith.constant 0 : i32
    %c0_i32_0 = arith.constant 0 : i32
    %c0_i32_1 = arith.constant 0 : i32
    %c0_i32_2 = arith.constant 0 : i32
    return %c0_i32, %arg0, %c0_i32_0, %c0_i32_1 : i32, i32, i32, i32
  }
}

</mosaic_0001>

<sc_bundles>
// kernel: kernel.4.cloned.1.call-start
scs
__scs_entry_jumppad:
0x0: {  	(pc) =	sbr.rel $0x88, $3  }
0x1: {  	(tag) =	ssettag $0x0;
	lr =	simm.s32 $0x1  }
0x2: {  	[smem:$0x3F9D] =	sst lr;
	_ =	strace $0xD0000000  }
0x3: {  	_ = 	snop  }
0x4: {  	_ = 	snop  }
0x5: {  	_ = 	snop  }
0x6: {  	_ = 	snop  }
0x7: {  	_ = 	snop  }
__scs_overlays_trampoline_lowered:
0x8: {  	[smem:$0x3FAC] =	sst s0  }
0x9: {  	[smem:$0x3FAD] =	sst s1  }
0xa: {  	[smem:$0x3FAE] =	sst s2  }
0xb: {  	[smem:$0x3FAF] =	sst s3  }
0xc: {  	[smem:$0x3FB0] =	sst s4  }
0xd: {  	[smem:$0x3FB1] =	sst s5  }
0xe: {  	[smem:$0x3FB2] =	sst s6  }
0xf: {  	[smem:$0x3FB3] =	sst s7  }
0x10: {  	[smem:$0x3FB4] =	sst s8  }
0x11: {  	[smem:$0x3FB5] =	sst s9;
	s0 =	simm.s32 @!p0 $0x0  }
0x12: {  	s1 =	sld [smem:$0x3F9B];
	s0 =	simm.s32 @p0 $0x1  }
0x13: {  	[smem:$0x3FB6] =	sst s0;
	s0 =	simm.s32 @!p1 $0x0  }
0x14: {  	s2 =	sld [smem:$0x3F9A];
	s0 =	simm.s32 @p1 $0x1  }
0x15: {  	[smem:$0x3FB7] =	sst s0;
	s0 =	simm.s32 @!p2 $0x0  }
0x16: {  	s3 =	sld [smem:$0x3FDB];
	s0 =	simm.s32 @p2 $0x1  }
0x17: {  	s4 =	simm.s32 $0x1BF5;
	[smem:$0x3FB9] =	sst s0  }
0x18: {  	s0 =	sld [smem:$0x3F9C];
	_ =	swait.ge [sflag:s4], $0x0  }
0x19: {  	s7 =	sld [smem:$0x3F9D]  }
0x1a: {  	s8 =	sadd.s32 $0xFFFFE003, lr  }
0x1b: {  	s9 =	sadd.s32 $0xFFFFFEF7, lr;
	s5 =	simm.s32 $0xFFFFFFFF;
	p2 =	slt.u32 s8, $0xFFFFF086  }
0x1c: {  	p1 =	slt.u32 s9, $0xF7A;
	s5 =	simm.s32 @!p2 $0x0  }
0x1d: {  	s5 =	simm.s32 @p1 $0x1;
	p0 =	seq.s32 s7, s2  }
0x1e: {  	s7 =	smul.u32 @!p0 $0xF7A, s2;
	p2 =	seq.s32 @!p0 s5, $0x0  }
0x1f: {  	s9 =	smul.u32 $0xF7A, s1;
	s8 =	simm.s32 @!p0 $0x1BF5;
	p2 =	por !p2, p0  }
0x20: {  	[sflag:s8] =	ssyncset.s32 @!p0 $0xFFFFF086;
	s6 =	sadd.s32 @!p0 s3, s7;
	s7 =	simm.s32 @!p0 $0x108  }
0x21: {  	s3 =	sadd.s32 s3, s9;
	s6 =	sadd.s32 @!p0 $0x88, s6;
	s7 =	simm.s32 @p2 $0x1082  }
0x22: {  	[simem:s7], [sflag:s8] =	dma.local @!p0 [hbm:s6], $0xF7A  }
0x23: {  	s9 =	sor.u32 $0xD0000000, s2;
	s6 =	simm.s32 $0x108;
	_ =	swait.ge @!p0 [sflag:s8], $0x0  }
0x24: {  	s3 =	sadd.s32 $0x88, s3;
	s6 =	simm.s32 @!p1 $0x1082;
	[sflag:s4] =	ssyncset.s32 $0xFFFFF086  }
0x25: {  	[simem:s6], [sflag:s4] =	dma.local [hbm:s3], $0xF7A  }
0x26: {  	[smem:$0x3F9D] =	sst s1;
	(tag) =	ssettag s2;
	_ =	strace s9  }
0x27: {  	s1 =	sld [smem:$0x3FAD]  }
0x28: {  	s2 =	sld [smem:$0x3FAE]  }
0x29: {  	s4 =	sld [smem:$0x3FB0]  }
0x2a: {  	p0 =	seq.s32 s5, $0x0;
	s5 =	sld [smem:$0x3FB1]  }
0x2b: {  	s6 =	sld [smem:$0x3FB2]  }
0x2c: {  	s7 =	sld [smem:$0x3FB3]  }
0x2d: {  	s3 =	simm.s32 $0x108;
	s8 =	sld [smem:$0x3FB4]  }
0x2e: {  	s3 =	simm.s32 @!p0 $0x1082;
	s9 =	sld [smem:$0x3FB5]  }
0x2f: {  	lr =	sadd.s32 s0, s3;
	s0 =	sld [smem:$0x3FAC]  }
0x30: {  	s3 =	sld [smem:$0x3FAF]  }
0x31: {  	[smem:$0x3FB8] =	sst s10  }
0x32: {  	s10 =	sld [smem:$0x3FB6];
	_ =	sdelay $0x3  }
0x33: {  	p0 =	seq.s32 s10, $0x1;
	s10 =	sld [smem:$0x3FB8];
	_ =	sdelay $0x3  }
0x34: {  	[smem:$0x3FB8] =	sst s10  }
0x35: {  	s10 =	sld [smem:$0x3FB7];
	_ =	sdelay $0x3  }
0x36: {  	p1 =	seq.s32 s10, $0x1;
	s10 =	sld [smem:$0x3FB8];
	_ =	sdelay $0x3  }
0x37: {  	[smem:$0x3FB8] =	sst s10  }
0x38: {  	s10 =	sld [smem:$0x3FB9]  }
0x39: {  	_ = 	snop;
	(pc) =	sbr.ind lr, $3  }
0x3a: {  	_ = 	snop  }
0x3b: {  	_ = 	snop  }
0x3c: {  	p2 =	seq.s32 s10, $0x1;
	s10 =	sld [smem:$0x3FB8]  }
0x3d: {  	_ =	shalt  }
0x3e: {  	_ =	shalt  }
0x3f: {  	_ =	shalt  }
0x40: {  	_ =	shalt  }
0x41: {  	_ =	shalt  }
0x42: {  	_ =	shalt  }
0x43: {  	_ =	shalt  }
0x44: {  	_ =	shalt  }
0x45: {  	_ =	shalt  }
0x46: {  	_ =	shalt  }
0x47: {  	_ =	shalt  }
0x48: {  	_ =	shalt  }
0x49: {  	_ =	shalt  }
0x4a: {  	_ =	shalt  }
0x4b: {  	_ =	shalt  }
0x4c: {  	_ =	shalt  }
0x4d: {  	_ =	shalt  }
0x4e: {  	_ =	shalt  }
0x4f: {  	_ =	shalt  }
0x50: {  	_ =	shalt  }
0x51: {  	_ =	shalt  }
0x52: {  	_ =	shalt  }
0x53: {  	_ =	shalt  }
0x54: {  	_ =	shalt  }
0x55: {  	_ =	shalt  }
0x56: {  	_ =	shalt  }
0x57: {  	_ =	shalt  }
0x58: {  	_ =	shalt  }
0x59: {  	_ =	shalt  }
0x5a: {  	_ =	shalt  }
0x5b: {  	_ =	shalt  }
0x5c: {  	_ =	shalt  }
0x5d: {  	_ =	shalt  }
0x5e: {  	_ =	shalt  }
0x5f: {  	_ =	shalt  }
0x60: {  	_ =	shalt  }
0x61: {  	_ =	shalt  }
0x62: {  	_ =	shalt  }
0x63: {  	_ =	shalt  }
0x64: {  	_ =	shalt  }
0x65: {  	_ =	shalt  }
0x66: {  	_ =	shalt  }
0x67: {  	_ =	shalt  }
0x68: {  	_ =	shalt  }
0x69: {  	_ =	shalt  }
0x6a: {  	_ =	shalt  }
0x6b: {  	_ =	shalt  }
0x6c: {  	_ =	shalt  }
0x6d: {  	_ =	shalt  }
0x6e: {  	_ =	shalt  }
0x6f: {  	_ =	shalt  }
0x70: {  	_ =	shalt  }
0x71: {  	_ =	shalt  }
0x72: {  	_ =	shalt  }
0x73: {  	_ =	shalt  }
0x74: {  	_ =	shalt  }
0x75: {  	_ =	shalt  }
0x76: {  	_ =	shalt  }
0x77: {  	_ =	shalt  }
0x78: {  	_ =	shalt  }
0x79: {  	_ =	shalt  }
0x7a: {  	_ =	shalt  }
0x7b: {  	_ =	shalt  }
0x7c: {  	_ =	shalt  }
0x7d: {  	_ =	shalt  }
0x7e: {  	_ =	shalt  }
0x7f: {  	_ =	shalt  }
0x80: {  	_ =	shalt  }
0x81: {  	_ =	shalt  }
0x82: {  	_ =	shalt  }
0x83: {  	_ =	shalt  }
0x84: {  	_ =	shalt  }
0x85: {  	_ =	shalt  }
0x86: {  	_ =	shalt  }
0x87: {  	_ =	shalt  }
.Lfunc_end0:
.L_simem_size_0:
called_computation_lowered:
.L_overlay_start_0:
0x88: {  	s2 =	sld [smem:$0x3FD9]  }
0x89: {  	s3 =	sld [smem:$0x3FFE];
	_ =	sdelay $0x1  }
0x8a: {  	s1 =	srdreg.scid  }
0x8b: {  	s0 =	sand.u32 $0x1, s1  }
0x8c: {  	s15 =	sshll.u32 s0, $0xA;
	s2 =	sadd.s32 s3, s2  }
0x8d: {  	s2 =	sadd.s32 s2, s15  }
0x8e: {  	[smem:$0x3FC4] =	sst s2  }
0x8f: {  	_ = 	snop  }
0x90: {  	s2 =	sld [smem:$0x3FD0];
	_ =	sdelay $0x2  }
0x91: {  	s16 =	simm.s32 $0xA;
	s4 =	simm.s32 $0x10  }
0x92: {  	[smem:s4], [sflag:s16] =	dma.local [hbm:s2], $0x1  }
0x93: {  	_ =	swait.eq [sflag:s16], $0x1  }
0x94: {  	[sflag:s16] =	ssyncset.done $0x0  }
0x95: {  	s17 =	sld [smem:$0x10];
	[sflag:s16] =	ssyncadd.s32 $0xFFFFFFFF  }
0x96: {  	s18 =	sld [smem:$0x11];
	(tm) =	ssettm $0x1  }
0x97: {  	s19 =	sld [smem:$0x3FFB];
	_ =	sdelay $0x3  }
0x98: {  	_ =	strace s19  }
0x99: {  	s4 =	sld [smem:$0x3FFC];
	_ =	sdelay $0x3  }
0x9a: {  	_ =	strace s4  }
0x9b: {  	s4 =	sld [smem:$0x3FFD];
	_ =	sdelay $0x3  }
0x9c: {  	_ =	strace s4  }
0x9d: {  	_ =	strace $0x8FFFFFFF  }
0x9e: {  	s20 =	sld [smem:$0x3FDB];
	_ =	sdelay $0x1  }
0x9f: {  	s5 =	simm.s32 $_scs_section_size  }
0xa0: {  	s6 =	simm.s32 $_size__tile_overlayer_lowered;
	s7 =	simm.s32 $_tile_overlayer_lowered  }
0xa1: {  	s23 =	simm.s32 $0x1BFF;
	s22 =	sshll.u32 s7, $0x1;
	s4 =	sadd.s32 s5, s20  }
0xa2: {  	s8 =	simm.s32 $0x0;
	s21 =	sshll.u32 s6, $0x1;
	s6 =	sadd.s32 s22, s4  }
0xa3: {  	[timem:s8], [sflag:s23] =	dma.local [hbm:s6], s21  }
0xa4: {  	_ =	swait.ge [sflag:s23], s21  }
0xa5: {  	s5 =	ssub.s32 $0x0, s21;
	[sflag:s23] =	ssyncset.done $0x0  }
0xa6: {  	[sflag:s23] =	ssyncadd.s32 s5;
	_ =	sdelay $0x1  }
0xa7: {  	s24 =	simm.s32 $0x1B8B  }
0xa8: {  	_ =	swait.ge [sflag:s24], $0x1  }
0xa9: {  	[sflag:s24] =	ssyncset.done $0x0  }
0xaa: {  	s25 =	simm.s32 $0x1B8E;
	[sflag:s24] =	ssyncadd.s32 $0xFFFFFFFF  }
0xab: {  	s26 =	simm.s32 $execute0_lowered;
	[smem:$0x3FD2] =	sst s25  }
0xac: {  	s5 =	sshll.u32 s26, $0x1;
	_ =	strace $0x80000046;
	[dreg:$0x1] =	wrdreg $0xFFFFFFFF  }
0xad: {  	s28 =	simm.s32 $_size_execute0_lowered;
	s4 =	sadd.s32 s4, s5;
	[dreg:$0x0] =	wrdreg $0x0  }
0xae: {  	s5 =	sshll.u32 s28, $0x1;
	[dreg:$0x2] =	wrdreg s4  }
0xaf: {  	[dreg:$0x3] =	wrdreg s5  }
0xb0: {  	[dreg:$0x4] =	wrdreg $0xC0  }
0xb1: {  	_ =	task [dreg:s8], $0x5FFFF  }
0xb2: {  	[dreg:$0x1] =	wrdreg $0xFFFFFFFF  }
0xb3: {  	[dreg:$0x0] =	wrdreg $0x60  }
0xb4: {  	[dreg:$0x2] =	wrdreg s17  }
0xb5: {  	[dreg:$0x3] =	wrdreg s18  }
0xb6: {  	[dreg:$0x4] =	wrdreg $0x9  }
0xb7: {  	_ =	task.clear_ibuf [dreg:s8], $0x5FFFF;
	_ =	strace $0x90000046  }
0xb8: {  	s29 =	simm.s32 $0x9;
	_ =	strace $0x80000048  }
0xb9: {  	_ =	swait.ge [sflag:s29], $0x1  }
0xba: {  	[sflag:s29] =	ssyncadd.s32 $0xFFFFFFFF  }
0xbb: {  	_ =	strace $0x90000048  }
0xbc: {  	_ =	sfence  }
0xbd: {  	s30 =	sld [smem:$0x0];
	_ =	sdelay $0x2  }
0xbe: {  	s31 =	sshll.u32 s1, $0xD;
	s1 =	sshrl.u32 s1, $0x2  }
0xbf: {  	s3 =	sand.u32 $0x4000, s31;
	s1 =	sadd.s32 s1, s30  }
0xc0: {  	s0 =	sor.u32 s3, s0;
	s1 =	sshll.u32 s1, $0x11  }
0xc1: {  	s0 =	sor.u32 s1, s0  }
0xc2: {  	s0 =	sadd.s32 $0x8F2B, s0  }
0xc3: {  	[sflag:s0] =	ssyncadd.remote.s32 $0x1  }
0xc4: {  	_ =	sfence.sel $0xFFFF  }
0xc5: {  	[dreg:$0x0] =	wrdreg $0xFFFFFFFF;
	(pc) =	sbr.abs _section_cstart, $3  }
0xc6: {  	[dreg:$0x1] =	wrdreg $0xFFFFFFFF  }
0xc7: {  	_ =	task.clear_ibuf [dreg:s8], $0x2FFFF;
	_ =	strace $0x9FFFFFFF  }
0xc8: {  	(tm) =	ssettm $0x7FFFFFFF  }
0xc9: {  	_ =	shalt  }
tec
execute0_lowered:
.L_overlay_start_1:
0x0: {  	(tag) =	ssettag $0x1  }
0x1: {  	v0 =	vimm.s32 $0x4000  }
0x2: {  	v0 =	vunpack.c.0.s8.s32 v0  }
0x3: {  	vm0 =	vcmask $0x700  }
0x4: {  	vm15 =	vcmask $0xB08;
	v0 =	vnsel vm0, $0x1C40, v0  }
0x5: {  	vm4 =	vcmask $0xF0C;
	v0 =	vsel vm15, $0x400, v0  }
0x6: {  	vm5 =	vcmask $0x1310;
	v0 =	vsel vm4, $0x440, v0  }
0x7: {  	vm6 =	vcmask $0x1714;
	v0 =	vsel vm5, $0x800, v0  }
0x8: {  	vm7 =	vcmask $0x1B18;
	v0 =	vsel vm6, $0x840, v0  }
0x9: {  	s3 =	rddreg [dreg:$0x0];
	vm8 =	vcmask $0x1F1C;
	v0 =	vsel vm7, $0xC00, v0  }
0xa: {  	s4 =	rddreg [dreg:$0x1];
	vm9 =	vcmask $0x2320;
	v0 =	vsel vm8, $0xC40, v0  }
0xb: {  	s0 =	rddreg [dreg:$0x2];
	s5 =	srdreg.scid;
	vm10 =	vcmask $0x2724;
	v1 =	vsel vm9, $0x1000, v0  }
0xc: {  	s2 =	simm.s32 $0x0;
	s1 =	stileid.u32;
	vm11 =	vcmask $0x2B28;
	vm12 =	vcmask $0x2F2C;
	s5 =	sand.u32 $0x1, s5;
	v2 =	vsel vm10, $0x1040, v1  }
0xd: {  	vm13 =	vcmask $0x3330;
	vm14 =	vcmask $0x3734;
	[smem:$0x7FF] =	sst s2;
	s7 =	sshll.u32 s1, $0x1;
	s6 =	ssub.s32 $0x2, s5;
	v3 =	vsel vm11, $0x1400, v2  }
0xe: {  	_ =	strace $0x80000047;
	s5 =	sor.u32 s5, s7;
	s8 =	sshrl.u32 s6, $0x1;
	vm15 =	vcmask $0x3B38;
	v0 =	vlaneseq.u32;
	v3 =	vsel vm12, $0x1440, v3  }
0xf: {  	s7 =	sshll.u32 s5, $0x9;
	s5 =	sshll.u32 s5, $0xA;
	s6 =	ssub.s32 s6, s8;
	v1 =	vor.u32 $0x10, v0;
	v4 =	vmul.u32 $0xFFFFFFFF, v0;
	v5 =	vsel vm13, $0x1800, v3  }
0x10: {  	s3 =	sadd.s32 s3, s7;
	s4 =	sadd.s32 s4, s5;
	s7 =	simm.s32 $0x1000;
	v6 =	vmul.u32 $0x40, v0;
	v2 =	vor.u32 $0x20, v0;
	v5 =	vsel vm14, $0x1840, v5  }
0x11: {  	s8 =	simm.s32 $0x0;
	s5 =	smax.u32 s6, $0x1;
	s6 =	simm.s32 $0x1;
	v4 =	vadd.s32 $0xF, v4;
	v3 =	vor.u32 $0x30, v0;
	v5 =	vsel vm15, $0x1C00, v5  }
.LBB2_1:
0x12: {  	[tilespmem:s2], [sflag:$0x1] =	stream.linear.gather [hbm4b:s3+s2], $0x1000, $0x38;
	[tilespmem:$0x3000] =	vst v63  }
0x13: {  	_ =	swait.ge [sflag:s6], $0x1000  }
0x14: {  	[sflag:s6] =	ssyncset.done $0x0  }
0x15: {  	s9 =	simm.s32 $0x80;
	s10 =	simm.s32 $0x0;
	[sflag:s6] =	ssyncadd.s32 $0xFFFFF000  }
.LBB2_2:
0x16: {  	s11 =	sshll.u32 s10, $0x9  }
0x17: {  	s11 =	sand.u32 $0x3FFFFE00, s11  }
0x18: {  	v7 =	vld [tilespmem:s11+$0x100]  }
0x19: {  	v8 =	vld [tilespmem:s11+$0x110]  }
0x1a: {  	v9 =	vld [tilespmem:s11+$0x120]  }
0x1b: {  	v10 =	vld [tilespmem:s11+$0x130]  }
0x1c: {  	v11 =	vld [tilespmem:s11+$0x140]  }
0x1d: {  	v12 =	vld [tilespmem:s11+$0x150]  }
0x1e: {  	v13 =	vld [tilespmem:s11+$0x160]  }
0x1f: {  	v14 =	vld [tilespmem:s11+$0x170]  }
0x20: {  	v15 =	vld [tilespmem:s11+$0x180]  }
0x21: {  	v16 =	vld [tilespmem:s11+$0x190]  }
0x22: {  	v17 =	vld [tilespmem:s11+$0x1A0]  }
0x23: {  	v18 =	vld [tilespmem:s11+$0x1B0]  }
0x24: {  	v21 =	vmov s10;
	v19 =	vld [tilespmem:s11+$0x1C0]  }
0x25: {  	v22 =	vshll.u32 v21, $0x7;
	v20 =	vld [tilespmem:s11+$0x1D0]  }
0x26: {  	v21 =	vld [tilespmem:s11+$0x1E0];
	v22 =	vand.u32 $0x380, v22  }
0x27: {  	s12 =	smov.u32 s9;
	v23 =	vld [tilespmem:s11+$0x1F0];
	s11 =	simm.s32 $0xF;
	v24 =	vbroadcast v22, $0x0  }
.LBB2_3:
0x28: {  	v28 =	vld [tilespmem:s12+$0xFFFFFF80]  }
0x29: {  	v29 =	vld [tilespmem:s12+$0xFFFFFFC0];
	_ =	sdelay $0x1  }
0x2a: {  	v27 =	vld [tilespmem:s12+$0x0]  }
0x2b: {  	v26 =	vld [tilespmem:s12+$0x40];
	_ =	sdelay $0x1  }
0x2c: {  	v25 =	vbroadcast v28, $0x0;
	v30 =	vbroadcast v29, $0x0;
	_ =	sdelay $0x1  }
0x2d: {  	v33 =	vbroadcast v27, $0x0;
	v31 =	vsub.f32 v25, v7;
	v32 =	vsub.f32 v30, v11  }
0x2e: {  	v42 =	vbroadcast v26, $0x0;
	v34 =	vsub.f32 v25, v8;
	v35 =	vsub.f32 v30, v12  }
0x2f: {  	v36 =	vsub.f32 v33, v15;
	v37 =	vsub.f32 v33, v16  }
0x30: {  	v44 =	vsub.f32 v42, v19;
	v45 =	vsub.f32 v42, v20  }
0x31: {  	v46 =	vsub.f32 v25, v9;
	v38 =	vsub.f32 v30, v13  }
0x32: {  	v25 =	vsub.f32 v25, v10;
	v30 =	vsub.f32 v30, v14  }
0x33: {  	v39 =	vsub.f32 v33, v17;
	v31 =	vmul.f32 v31, v31;
	v32 =	vmul.f32 v32, v32  }
0x34: {  	v33 =	vsub.f32 v33, v18;
	v34 =	vmul.f32 v34, v34;
	v35 =	vmul.f32 v35, v35  }
0x35: {  	v48 =	vsub.f32 v42, v21;
	v41 =	vmul.f32 v36, v36;
	v43 =	vmul.f32 v37, v37  }
0x36: {  	v50 =	vsub.f32 v42, v23;
	v37 =	vmul.f32 v46, v46;
	v38 =	vmul.f32 v38, v38  }
0x37: {  	v25 =	vmul.f32 v25, v25;
	v30 =	vmul.f32 v30, v30;
	v31 =	vadd.f32 v32, v31  }
0x38: {  	v47 =	vmul.f32 v39, v39;
	v49 =	vmul.f32 v33, v33;
	v34 =	vadd.f32 v35, v34  }
0x39: {  	v32 =	vmul.f32 v44, v44;
	v37 =	vadd.f32 v38, v37;
	v31 =	vadd.f32 v41, v31  }
0x3a: {  	v35 =	vmul.f32 v45, v45;
	v25 =	vadd.f32 v30, v25;
	v34 =	vadd.f32 v43, v34  }
0x3b: {  	v52 =	vmul.f32 v48, v48;
	v51 =	vadd.f32 v47, v37;
	v31 =	vadd.f32 v32, v31  }
0x3c: {  	v53 =	vmul.f32 v50, v50;
	v25 =	vadd.f32 v49, v25;
	v34 =	vadd.f32 v35, v34  }
0x3d: {  	v54 =	vadd.f32 v52, v51;
	(xrf1) =	vsort.ascd.msk.f32 $0xffff, v31, v0  }
0x3e: {  	v25 =	vadd.f32 v53, v25;
	(xrf1) =	vsort.ascd.msk.f32 $0xffff, v34, v1  }
0x3f: {  	(xrf1) =	vsort.ascd.msk.f32 $0xffff, v54, v2  }
0x40: {  	(xrf1) =	vsort.ascd.msk.f32 $0xffff, v25, v3;
	_ =	sdelay $0xa  }
0x41: {  	v25, v30, _ =	vpop (xrf1)  }
0x42: {  	v55, v32, _ =	vpop (xrf1)  }
0x43: {  	v56, v57, _ =	vpop (xrf1)  }
0x44: {  	v31 =	vperm.xlane v55, v4;
	v58, v59, _ =	vpop (xrf1)  }
0x45: {  	v32 =	vperm.xlane v32, v4;
	v35 =	vperm.xlane v58, v4  }
0x46: {  	vm0 =	vle.f32 v25, v31;
	v36 =	vperm.xlane v59, v4  }
0x47: {  	v25 =	vsel vm0, v25, v31;
	v30 =	vsel vm0, v30, v32;
	vm5 =	vle.f32 v56, v35  }
0x48: {  	(xrf1) =	vsort.ascd.msk.f32 $0xffff, v25, v30;
	v25 =	vsel vm5, v56, v35;
	v60 =	vsel vm5, v57, v36  }
0x49: {  	(xrf1) =	vsort.ascd.msk.f32 $0xffff, v25, v60;
	_ =	sdelay $0x1  }
0x4a: {  	v63 =	vbroadcast v28, $0x1;
	_ =	sdelay $0x1  }
0x4b: {  	v48 =	vsub.f32 v63, v8;
	v44 =	vbroadcast v29, $0x1  }
0x4c: {  	v33 =	vsub.f32 v63, v10;
	v45 =	vsub.f32 v63, v7  }
0x4d: {  	v38 =	vmul.f32 v48, v48;
	v47 =	vbroadcast v27, $0x1;
	v49 =	vsub.f32 v44, v12  }
0x4e: {  	v33 =	vmul.f32 v33, v33;
	v46 =	vsub.f32 v44, v11;
	v34 =	vsub.f32 v44, v14  }
0x4f: {  	v39 =	vmul.f32 v49, v49;
	v41 =	vsub.f32 v47, v16;
	v51 =	vbroadcast v26, $0x1  }
0x50: {  	v40 =	vsub.f32 v47, v15;
	v37 =	vsub.f32 v47, v18;
	v34 =	vmul.f32 v34, v34  }
0x51: {  	v52 =	vadd.f32 v39, v38;
	v53 =	vmul.f32 v41, v41;
	v41 =	vsub.f32 v51, v23  }
0x52: {  	v33 =	vadd.f32 v34, v33;
	v35 =	vmul.f32 v45, v45;
	v36 =	vmul.f32 v46, v46  }
0x53: {  	v55 =	vsub.f32 v51, v19;
	v59 =	vsub.f32 v44, v13  }
0x54: {  	v50 =	vmul.f32 v40, v40;
	v58 =	vsub.f32 v63, v9;
	v35 =	vadd.f32 v36, v35;
	v25, v30, _ =	vpop (xrf1)  }
0x55: {  	v63 =	vmul.f32 v37, v37;
	v60 =	vsub.f32 v47, v17;
	v36 =	vmul.f32 v59, v59;
	v61, v62, _ =	vpop (xrf1)  }
0x56: {  	v54 =	vadd.f32 v50, v35;
	v35 =	vmul.f32 v58, v58;
	v31 =	vperm.xlane v61, v4  }
0x57: {  	v56 =	vsub.f32 v51, v20;
	v57 =	vmul.f32 v55, v55;
	v32 =	vperm.xlane v62, v4  }
0x58: {  	v35 =	vadd.f32 v36, v35;
	v61 =	vmul.f32 v60, v60;
	vm6 =	vle.f32 v25, v31  }
0x59: {  	v62 =	vsub.f32 v51, v21;
	v25 =	vsel vm6, v25, v31;
	v30 =	vsel vm6, v30, v32  }
0x5a: {  	(xrf1) =	vsort.ascd.msk.f32 $0xffff, v25, v30;
	v25 =	vadd.f32 v53, v52;
	v30 =	vmul.f32 v56, v56  }
0x5b: {  	v42 =	vadd.f32 v61, v35;
	v43 =	vmul.f32 v62, v62;
	v31 =	vadd.f32 v57, v54  }
0x5c: {  	v44 =	vadd.f32 v63, v33;
	v45 =	vmul.f32 v41, v41;
	v25 =	vadd.f32 v30, v25  }
0x5d: {  	v46 =	vadd.f32 v43, v42;
	(xrf1) =	vsort.ascd.msk.f32 $0xffff, v31, v0  }
0x5e: {  	(xrf1) =	vsort.ascd.msk.f32 $0xffff, v25, v1;
	v25 =	vadd.f32 v45, v44  }
0x5f: {  	(xrf1) =	vsort.ascd.msk.f32 $0xffff, v46, v2  }
0x60: {  	(xrf1) =	vsort.ascd.msk.f32 $0xffff, v25, v3;
	_ =	sdelay $0x9  }
0x61: {  	_, v25, _ =	vpop (xrf1)  }
0x62: {  	v47, v48, _ =	vpop (xrf1)  }
0x63: {  	v49, v50, _ =	vpop (xrf1)  }
0x64: {  	v51, v52, _ =	vpop (xrf1)  }
0x65: {  	v32 =	vperm.xlane v49, v4;
	v53, v54, _ =	vpop (xrf1)  }
0x66: {  	v33 =	vperm.xlane v50, v4;
	v36 =	vperm.xlane v53, v4  }
0x67: {  	vm7 =	vle.f32 v47, v32;
	v37 =	vperm.xlane v54, v4  }
0x68: {  	v30 =	vsel vm7, v47, v32;
	v31 =	vsel vm7, v48, v33;
	vm8 =	vle.f32 v51, v36  }
0x69: {  	(xrf1) =	vsort.ascd.msk.f32 $0xffff, v30, v31;
	v55 =	vsel vm8, v51, v36;
	v56 =	vsel vm8, v52, v37  }
0x6a: {  	(xrf1) =	vsort.ascd.msk.f32 $0xffff, v55, v56;
	_ =	sdelay $0x3  }
0x6b: {  	v59 =	vbroadcast v28, $0x2;
	v60 =	vbroadcast v29, $0x2;
	_ =	sdelay $0x1  }
0x6c: {  	v63 =	vbroadcast v27, $0x2;
	v44 =	vsub.f32 v59, v8;
	v45 =	vsub.f32 v60, v12  }
0x6d: {  	v34 =	vsub.f32 v59, v10;
	v35 =	vsub.f32 v60, v14  }
0x6e: {  	v42 =	vsub.f32 v63, v16;
	v39 =	vmul.f32 v44, v44;
	v40 =	vmul.f32 v45, v45  }
0x6f: {  	v38 =	vsub.f32 v63, v18;
	v34 =	vmul.f32 v34, v34;
	v35 =	vmul.f32 v35, v35  }
0x70: {  	v46 =	vsub.f32 v63, v15;
	v49 =	vadd.f32 v40, v39;
	v50 =	vmul.f32 v42, v42  }
0x71: {  	v61 =	vsub.f32 v59, v7;
	v62 =	vsub.f32 v60, v11;
	v48 =	vbroadcast v26, $0x2  }
0x72: {  	v34 =	vadd.f32 v35, v34;
	v53 =	vadd.f32 v50, v49;
	v47 =	vmul.f32 v46, v46  }
0x73: {  	v36 =	vmul.f32 v61, v61;
	v37 =	vmul.f32 v62, v62;
	v52 =	vsub.f32 v48, v19;
	v30, v31, _ =	vpop (xrf1)  }
0x74: {  	v54 =	vsub.f32 v48, v20;
	v61 =	vmul.f32 v38, v38;
	v56 =	vsub.f32 v59, v9;
	v57, v58, _ =	vpop (xrf1)  }
0x75: {  	v36 =	vadd.f32 v37, v36;
	v32 =	vperm.xlane v57, v4;
	v57 =	vsub.f32 v60, v13  }
0x76: {  	v55 =	vmul.f32 v52, v52;
	v33 =	vperm.xlane v58, v4;
	v58 =	vsub.f32 v63, v17  }
0x77: {  	v51 =	vadd.f32 v47, v36;
	v36 =	vmul.f32 v56, v56;
	v37 =	vmul.f32 v57, v57  }
0x78: {  	v60 =	vsub.f32 v48, v21;
	vm9 =	vle.f32 v30, v32;
	v59 =	vmul.f32 v58, v58  }
0x79: {  	v30 =	vsel vm9, v30, v32;
	v31 =	vsel vm9, v31, v33;
	v36 =	vadd.f32 v37, v36  }
0x7a: {  	v62 =	vsub.f32 v48, v23;
	(xrf1) =	vsort.ascd.msk.f32 $0xffff, v30, v31;
	v31 =	vmul.f32 v54, v54  }
0x7b: {  	v40 =	vmul.f32 v60, v60;
	v32 =	vadd.f32 v55, v51;
	v63 =	vadd.f32 v59, v36  }
0x7c: {  	v41 =	vadd.f32 v61, v34;
	v42 =	vmul.f32 v62, v62;
	v30 =	vadd.f32 v31, v53  }
0x7d: {  	(xrf1) =	vsort.ascd.msk.f32 $0xffff, v32, v0;
	v43 =	vadd.f32 v40, v63  }
0x7e: {  	v44 =	vadd.f32 v42, v41;
	(xrf1) =	vsort.ascd.msk.f32 $0xffff, v30, v1  }
0x7f: {  	(xrf1) =	vsort.ascd.msk.f32 $0xffff, v43, v2  }
0x80: {  	(xrf1) =	vsort.ascd.msk.f32 $0xffff, v44, v3;
	_ =	sdelay $0x9  }
0x81: {  	_, v30, _ =	vpop (xrf1)  }
0x82: {  	v45, v46, _ =	vpop (xrf1)  }
0x83: {  	v47, v48, _ =	vpop (xrf1)  }
0x84: {  	v49, v50, _ =	vpop (xrf1)  }
0x85: {  	v33 =	vperm.xlane v47, v4;
	v51, v52, _ =	vpop (xrf1)  }
0x86: {  	v34 =	vperm.xlane v48, v4;
	v37 =	vperm.xlane v51, v4  }
0x87: {  	vm10 =	vle.f32 v45, v33;
	v38 =	vperm.xlane v52, v4  }
0x88: {  	v31 =	vsel vm10, v45, v33;
	v32 =	vsel vm10, v46, v34;
	vm11 =	vle.f32 v49, v37  }
0x89: {  	(xrf1) =	vsort.ascd.msk.f32 $0xffff, v31, v32;
	v53 =	vsel vm11, v49, v37;
	v54 =	vsel vm11, v50, v38  }
0x8a: {  	(xrf1) =	vsort.ascd.msk.f32 $0xffff, v53, v54;
	_ =	sdelay $0x3  }
0x8b: {  	v61 =	vbroadcast v27, $0x3  }
0x8c: {  	v57 =	vbroadcast v28, $0x3;
	v58 =	vbroadcast v29, $0x3  }
0x8d: {  	v39 =	vsub.f32 v61, v18  }
0x8e: {  	v35 =	vsub.f32 v57, v10;
	v36 =	vsub.f32 v58, v14  }
0x8f: {  	v62 =	vsub.f32 v57, v8;
	v63 =	vsub.f32 v58, v12  }
0x90: {  	v60 =	vsub.f32 v58, v11;
	v35 =	vmul.f32 v35, v35;
	v36 =	vmul.f32 v36, v36  }
0x91: {  	v59 =	vsub.f32 v57, v7;
	v40 =	vmul.f32 v62, v62;
	v41 =	vmul.f32 v63, v63  }
0x92: {  	v43 =	vsub.f32 v61, v16;
	v35 =	vadd.f32 v36, v35;
	v47 =	vbroadcast v26, $0x3  }
0x93: {  	v48 =	vadd.f32 v41, v40;
	v45 =	vsub.f32 v61, v15  }
0x94: {  	v51 =	vsub.f32 v47, v19;
	v37 =	vmul.f32 v59, v59;
	v38 =	vmul.f32 v60, v60;
	v31, v32, _ =	vpop (xrf1)  }
0x95: {  	v46 =	vmul.f32 v45, v45;
	v49 =	vmul.f32 v43, v43;
	v59 =	vsub.f32 v47, v21;
	v55, v56, _ =	vpop (xrf1)  }
0x96: {  	v60 =	vmul.f32 v39, v39;
	v37 =	vadd.f32 v38, v37;
	v33 =	vperm.xlane v55, v4  }
0x97: {  	v34 =	vperm.xlane v56, v4;
	v55 =	vsub.f32 v57, v9;
	v56 =	vsub.f32 v58, v13  }
0x98: {  	v53 =	vsub.f32 v47, v20;
	v54 =	vmul.f32 v51, v51;
	v57 =	vsub.f32 v61, v17  }
0x99: {  	v50 =	vadd.f32 v46, v37;
	v37 =	vmul.f32 v55, v55;
	v38 =	vmul.f32 v56, v56  }
0x9a: {  	v52 =	vadd.f32 v49, v48;
	vm12 =	vle.f32 v31, v33;
	v58 =	vmul.f32 v57, v57  }
0x9b: {  	v31 =	vsel vm12, v31, v33;
	v32 =	vsel vm12, v32, v34;
	v37 =	vadd.f32 v38, v37  }
0x9c: {  	v61 =	vsub.f32 v47, v23;
	(xrf1) =	vsort.ascd.msk.f32 $0xffff, v31, v32;
	v32 =	vmul.f32 v53, v53  }
0x9d: {  	v63 =	vmul.f32 v59, v59;
	v33 =	vadd.f32 v54, v50;
	v62 =	vadd.f32 v58, v37  }
0x9e: {  	v40 =	vadd.f32 v60, v35;
	v41 =	vmul.f32 v61, v61;
	v31 =	vadd.f32 v32, v52  }
0x9f: {  	(xrf1) =	vsort.ascd.msk.f32 $0xffff, v33, v0;
	v42 =	vadd.f32 v63, v62  }
0xa0: {  	v43 =	vadd.f32 v41, v40;
	(xrf1) =	vsort.ascd.msk.f32 $0xffff, v31, v1  }
0xa1: {  	(xrf1) =	vsort.ascd.msk.f32 $0xffff, v42, v2  }
0xa2: {  	(xrf1) =	vsort.ascd.msk.f32 $0xffff, v43, v3;
	_ =	sdelay $0x9  }
0xa3: {  	_, v31, _ =	vpop (xrf1)  }
0xa4: {  	v44, v45, _ =	vpop (xrf1)  }
0xa5: {  	v46, v47, _ =	vpop (xrf1)  }
0xa6: {  	v48, v49, _ =	vpop (xrf1)  }
0xa7: {  	v34 =	vperm.xlane v46, v4;
	v50, v51, _ =	vpop (xrf1)  }
0xa8: {  	v35 =	vperm.xlane v47, v4;
	v38 =	vperm.xlane v50, v4  }
0xa9: {  	vm13 =	vle.f32 v44, v34;
	v39 =	vperm.xlane v51, v4  }
0xaa: {  	v32 =	vsel vm13, v44, v34;
	v33 =	vsel vm13, v45, v35;
	vm14 =	vle.f32 v48, v38  }
0xab: {  	(xrf1) =	vsort.ascd.msk.f32 $0xffff, v32, v33;
	v52 =	vsel vm14, v48, v38;
	v53 =	vsel vm14, v49, v39  }
0xac: {  	(xrf1) =	vsort.ascd.msk.f32 $0xffff, v52, v53;
	_ =	sdelay $0x3  }
0xad: {  	v57 =	vbroadcast v29, $0x4  }
0xae: {  	v56 =	vbroadcast v28, $0x4  }
0xaf: {  	v60 =	vbroadcast v27, $0x4;
	v59 =	vsub.f32 v57, v11  }
0xb0: {  	v36 =	vsub.f32 v56, v10;
	v37 =	vsub.f32 v57, v14  }
0xb1: {  	v61 =	vsub.f32 v56, v8;
	v40 =	vsub.f32 v60, v18  }
0xb2: {  	v36 =	vmul.f32 v36, v36;
	v62 =	vsub.f32 v57, v12;
	v37 =	vmul.f32 v37, v37  }
0xb3: {  	v58 =	vsub.f32 v56, v7;
	v63 =	vsub.f32 v60, v15  }
0xb4: {  	v41 =	vmul.f32 v61, v61;
	v42 =	vmul.f32 v62, v62;
	v36 =	vadd.f32 v37, v36  }
0xb5: {  	v46 =	vbroadcast v26, $0x4;
	v44 =	vsub.f32 v60, v16;
	v45 =	vmul.f32 v63, v63  }
0xb6: {  	v47 =	vadd.f32 v42, v41;
	v38 =	vmul.f32 v58, v58;
	v39 =	vmul.f32 v59, v59;
	v32, v33, _ =	vpop (xrf1)  }
0xb7: {  	v50 =	vsub.f32 v46, v19;
	v48 =	vmul.f32 v44, v44;
	v58 =	vsub.f32 v46, v21;
	v54, v55, _ =	vpop (xrf1)  }
0xb8: {  	v59 =	vmul.f32 v40, v40;
	v38 =	vadd.f32 v39, v38;
	v34 =	vperm.xlane v54, v4  }
0xb9: {  	v35 =	vperm.xlane v55, v4;
	v54 =	vsub.f32 v56, v9;
	v55 =	vsub.f32 v57, v13  }
0xba: {  	v52 =	vsub.f32 v46, v20;
	v53 =	vmul.f32 v50, v50;
	v56 =	vsub.f32 v60, v17  }
0xbb: {  	v49 =	vadd.f32 v45, v38;
	v38 =	vmul.f32 v54, v54;
	v39 =	vmul.f32 v55, v55  }
0xbc: {  	v51 =	vadd.f32 v48, v47;
	vm15 =	vle.f32 v32, v34;
	v57 =	vmul.f32 v56, v56  }
0xbd: {  	v32 =	vsel vm15, v32, v34;
	v33 =	vsel vm15, v33, v35;
	v38 =	vadd.f32 v39, v38  }
0xbe: {  	v60 =	vsub.f32 v46, v23;
	(xrf1) =	vsort.ascd.msk.f32 $0xffff, v32, v33;
	v33 =	vmul.f32 v52, v52  }
0xbf: {  	v62 =	vmul.f32 v58, v58;
	v34 =	vadd.f32 v53, v49;
	v61 =	vadd.f32 v57, v38  }
0xc0: {  	v63 =	vadd.f32 v59, v36;
	v41 =	vmul.f32 v60, v60;
	v32 =	vadd.f32 v33, v51  }
0xc1: {  	(xrf1) =	vsort.ascd.msk.f32 $0xffff, v34, v0;
	v42 =	vadd.f32 v62, v61  }
0xc2: {  	v43 =	vadd.f32 v41, v63;
	(xrf1) =	vsort.ascd.msk.f32 $0xffff, v32, v1  }
0xc3: {  	(xrf1) =	vsort.ascd.msk.f32 $0xffff, v42, v2  }
0xc4: {  	(xrf1) =	vsort.ascd.msk.f32 $0xffff, v43, v3;
	_ =	sdelay $0x9  }
0xc5: {  	_, v32, _ =	vpop (xrf1)  }
0xc6: {  	v44, v45, _ =	vpop (xrf1)  }
0xc7: {  	v46, v47, _ =	vpop (xrf1)  }
0xc8: {  	v48, v49, _ =	vpop (xrf1)  }
0xc9: {  	v35 =	vperm.xlane v46, v4;
	v50, v51, _ =	vpop (xrf1)  }
0xca: {  	v36 =	vperm.xlane v47, v4;
	v39 =	vperm.xlane v50, v4  }
0xcb: {  	vm4 =	vle.f32 v44, v35;
	v40 =	vperm.xlane v51, v4  }
0xcc: {  	v33 =	vsel vm4, v44, v35;
	v34 =	vsel vm4, v45, v36;
	vm5 =	vle.f32 v48, v39  }
0xcd: {  	(xrf1) =	vsort.ascd.msk.f32 $0xffff, v33, v34;
	v52 =	vsel vm5, v48, v39;
	v53 =	vsel vm5, v49, v40  }
0xce: {  	(xrf1) =	vsort.ascd.msk.f32 $0xffff, v52, v53;
	_ =	sdelay $0x2  }
0xcf: {  	v37 =	vbroadcast v28, $0x5  }
0xd0: {  	v58 =	vbroadcast v27, $0x5  }
0xd1: {  	v59 =	vsub.f32 v37, v8;
	v38 =	vbroadcast v29, $0x5  }
0xd2: {  	v56 =	vsub.f32 v37, v7;
	v61 =	vsub.f32 v58, v15  }
0xd3: {  	v63 =	vbroadcast v26, $0x5;
	v41 =	vsub.f32 v58, v18;
	v60 =	vsub.f32 v38, v12  }
0xd4: {  	v57 =	vsub.f32 v38, v11;
	v42 =	vmul.f32 v59, v59;
	v62 =	vmul.f32 v61, v61  }
0xd5: {  	v59 =	vsub.f32 v63, v21;
	v61 =	vsub.f32 v63, v23;
	v43 =	vmul.f32 v60, v60  }
0xd6: {  	v45 =	vsub.f32 v58, v16;
	v51 =	vsub.f32 v63, v19  }
0xd7: {  	v39 =	vmul.f32 v56, v56;
	v40 =	vmul.f32 v57, v57;
	v48 =	vadd.f32 v43, v42  }
0xd8: {  	v49 =	vmul.f32 v45, v45;
	v56 =	vsub.f32 v38, v13;
	v38 =	vsub.f32 v38, v14  }
0xd9: {  	v57 =	vsub.f32 v58, v17;
	v53 =	vsub.f32 v63, v20;
	v33, v34, _ =	vpop (xrf1)  }
0xda: {  	v60 =	vmul.f32 v41, v41;
	v39 =	vadd.f32 v40, v39;
	v52 =	vadd.f32 v49, v48;
	v54, v55, _ =	vpop (xrf1)  }
0xdb: {  	v40 =	vmul.f32 v56, v56;
	v36 =	vperm.xlane v55, v4;
	v55 =	vsub.f32 v37, v9  }
0xdc: {  	v38 =	vmul.f32 v38, v38;
	v35 =	vperm.xlane v54, v4;
	v37 =	vsub.f32 v37, v10  }
0xdd: {  	v58 =	vmul.f32 v57, v57;
	v50 =	vadd.f32 v62, v39;
	v39 =	vmul.f32 v55, v55  }
0xde: {  	v54 =	vmul.f32 v51, v51;
	vm6 =	vle.f32 v33, v35;
	v37 =	vmul.f32 v37, v37  }
0xdf: {  	v33 =	vsel vm6, v33, v35;
	v34 =	vsel vm6, v34, v36;
	v39 =	vadd.f32 v40, v39  }
0xe0: {  	(xrf1) =	vsort.ascd.msk.f32 $0xffff, v33, v34;
	v34 =	vmul.f32 v53, v53;
	v37 =	vadd.f32 v38, v37  }
0xe1: {  	v63 =	vmul.f32 v59, v59;
	v35 =	vadd.f32 v54, v50;
	v62 =	vadd.f32 v58, v39  }
0xe2: {  	v42 =	vmul.f32 v61, v61;
	v33 =	vadd.f32 v34, v52;
	v40 =	vadd.f32 v60, v37  }
0xe3: {  	(xrf1) =	vsort.ascd.msk.f32 $0xffff, v35, v0;
	v43 =	vadd.f32 v63, v62  }
0xe4: {  	(xrf1) =	vsort.ascd.msk.f32 $0xffff, v33, v1;
	v44 =	vadd.f32 v42, v40  }
0xe5: {  	(xrf1) =	vsort.ascd.msk.f32 $0xffff, v43, v2  }
0xe6: {  	(xrf1) =	vsort.ascd.msk.f32 $0xffff, v44, v3;
	_ =	sdelay $0x9  }
0xe7: {  	_, v33, _ =	vpop (xrf1)  }
0xe8: {  	v45, v46, _ =	vpop (xrf1)  }
0xe9: {  	v47, v48, _ =	vpop (xrf1)  }
0xea: {  	v49, v50, _ =	vpop (xrf1)  }
0xeb: {  	v36 =	vperm.xlane v47, v4;
	v51, v52, _ =	vpop (xrf1)  }
0xec: {  	v37 =	vperm.xlane v48, v4;
	v40 =	vperm.xlane v51, v4  }
0xed: {  	vm7 =	vle.f32 v45, v36;
	v41 =	vperm.xlane v52, v4  }
0xee: {  	v34 =	vsel vm7, v45, v36;
	v35 =	vsel vm7, v46, v37;
	vm8 =	vle.f32 v49, v40  }
0xef: {  	(xrf1) =	vsort.ascd.msk.f32 $0xffff, v34, v35;
	v53 =	vsel vm8, v49, v40;
	v54 =	vsel vm8, v50, v41  }
0xf0: {  	(xrf1) =	vsort.ascd.msk.f32 $0xffff, v53, v54;
	_ =	sdelay $0x2  }
0xf1: {  	v38 =	vbroadcast v28, $0x6  }
0xf2: {  	v59 =	vbroadcast v27, $0x6  }
0xf3: {  	v39 =	vbroadcast v29, $0x6;
	v57 =	vsub.f32 v38, v7  }
0xf4: {  	v60 =	vsub.f32 v38, v8;
	v62 =	vsub.f32 v59, v15  }
0xf5: {  	v58 =	vsub.f32 v39, v11;
	v61 =	vsub.f32 v39, v12;
	v48 =	vbroadcast v26, $0x6  }
0xf6: {  	v42 =	vsub.f32 v59, v18;
	v43 =	vmul.f32 v60, v60;
	v63 =	vmul.f32 v62, v62  }
0xf7: {  	v44 =	vmul.f32 v61, v61;
	v60 =	vsub.f32 v48, v21;
	v62 =	vsub.f32 v48, v23  }
0xf8: {  	v46 =	vsub.f32 v59, v16;
	v52 =	vsub.f32 v48, v19  }
0xf9: {  	v40 =	vmul.f32 v57, v57;
	v41 =	vmul.f32 v58, v58;
	v49 =	vadd.f32 v44, v43  }
0xfa: {  	v50 =	vmul.f32 v46, v46;
	v57 =	vsub.f32 v39, v13;
	v39 =	vsub.f32 v39, v14  }
0xfb: {  	v58 =	vsub.f32 v59, v17;
	v54 =	vsub.f32 v48, v20;
	v34, v35, _ =	vpop (xrf1)  }
0xfc: {  	v61 =	vmul.f32 v42, v42;
	v40 =	vadd.f32 v41, v40;
	v53 =	vadd.f32 v50, v49;
	v55, v56, _ =	vpop (xrf1)  }
0xfd: {  	v41 =	vmul.f32 v57, v57;
	v37 =	vperm.xlane v56, v4;
	v56 =	vsub.f32 v38, v9  }
0xfe: {  	v39 =	vmul.f32 v39, v39;
	v36 =	vperm.xlane v55, v4;
	v38 =	vsub.f32 v38, v10  }
0xff: {  	v59 =	vmul.f32 v58, v58;
	v51 =	vadd.f32 v63, v40;
	v40 =	vmul.f32 v56, v56  }
0x100: {  	v55 =	vmul.f32 v52, v52;
	vm9 =	vle.f32 v34, v36;
	v38 =	vmul.f32 v38, v38  }
0x101: {  	v34 =	vsel vm9, v34, v36;
	v35 =	vsel vm9, v35, v37;
	v40 =	vadd.f32 v41, v40  }
0x102: {  	(xrf1) =	vsort.ascd.msk.f32 $0xffff, v34, v35;
	v35 =	vmul.f32 v54, v54;
	v38 =	vadd.f32 v39, v38  }
0x103: {  	v44 =	vmul.f32 v60, v60;
	v36 =	vadd.f32 v55, v51;
	v63 =	vadd.f32 v59, v40  }
0x104: {  	v46 =	vmul.f32 v62, v62;
	v34 =	vadd.f32 v35, v53;
	v45 =	vadd.f32 v61, v38  }
0x105: {  	(xrf1) =	vsort.ascd.msk.f32 $0xffff, v36, v0;
	v47 =	vadd.f32 v44, v63  }
0x106: {  	(xrf1) =	vsort.ascd.msk.f32 $0xffff, v34, v1;
	v48 =	vadd.f32 v46, v45  }
0x107: {  	(xrf1) =	vsort.ascd.msk.f32 $0xffff, v47, v2  }
0x108: {  	(xrf1) =	vsort.ascd.msk.f32 $0xffff, v48, v3;
	_ =	sdelay $0x9  }
0x109: {  	_, v34, _ =	vpop (xrf1)  }
0x10a: {  	v49, v50, _ =	vpop (xrf1)  }
0x10b: {  	v51, v52, _ =	vpop (xrf1)  }
0x10c: {  	v53, v54, _ =	vpop (xrf1)  }
0x10d: {  	v37 =	vperm.xlane v51, v4;
	v55, v56, _ =	vpop (xrf1)  }
0x10e: {  	v38 =	vperm.xlane v52, v4;
	v41 =	vperm.xlane v55, v4  }
0x10f: {  	vm10 =	vle.f32 v49, v37;
	v42 =	vperm.xlane v56, v4  }
0x110: {  	v35 =	vsel vm10, v49, v37;
	v36 =	vsel vm10, v50, v38;
	vm11 =	vle.f32 v53, v41  }
0x111: {  	(xrf1) =	vsort.ascd.msk.f32 $0xffff, v35, v36;
	v57 =	vsel vm11, v53, v41;
	v58 =	vsel vm11, v54, v42  }
0x112: {  	(xrf1) =	vsort.ascd.msk.f32 $0xffff, v57, v58;
	_ =	sdelay $0x3  }
0x113: {  	v39 =	vbroadcast v28, $0x7;
	v40 =	vbroadcast v29, $0x7  }
0x114: {  	v63 =	vbroadcast v27, $0x7  }
0x115: {  	v61 =	vsub.f32 v39, v7;
	v62 =	vsub.f32 v40, v11  }
0x116: {  	v47 =	vsub.f32 v63, v16;
	v48 =	vsub.f32 v39, v8;
	v52 =	vbroadcast v26, $0x7  }
0x117: {  	v49 =	vsub.f32 v40, v12;
	v50 =	vsub.f32 v63, v15  }
0x118: {  	v43 =	vsub.f32 v63, v18;
	v44 =	vmul.f32 v48, v48;
	v48 =	vsub.f32 v52, v21  }
0x119: {  	v56 =	vsub.f32 v52, v19;
	v45 =	vmul.f32 v49, v49;
	v51 =	vmul.f32 v50, v50  }
0x11a: {  	v49 =	vmul.f32 v43, v43;
	v50 =	vsub.f32 v52, v23;
	v41 =	vmul.f32 v61, v61  }
0x11b: {  	v42 =	vmul.f32 v62, v62;
	v61 =	vsub.f32 v40, v13;
	v40 =	vsub.f32 v40, v14  }
0x11c: {  	v54 =	vmul.f32 v47, v47;
	v62 =	vsub.f32 v63, v17;
	v53 =	vadd.f32 v45, v44;
	v35, v36, _ =	vpop (xrf1)  }
0x11d: {  	v58 =	vsub.f32 v52, v20;
	v41 =	vadd.f32 v42, v41;
	v42 =	vmul.f32 v61, v61;
	v59, v60, _ =	vpop (xrf1)  }
0x11e: {  	v40 =	vmul.f32 v40, v40;
	v38 =	vperm.xlane v60, v4;
	v60 =	vsub.f32 v39, v9  }
0x11f: {  	v63 =	vmul.f32 v62, v62;
	v37 =	vperm.xlane v59, v4;
	v39 =	vsub.f32 v39, v10  }
0x120: {  	v57 =	vadd.f32 v54, v53;
	v55 =	vadd.f32 v51, v41;
	v41 =	vmul.f32 v60, v60  }
0x121: {  	v59 =	vmul.f32 v56, v56;
	vm12 =	vle.f32 v35, v37;
	v39 =	vmul.f32 v39, v39  }
0x122: {  	v35 =	vsel vm12, v35, v37;
	v36 =	vsel vm12, v36, v38;
	v41 =	vadd.f32 v42, v41  }
0x123: {  	(xrf1) =	vsort.ascd.msk.f32 $0xffff, v35, v36;
	v36 =	vmul.f32 v58, v58;
	v39 =	vadd.f32 v40, v39  }
0x124: {  	v52 =	vmul.f32 v48, v48;
	v37 =	vadd.f32 v59, v55;
	v51 =	vadd.f32 v63, v41  }
0x125: {  	v54 =	vmul.f32 v50, v50;
	v35 =	vadd.f32 v36, v57;
	v53 =	vadd.f32 v49, v39  }
0x126: {  	(xrf1) =	vsort.ascd.msk.f32 $0xffff, v37, v0;
	v55 =	vadd.f32 v52, v51  }
0x127: {  	(xrf1) =	vsort.ascd.msk.f32 $0xffff, v35, v1;
	v56 =	vadd.f32 v54, v53  }
0x128: {  	(xrf1) =	vsort.ascd.msk.f32 $0xffff, v55, v2  }
0x129: {  	(xrf1) =	vsort.ascd.msk.f32 $0xffff, v56, v3;
	_ =	sdelay $0x9  }
0x12a: {  	_, v35, _ =	vpop (xrf1)  }
0x12b: {  	v57, v58, _ =	vpop (xrf1)  }
0x12c: {  	v59, v60, _ =	vpop (xrf1)  }
0x12d: {  	v61, v62, _ =	vpop (xrf1)  }
0x12e: {  	v38 =	vperm.xlane v59, v4;
	v63, v45, _ =	vpop (xrf1)  }
0x12f: {  	v39 =	vperm.xlane v60, v4;
	v42 =	vperm.xlane v63, v4  }
0x130: {  	vm13 =	vle.f32 v57, v38;
	v43 =	vperm.xlane v45, v4  }
0x131: {  	v36 =	vsel vm13, v57, v38;
	v37 =	vsel vm13, v58, v39;
	vm14 =	vle.f32 v61, v42  }
0x132: {  	(xrf1) =	vsort.ascd.msk.f32 $0xffff, v36, v37;
	v46 =	vsel vm14, v61, v42;
	v47 =	vsel vm14, v62, v43  }
0x133: {  	(xrf1) =	vsort.ascd.msk.f32 $0xffff, v46, v47;
	_ =	sdelay $0x5  }
0x134: {  	v40 =	vbroadcast v28, $0x8  }
0x135: {  	v41 =	vbroadcast v29, $0x8  }
0x136: {  	v44 =	vbroadcast v27, $0x8;
	v52 =	vsub.f32 v40, v8  }
0x137: {  	v50 =	vsub.f32 v40, v7;
	v51 =	vsub.f32 v41, v11;
	v56 =	vbroadcast v26, $0x8  }
0x138: {  	v53 =	vsub.f32 v41, v12;
	v54 =	vsub.f32 v44, v15;
	v45 =	vmul.f32 v52, v52  }
0x139: {  	v60 =	vsub.f32 v56, v19;
	v42 =	vmul.f32 v50, v50;
	v43 =	vmul.f32 v51, v51  }
0x13a: {  	v62 =	vsub.f32 v56, v20;
	v51 =	vsub.f32 v56, v21;
	v46 =	vmul.f32 v53, v53  }
0x13b: {  	v55 =	vmul.f32 v54, v54;
	v53 =	vsub.f32 v56, v23;
	v42 =	vadd.f32 v43, v42;
	v36, v37, _ =	vpop (xrf1)  }
0x13c: {  	v63 =	vmul.f32 v60, v60;
	v57 =	vadd.f32 v46, v45;
	v46 =	vsub.f32 v40, v9;
	v48, v49, _ =	vpop (xrf1)  }
0x13d: {  	v40 =	vsub.f32 v40, v10;
	v38 =	vperm.xlane v48, v4;
	v48 =	vsub.f32 v44, v16  }
0x13e: {  	v59 =	vadd.f32 v55, v42;
	v42 =	vmul.f32 v46, v46;
	v39 =	vperm.xlane v49, v4  }
0x13f: {  	v49 =	vsub.f32 v44, v17;
	v58 =	vmul.f32 v48, v48;
	v48 =	vsub.f32 v41, v13  }
0x140: {  	v40 =	vmul.f32 v40, v40;
	v44 =	vsub.f32 v44, v18;
	v41 =	vsub.f32 v41, v14  }
0x141: {  	vm15 =	vle.f32 v36, v38;
	v50 =	vmul.f32 v49, v49;
	v43 =	vmul.f32 v48, v48  }
0x142: {  	v36 =	vsel vm15, v36, v38;
	v37 =	vsel vm15, v37, v39;
	v41 =	vmul.f32 v41, v41  }
0x143: {  	v52 =	vmul.f32 v44, v44;
	(xrf1) =	vsort.ascd.msk.f32 $0xffff, v36, v37;
	v42 =	vadd.f32 v43, v42  }
0x144: {  	v61 =	vadd.f32 v58, v57;
	v37 =	vmul.f32 v62, v62;
	v40 =	vadd.f32 v41, v40  }
0x145: {  	v55 =	vmul.f32 v51, v51;
	v38 =	vadd.f32 v63, v59;
	v54 =	vadd.f32 v50, v42  }
0x146: {  	v57 =	vmul.f32 v53, v53;
	v36 =	vadd.f32 v37, v61;
	v56 =	vadd.f32 v52, v40  }
0x147: {  	(xrf1) =	vsort.ascd.msk.f32 $0xffff, v38, v0;
	v58 =	vadd.f32 v55, v54  }
0x148: {  	(xrf1) =	vsort.ascd.msk.f32 $0xffff, v36, v1;
	v59 =	vadd.f32 v57, v56  }
0x149: {  	(xrf1) =	vsort.ascd.msk.f32 $0xffff, v58, v2  }
0x14a: {  	(xrf1) =	vsort.ascd.msk.f32 $0xffff, v59, v3;
	_ =	sdelay $0x9  }
0x14b: {  	_, v36, _ =	vpop (xrf1)  }
0x14c: {  	v60, v61, _ =	vpop (xrf1)  }
0x14d: {  	v62, v63, _ =	vpop (xrf1)  }
0x14e: {  	v48, v49, _ =	vpop (xrf1)  }
0x14f: {  	v39 =	vperm.xlane v62, v4;
	v50, v51, _ =	vpop (xrf1)  }
0x150: {  	v40 =	vperm.xlane v63, v4;
	v43 =	vperm.xlane v50, v4  }
0x151: {  	vm4 =	vle.f32 v60, v39;
	v44 =	vperm.xlane v51, v4  }
0x152: {  	v37 =	vsel vm4, v60, v39;
	v38 =	vsel vm4, v61, v40;
	vm5 =	vle.f32 v48, v43  }
0x153: {  	(xrf1) =	vsort.ascd.msk.f32 $0xffff, v37, v38;
	v52 =	vsel vm5, v48, v43;
	v53 =	vsel vm5, v49, v44  }
0x154: {  	(xrf1) =	vsort.ascd.msk.f32 $0xffff, v52, v53;
	_ =	sdelay $0x1  }
0x155: {  	v41 =	vbroadcast v28, $0x9;
	v42 =	vbroadcast v29, $0x9;
	_ =	sdelay $0x1  }
0x156: {  	v58 =	vsub.f32 v41, v8;
	v59 =	vsub.f32 v42, v12;
	_ =	sdelay $0x1  }
0x157: {  	v46 =	vmul.f32 v58, v58;
	v47 =	vmul.f32 v59, v59  }
0x158: {  	v45 =	vbroadcast v27, $0x9;
	v56 =	vsub.f32 v41, v7;
	v62 =	vbroadcast v26, $0x9  }
0x159: {  	v57 =	vsub.f32 v42, v11;
	v63 =	vadd.f32 v47, v46  }
0x15a: {  	v59 =	vsub.f32 v62, v21;
	v60 =	vsub.f32 v45, v15  }
0x15b: {  	v51 =	vsub.f32 v62, v19;
	v43 =	vmul.f32 v56, v56;
	v49 =	vsub.f32 v45, v16  }
0x15c: {  	v44 =	vmul.f32 v57, v57;
	v56 =	vsub.f32 v42, v13;
	v42 =	vsub.f32 v42, v14  }
0x15d: {  	v61 =	vmul.f32 v60, v60;
	v57 =	vsub.f32 v45, v17;
	v45 =	vsub.f32 v45, v18  }
0x15e: {  	v43 =	vadd.f32 v44, v43;
	v49 =	vmul.f32 v49, v49;
	v44 =	vmul.f32 v56, v56;
	v37, v38, _ =	vpop (xrf1)  }
0x15f: {  	v53 =	vsub.f32 v62, v20;
	v42 =	vmul.f32 v42, v42;
	v58 =	vmul.f32 v57, v57;
	v54, v55, _ =	vpop (xrf1)  }
0x160: {  	v60 =	vmul.f32 v45, v45;
	v40 =	vperm.xlane v55, v4;
	v55 =	vsub.f32 v41, v9  }
0x161: {  	v50 =	vadd.f32 v61, v43;
	v39 =	vperm.xlane v54, v4;
	v41 =	vsub.f32 v41, v10  }
0x162: {  	v52 =	vadd.f32 v49, v63;
	v61 =	vsub.f32 v62, v23;
	v43 =	vmul.f32 v55, v55  }
0x163: {  	v54 =	vmul.f32 v51, v51;
	vm6 =	vle.f32 v37, v39;
	v41 =	vmul.f32 v41, v41  }
0x164: {  	v37 =	vsel vm6, v37, v39;
	v38 =	vsel vm6, v38, v40;
	v43 =	vadd.f32 v44, v43  }
0x165: {  	(xrf1) =	vsort.ascd.msk.f32 $0xffff, v37, v38;
	v38 =	vmul.f32 v53, v53;
	v41 =	vadd.f32 v42, v41  }
0x166: {  	v63 =	vmul.f32 v59, v59;
	v39 =	vadd.f32 v54, v50;
	v62 =	vadd.f32 v58, v43  }
0x167: {  	v47 =	vmul.f32 v61, v61;
	v37 =	vadd.f32 v38, v52;
	v46 =	vadd.f32 v60, v41  }
0x168: {  	(xrf1) =	vsort.ascd.msk.f32 $0xffff, v39, v0;
	v48 =	vadd.f32 v63, v62  }
0x169: {  	(xrf1) =	vsort.ascd.msk.f32 $0xffff, v37, v1;
	v49 =	vadd.f32 v47, v46  }
0x16a: {  	(xrf1) =	vsort.ascd.msk.f32 $0xffff, v48, v2  }
0x16b: {  	(xrf1) =	vsort.ascd.msk.f32 $0xffff, v49, v3;
	_ =	sdelay $0x9  }
0x16c: {  	_, v37, _ =	vpop (xrf1)  }
0x16d: {  	v50, v51, _ =	vpop (xrf1)  }
0x16e: {  	v52, v53, _ =	vpop (xrf1)  }
0x16f: {  	v54, v55, _ =	vpop (xrf1)  }
0x170: {  	v40 =	vperm.xlane v52, v4;
	v56, v57, _ =	vpop (xrf1)  }
0x171: {  	v41 =	vperm.xlane v53, v4;
	v44 =	vperm.xlane v56, v4  }
0x172: {  	vm7 =	vle.f32 v50, v40;
	v45 =	vperm.xlane v57, v4  }
0x173: {  	v38 =	vsel vm7, v50, v40;
	v39 =	vsel vm7, v51, v41;
	vm8 =	vle.f32 v54, v44  }
0x174: {  	(xrf1) =	vsort.ascd.msk.f32 $0xffff, v38, v39;
	v58 =	vsel vm8, v54, v44;
	v59 =	vsel vm8, v55, v45  }
0x175: {  	(xrf1) =	vsort.ascd.msk.f32 $0xffff, v58, v59;
	_ =	sdelay $0x1  }
0x176: {  	v42 =	vbroadcast v28, $0xA;
	v43 =	vbroadcast v29, $0xA;
	_ =	sdelay $0x1  }
0x177: {  	v52 =	vsub.f32 v42, v8;
	v53 =	vsub.f32 v43, v12  }
0x178: {  	v46 =	vbroadcast v27, $0xA  }
0x179: {  	v62 =	vsub.f32 v42, v7;
	v47 =	vmul.f32 v52, v52;
	v48 =	vmul.f32 v53, v53  }
0x17a: {  	v63 =	vsub.f32 v43, v11;
	v51 =	vsub.f32 v46, v17  }
0x17b: {  	v50 =	vsub.f32 v46, v16;
	v56 =	vbroadcast v26, $0xA;
	v57 =	vadd.f32 v48, v47  }
0x17c: {  	v48 =	vsub.f32 v42, v9;
	v42 =	vsub.f32 v42, v10;
	v52 =	vmul.f32 v51, v51  }
0x17d: {  	v53 =	vsub.f32 v56, v21;
	v44 =	vmul.f32 v62, v62;
	v45 =	vmul.f32 v63, v63  }
0x17e: {  	v54 =	vsub.f32 v46, v15;
	v42 =	vmul.f32 v42, v42;
	v46 =	vsub.f32 v46, v18  }
0x17f: {  	v58 =	vmul.f32 v50, v50;
	v50 =	vsub.f32 v43, v13;
	v43 =	vsub.f32 v43, v14  }
0x180: {  	v44 =	vadd.f32 v45, v44;
	v55 =	vmul.f32 v54, v54;
	v54 =	vmul.f32 v46, v46;
	v38, v39, _ =	vpop (xrf1)  }
0x181: {  	v62 =	vsub.f32 v56, v20;
	v45 =	vmul.f32 v50, v50;
	v43 =	vmul.f32 v43, v43;
	v60, v61, _ =	vpop (xrf1)  }
0x182: {  	v59 =	vadd.f32 v55, v44;
	v44 =	vmul.f32 v48, v48;
	v40 =	vperm.xlane v60, v4  }
0x183: {  	v55 =	vsub.f32 v56, v23;
	v41 =	vperm.xlane v61, v4;
	v60 =	vsub.f32 v56, v19  }
0x184: {  	v42 =	vadd.f32 v43, v42;
	v44 =	vadd.f32 v45, v44;
	vm9 =	vle.f32 v38, v40  }
0x185: {  	v63 =	vmul.f32 v60, v60;
	v38 =	vsel vm9, v38, v40;
	v39 =	vsel vm9, v39, v41  }
0x186: {  	v61 =	vadd.f32 v58, v57;
	(xrf1) =	vsort.ascd.msk.f32 $0xffff, v38, v39;
	v39 =	vmul.f32 v62, v62  }
0x187: {  	v56 =	vadd.f32 v52, v44;
	v57 =	vmul.f32 v53, v53;
	v40 =	vadd.f32 v63, v59  }
0x188: {  	v58 =	vadd.f32 v54, v42;
	v59 =	vmul.f32 v55, v55;
	v38 =	vadd.f32 v39, v61  }
0x189: {  	v60 =	vadd.f32 v57, v56;
	(xrf1) =	vsort.ascd.msk.f32 $0xffff, v40, v0  }
0x18a: {  	v61 =	vadd.f32 v59, v58;
	(xrf1) =	vsort.ascd.msk.f32 $0xffff, v38, v1  }
0x18b: {  	(xrf1) =	vsort.ascd.msk.f32 $0xffff, v60, v2  }
0x18c: {  	(xrf1) =	vsort.ascd.msk.f32 $0xffff, v61, v3;
	_ =	sdelay $0x9  }
0x18d: {  	_, v38, _ =	vpop (xrf1)  }
0x18e: {  	v62, v63, _ =	vpop (xrf1)  }
0x18f: {  	v48, v49, _ =	vpop (xrf1)  }
0x190: {  	v50, v51, _ =	vpop (xrf1)  }
0x191: {  	v41 =	vperm.xlane v48, v4;
	v52, v53, _ =	vpop (xrf1)  }
0x192: {  	v42 =	vperm.xlane v49, v4;
	v45 =	vperm.xlane v52, v4  }
0x193: {  	vm10 =	vle.f32 v62, v41;
	v46 =	vperm.xlane v53, v4  }
0x194: {  	v39 =	vsel vm10, v62, v41;
	v40 =	vsel vm10, v63, v42;
	vm11 =	vle.f32 v50, v45  }
0x195: {  	(xrf1) =	vsort.ascd.msk.f32 $0xffff, v39, v40;
	v54 =	vsel vm11, v50, v45;
	v55 =	vsel vm11, v51, v46  }
0x196: {  	(xrf1) =	vsort.ascd.msk.f32 $0xffff, v54, v55;
	_ =	sdelay $0x1  }
0x197: {  	v43 =	vbroadcast v28, $0xB  }
0x198: {  	v44 =	vbroadcast v29, $0xB  }
0x199: {  	v60 =	vsub.f32 v43, v8  }
0x19a: {  	v47 =	vbroadcast v27, $0xB;
	v61 =	vsub.f32 v44, v12  }
0x19b: {  	v58 =	vsub.f32 v43, v7;
	v59 =	vsub.f32 v44, v11;
	v48 =	vmul.f32 v60, v60  }
0x19c: {  	v49 =	vmul.f32 v61, v61;
	v60 =	vsub.f32 v44, v13;
	v44 =	vsub.f32 v44, v14  }
0x19d: {  	v61 =	vsub.f32 v47, v17;
	v62 =	vsub.f32 v47, v15  }
0x19e: {  	v52 =	vadd.f32 v49, v48;
	v44 =	vmul.f32 v44, v44;
	v45 =	vmul.f32 v58, v58  }
0x19f: {  	v46 =	vmul.f32 v59, v59;
	v51 =	vsub.f32 v47, v16;
	v63 =	vmul.f32 v62, v62  }
0x1a0: {  	v50 =	vbroadcast v26, $0xB;
	v59 =	vsub.f32 v43, v9;
	v43 =	vsub.f32 v43, v10  }
0x1a1: {  	v47 =	vsub.f32 v47, v18;
	v62 =	vmul.f32 v61, v61;
	v45 =	vadd.f32 v46, v45  }
0x1a2: {  	v53 =	vmul.f32 v51, v51;
	v55 =	vsub.f32 v50, v19;
	v46 =	vmul.f32 v60, v60;
	v39, v40, _ =	vpop (xrf1)  }
0x1a3: {  	v43 =	vmul.f32 v43, v43;
	v54 =	vadd.f32 v63, v45;
	v45 =	vmul.f32 v59, v59;
	v56, v57, _ =	vpop (xrf1)  }
0x1a4: {  	v58 =	vmul.f32 v55, v55;
	v63 =	vsub.f32 v50, v21;
	v41 =	vperm.xlane v56, v4  }
0x1a5: {  	v43 =	vadd.f32 v44, v43;
	v45 =	vadd.f32 v46, v45;
	v42 =	vperm.xlane v57, v4  }
0x1a6: {  	v56 =	vadd.f32 v53, v52;
	v57 =	vsub.f32 v50, v20;
	vm12 =	vle.f32 v39, v41  }
0x1a7: {  	v52 =	vmul.f32 v47, v47;
	v39 =	vsel vm12, v39, v41;
	v40 =	vsel vm12, v40, v42  }
0x1a8: {  	v53 =	vsub.f32 v50, v23;
	(xrf1) =	vsort.ascd.msk.f32 $0xffff, v39, v40;
	v40 =	vmul.f32 v57, v57  }
0x1a9: {  	v55 =	vmul.f32 v63, v63;
	v41 =	vadd.f32 v58, v54;
	v54 =	vadd.f32 v62, v45  }
0x1aa: {  	v57 =	vmul.f32 v53, v53;
	v39 =	vadd.f32 v40, v56;
	v56 =	vadd.f32 v52, v43  }
0x1ab: {  	(xrf1) =	vsort.ascd.msk.f32 $0xffff, v41, v0;
	v58 =	vadd.f32 v55, v54  }
0x1ac: {  	(xrf1) =	vsort.ascd.msk.f32 $0xffff, v39, v1;
	v59 =	vadd.f32 v57, v56  }
0x1ad: {  	(xrf1) =	vsort.ascd.msk.f32 $0xffff, v58, v2  }
0x1ae: {  	(xrf1) =	vsort.ascd.msk.f32 $0xffff, v59, v3;
	_ =	sdelay $0x9  }
0x1af: {  	_, v39, _ =	vpop (xrf1)  }
0x1b0: {  	v60, v61, _ =	vpop (xrf1)  }
0x1b1: {  	v62, v63, _ =	vpop (xrf1)  }
0x1b2: {  	v48, v49, _ =	vpop (xrf1)  }
0x1b3: {  	v42 =	vperm.xlane v62, v4;
	v50, v51, _ =	vpop (xrf1)  }
0x1b4: {  	v43 =	vperm.xlane v63, v4;
	v46 =	vperm.xlane v50, v4  }
0x1b5: {  	vm13 =	vle.f32 v60, v42;
	v47 =	vperm.xlane v51, v4  }
0x1b6: {  	v40 =	vsel vm13, v60, v42;
	v41 =	vsel vm13, v61, v43;
	vm14 =	vle.f32 v48, v46  }
0x1b7: {  	(xrf1) =	vsort.ascd.msk.f32 $0xffff, v40, v41;
	v52 =	vsel vm14, v48, v46;
	v53 =	vsel vm14, v49, v47  }
0x1b8: {  	(xrf1) =	vsort.ascd.msk.f32 $0xffff, v52, v53;
	_ =	sdelay $0x1  }
0x1b9: {  	v45 =	vbroadcast v29, $0xC  }
0x1ba: {  	v44 =	vbroadcast v28, $0xC  }
0x1bb: {  	v59 =	vsub.f32 v45, v12  }
0x1bc: {  	v56 =	vsub.f32 v44, v7;
	v57 =	vsub.f32 v45, v11  }
0x1bd: {  	v58 =	vsub.f32 v44, v8;
	v50 =	vmul.f32 v59, v59;
	v51 =	vbroadcast v26, $0xC  }
0x1be: {  	v48 =	vbroadcast v27, $0xC;
	v47 =	vmul.f32 v57, v57;
	v57 =	vsub.f32 v44, v9  }
0x1bf: {  	v49 =	vmul.f32 v58, v58;
	v58 =	vsub.f32 v45, v13;
	v44 =	vsub.f32 v44, v10  }
0x1c0: {  	v46 =	vmul.f32 v56, v56;
	v45 =	vsub.f32 v45, v14;
	v53 =	vsub.f32 v51, v19  }
0x1c1: {  	v60 =	vsub.f32 v48, v15;
	v52 =	vsub.f32 v48, v16  }
0x1c2: {  	v46 =	vadd.f32 v47, v46;
	v62 =	vadd.f32 v50, v49;
	v47 =	vmul.f32 v58, v58  }
0x1c3: {  	v59 =	vsub.f32 v48, v17;
	v44 =	vmul.f32 v44, v44;
	v61 =	vmul.f32 v60, v60  }
0x1c4: {  	v45 =	vmul.f32 v45, v45;
	v48 =	vsub.f32 v48, v18;
	v56 =	vmul.f32 v53, v53;
	v40, v41, _ =	vpop (xrf1)  }
0x1c5: {  	v63 =	vmul.f32 v52, v52;
	v52 =	vadd.f32 v61, v46;
	v46 =	vmul.f32 v57, v57;
	v54, v55, _ =	vpop (xrf1)  }
0x1c6: {  	v60 =	vmul.f32 v59, v59;
	v44 =	vadd.f32 v45, v44;
	v42 =	vperm.xlane v54, v4  }
0x1c7: {  	v61 =	vsub.f32 v51, v21;
	v46 =	vadd.f32 v47, v46;
	v43 =	vperm.xlane v55, v4  }
0x1c8: {  	v54 =	vadd.f32 v63, v62;
	v55 =	vsub.f32 v51, v20;
	vm15 =	vle.f32 v40, v42  }
0x1c9: {  	v62 =	vmul.f32 v48, v48;
	v40 =	vsel vm15, v40, v42;
	v41 =	vsel vm15, v41, v43  }
0x1ca: {  	v63 =	vsub.f32 v51, v23;
	(xrf1) =	vsort.ascd.msk.f32 $0xffff, v40, v41;
	v41 =	vmul.f32 v55, v55  }
0x1cb: {  	v53 =	vmul.f32 v61, v61;
	v42 =	vadd.f32 v56, v52;
	v52 =	vadd.f32 v60, v46  }
0x1cc: {  	v55 =	vmul.f32 v63, v63;
	v40 =	vadd.f32 v41, v54;
	v54 =	vadd.f32 v62, v44  }
0x1cd: {  	(xrf1) =	vsort.ascd.msk.f32 $0xffff, v42, v0;
	v56 =	vadd.f32 v53, v52  }
0x1ce: {  	(xrf1) =	vsort.ascd.msk.f32 $0xffff, v40, v1;
	v57 =	vadd.f32 v55, v54  }
0x1cf: {  	(xrf1) =	vsort.ascd.msk.f32 $0xffff, v56, v2  }
0x1d0: {  	(xrf1) =	vsort.ascd.msk.f32 $0xffff, v57, v3;
	_ =	sdelay $0x9  }
0x1d1: {  	_, v40, _ =	vpop (xrf1)  }
0x1d2: {  	v58, v59, _ =	vpop (xrf1)  }
0x1d3: {  	v60, v61, _ =	vpop (xrf1)  }
0x1d4: {  	v62, v63, _ =	vpop (xrf1)  }
0x1d5: {  	v43 =	vperm.xlane v60, v4;
	v52, v53, _ =	vpop (xrf1)  }
0x1d6: {  	v44 =	vperm.xlane v61, v4;
	v47 =	vperm.xlane v52, v4  }
0x1d7: {  	vm4 =	vle.f32 v58, v43;
	v48 =	vperm.xlane v53, v4  }
0x1d8: {  	v41 =	vsel vm4, v58, v43;
	v42 =	vsel vm4, v59, v44;
	vm5 =	vle.f32 v62, v47  }
0x1d9: {  	(xrf1) =	vsort.ascd.msk.f32 $0xffff, v41, v42;
	v54 =	vsel vm5, v62, v47;
	v55 =	vsel vm5, v63, v48  }
0x1da: {  	(xrf1) =	vsort.ascd.msk.f32 $0xffff, v54, v55;
	_ =	sdelay $0x2  }
0x1db: {  	v45 =	vbroadcast v28, $0xD  }
0x1dc: {  	v46 =	vbroadcast v29, $0xD  }
0x1dd: {  	v49 =	vbroadcast v27, $0xD;
	v60 =	vsub.f32 v45, v8  }
0x1de: {  	v61 =	vsub.f32 v46, v12  }
0x1df: {  	v50 =	vmul.f32 v60, v60;
	v53 =	vsub.f32 v49, v16  }
0x1e0: {  	v51 =	vmul.f32 v61, v61;
	v60 =	vsub.f32 v45, v9;
	v58 =	vsub.f32 v45, v7  }
0x1e1: {  	v52 =	vbroadcast v26, $0xD;
	v61 =	vsub.f32 v46, v13;
	v59 =	vsub.f32 v46, v11  }
0x1e2: {  	v45 =	vsub.f32 v45, v10;
	v46 =	vsub.f32 v46, v14;
	v47 =	vmul.f32 v58, v58  }
0x1e3: {  	v48 =	vmul.f32 v59, v59;
	v62 =	vsub.f32 v49, v15;
	v58 =	vsub.f32 v52, v20  }
0x1e4: {  	v45 =	vmul.f32 v45, v45;
	v46 =	vmul.f32 v46, v46;
	v54 =	vadd.f32 v51, v50  }
0x1e5: {  	v55 =	vmul.f32 v53, v53;
	v53 =	vsub.f32 v52, v21;
	v47 =	vadd.f32 v48, v47;
	v41, v42, _ =	vpop (xrf1)  }
0x1e6: {  	v63 =	vmul.f32 v62, v62;
	v48 =	vmul.f32 v61, v61;
	v62 =	vsub.f32 v49, v17;
	v56, v57, _ =	vpop (xrf1)  }
0x1e7: {  	v49 =	vsub.f32 v49, v18;
	v45 =	vadd.f32 v46, v45;
	v43 =	vperm.xlane v56, v4  }
0x1e8: {  	v44 =	vperm.xlane v57, v4;
	v56 =	vadd.f32 v63, v47;
	v57 =	vsub.f32 v52, v19  }
0x1e9: {  	v47 =	vmul.f32 v60, v60;
	v63 =	vmul.f32 v62, v62;
	vm6 =	vle.f32 v41, v43  }
0x1ea: {  	v59 =	vmul.f32 v57, v57;
	v41 =	vsel vm6, v41, v43;
	v42 =	vsel vm6, v42, v44  }
0x1eb: {  	v47 =	vadd.f32 v48, v47;
	(xrf1) =	vsort.ascd.msk.f32 $0xffff, v41, v42;
	v41 =	vadd.f32 v55, v54  }
0x1ec: {  	v42 =	vmul.f32 v58, v58;
	v54 =	vmul.f32 v49, v49;
	v55 =	vsub.f32 v52, v23  }
0x1ed: {  	v57 =	vmul.f32 v53, v53;
	v43 =	vadd.f32 v59, v56;
	v56 =	vadd.f32 v63, v47  }
0x1ee: {  	v41 =	vadd.f32 v42, v41;
	v58 =	vadd.f32 v54, v45;
	v59 =	vmul.f32 v55, v55  }
0x1ef: {  	(xrf1) =	vsort.ascd.msk.f32 $0xffff, v43, v0;
	v60 =	vadd.f32 v57, v56  }
0x1f0: {  	(xrf1) =	vsort.ascd.msk.f32 $0xffff, v41, v1;
	v61 =	vadd.f32 v59, v58  }
0x1f1: {  	(xrf1) =	vsort.ascd.msk.f32 $0xffff, v60, v2  }
0x1f2: {  	(xrf1) =	vsort.ascd.msk.f32 $0xffff, v61, v3;
	_ =	sdelay $0x9  }
0x1f3: {  	_, v41, _ =	vpop (xrf1)  }
0x1f4: {  	v62, v63, _ =	vpop (xrf1)  }
0x1f5: {  	v52, v53, _ =	vpop (xrf1)  }
0x1f6: {  	v54, v55, _ =	vpop (xrf1)  }
0x1f7: {  	v44 =	vperm.xlane v52, v4;
	v56, v57, _ =	vpop (xrf1)  }
0x1f8: {  	v45 =	vperm.xlane v53, v4;
	v48 =	vperm.xlane v56, v4  }
0x1f9: {  	vm7 =	vle.f32 v62, v44;
	v49 =	vperm.xlane v57, v4  }
0x1fa: {  	v42 =	vsel vm7, v62, v44;
	v43 =	vsel vm7, v63, v45;
	vm8 =	vle.f32 v54, v48  }
0x1fb: {  	(xrf1) =	vsort.ascd.msk.f32 $0xffff, v42, v43;
	v58 =	vsel vm8, v54, v48;
	v59 =	vsel vm8, v55, v49  }
0x1fc: {  	(xrf1) =	vsort.ascd.msk.f32 $0xffff, v58, v59;
	_ =	sdelay $0x3  }
0x1fd: {  	v46 =	vbroadcast v28, $0xE;
	v47 =	vbroadcast v29, $0xE;
	_ =	sdelay $0x1  }
0x1fe: {  	v50 =	vbroadcast v27, $0xE;
	v56 =	vsub.f32 v46, v8;
	v57 =	vsub.f32 v47, v12  }
0x1ff: {  	v53 =	vbroadcast v26, $0xE;
	v62 =	vsub.f32 v46, v7;
	v63 =	vsub.f32 v47, v11  }
0x200: {  	v51 =	vmul.f32 v56, v56;
	v52 =	vmul.f32 v57, v57;
	v56 =	vsub.f32 v47, v13  }
0x201: {  	v47 =	vsub.f32 v47, v14;
	v57 =	vsub.f32 v50, v17;
	v48 =	vmul.f32 v62, v62  }
0x202: {  	v49 =	vmul.f32 v63, v63;
	v54 =	vsub.f32 v50, v16;
	v58 =	vsub.f32 v50, v15  }
0x203: {  	v55 =	vsub.f32 v46, v9;
	v46 =	vsub.f32 v46, v10  }
0x204: {  	v63 =	vsub.f32 v53, v19;
	v48 =	vadd.f32 v49, v48;
	v59 =	vmul.f32 v58, v58  }
0x205: {  	v47 =	vmul.f32 v47, v47;
	v50 =	vsub.f32 v50, v18;
	v46 =	vmul.f32 v46, v46;
	v42, v43, _ =	vpop (xrf1)  }
0x206: {  	v49 =	vmul.f32 v56, v56;
	v62 =	vadd.f32 v59, v48;
	v48 =	vmul.f32 v55, v55;
	v60, v61, _ =	vpop (xrf1)  }
0x207: {  	v58 =	vmul.f32 v57, v57;
	v46 =	vadd.f32 v47, v46;
	v44 =	vperm.xlane v60, v4  }
0x208: {  	v59 =	vsub.f32 v53, v21;
	v48 =	vadd.f32 v49, v48;
	v45 =	vperm.xlane v61, v4  }
0x209: {  	v60 =	vadd.f32 v52, v51;
	v61 =	vmul.f32 v54, v54;
	vm9 =	vle.f32 v42, v44  }
0x20a: {  	v52 =	vsub.f32 v53, v20;
	v42 =	vsel vm9, v42, v44;
	v43 =	vsel vm9, v43, v45  }
0x20b: {  	v54 =	vmul.f32 v63, v63;
	(xrf1) =	vsort.ascd.msk.f32 $0xffff, v42, v43;
	v42 =	vadd.f32 v61, v60  }
0x20c: {  	v43 =	vmul.f32 v52, v52;
	v60 =	vmul.f32 v50, v50;
	v61 =	vsub.f32 v53, v23  }
0x20d: {  	v63 =	vmul.f32 v59, v59;
	v44 =	vadd.f32 v54, v62;
	v62 =	vadd.f32 v58, v48  }
0x20e: {  	v42 =	vadd.f32 v43, v42;
	v52 =	vadd.f32 v60, v46;
	v53 =	vmul.f32 v61, v61  }
0x20f: {  	(xrf1) =	vsort.ascd.msk.f32 $0xffff, v44, v0;
	v54 =	vadd.f32 v63, v62  }
0x210: {  	(xrf1) =	vsort.ascd.msk.f32 $0xffff, v42, v1;
	v55 =	vadd.f32 v53, v52  }
0x211: {  	(xrf1) =	vsort.ascd.msk.f32 $0xffff, v54, v2  }
0x212: {  	(xrf1) =	vsort.ascd.msk.f32 $0xffff, v55, v3;
	_ =	sdelay $0x9  }
0x213: {  	_, v42, _ =	vpop (xrf1)  }
0x214: {  	v56, v57, _ =	vpop (xrf1)  }
0x215: {  	v58, v59, _ =	vpop (xrf1)  }
0x216: {  	v60, v61, _ =	vpop (xrf1)  }
0x217: {  	v45 =	vperm.xlane v58, v4;
	v62, v63, _ =	vpop (xrf1)  }
0x218: {  	v46 =	vperm.xlane v59, v4;
	v49 =	vperm.xlane v62, v4  }
0x219: {  	vm10 =	vle.f32 v56, v45;
	v50 =	vperm.xlane v63, v4  }
0x21a: {  	v43 =	vsel vm10, v56, v45;
	v44 =	vsel vm10, v57, v46;
	vm11 =	vle.f32 v60, v49  }
0x21b: {  	(xrf1) =	vsort.ascd.msk.f32 $0xffff, v43, v44;
	v52 =	vsel vm11, v60, v49;
	v53 =	vsel vm11, v61, v50  }
0x21c: {  	(xrf1) =	vsort.ascd.msk.f32 $0xffff, v52, v53;
	_ =	sdelay $0x1  }
0x21d: {  	v28 =	vbroadcast v28, $0xF  }
0x21e: {  	v29 =	vbroadcast v29, $0xF  }
0x21f: {  	v56 =	vsub.f32 v28, v7  }
0x220: {  	v27 =	vbroadcast v27, $0xF;
	v58 =	vsub.f32 v28, v8;
	v57 =	vsub.f32 v29, v11  }
0x221: {  	v26 =	vbroadcast v26, $0xF;
	v59 =	vsub.f32 v29, v12;
	v47 =	vmul.f32 v56, v56  }
0x222: {  	v48 =	vmul.f32 v57, v57;
	v60 =	vsub.f32 v27, v15;
	v49 =	vmul.f32 v58, v58  }
0x223: {  	v50 =	vmul.f32 v59, v59;
	v61 =	vsub.f32 v27, v16;
	v57 =	vsub.f32 v26, v20  }
0x224: {  	v59 =	vsub.f32 v28, v9;
	v28 =	vsub.f32 v28, v10  }
0x225: {  	v47 =	vadd.f32 v48, v47;
	v62 =	vmul.f32 v60, v60;
	v63 =	vadd.f32 v50, v49  }
0x226: {  	v53 =	vmul.f32 v61, v61;
	v60 =	vsub.f32 v29, v13;
	v29 =	vsub.f32 v29, v14  }
0x227: {  	v61 =	vsub.f32 v27, v17;
	v27 =	vsub.f32 v27, v18  }
0x228: {  	v28 =	vmul.f32 v28, v28;
	v56 =	vadd.f32 v53, v63;
	v48 =	vmul.f32 v60, v60;
	v43, v44, _ =	vpop (xrf1)  }
0x229: {  	v29 =	vmul.f32 v29, v29;
	v63 =	vsub.f32 v26, v21;
	v27 =	vmul.f32 v27, v27;
	v54, v55, _ =	vpop (xrf1)  }
0x22a: {  	v45 =	vperm.xlane v54, v4;
	v46 =	vperm.xlane v55, v4;
	v55 =	vsub.f32 v26, v19  }
0x22b: {  	v28 =	vadd.f32 v29, v28;
	v54 =	vadd.f32 v62, v47;
	v47 =	vmul.f32 v59, v59  }
0x22c: {  	v62 =	vmul.f32 v61, v61;
	vm12 =	vle.f32 v43, v45;
	v58 =	vmul.f32 v55, v55  }
0x22d: {  	v47 =	vadd.f32 v48, v47;
	v43 =	vsel vm12, v43, v45;
	v44 =	vsel vm12, v44, v46  }
0x22e: {  	v26 =	vsub.f32 v26, v23;
	(xrf1) =	vsort.ascd.msk.f32 $0xffff, v43, v44;
	v44 =	vmul.f32 v57, v57  }
0x22f: {  	v53 =	vmul.f32 v63, v63;
	v51 =	vadd.f32 v58, v54;
	v52 =	vadd.f32 v62, v47  }
0x230: {  	v27 =	vadd.f32 v27, v28;
	v26 =	vmul.f32 v26, v26;
	v43 =	vadd.f32 v44, v56  }
0x231: {  	(xrf1) =	vsort.ascd.msk.f32 $0xffff, v51, v0;
	v54 =	vadd.f32 v53, v52  }
0x232: {  	v26 =	vadd.f32 v26, v27;
	(xrf1) =	vsort.ascd.msk.f32 $0xffff, v43, v1  }
0x233: {  	(xrf1) =	vsort.ascd.msk.f32 $0xffff, v54, v2  }
0x234: {  	(xrf1) =	vsort.ascd.msk.f32 $0xffff, v26, v3;
	_ =	sdelay $0x9  }
0x235: {  	s18 =	sadd.s32 $0xFFFFFFF2, s11;
	_, v26, _ =	vpop (xrf1)  }
0x236: {  	s13 =	sadd.s32 $0xFFFFFFF1, s11;
	v63 =	vor.u32 s18, v6;
	v27, v55, _ =	vpop (xrf1)  }
0x237: {  	s19 =	sadd.s32 $0xFFFFFFF4, s11;
	v49 =	vshll.u32 v63, $0x3;
	v61 =	vor.u32 s13, v22;
	v56, v43, _ =	vpop (xrf1)  }
0x238: {  	s20 =	sadd.s32 $0xFFFFFFF5, s11;
	v48 =	vbroadcast v61, $0x0;
	v52 =	vor.u32 s19, v6;
	v57, v58, _ =	vpop (xrf1);
	v29 =	vperm.xlane v56, v4  }
0x239: {  	s21 =	sadd.s32 $0xFFFFFFF6, s11;
	v53 =	vor.u32 s20, v6;
	v54 =	vand.u32 $0x73, v52;
	v43 =	vperm.xlane v43, v4;
	v60, v59, _ =	vpop (xrf1)  }
0x23a: {  	v56 =	vor.u32 s21, v6;
	v46 =	vperm.xlane v60, v4;
	vm13 =	vle.f32 v27, v29  }
0x23b: {  	v45 =	vand.u32 $0x75, v56;
	v47 =	vperm.xlane v59, v4;
	v27 =	vsel vm13, v27, v29  }
0x23c: {  	s23 =	sadd.s32 $0xFFFFFFF8, s11;
	v28 =	vsel vm13, v55, v43;
	v43 =	vor.u32 v5, v48;
	vm14 =	vle.f32 v57, v46  }
0x23d: {  	s14 =	sadd.s32 $0xFFFFFFF3, s11;
	v60 =	vor.u32 s23, v6;
	(xrf1) =	vsort.ascd.msk.f32 $0xffff, v27, v28;
	v27 =	vsel vm14, v57, v46;
	v62 =	vsel vm14, v58, v47  }
0x23e: {  	v48 =	vor.u32 s14, v6;
	v55 =	vshll.u32 v53, $0x3;
	v61 =	vshll.u32 v60, $0x3;
	(xrf1) =	vsort.ascd.msk.f32 $0xffff, v27, v62  }
0x23f: {  	v50 =	vshll.u32 v48, $0x3;
	v28 =	vand.u32 $0x7FFFFC00, v49;
	v44 =	vand.u32 $0x72, v48  }
0x240: {  	s22 =	sadd.s32 $0xFFFFFFF7, s11;
	v48 =	vand.u32 $0x77, v60;
	v49 =	vand.u32 $0x7FFFFC00, v61;
	v29 =	vand.u32 $0x7FFFFC00, v50  }
0x241: {  	v46 =	vand.u32 $0x7FFFFC00, v55;
	v57 =	vshll.u32 v56, $0x3;
	v58 =	vor.u32 s22, v6  }
0x242: {  	v27 =	vand.u32 $0x71, v63;
	v51 =	vor.u32 v29, v44;
	v29 =	vshll.u32 v52, $0x3  }
0x243: {  	s24 =	sadd.s32 $0xFFFFFFF9, s11;
	s25 =	sadd.s32 $0xFFFFFFFA, s11;
	v44 =	vand.u32 $0x74, v53;
	v59 =	vshll.u32 v58, $0x3;
	v47 =	vand.u32 $0x76, v58  }
0x244: {  	v62 =	vor.u32 s24, v6;
	v58 =	vor.u32 s25, v6;
	v27 =	vor.u32 v28, v27  }
0x245: {  	v28 =	vor.u32 v24, v51;
	v29 =	vand.u32 $0x7FFFFC00, v29;
	v44 =	vor.u32 v46, v44  }
0x246: {  	v46 =	vand.u32 $0x7FFFFC00, v57;
	v56 =	vshll.u32 v62, $0x3;
	v57 =	vand.u32 $0x78, v62  }
0x247: {  	v61 =	vshll.u32 v58, $0x3;
	v50 =	vand.u32 $0x79, v58;
	v27 =	vor.u32 v24, v27  }
0x248: {  	s30 =	sadd.s32 $0xFFFFFFFE, s11;
	v29 =	vor.u32 v29, v54;
	v44 =	vor.u32 v24, v44;
	v45 =	vor.u32 v46, v45  }
0x249: {  	v46 =	vand.u32 $0x7FFFFC00, v59;
	v54 =	vor.u32 s30, v6;
	v29 =	vor.u32 v24, v29  }
0x24a: {  	s29 =	sadd.s32 $0xFFFFFFFD, s11;
	v46 =	vor.u32 v46, v47;
	v47 =	vor.u32 v49, v48;
	v48 =	vand.u32 $0x7FFFFC00, v56  }
0x24b: {  	[tilespmem:v43+s7+$0x0] =	vst.idx.msk $0xffff, v25;
	v45 =	vor.u32 v24, v45;
	v49 =	vand.u32 $0x7FFFFC00, v61;
	v61 =	vor.u32 s29, v6;
	v63, v52, _ =	vpop (xrf1)  }
0x24c: {  	v48 =	vor.u32 v48, v57;
	v49 =	vor.u32 v49, v50;
	v46 =	vor.u32 v24, v46;
	v60, v59, _ =	vpop (xrf1)  }
0x24d: {  	s28 =	sadd.s32 $0xFFFFFFFC, s11;
	v47 =	vor.u32 v24, v47;
	v25 =	vor.u32 v24, v48;
	v53 =	vperm.xlane v60, v4  }
0x24e: {  	v57 =	vor.u32 s28, v6;
	[tilespmem:v27+s7+$0x0] =	vst.idx.msk $0xffff, v30;
	v27 =	vor.u32 v24, v49;
	v62 =	vperm.xlane v59, v4  }
0x24f: {  	v59 =	vshll.u32 v57, $0x3;
	v60 =	vand.u32 $0x7B, v57;
	vm15 =	vle.f32 v63, v53  }
0x250: {  	s26 =	sadd.s32 $0xFFFFFFFB, s11;
	v48 =	vand.u32 $0x7FFFFC00, v59;
	v51 =	vsel vm15, v63, v53;
	v50 =	vsel vm15, v52, v62  }
0x251: {  	v57 =	vand.u32 $0x7D, v54;
	v63 =	vor.u32 s26, v6;
	v62 =	vor.u32 v48, v60;
	(xrf1) =	vsort.ascd.msk.f32 $0xffff, v51, v50  }
0x252: {  	v60 =	vor.u32 s11, v6;
	v56 =	vshll.u32 v63, $0x3;
	v53 =	vand.u32 $0x7A, v63  }
0x253: {  	[tilespmem:v28+s7+$0x0] =	vst.idx.msk $0xffff, v31;
	v63 =	vshll.u32 v61, $0x3;
	v30 =	vor.u32 v24, v62;
	v52 =	vand.u32 $0x7FFFFC00, v56  }
0x254: {  	[tilespmem:v29+s7+$0x0] =	vst.idx.msk $0xffff, v32;
	v62 =	vand.u32 $0x7F, v60;
	v56 =	vshll.u32 v54, $0x3;
	v58 =	vor.u32 v52, v53  }
0x255: {  	s31 =	sadd.s32 $0xFFFFFFFF, s11;
	[tilespmem:v44+s7+$0x0] =	vst.idx.msk $0xffff, v33;
	v52 =	vand.u32 $0x7C, v61;
	v53 =	vand.u32 $0x7FFFFC00, v63;
	v31 =	vand.u32 $0x7FFFFC00, v56  }
0x256: {  	[tilespmem:v45+s7+$0x0] =	vst.idx.msk $0xffff, v34;
	v61 =	vshll.u32 v60, $0x3;
	v55 =	vor.u32 v24, v58;
	v58 =	vor.u32 s31, v6  }
0x257: {  	[tilespmem:v46+s7+$0x0] =	vst.idx.msk $0xffff, v35;
	v28 =	vor.u32 v53, v52;
	v31 =	vor.u32 v31, v57;
	v59 =	vshll.u32 v58, $0x3  }
0x258: {  	[tilespmem:v47+s7+$0x0] =	vst.idx.msk $0xffff, v36;
	v33 =	vand.u32 $0x7E, v58;
	v28 =	vor.u32 v24, v28;
	v32 =	vand.u32 $0x7FFFFC00, v59  }
0x259: {  	[tilespmem:v25+s7+$0x0] =	vst.idx.msk $0xffff, v37;
	v25 =	vor.u32 v24, v31;
	v32 =	vor.u32 v32, v33;
	v33 =	vand.u32 $0x7FFFFC00, v61  }
0x25a: {  	[tilespmem:v27+s7+$0x0] =	vst.idx.msk $0xffff, v38;
	v27 =	vor.u32 v24, v32;
	v31 =	vor.u32 v33, v62  }
0x25b: {  	p0 =	sne.s32 s11, $0x3F;
	[tilespmem:v55+s7+$0x0] =	vst.idx.msk $0xffff, v39;
	v63 =	vor.u32 v24, v31  }
.Ltmp0:
0x25c: {  	[tilespmem:v30+s7+$0x0] =	vst.idx.msk $0xffff, v40;
	(pc) =	sbr.rel @p0 .LBB2_3-.Ltmp0, $4  }
0x25d: {  	[tilespmem:v28+s7+$0x0] =	vst.idx.msk $0xffff, v41  }
0x25e: {  	[tilespmem:v25+s7+$0x0] =	vst.idx.msk $0xffff, v42  }
0x25f: {  	[tilespmem:v27+s7+$0x0] =	vst.idx.msk $0xffff, v26;
	_, v25, _ =	vpop (xrf1)  }
0x260: {  	s12 =	sadd.s32 $0x10, s12;
	s11 =	sadd.s32 $0x10, s11;
	[tilespmem:v63+s7+$0x0] =	vst.idx.msk $0xffff, v25  }
0x261: {  	s10 =	sadd.s32 $0x1, s10  }
0x262: {  	p0 =	sne.s32 s10, $0x8  }
.Ltmp1:
0x263: {  	_ = 	snop;
	(pc) =	sbr.rel @p0 .LBB2_2-.Ltmp1, $2  }
0x264: {  	_ =	sdelay $0x2  }
0x265: {  	s9 =	sadd.s32 $0x200, s9  }
0x266: {  	s8 =	sadd.s32 $0x1, s8  }
0x267: {  	p0 =	sne.s32 s8, s5  }
.Ltmp2:
0x268: {  	_ = 	snop;
	(pc) =	sbr.rel @p0 .LBB2_1-.Ltmp2, $4  }
0x269: {  	[hbm4b:s4+s2] =	stream.linear.scatter [tilespmem:s7], [sflag:$0x1], $0x2000, $0x38;
	[tilespmem:$0x3000] =	vst v63  }
0x26a: {  	_ =	swait.ge [sflag:s6], $0x2000  }
0x26b: {  	[sflag:s6] =	ssyncset.done $0x0  }
0x26c: {  	[sflag:s6] =	ssyncadd.s32 $0xFFFFE000  }
0x26d: {  	_ =	sfence.sel $0x180000  }
0x26e: {  	[bflag:$0x0] =	sbarrier.arrive $0xFFFF  }
0x26f: {  	p0 =	sne.s32 s1, $0x0;
	_ =	strace $0x90000047  }
0x270: {  	s0 =	sadd.s32 @!p0 $0x100000, s0;
	[bflag:$0x2] =	sbarrier.arrive $0xFFFF  }
0x271: {  	[sflag:s0] =	ssyncadd.tile.s32 @!p0 $0x1;
	_ =	shalt  }
.Lfunc_end2:
_tile_overlayer_lowered:
.L_overlay_start_2:
0x272: {  	(tag) =	ssettag $0x2  }
0x273: {  	s0 =	rddreg [dreg:$0x0];
	s2 =	stileid.u32  }
0x274: {  	s1 =	rddreg [dreg:$0x1];
	p0 =	sne.s32 s2, $0x0  }
0x275: {  	s3 =	rddreg [dreg:$0x2];
	[bflag:$0x3] =	sbarrier.arrive $0xFFFF;
	s2 =	simm.s32 @!p0 $0x1C01  }
0x276: {  	[timem:s3], [sflag:s2] =	dma.local @!p0 [hbm:s0], s1  }
0x277: {  	s0 =	simm.s32 @!p0 $0x1  }
0x278: {  	_ =	swait.ge @!p0 [sflag:s0], s1  }
0x279: {  	s1 =	ssub.s32 @!p0 $0x0, s1;
	[sflag:s0] =	ssyncset.done @!p0 $0x0  }
0x27a: {  	[sflag:s0] =	ssyncadd.s32 @!p0 s1  }
0x27b: {  	[bflag:$0x3] =	sbarrier.arrive $0xFFFF  }
0x27c: {  	_ =	shalt  }

</sc_bundles>
